<compile_context>
chip_gen: v7x
topology: tpu7x:2x2x1
jax: 0.10.2.dev20260603
libtpu: 0.0.44.dev20260713+nightly
codegen_flags: <defaults>
</compile_context>

<pallas_src>
import functools

import jax
import jax.numpy as jnp
from jax import lax
from jax.experimental import pallas as pl
from jax.experimental.pallas import tpu as pltpu
from jax.experimental.pallas import tpu_sc as plsc

F32 = jnp.float32
CUTOFF_R = 5.0


def _ssp(v):
    return jnp.log(0.5 * jnp.exp(v) + 0.5)


def _in2f_kernel(x_ref, w_ref, o_ref):
    o_ref[...] = jnp.dot(x_ref[...], w_ref[...], preferred_element_type=F32)


def _in2f(x2d, w_in):
    m, k = x2d.shape
    f = w_in.shape[1]
    g = 8
    return pl.pallas_call(
        _in2f_kernel,
        grid=(g,),
        in_specs=[
            pl.BlockSpec((m // g, k), lambda i: (i, 0)),
            pl.BlockSpec((k, f), lambda i: (0, 0)),
        ],
        out_specs=pl.BlockSpec((m // g, f), lambda i: (i, 0)),
        out_shape=jax.ShapeDtypeStruct((m, f), F32),
    )(x2d, w_in)


def _sc_gather(y2d, idx3):
    info = plsc.get_sparse_core_info()
    nc, ns = info.num_cores, info.num_subcores
    nw = nc * ns
    nch, ch = idx3.shape[1], idx3.shape[2]
    fdim = y2d.shape[1]
    assert idx3.shape[0] == nw
    nbuf = 4
    assert nch % nbuf == 0
    mesh = plsc.VectorSubcoreMesh(core_axis_name="c", subcore_axis_name="s")
    e = nw * nch * ch

    @functools.partial(
        pl.kernel,
        mesh=mesh,
        out_type=jax.ShapeDtypeStruct((e, fdim), F32),
        scratch_types=[pltpu.VMEM((nch, ch), jnp.int32)]
        + [pltpu.VMEM((ch, fdim), F32) for _ in range(nbuf)]
        + [pltpu.SemaphoreType.DMA for _ in range(2 * nbuf)],
    )
    def gk(y_hbm, idx_hbm, out_hbm, idx_v, *bufs_and_sems):
        rows = bufs_and_sems[:nbuf]
        gsem = bufs_and_sems[nbuf:2 * nbuf]
        wsem = bufs_and_sems[2 * nbuf:]
        wid = lax.axis_index("s") * nc + lax.axis_index("c")
        pltpu.sync_copy(idx_hbm.at[wid], idx_v)
        for b in range(nbuf):
            pltpu.async_copy(y_hbm.at[idx_v.at[b]], rows[b], gsem[b])

        def body(g, carry):
            for b in range(nbuf):
                j = g * nbuf + b
                dst = out_hbm.at[pl.ds((wid * nch + j) * ch, ch)]
                pltpu.make_async_copy(y_hbm.at[idx_v.at[j]], rows[b],
                                      gsem[b]).wait()
                pltpu.async_copy(rows[b], dst, wsem[b])
                nxt = j + nbuf

                @pl.when(nxt < nch)
                def _():
                    pltpu.make_async_copy(rows[b], dst, wsem[b]).wait()
                    pltpu.async_copy(y_hbm.at[idx_v.at[nxt]], rows[b],
                                     gsem[b])

                @pl.when(nxt >= nch)
                def _():
                    pltpu.make_async_copy(rows[b], dst, wsem[b]).wait()

            return carry

        lax.fori_loop(0, nch // nbuf, body, 0)

    return gk(y2d, idx3)


def _fused_kernel(ng, kpg, n, kg0, f_ref, yg_ref, c_ref, w1_ref, b1_ref,
                  w2_ref, b2_ref, o_ref, acc_ref):
    kg = pl.program_id(1)
    ct = jnp.transpose(c_ref[0])
    total = None
    for j in range(kpg):
        f2 = f_ref[0, :, j, :]
        h = lax.dot_general(f2, w1_ref[...], (((0,), (0,)), ((), ())),
                            preferred_element_type=F32) + b1_ref[...]
        w = (jnp.dot(_ssp(h), w2_ref[...], preferred_element_type=F32)
             + b2_ref[...])
        contrib = w * ct[:, j:j + 1] * yg_ref[pl.ds(j * n, n), :]
        total = contrib if total is None else total + contrib

    @pl.when(kg == 0)
    def _():
        acc_ref[...] = total

    @pl.when(kg > 0)
    def _():
        acc_ref[...] += total

    @pl.when(kg == ng - 1)
    def _():
        o_ref[...] = acc_ref[...]


def _fused_partial(f4, y_g, c_t, w1, b1, w2, b2, kg0, ng):
    b, s, nbh, n = f4.shape
    kpg = 8
    ff = w2.shape[1]
    body = functools.partial(_fused_kernel, ng, kpg, n, kg0)
    return pl.pallas_call(
        body,
        grid=(b, ng),
        in_specs=[
            pl.BlockSpec((1, s, kpg, n), lambda bi, kg: (bi, 0, kg0 + kg, 0)),
            pl.BlockSpec((kpg * n, ff), lambda bi, kg: (bi * ng + kg, 0)),
            pl.BlockSpec((1, kpg, n), lambda bi, kg: (bi, kg0 + kg, 0)),
            pl.BlockSpec((s, ff), lambda bi, kg: (0, 0)),
            pl.BlockSpec((1, ff), lambda bi, kg: (0, 0)),
            pl.BlockSpec((ff, ff), lambda bi, kg: (0, 0)),
            pl.BlockSpec((1, ff), lambda bi, kg: (0, 0)),
        ],
        out_specs=pl.BlockSpec((n, ff), lambda bi, kg: (bi, 0)),
        out_shape=jax.ShapeDtypeStruct((b * n, ff), F32),
        scratch_shapes=[pltpu.VMEM((n, ff), F32)],
    )(f4, y_g, c_t, w1, b1, w2, b2)


def _tail_kernel(nagg, wo_ref, bo_ref, wd_ref, bd_ref, *refs):
    aggs, o_ref = refs[:nagg], refs[nagg]
    agg = aggs[0][...]
    for a in aggs[1:]:
        agg += a[...]
    v = _ssp(jnp.dot(agg, wo_ref[...], preferred_element_type=F32)
             + bo_ref[...])
    o_ref[...] = (jnp.dot(v, wd_ref[...], preferred_element_type=F32)
                  + bd_ref[...])


def _tail(aggs, w_out, b_out, w_d, b_d, n):
    bn, ff = aggs[0].shape
    g = bn // n
    body = functools.partial(_tail_kernel, len(aggs))
    return pl.pallas_call(
        body,
        grid=(g,),
        in_specs=[
            pl.BlockSpec((ff, ff), lambda i: (0, 0)),
            pl.BlockSpec((1, ff), lambda i: (0, 0)),
            pl.BlockSpec((ff, ff), lambda i: (0, 0)),
            pl.BlockSpec((1, ff), lambda i: (0, 0)),
        ] + [pl.BlockSpec((n, ff), lambda i: (i, 0)) for _ in aggs],
        out_specs=pl.BlockSpec((n, ff), lambda i: (i, 0)),
        out_shape=jax.ShapeDtypeStruct((bn, ff), F32),
    )(w_out, b_out, w_d, b_d, *aggs)


def kernel(x, r_ij, neighbors, neighbor_mask, f_ij, W1, b1, W2, b2,
           W_in, W_out, b_out, W_d, b_d):
    b, n, f = x.shape
    nbh = neighbors.shape[2]
    s = f_ij.shape[3]
    e = b * n * nbh

    y2d = _in2f(x.reshape(b * n, f), W_in)

    nbr_t = jnp.transpose(neighbors, (0, 2, 1)).astype(jnp.int32)
    c_t = (jnp.transpose(r_ij, (0, 2, 1)) <= CUTOFF_R).astype(F32) * (
        jnp.transpose(neighbor_mask, (0, 2, 1)))
    base = (jnp.arange(b, dtype=jnp.int32) * n)[:, None, None]
    flat4 = nbr_t + base

    info = plsc.get_sparse_core_info()
    nw = info.num_cores * info.num_subcores
    ch = 128

    f4 = jnp.transpose(f_ij, (0, 3, 2, 1))

    nsplit = 4
    kc = nbh // nsplit
    b1r, b2r = b1.reshape(1, -1), b2.reshape(1, -1)
    aggs = []
    for ci in range(nsplit):
        idx_c = flat4[:, ci * kc:(ci + 1) * kc, :].reshape(
            nw, (b * kc * n) // (nw * ch), ch)
        y_g_c = _sc_gather(y2d, idx_c)
        aggs.append(_fused_partial(
            f4, y_g_c, c_t, W1, b1r, W2, b2r,
            kg0=ci * (kc // 8), ng=kc // 8))

    out = _tail(aggs, W_out, b_out.reshape(1, -1), W_d,
                b_d.reshape(1, -1), n)
    return out.reshape(b, n, f)

# --- scband reference (transcript-rebuilt; emitter-appended) ---
"""Pipeline reference for scband-sch-net-interaction-2774548873965 (READ-ONLY COPY).

The authoritative reference and input builder live on the scoring server;
editing this copy changes nothing except your own understanding.
"""

import jax, jax.numpy as jnp
import numpy as np

N_ATOM_BASIS = 128
N_SPATIAL_BASIS = 50
N_FILTERS = 128
CUTOFF = 5.0

def _ssp(x):
    # shifted softplus: ln(0.5*e^x + 0.5) = softplus(x) - ln(2)
    return jnp.logaddexp(x, 0.0) - jnp.log(2.0)

def _glorot(k, shape):
    lim = float(np.sqrt(6.0 / (shape[0] + shape[1])))
    return jax.random.uniform(k, shape, dtype=jnp.float32, minval=-lim, maxval=lim)

def setup_inputs(seed: int = 0):
    key = jax.random.key(seed)
    ks = jax.random.split(key, 12)
    B, N, NBH = 8, 1024, 64
    x = jax.random.normal(ks[0], (B, N, N_ATOM_BASIS), dtype=jnp.float32)
    r_ij = jax.random.uniform(ks[1], (B, N, NBH), dtype=jnp.float32) * 6.0
    neighbors = jax.random.randint(ks[2], (B, N, NBH), 0, N)
    neighbor_mask = jnp.ones((B, N, NBH), dtype=jnp.float32)
    f_ij = jax.random.normal(ks[3], (B, N, NBH, N_SPATIAL_BASIS), dtype=jnp.float32)
    W1 = _glorot(ks[4], (N_SPATIAL_BASIS, N_FILTERS)); b1 = jnp.zeros((N_FILTERS,), jnp.float32)
    W2 = _glorot(ks[5], (N_FILTERS, N_FILTERS)); b2 = jnp.zeros((N_FILTERS,), jnp.float32)
    W_in = _glorot(ks[6], (N_ATOM_BASIS, N_FILTERS))
    W_out = _glorot(ks[7], (N_FILTERS, N_ATOM_BASIS)); b_out = jnp.zeros((N_ATOM_BASIS,), jnp.float32)
    W_d = _glorot(ks[8], (N_ATOM_BASIS, N_ATOM_BASIS)); b_d = jnp.zeros((N_ATOM_BASIS,), jnp.float32)
    return {"x": x, "r_ij": r_ij, "neighbors": neighbors, "neighbor_mask": neighbor_mask, "f_ij": f_ij,
            "W1": W1, "b1": b1, "W2": W2, "b2": b2, "W_in": W_in, "W_out": W_out, "b_out": b_out,
            "W_d": W_d, "b_d": b_d}

def reference(x, r_ij, neighbors, neighbor_mask, f_ij, W1, b1, W2, b2, W_in, W_out, b_out, W_d, b_d):
    # filter-generating network: Dense(ssp) -> Dense, applied per edge
    W = jnp.dot(_ssp(jnp.dot(f_ij, W1) + b1), W2) + b2  # [B,N,NBH,F]
    # hard cutoff on interatomic distances
    C = (r_ij <= CUTOFF).astype(x.dtype)
    W = W * C[..., None]
    # in2f: Dense, bias=False
    y = jnp.dot(x, W_in)  # [B,N,F]
    B, N, NBH = neighbors.shape
    idx = neighbors.reshape(B, N * NBH)
    y_g = jnp.take_along_axis(y, idx[:, :, None], axis=1).reshape(B, N, NBH, -1)
    # continuous-filter convolution
    y_g = y_g * W
    # masked sum aggregation over neighbors (normalize_filter=False)
    y_agg = jnp.sum(y_g * neighbor_mask[..., None], axis=2)  # [B,N,F]
    # f2out: Dense with shifted-softplus activation
    v = _ssp(jnp.dot(y_agg, W_out) + b_out)
    # final output dense (linear)
    v = jnp.dot(v, W_d) + b_d
    return v

if __name__ == "__main__":
    import jax
    _d = setup_inputs()
    print(jax.jit(kernel)(*tuple(_d.values())))

</pallas_src>

<mosaic_0001>
#map = affine_map<(d0, d1) -> (0, 0)>
#map1 = affine_map<(d0, d1) -> (0, 0, 0)>
module attributes {stable_mosaic.version = 14 : i64} {
  func.func @gk(%arg0: i32, %arg1: i32, %arg2: memref<8192x128xf32, #tpu.memory_space<hbm>>, %arg3: memref<32x32x128xi32, #tpu.memory_space<hbm>>, %arg4: memref<131072x128xf32, #tpu.memory_space<hbm>>, %arg5: memref<32x128xi32, #tpu.memory_space<vmem>>, %arg6: memref<128x128xf32, #tpu.memory_space<vmem>>, %arg7: memref<128x128xf32, #tpu.memory_space<vmem>>, %arg8: memref<128x128xf32, #tpu.memory_space<vmem>>, %arg9: memref<128x128xf32, #tpu.memory_space<vmem>>, %arg10: memref<!tpu.dma_semaphore, #tpu.memory_space<semaphore_mem>>, %arg11: memref<!tpu.dma_semaphore, #tpu.memory_space<semaphore_mem>>, %arg12: memref<!tpu.dma_semaphore, #tpu.memory_space<semaphore_mem>>, %arg13: memref<!tpu.dma_semaphore, #tpu.memory_space<semaphore_mem>>, %arg14: memref<!tpu.dma_semaphore, #tpu.memory_space<semaphore_mem>>, %arg15: memref<!tpu.dma_semaphore, #tpu.memory_space<semaphore_mem>>, %arg16: memref<!tpu.dma_semaphore, #tpu.memory_space<semaphore_mem>>, %arg17: memref<!tpu.dma_semaphore, #tpu.memory_space<semaphore_mem>>) attributes {dimension_semantics = [#tpu.dimension_semantics<core_parallel>, #tpu.dimension_semantics<subcore_parallel>], iteration_bounds = array<i64: 2, 16>, scalar_prefetch = 0 : i64, scratch_operands = 13 : i64, tpu.core_type = #tpu.core_type<sc_vector_subcore>, window_params = [{transform_indices = #map}, {transform_indices = #map1}, {transform_indices = #map}]} {
    %mul3A = arith.constant 2 : i32
    %mul3A_0 = arith.muli %arg1, %mul3A : i32
    %add3A = arith.addi %mul3A_0, %arg0 : i32
    "tpu.region"() ({
      %run_scoped3A = tpu.sem_alloc : memref<!tpu.dma_semaphore, #tpu.memory_space<semaphore_mem>>
      %dma_start3A_33 = arith.constant 0 : i32
      %dma_start3A_34 = arith.constant 0 : i32
      %dma_start3A_35 = tpu.memref_slice %arg3[%add3A, %dma_start3A_33, %dma_start3A_34] : memref<32x32x128xi32, #tpu.memory_space<hbm>> -> memref<1x32x128xi32, #tpu.memory_space<hbm>>
      %dma_start3A_36 = tpu.memref_squeeze %dma_start3A_35 : memref<1x32x128xi32, #tpu.memory_space<hbm>> -> memref<32x128xi32, #tpu.memory_space<hbm>>
      %dma_start3A_37 = arith.constant 0 : i32
      %dma_start3A_38 = arith.constant 0 : i32
      %dma_start3A_39 = tpu.memref_slice %arg3[%add3A, %dma_start3A_37, %dma_start3A_38] : memref<32x32x128xi32, #tpu.memory_space<hbm>> -> memref<1x32x128xi32, #tpu.memory_space<hbm>>
      %dma_start3A_40 = tpu.memref_squeeze %dma_start3A_39 : memref<1x32x128xi32, #tpu.memory_space<hbm>> -> memref<32x128xi32, #tpu.memory_space<hbm>>
      tpu.enqueue_dma source(%dma_start3A_40 : memref<32x128xi32, #tpu.memory_space<hbm>>) target(%arg5 : memref<32x128xi32, #tpu.memory_space<vmem>>) target_semaphore(%run_scoped3A : memref<!tpu.dma_semaphore, #tpu.memory_space<semaphore_mem>>)
      %dma_wait3A = arith.constant 0 : i32
      %dma_wait3A_41 = arith.constant 0 : i32
      %dma_wait3A_42 = tpu.memref_slice %arg3[%add3A, %dma_wait3A, %dma_wait3A_41] : memref<32x32x128xi32, #tpu.memory_space<hbm>> -> memref<1x32x128xi32, #tpu.memory_space<hbm>>
      %dma_wait3A_43 = tpu.memref_squeeze %dma_wait3A_42 : memref<1x32x128xi32, #tpu.memory_space<hbm>> -> memref<32x128xi32, #tpu.memory_space<hbm>>
      %dma_wait3A_44 = arith.constant 0 : i32
      %dma_wait3A_45 = arith.constant 0 : i32
      %dma_wait3A_46 = tpu.memref_slice %arg3[%add3A, %dma_wait3A_44, %dma_wait3A_45] : memref<32x32x128xi32, #tpu.memory_space<hbm>> -> memref<1x32x128xi32, #tpu.memory_space<hbm>>
      %dma_wait3A_47 = tpu.memref_squeeze %dma_wait3A_46 : memref<1x32x128xi32, #tpu.memory_space<hbm>> -> memref<32x128xi32, #tpu.memory_space<hbm>>
      tpu.wait_dma2 semaphore(%run_scoped3A : memref<!tpu.dma_semaphore, #tpu.memory_space<semaphore_mem>>) src(%dma_wait3A_47 : memref<32x128xi32, #tpu.memory_space<hbm>>) dst(%arg5 : memref<32x128xi32, #tpu.memory_space<vmem>>)
      tpu.yield
    }) : () -> ()
    %dma_start3A = arith.constant 0 : i32
    %dma_start3A_1 = arith.constant 0 : i32
    %dma_start3A_2 = tpu.memref_slice %arg5[%dma_start3A, %dma_start3A_1] : memref<32x128xi32, #tpu.memory_space<vmem>> -> memref<1x128xi32, #tpu.memory_space<vmem>>
    %dma_start3A_3 = tpu.memref_squeeze %dma_start3A_2 : memref<1x128xi32, #tpu.memory_space<vmem>> -> memref<128xi32, #tpu.memory_space<vmem>>
    %dma_start3A_4 = arith.constant 0 : i32
    %dma_start3A_5 = arith.constant 0 : i32
    %dma_start3A_6 = tpu.memref_slice %arg2[%dma_start3A_4, %dma_start3A_5] : memref<8192x128xf32, #tpu.memory_space<hbm>> -> memref<8192x128xf32, #tpu.memory_space<hbm>>
    tpu.enqueue_indirect_dma source(%dma_start3A_6 : memref<8192x128xf32, #tpu.memory_space<hbm>>) target(%arg6 : memref<128x128xf32, #tpu.memory_space<vmem>>) offsets(%dma_start3A_3 : memref<128xi32, #tpu.memory_space<vmem>>) semaphore(%arg10 : memref<!tpu.dma_semaphore, #tpu.memory_space<semaphore_mem>>)
    %dma_start3A_7 = arith.constant 1 : i32
    %dma_start3A_8 = arith.constant 0 : i32
    %dma_start3A_9 = tpu.memref_slice %arg5[%dma_start3A_7, %dma_start3A_8] : memref<32x128xi32, #tpu.memory_space<vmem>> -> memref<1x128xi32, #tpu.memory_space<vmem>>
    %dma_start3A_10 = tpu.memref_squeeze %dma_start3A_9 : memref<1x128xi32, #tpu.memory_space<vmem>> -> memref<128xi32, #tpu.memory_space<vmem>>
    %dma_start3A_11 = arith.constant 0 : i32
    %dma_start3A_12 = arith.constant 0 : i32
    %dma_start3A_13 = tpu.memref_slice %arg2[%dma_start3A_11, %dma_start3A_12] : memref<8192x128xf32, #tpu.memory_space<hbm>> -> memref<8192x128xf32, #tpu.memory_space<hbm>>
    tpu.enqueue_indirect_dma source(%dma_start3A_13 : memref<8192x128xf32, #tpu.memory_space<hbm>>) target(%arg7 : memref<128x128xf32, #tpu.memory_space<vmem>>) offsets(%dma_start3A_10 : memref<128xi32, #tpu.memory_space<vmem>>) semaphore(%arg11 : memref<!tpu.dma_semaphore, #tpu.memory_space<semaphore_mem>>)
    %dma_start3A_14 = arith.constant 2 : i32
    %dma_start3A_15 = arith.constant 0 : i32
    %dma_start3A_16 = tpu.memref_slice %arg5[%dma_start3A_14, %dma_start3A_15] : memref<32x128xi32, #tpu.memory_space<vmem>> -> memref<1x128xi32, #tpu.memory_space<vmem>>
    %dma_start3A_17 = tpu.memref_squeeze %dma_start3A_16 : memref<1x128xi32, #tpu.memory_space<vmem>> -> memref<128xi32, #tpu.memory_space<vmem>>
    %dma_start3A_18 = arith.constant 0 : i32
    %dma_start3A_19 = arith.constant 0 : i32
    %dma_start3A_20 = tpu.memref_slice %arg2[%dma_start3A_18, %dma_start3A_19] : memref<8192x128xf32, #tpu.memory_space<hbm>> -> memref<8192x128xf32, #tpu.memory_space<hbm>>
    tpu.enqueue_indirect_dma source(%dma_start3A_20 : memref<8192x128xf32, #tpu.memory_space<hbm>>) target(%arg8 : memref<128x128xf32, #tpu.memory_space<vmem>>) offsets(%dma_start3A_17 : memref<128xi32, #tpu.memory_space<vmem>>) semaphore(%arg12 : memref<!tpu.dma_semaphore, #tpu.memory_space<semaphore_mem>>)
    %dma_start3A_21 = arith.constant 3 : i32
    %dma_start3A_22 = arith.constant 0 : i32
    %dma_start3A_23 = tpu.memref_slice %arg5[%dma_start3A_21, %dma_start3A_22] : memref<32x128xi32, #tpu.memory_space<vmem>> -> memref<1x128xi32, #tpu.memory_space<vmem>>
    %dma_start3A_24 = tpu.memref_squeeze %dma_start3A_23 : memref<1x128xi32, #tpu.memory_space<vmem>> -> memref<128xi32, #tpu.memory_space<vmem>>
    %dma_start3A_25 = arith.constant 0 : i32
    %dma_start3A_26 = arith.constant 0 : i32
    %dma_start3A_27 = tpu.memref_slice %arg2[%dma_start3A_25, %dma_start3A_26] : memref<8192x128xf32, #tpu.memory_space<hbm>> -> memref<8192x128xf32, #tpu.memory_space<hbm>>
    tpu.enqueue_indirect_dma source(%dma_start3A_27 : memref<8192x128xf32, #tpu.memory_space<hbm>>) target(%arg9 : memref<128x128xf32, #tpu.memory_space<vmem>>) offsets(%dma_start3A_24 : memref<128xi32, #tpu.memory_space<vmem>>) semaphore(%arg13 : memref<!tpu.dma_semaphore, #tpu.memory_space<semaphore_mem>>)
    %scan3A = arith.constant 0 : i32
    %scan3A_28 = arith.constant 0 : i32
    %scan3A_29 = arith.constant 8 : i32
    %scan3A_30 = arith.addi %scan3A_28, %scan3A_29 : i32
    %scan3A_31 = arith.constant 1 : i32
    scf.for %scan3A_33 = %scan3A_28 to %scan3A_30 step %scan3A_31  : i32 {
      %mul3A_34 = arith.constant 4 : i32
      %mul3A_35 = arith.muli %scan3A_33, %mul3A_34 : i32
      %add3A_36 = arith.constant 0 : i32
      %add3A_37 = arith.addi %mul3A_35, %add3A_36 : i32
      %mul3A_38 = arith.constant 32 : i32
      %mul3A_39 = arith.muli %add3A, %mul3A_38 : i32
      %add3A_40 = arith.addi %mul3A_39, %add3A_37 : i32
      %mul3A_41 = arith.constant 128 : i32
      %mul3A_42 = arith.muli %add3A_40, %mul3A_41 : i32
      %dma_wait3A = arith.constant 0 : i32
      %dma_wait3A_43 = tpu.memref_slice %arg5[%add3A_37, %dma_wait3A] : memref<32x128xi32, #tpu.memory_space<vmem>> -> memref<1x128xi32, #tpu.memory_space<vmem>>
      %dma_wait3A_44 = tpu.memref_squeeze %dma_wait3A_43 : memref<1x128xi32, #tpu.memory_space<vmem>> -> memref<128xi32, #tpu.memory_space<vmem>>
      %dma_wait3A_45 = arith.constant 0 : i32
      %dma_wait3A_46 = arith.constant 0 : i32
      %dma_wait3A_47 = tpu.memref_slice %arg2[%dma_wait3A_45, %dma_wait3A_46] : memref<8192x128xf32, #tpu.memory_space<hbm>> -> memref<8192x128xf32, #tpu.memory_space<hbm>>
      tpu.wait_indirect_dma semaphore(%arg10 : memref<!tpu.dma_semaphore, #tpu.memory_space<semaphore_mem>>) src(%dma_wait3A_47 : memref<8192x128xf32, #tpu.memory_space<hbm>>) dst(%arg6 : memref<128x128xf32, #tpu.memory_space<vmem>>)
      %dma_start3A_48 = arith.constant 0 : i32
      %dma_start3A_49 = tpu.memref_slice %arg4[%mul3A_42, %dma_start3A_48] : memref<131072x128xf32, #tpu.memory_space<hbm>> -> memref<128x128xf32, #tpu.memory_space<hbm>>
      %dma_start3A_50 = arith.constant 0 : i32
      %dma_start3A_51 = tpu.memref_slice %arg4[%mul3A_42, %dma_start3A_50] : memref<131072x128xf32, #tpu.memory_space<hbm>> -> memref<128x128xf32, #tpu.memory_space<hbm>>
      tpu.enqueue_dma source(%arg6 : memref<128x128xf32, #tpu.memory_space<vmem>>) target(%dma_start3A_51 : memref<128x128xf32, #tpu.memory_space<hbm>>) target_semaphore(%arg14 : memref<!tpu.dma_semaphore, #tpu.memory_space<semaphore_mem>>)
      %add3A_52 = arith.constant 4 : i32
      %add3A_53 = arith.addi %add3A_37, %add3A_52 : i32
      %lt3A = arith.constant 32 : i32
      %lt3A_54 = arith.cmpi slt, %add3A_53, %lt3A : i32
      %convert_element_type3A = arith.extui %lt3A_54 : i1 to i32
      %cond3A = arith.constant 0 : i32
      %cond3A_55 = arith.cmpi ne, %convert_element_type3A, %cond3A : i32
      scf.if %cond3A_55 {
        %dma_wait3A_153 = arith.constant 0 : i32
        %dma_wait3A_154 = tpu.memref_slice %arg4[%mul3A_42, %dma_wait3A_153] : memref<131072x128xf32, #tpu.memory_space<hbm>> -> memref<128x128xf32, #tpu.memory_space<hbm>>
        %dma_wait3A_155 = arith.constant 0 : i32
        %dma_wait3A_156 = tpu.memref_slice %arg4[%mul3A_42, %dma_wait3A_155] : memref<131072x128xf32, #tpu.memory_space<hbm>> -> memref<128x128xf32, #tpu.memory_space<hbm>>
        tpu.wait_dma2 semaphore(%arg14 : memref<!tpu.dma_semaphore, #tpu.memory_space<semaphore_mem>>) src(%arg6 : memref<128x128xf32, #tpu.memory_space<vmem>>) dst(%dma_wait3A_156 : memref<128x128xf32, #tpu.memory_space<hbm>>)
        %dma_start3A_157 = arith.constant 0 : i32
        %dma_start3A_158 = tpu.memref_slice %arg5[%add3A_53, %dma_start3A_157] : memref<32x128xi32, #tpu.memory_space<vmem>> -> memref<1x128xi32, #tpu.memory_space<vmem>>
        %dma_start3A_159 = tpu.memref_squeeze %dma_start3A_158 : memref<1x128xi32, #tpu.memory_space<vmem>> -> memref<128xi32, #tpu.memory_space<vmem>>
        %dma_start3A_160 = arith.constant 0 : i32
        %dma_start3A_161 = arith.constant 0 : i32
        %dma_start3A_162 = tpu.memref_slice %arg2[%dma_start3A_160, %dma_start3A_161] : memref<8192x128xf32, #tpu.memory_space<hbm>> -> memref<8192x128xf32, #tpu.memory_space<hbm>>
        tpu.enqueue_indirect_dma source(%dma_start3A_162 : memref<8192x128xf32, #tpu.memory_space<hbm>>) target(%arg6 : memref<128x128xf32, #tpu.memory_space<vmem>>) offsets(%dma_start3A_159 : memref<128xi32, #tpu.memory_space<vmem>>) semaphore(%arg10 : memref<!tpu.dma_semaphore, #tpu.memory_space<semaphore_mem>>)
      } else {
      }
      %ge3A = arith.constant 32 : i32
      %ge3A_56 = arith.cmpi sge, %add3A_53, %ge3A : i32
      %convert_element_type3A_57 = arith.extui %ge3A_56 : i1 to i32
      %cond3A_58 = arith.constant 0 : i32
      %cond3A_59 = arith.cmpi ne, %convert_element_type3A_57, %cond3A_58 : i32
      scf.if %cond3A_59 {
        %dma_wait3A_153 = arith.constant 0 : i32
        %dma_wait3A_154 = tpu.memref_slice %arg4[%mul3A_42, %dma_wait3A_153] : memref<131072x128xf32, #tpu.memory_space<hbm>> -> memref<128x128xf32, #tpu.memory_space<hbm>>
        %dma_wait3A_155 = arith.constant 0 : i32
        %dma_wait3A_156 = tpu.memref_slice %arg4[%mul3A_42, %dma_wait3A_155] : memref<131072x128xf32, #tpu.memory_space<hbm>> -> memref<128x128xf32, #tpu.memory_space<hbm>>
        tpu.wait_dma2 semaphore(%arg14 : memref<!tpu.dma_semaphore, #tpu.memory_space<semaphore_mem>>) src(%arg6 : memref<128x128xf32, #tpu.memory_space<vmem>>) dst(%dma_wait3A_156 : memref<128x128xf32, #tpu.memory_space<hbm>>)
      } else {
      }
      %mul3A_60 = arith.constant 4 : i32
      %mul3A_61 = arith.muli %scan3A_33, %mul3A_60 : i32
      %add3A_62 = arith.constant 1 : i32
      %add3A_63 = arith.addi %mul3A_61, %add3A_62 : i32
      %mul3A_64 = arith.constant 32 : i32
      %mul3A_65 = arith.muli %add3A, %mul3A_64 : i32
      %add3A_66 = arith.addi %mul3A_65, %add3A_63 : i32
      %mul3A_67 = arith.constant 128 : i32
      %mul3A_68 = arith.muli %add3A_66, %mul3A_67 : i32
      %dma_wait3A_69 = arith.constant 0 : i32
      %dma_wait3A_70 = tpu.memref_slice %arg5[%add3A_63, %dma_wait3A_69] : memref<32x128xi32, #tpu.memory_space<vmem>> -> memref<1x128xi32, #tpu.memory_space<vmem>>
      %dma_wait3A_71 = tpu.memref_squeeze %dma_wait3A_70 : memref<1x128xi32, #tpu.memory_space<vmem>> -> memref<128xi32, #tpu.memory_space<vmem>>
      %dma_wait3A_72 = arith.constant 0 : i32
      %dma_wait3A_73 = arith.constant 0 : i32
      %dma_wait3A_74 = tpu.memref_slice %arg2[%dma_wait3A_72, %dma_wait3A_73] : memref<8192x128xf32, #tpu.memory_space<hbm>> -> memref<8192x128xf32, #tpu.memory_space<hbm>>
      tpu.wait_indirect_dma semaphore(%arg11 : memref<!tpu.dma_semaphore, #tpu.memory_space<semaphore_mem>>) src(%dma_wait3A_74 : memref<8192x128xf32, #tpu.memory_space<hbm>>) dst(%arg7 : memref<128x128xf32, #tpu.memory_space<vmem>>)
      %dma_start3A_75 = arith.constant 0 : i32
      %dma_start3A_76 = tpu.memref_slice %arg4[%mul3A_68, %dma_start3A_75] : memref<131072x128xf32, #tpu.memory_space<hbm>> -> memref<128x128xf32, #tpu.memory_space<hbm>>
      %dma_start3A_77 = arith.constant 0 : i32
      %dma_start3A_78 = tpu.memref_slice %arg4[%mul3A_68, %dma_start3A_77] : memref<131072x128xf32, #tpu.memory_space<hbm>> -> memref<128x128xf32, #tpu.memory_space<hbm>>
      tpu.enqueue_dma source(%arg7 : memref<128x128xf32, #tpu.memory_space<vmem>>) target(%dma_start3A_78 : memref<128x128xf32, #tpu.memory_space<hbm>>) target_semaphore(%arg15 : memref<!tpu.dma_semaphore, #tpu.memory_space<semaphore_mem>>)
      %add3A_79 = arith.constant 4 : i32
      %add3A_80 = arith.addi %add3A_63, %add3A_79 : i32
      %lt3A_81 = arith.constant 32 : i32
      %lt3A_82 = arith.cmpi slt, %add3A_80, %lt3A_81 : i32
      %convert_element_type3A_83 = arith.extui %lt3A_82 : i1 to i32
      %cond3A_84 = arith.constant 0 : i32
      %cond3A_85 = arith.cmpi ne, %convert_element_type3A_83, %cond3A_84 : i32
      scf.if %cond3A_85 {
        %dma_wait3A_153 = arith.constant 0 : i32
        %dma_wait3A_154 = tpu.memref_slice %arg4[%mul3A_68, %dma_wait3A_153] : memref<131072x128xf32, #tpu.memory_space<hbm>> -> memref<128x128xf32, #tpu.memory_space<hbm>>
        %dma_wait3A_155 = arith.constant 0 : i32
        %dma_wait3A_156 = tpu.memref_slice %arg4[%mul3A_68, %dma_wait3A_155] : memref<131072x128xf32, #tpu.memory_space<hbm>> -> memref<128x128xf32, #tpu.memory_space<hbm>>
        tpu.wait_dma2 semaphore(%arg15 : memref<!tpu.dma_semaphore, #tpu.memory_space<semaphore_mem>>) src(%arg7 : memref<128x128xf32, #tpu.memory_space<vmem>>) dst(%dma_wait3A_156 : memref<128x128xf32, #tpu.memory_space<hbm>>)
        %dma_start3A_157 = arith.constant 0 : i32
        %dma_start3A_158 = tpu.memref_slice %arg5[%add3A_80, %dma_start3A_157] : memref<32x128xi32, #tpu.memory_space<vmem>> -> memref<1x128xi32, #tpu.memory_space<vmem>>
        %dma_start3A_159 = tpu.memref_squeeze %dma_start3A_158 : memref<1x128xi32, #tpu.memory_space<vmem>> -> memref<128xi32, #tpu.memory_space<vmem>>
        %dma_start3A_160 = arith.constant 0 : i32
        %dma_start3A_161 = arith.constant 0 : i32
        %dma_start3A_162 = tpu.memref_slice %arg2[%dma_start3A_160, %dma_start3A_161] : memref<8192x128xf32, #tpu.memory_space<hbm>> -> memref<8192x128xf32, #tpu.memory_space<hbm>>
        tpu.enqueue_indirect_dma source(%dma_start3A_162 : memref<8192x128xf32, #tpu.memory_space<hbm>>) target(%arg7 : memref<128x128xf32, #tpu.memory_space<vmem>>) offsets(%dma_start3A_159 : memref<128xi32, #tpu.memory_space<vmem>>) semaphore(%arg11 : memref<!tpu.dma_semaphore, #tpu.memory_space<semaphore_mem>>)
      } else {
      }
      %ge3A_86 = arith.constant 32 : i32
      %ge3A_87 = arith.cmpi sge, %add3A_80, %ge3A_86 : i32
      %convert_element_type3A_88 = arith.extui %ge3A_87 : i1 to i32
      %cond3A_89 = arith.constant 0 : i32
      %cond3A_90 = arith.cmpi ne, %convert_element_type3A_88, %cond3A_89 : i32
      scf.if %cond3A_90 {
        %dma_wait3A_153 = arith.constant 0 : i32
        %dma_wait3A_154 = tpu.memref_slice %arg4[%mul3A_68, %dma_wait3A_153] : memref<131072x128xf32, #tpu.memory_space<hbm>> -> memref<128x128xf32, #tpu.memory_space<hbm>>
        %dma_wait3A_155 = arith.constant 0 : i32
        %dma_wait3A_156 = tpu.memref_slice %arg4[%mul3A_68, %dma_wait3A_155] : memref<131072x128xf32, #tpu.memory_space<hbm>> -> memref<128x128xf32, #tpu.memory_space<hbm>>
        tpu.wait_dma2 semaphore(%arg15 : memref<!tpu.dma_semaphore, #tpu.memory_space<semaphore_mem>>) src(%arg7 : memref<128x128xf32, #tpu.memory_space<vmem>>) dst(%dma_wait3A_156 : memref<128x128xf32, #tpu.memory_space<hbm>>)
      } else {
      }
      %mul3A_91 = arith.constant 4 : i32
      %mul3A_92 = arith.muli %scan3A_33, %mul3A_91 : i32
      %add3A_93 = arith.constant 2 : i32
      %add3A_94 = arith.addi %mul3A_92, %add3A_93 : i32
      %mul3A_95 = arith.constant 32 : i32
      %mul3A_96 = arith.muli %add3A, %mul3A_95 : i32
      %add3A_97 = arith.addi %mul3A_96, %add3A_94 : i32
      %mul3A_98 = arith.constant 128 : i32
      %mul3A_99 = arith.muli %add3A_97, %mul3A_98 : i32
      %dma_wait3A_100 = arith.constant 0 : i32
      %dma_wait3A_101 = tpu.memref_slice %arg5[%add3A_94, %dma_wait3A_100] : memref<32x128xi32, #tpu.memory_space<vmem>> -> memref<1x128xi32, #tpu.memory_space<vmem>>
      %dma_wait3A_102 = tpu.memref_squeeze %dma_wait3A_101 : memref<1x128xi32, #tpu.memory_space<vmem>> -> memref<128xi32, #tpu.memory_space<vmem>>
      %dma_wait3A_103 = arith.constant 0 : i32
      %dma_wait3A_104 = arith.constant 0 : i32
      %dma_wait3A_105 = tpu.memref_slice %arg2[%dma_wait3A_103, %dma_wait3A_104] : memref<8192x128xf32, #tpu.memory_space<hbm>> -> memref<8192x128xf32, #tpu.memory_space<hbm>>
      tpu.wait_indirect_dma semaphore(%arg12 : memref<!tpu.dma_semaphore, #tpu.memory_space<semaphore_mem>>) src(%dma_wait3A_105 : memref<8192x128xf32, #tpu.memory_space<hbm>>) dst(%arg8 : memref<128x128xf32, #tpu.memory_space<vmem>>)
      %dma_start3A_106 = arith.constant 0 : i32
      %dma_start3A_107 = tpu.memref_slice %arg4[%mul3A_99, %dma_start3A_106] : memref<131072x128xf32, #tpu.memory_space<hbm>> -> memref<128x128xf32, #tpu.memory_space<hbm>>
      %dma_start3A_108 = arith.constant 0 : i32
      %dma_start3A_109 = tpu.memref_slice %arg4[%mul3A_99, %dma_start3A_108] : memref<131072x128xf32, #tpu.memory_space<hbm>> -> memref<128x128xf32, #tpu.memory_space<hbm>>
      tpu.enqueue_dma source(%arg8 : memref<128x128xf32, #tpu.memory_space<vmem>>) target(%dma_start3A_109 : memref<128x128xf32, #tpu.memory_space<hbm>>) target_semaphore(%arg16 : memref<!tpu.dma_semaphore, #tpu.memory_space<semaphore_mem>>)
      %add3A_110 = arith.constant 4 : i32
      %add3A_111 = arith.addi %add3A_94, %add3A_110 : i32
      %lt3A_112 = arith.constant 32 : i32
      %lt3A_113 = arith.cmpi slt, %add3A_111, %lt3A_112 : i32
      %convert_element_type3A_114 = arith.extui %lt3A_113 : i1 to i32
      %cond3A_115 = arith.constant 0 : i32
      %cond3A_116 = arith.cmpi ne, %convert_element_type3A_114, %cond3A_115 : i32
      scf.if %cond3A_116 {
        %dma_wait3A_153 = arith.constant 0 : i32
        %dma_wait3A_154 = tpu.memref_slice %arg4[%mul3A_99, %dma_wait3A_153] : memref<131072x128xf32, #tpu.memory_space<hbm>> -> memref<128x128xf32, #tpu.memory_space<hbm>>
        %dma_wait3A_155 = arith.constant 0 : i32
        %dma_wait3A_156 = tpu.memref_slice %arg4[%mul3A_99, %dma_wait3A_155] : memref<131072x128xf32, #tpu.memory_space<hbm>> -> memref<128x128xf32, #tpu.memory_space<hbm>>
        tpu.wait_dma2 semaphore(%arg16 : memref<!tpu.dma_semaphore, #tpu.memory_space<semaphore_mem>>) src(%arg8 : memref<128x128xf32, #tpu.memory_space<vmem>>) dst(%dma_wait3A_156 : memref<128x128xf32, #tpu.memory_space<hbm>>)
        %dma_start3A_157 = arith.constant 0 : i32
        %dma_start3A_158 = tpu.memref_slice %arg5[%add3A_111, %dma_start3A_157] : memref<32x128xi32, #tpu.memory_space<vmem>> -> memref<1x128xi32, #tpu.memory_space<vmem>>
        %dma_start3A_159 = tpu.memref_squeeze %dma_start3A_158 : memref<1x128xi32, #tpu.memory_space<vmem>> -> memref<128xi32, #tpu.memory_space<vmem>>
        %dma_start3A_160 = arith.constant 0 : i32
        %dma_start3A_161 = arith.constant 0 : i32
        %dma_start3A_162 = tpu.memref_slice %arg2[%dma_start3A_160, %dma_start3A_161] : memref<8192x128xf32, #tpu.memory_space<hbm>> -> memref<8192x128xf32, #tpu.memory_space<hbm>>
        tpu.enqueue_indirect_dma source(%dma_start3A_162 : memref<8192x128xf32, #tpu.memory_space<hbm>>) target(%arg8 : memref<128x128xf32, #tpu.memory_space<vmem>>) offsets(%dma_start3A_159 : memref<128xi32, #tpu.memory_space<vmem>>) semaphore(%arg12 : memref<!tpu.dma_semaphore, #tpu.memory_space<semaphore_mem>>)
      } else {
      }
      %ge3A_117 = arith.constant 32 : i32
      %ge3A_118 = arith.cmpi sge, %add3A_111, %ge3A_117 : i32
      %convert_element_type3A_119 = arith.extui %ge3A_118 : i1 to i32
      %cond3A_120 = arith.constant 0 : i32
      %cond3A_121 = arith.cmpi ne, %convert_element_type3A_119, %cond3A_120 : i32
      scf.if %cond3A_121 {
        %dma_wait3A_153 = arith.constant 0 : i32
        %dma_wait3A_154 = tpu.memref_slice %arg4[%mul3A_99, %dma_wait3A_153] : memref<131072x128xf32, #tpu.memory_space<hbm>> -> memref<128x128xf32, #tpu.memory_space<hbm>>
        %dma_wait3A_155 = arith.constant 0 : i32
        %dma_wait3A_156 = tpu.memref_slice %arg4[%mul3A_99, %dma_wait3A_155] : memref<131072x128xf32, #tpu.memory_space<hbm>> -> memref<128x128xf32, #tpu.memory_space<hbm>>
        tpu.wait_dma2 semaphore(%arg16 : memref<!tpu.dma_semaphore, #tpu.memory_space<semaphore_mem>>) src(%arg8 : memref<128x128xf32, #tpu.memory_space<vmem>>) dst(%dma_wait3A_156 : memref<128x128xf32, #tpu.memory_space<hbm>>)
      } else {
      }
      %mul3A_122 = arith.constant 4 : i32
      %mul3A_123 = arith.muli %scan3A_33, %mul3A_122 : i32
      %add3A_124 = arith.constant 3 : i32
      %add3A_125 = arith.addi %mul3A_123, %add3A_124 : i32
      %mul3A_126 = arith.constant 32 : i32
      %mul3A_127 = arith.muli %add3A, %mul3A_126 : i32
      %add3A_128 = arith.addi %mul3A_127, %add3A_125 : i32
      %mul3A_129 = arith.constant 128 : i32
      %mul3A_130 = arith.muli %add3A_128, %mul3A_129 : i32
      %dma_wait3A_131 = arith.constant 0 : i32
      %dma_wait3A_132 = tpu.memref_slice %arg5[%add3A_125, %dma_wait3A_131] : memref<32x128xi32, #tpu.memory_space<vmem>> -> memref<1x128xi32, #tpu.memory_space<vmem>>
      %dma_wait3A_133 = tpu.memref_squeeze %dma_wait3A_132 : memref<1x128xi32, #tpu.memory_space<vmem>> -> memref<128xi32, #tpu.memory_space<vmem>>
      %dma_wait3A_134 = arith.constant 0 : i32
      %dma_wait3A_135 = arith.constant 0 : i32
      %dma_wait3A_136 = tpu.memref_slice %arg2[%dma_wait3A_134, %dma_wait3A_135] : memref<8192x128xf32, #tpu.memory_space<hbm>> -> memref<8192x128xf32, #tpu.memory_space<hbm>>
      tpu.wait_indirect_dma semaphore(%arg13 : memref<!tpu.dma_semaphore, #tpu.memory_space<semaphore_mem>>) src(%dma_wait3A_136 : memref<8192x128xf32, #tpu.memory_space<hbm>>) dst(%arg9 : memref<128x128xf32, #tpu.memory_space<vmem>>)
      %dma_start3A_137 = arith.constant 0 : i32
      %dma_start3A_138 = tpu.memref_slice %arg4[%mul3A_130, %dma_start3A_137] : memref<131072x128xf32, #tpu.memory_space<hbm>> -> memref<128x128xf32, #tpu.memory_space<hbm>>
      %dma_start3A_139 = arith.constant 0 : i32
      %dma_start3A_140 = tpu.memref_slice %arg4[%mul3A_130, %dma_start3A_139] : memref<131072x128xf32, #tpu.memory_space<hbm>> -> memref<128x128xf32, #tpu.memory_space<hbm>>
      tpu.enqueue_dma source(%arg9 : memref<128x128xf32, #tpu.memory_space<vmem>>) target(%dma_start3A_140 : memref<128x128xf32, #tpu.memory_space<hbm>>) target_semaphore(%arg17 : memref<!tpu.dma_semaphore, #tpu.memory_space<semaphore_mem>>)
      %add3A_141 = arith.constant 4 : i32
      %add3A_142 = arith.addi %add3A_125, %add3A_141 : i32
      %lt3A_143 = arith.constant 32 : i32
      %lt3A_144 = arith.cmpi slt, %add3A_142, %lt3A_143 : i32
      %convert_element_type3A_145 = arith.extui %lt3A_144 : i1 to i32
      %cond3A_146 = arith.constant 0 : i32
      %cond3A_147 = arith.cmpi ne, %convert_element_type3A_145, %cond3A_146 : i32
      scf.if %cond3A_147 {
        %dma_wait3A_153 = arith.constant 0 : i32
        %dma_wait3A_154 = tpu.memref_slice %arg4[%mul3A_130, %dma_wait3A_153] : memref<131072x128xf32, #tpu.memory_space<hbm>> -> memref<128x128xf32, #tpu.memory_space<hbm>>
        %dma_wait3A_155 = arith.constant 0 : i32
        %dma_wait3A_156 = tpu.memref_slice %arg4[%mul3A_130, %dma_wait3A_155] : memref<131072x128xf32, #tpu.memory_space<hbm>> -> memref<128x128xf32, #tpu.memory_space<hbm>>
        tpu.wait_dma2 semaphore(%arg17 : memref<!tpu.dma_semaphore, #tpu.memory_space<semaphore_mem>>) src(%arg9 : memref<128x128xf32, #tpu.memory_space<vmem>>) dst(%dma_wait3A_156 : memref<128x128xf32, #tpu.memory_space<hbm>>)
        %dma_start3A_157 = arith.constant 0 : i32
        %dma_start3A_158 = tpu.memref_slice %arg5[%add3A_142, %dma_start3A_157] : memref<32x128xi32, #tpu.memory_space<vmem>> -> memref<1x128xi32, #tpu.memory_space<vmem>>
        %dma_start3A_159 = tpu.memref_squeeze %dma_start3A_158 : memref<1x128xi32, #tpu.memory_space<vmem>> -> memref<128xi32, #tpu.memory_space<vmem>>
        %dma_start3A_160 = arith.constant 0 : i32
        %dma_start3A_161 = arith.constant 0 : i32
        %dma_start3A_162 = tpu.memref_slice %arg2[%dma_start3A_160, %dma_start3A_161] : memref<8192x128xf32, #tpu.memory_space<hbm>> -> memref<8192x128xf32, #tpu.memory_space<hbm>>
        tpu.enqueue_indirect_dma source(%dma_start3A_162 : memref<8192x128xf32, #tpu.memory_space<hbm>>) target(%arg9 : memref<128x128xf32, #tpu.memory_space<vmem>>) offsets(%dma_start3A_159 : memref<128xi32, #tpu.memory_space<vmem>>) semaphore(%arg13 : memref<!tpu.dma_semaphore, #tpu.memory_space<semaphore_mem>>)
      } else {
      }
      %ge3A_148 = arith.constant 32 : i32
      %ge3A_149 = arith.cmpi sge, %add3A_142, %ge3A_148 : i32
      %convert_element_type3A_150 = arith.extui %ge3A_149 : i1 to i32
      %cond3A_151 = arith.constant 0 : i32
      %cond3A_152 = arith.cmpi ne, %convert_element_type3A_150, %cond3A_151 : i32
      scf.if %cond3A_152 {
        %dma_wait3A_153 = arith.constant 0 : i32
        %dma_wait3A_154 = tpu.memref_slice %arg4[%mul3A_130, %dma_wait3A_153] : memref<131072x128xf32, #tpu.memory_space<hbm>> -> memref<128x128xf32, #tpu.memory_space<hbm>>
        %dma_wait3A_155 = arith.constant 0 : i32
        %dma_wait3A_156 = tpu.memref_slice %arg4[%mul3A_130, %dma_wait3A_155] : memref<131072x128xf32, #tpu.memory_space<hbm>> -> memref<128x128xf32, #tpu.memory_space<hbm>>
        tpu.wait_dma2 semaphore(%arg17 : memref<!tpu.dma_semaphore, #tpu.memory_space<semaphore_mem>>) src(%arg9 : memref<128x128xf32, #tpu.memory_space<vmem>>) dst(%dma_wait3A_156 : memref<128x128xf32, #tpu.memory_space<hbm>>)
      } else {
      }
    }
    %scan3A_32 = arith.constant 8 : i32
    return
  }
}

#map = affine_map<(d0, d1) -> (0, 0)>
#map1 = affine_map<(d0, d1) -> (0, 0, 0)>
module attributes {stable_mosaic.version = 14 : i64} {
  func.func @gk(%arg0: i32, %arg1: i32, %arg2: memref<8192x128xf32, #tpu.memory_space<hbm>>, %arg3: memref<32x32x128xi32, #tpu.memory_space<hbm>>, %arg4: memref<131072x128xf32, #tpu.memory_space<hbm>>, %arg5: memref<32x128xi32, #tpu.memory_space<vmem>>, %arg6: memref<128x128xf32, #tpu.memory_space<vmem>>, %arg7: memref<128x128xf32, #tpu.memory_space<vmem>>, %arg8: memref<128x128xf32, #tpu.memory_space<vmem>>, %arg9: memref<128x128xf32, #tpu.memory_space<vmem>>, %arg10: memref<!tpu.dma_semaphore, #tpu.memory_space<semaphore_mem>>, %arg11: memref<!tpu.dma_semaphore, #tpu.memory_space<semaphore_mem>>, %arg12: memref<!tpu.dma_semaphore, #tpu.memory_space<semaphore_mem>>, %arg13: memref<!tpu.dma_semaphore, #tpu.memory_space<semaphore_mem>>, %arg14: memref<!tpu.dma_semaphore, #tpu.memory_space<semaphore_mem>>, %arg15: memref<!tpu.dma_semaphore, #tpu.memory_space<semaphore_mem>>, %arg16: memref<!tpu.dma_semaphore, #tpu.memory_space<semaphore_mem>>, %arg17: memref<!tpu.dma_semaphore, #tpu.memory_space<semaphore_mem>>) attributes {dimension_semantics = [#tpu.dimension_semantics<core_parallel>, #tpu.dimension_semantics<subcore_parallel>], iteration_bounds = array<i64: 2, 16>, scalar_prefetch = 0 : i64, scratch_operands = 13 : i64, tpu.core_type = #tpu.core_type<sc_vector_subcore>, window_params = [{transform_indices = #map}, {transform_indices = #map1}, {transform_indices = #map}]} {
    %mul3A = arith.constant 2 : i32
    %mul3A_0 = arith.muli %arg1, %mul3A : i32
    %add3A = arith.addi %mul3A_0, %arg0 : i32
    "tpu.region"() ({
      %run_scoped3A = tpu.sem_alloc : memref<!tpu.dma_semaphore, #tpu.memory_space<semaphore_mem>>
      %dma_start3A_33 = arith.constant 0 : i32
      %dma_start3A_34 = arith.constant 0 : i32
      %dma_start3A_35 = tpu.memref_slice %arg3[%add3A, %dma_start3A_33, %dma_start3A_34] : memref<32x32x128xi32, #tpu.memory_space<hbm>> -> memref<1x32x128xi32, #tpu.memory_space<hbm>>
      %dma_start3A_36 = tpu.memref_squeeze %dma_start3A_35 : memref<1x32x128xi32, #tpu.memory_space<hbm>> -> memref<32x128xi32, #tpu.memory_space<hbm>>
      %dma_start3A_37 = arith.constant 0 : i32
      %dma_start3A_38 = arith.constant 0 : i32
      %dma_start3A_39 = tpu.memref_slice %arg3[%add3A, %dma_start3A_37, %dma_start3A_38] : memref<32x32x128xi32, #tpu.memory_space<hbm>> -> memref<1x32x128xi32, #tpu.memory_space<hbm>>
      %dma_start3A_40 = tpu.memref_squeeze %dma_start3A_39 : memref<1x32x128xi32, #tpu.memory_space<hbm>> -> memref<32x128xi32, #tpu.memory_space<hbm>>
      tpu.enqueue_dma source(%dma_start3A_40 : memref<32x128xi32, #tpu.memory_space<hbm>>) target(%arg5 : memref<32x128xi32, #tpu.memory_space<vmem>>) target_semaphore(%run_scoped3A : memref<!tpu.dma_semaphore, #tpu.memory_space<semaphore_mem>>)
      %dma_wait3A = arith.constant 0 : i32
      %dma_wait3A_41 = arith.constant 0 : i32
      %dma_wait3A_42 = tpu.memref_slice %arg3[%add3A, %dma_wait3A, %dma_wait3A_41] : memref<32x32x128xi32, #tpu.memory_space<hbm>> -> memref<1x32x128xi32, #tpu.memory_space<hbm>>
      %dma_wait3A_43 = tpu.memref_squeeze %dma_wait3A_42 : memref<1x32x128xi32, #tpu.memory_space<hbm>> -> memref<32x128xi32, #tpu.memory_space<hbm>>
      %dma_wait3A_44 = arith.constant 0 : i32
      %dma_wait3A_45 = arith.constant 0 : i32
      %dma_wait3A_46 = tpu.memref_slice %arg3[%add3A, %dma_wait3A_44, %dma_wait3A_45] : memref<32x32x128xi32, #tpu.memory_space<hbm>> -> memref<1x32x128xi32, #tpu.memory_space<hbm>>
      %dma_wait3A_47 = tpu.memref_squeeze %dma_wait3A_46 : memref<1x32x128xi32, #tpu.memory_space<hbm>> -> memref<32x128xi32, #tpu.memory_space<hbm>>
      tpu.wait_dma2 semaphore(%run_scoped3A : memref<!tpu.dma_semaphore, #tpu.memory_space<semaphore_mem>>) src(%dma_wait3A_47 : memref<32x128xi32, #tpu.memory_space<hbm>>) dst(%arg5 : memref<32x128xi32, #tpu.memory_space<vmem>>)
      tpu.yield
    }) : () -> ()
    %dma_start3A = arith.constant 0 : i32
    %dma_start3A_1 = arith.constant 0 : i32
    %dma_start3A_2 = tpu.memref_slice %arg5[%dma_start3A, %dma_start3A_1] : memref<32x128xi32, #tpu.memory_space<vmem>> -> memref<1x128xi32, #tpu.memory_space<vmem>>
    %dma_start3A_3 = tpu.memref_squeeze %dma_start3A_2 : memref<1x128xi32, #tpu.memory_space<vmem>> -> memref<128xi32, #tpu.memory_space<vmem>>
    %dma_start3A_4 = arith.constant 0 : i32
    %dma_start3A_5 = arith.constant 0 : i32
    %dma_start3A_6 = tpu.memref_slice %arg2[%dma_start3A_4, %dma_start3A_5] : memref<8192x128xf32, #tpu.memory_space<hbm>> -> memref<8192x128xf32, #tpu.memory_space<hbm>>
    tpu.enqueue_indirect_dma source(%dma_start3A_6 : memref<8192x128xf32, #tpu.memory_space<hbm>>) target(%arg6 : memref<128x128xf32, #tpu.memory_space<vmem>>) offsets(%dma_start3A_3 : memref<128xi32, #tpu.memory_space<vmem>>) semaphore(%arg10 : memref<!tpu.dma_semaphore, #tpu.memory_space<semaphore_mem>>)
    %dma_start3A_7 = arith.constant 1 : i32
    %dma_start3A_8 = arith.constant 0 : i32
    %dma_start3A_9 = tpu.memref_slice %arg5[%dma_start3A_7, %dma_start3A_8] : memref<32x128xi32, #tpu.memory_space<vmem>> -> memref<1x128xi32, #tpu.memory_space<vmem>>
    %dma_start3A_10 = tpu.memref_squeeze %dma_start3A_9 : memref<1x128xi32, #tpu.memory_space<vmem>> -> memref<128xi32, #tpu.memory_space<vmem>>
    %dma_start3A_11 = arith.constant 0 : i32
    %dma_start3A_12 = arith.constant 0 : i32
    %dma_start3A_13 = tpu.memref_slice %arg2[%dma_start3A_11, %dma_start3A_12] : memref<8192x128xf32, #tpu.memory_space<hbm>> -> memref<8192x128xf32, #tpu.memory_space<hbm>>
    tpu.enqueue_indirect_dma source(%dma_start3A_13 : memref<8192x128xf32, #tpu.memory_space<hbm>>) target(%arg7 : memref<128x128xf32, #tpu.memory_space<vmem>>) offsets(%dma_start3A_10 : memref<128xi32, #tpu.memory_space<vmem>>) semaphore(%arg11 : memref<!tpu.dma_semaphore, #tpu.memory_space<semaphore_mem>>)
    %dma_start3A_14 = arith.constant 2 : i32
    %dma_start3A_15 = arith.constant 0 : i32
    %dma_start3A_16 = tpu.memref_slice %arg5[%dma_start3A_14, %dma_start3A_15] : memref<32x128xi32, #tpu.memory_space<vmem>> -> memref<1x128xi32, #tpu.memory_space<vmem>>
    %dma_start3A_17 = tpu.memref_squeeze %dma_start3A_16 : memref<1x128xi32, #tpu.memory_space<vmem>> -> memref<128xi32, #tpu.memory_space<vmem>>
    %dma_start3A_18 = arith.constant 0 : i32
    %dma_start3A_19 = arith.constant 0 : i32
    %dma_start3A_20 = tpu.memref_slice %arg2[%dma_start3A_18, %dma_start3A_19] : memref<8192x128xf32, #tpu.memory_space<hbm>> -> memref<8192x128xf32, #tpu.memory_space<hbm>>
    tpu.enqueue_indirect_dma source(%dma_start3A_20 : memref<8192x128xf32, #tpu.memory_space<hbm>>) target(%arg8 : memref<128x128xf32, #tpu.memory_space<vmem>>) offsets(%dma_start3A_17 : memref<128xi32, #tpu.memory_space<vmem>>) semaphore(%arg12 : memref<!tpu.dma_semaphore, #tpu.memory_space<semaphore_mem>>)
    %dma_start3A_21 = arith.constant 3 : i32
    %dma_start3A_22 = arith.constant 0 : i32
    %dma_start3A_23 = tpu.memref_slice %arg5[%dma_start3A_21, %dma_start3A_22] : memref<32x128xi32, #tpu.memory_space<vmem>> -> memref<1x128xi32, #tpu.memory_space<vmem>>
    %dma_start3A_24 = tpu.memref_squeeze %dma_start3A_23 : memref<1x128xi32, #tpu.memory_space<vmem>> -> memref<128xi32, #tpu.memory_space<vmem>>
    %dma_start3A_25 = arith.constant 0 : i32
    %dma_start3A_26 = arith.constant 0 : i32
    %dma_start3A_27 = tpu.memref_slice %arg2[%dma_start3A_25, %dma_start3A_26] : memref<8192x128xf32, #tpu.memory_space<hbm>> -> memref<8192x128xf32, #tpu.memory_space<hbm>>
    tpu.enqueue_indirect_dma source(%dma_start3A_27 : memref<8192x128xf32, #tpu.memory_space<hbm>>) target(%arg9 : memref<128x128xf32, #tpu.memory_space<vmem>>) offsets(%dma_start3A_24 : memref<128xi32, #tpu.memory_space<vmem>>) semaphore(%arg13 : memref<!tpu.dma_semaphore, #tpu.memory_space<semaphore_mem>>)
    %scan3A = arith.constant 0 : i32
    %scan3A_28 = arith.constant 0 : i32
    %scan3A_29 = arith.constant 8 : i32
    %scan3A_30 = arith.addi %scan3A_28, %scan3A_29 : i32
    %scan3A_31 = arith.constant 1 : i32
    scf.for %scan3A_33 = %scan3A_28 to %scan3A_30 step %scan3A_31  : i32 {
      %mul3A_34 = arith.constant 4 : i32
      %mul3A_35 = arith.muli %scan3A_33, %mul3A_34 : i32
      %add3A_36 = arith.constant 0 : i32
      %add3A_37 = arith.addi %mul3A_35, %add3A_36 : i32
      %mul3A_38 = arith.constant 32 : i32
      %mul3A_39 = arith.muli %add3A, %mul3A_38 : i32
      %add3A_40 = arith.addi %mul3A_39, %add3A_37 : i32
      %mul3A_41 = arith.constant 128 : i32
      %mul3A_42 = arith.muli %add3A_40, %mul3A_41 : i32
      %dma_wait3A = arith.constant 0 : i32
      %dma_wait3A_43 = tpu.memref_slice %arg5[%add3A_37, %dma_wait3A] : memref<32x128xi32, #tpu.memory_space<vmem>> -> memref<1x128xi32, #tpu.memory_space<vmem>>
      %dma_wait3A_44 = tpu.memref_squeeze %dma_wait3A_43 : memref<1x128xi32, #tpu.memory_space<vmem>> -> memref<128xi32, #tpu.memory_space<vmem>>
      %dma_wait3A_45 = arith.constant 0 : i32
      %dma_wait3A_46 = arith.constant 0 : i32
      %dma_wait3A_47 = tpu.memref_slice %arg2[%dma_wait3A_45, %dma_wait3A_46] : memref<8192x128xf32, #tpu.memory_space<hbm>> -> memref<8192x128xf32, #tpu.memory_space<hbm>>
      tpu.wait_indirect_dma semaphore(%arg10 : memref<!tpu.dma_semaphore, #tpu.memory_space<semaphore_mem>>) src(%dma_wait3A_47 : memref<8192x128xf32, #tpu.memory_space<hbm>>) dst(%arg6 : memref<128x128xf32, #tpu.memory_space<vmem>>)
      %dma_start3A_48 = arith.constant 0 : i32
      %dma_start3A_49 = tpu.memref_slice %arg4[%mul3A_42, %dma_start3A_48] : memref<131072x128xf32, #tpu.memory_space<hbm>> -> memref<128x128xf32, #tpu.memory_space<hbm>>
      %dma_start3A_50 = arith.constant 0 : i32
      %dma_start3A_51 = tpu.memref_slice %arg4[%mul3A_42, %dma_start3A_50] : memref<131072x128xf32, #tpu.memory_space<hbm>> -> memref<128x128xf32, #tpu.memory_space<hbm>>
      tpu.enqueue_dma source(%arg6 : memref<128x128xf32, #tpu.memory_space<vmem>>) target(%dma_start3A_51 : memref<128x128xf32, #tpu.memory_space<hbm>>) target_semaphore(%arg14 : memref<!tpu.dma_semaphore, #tpu.memory_space<semaphore_mem>>)
      %add3A_52 = arith.constant 4 : i32
      %add3A_53 = arith.addi %add3A_37, %add3A_52 : i32
      %lt3A = arith.constant 32 : i32
      %lt3A_54 = arith.cmpi slt, %add3A_53, %lt3A : i32
      %convert_element_type3A = arith.extui %lt3A_54 : i1 to i32
      %cond3A = arith.constant 0 : i32
      %cond3A_55 = arith.cmpi ne, %convert_element_type3A, %cond3A : i32
      scf.if %cond3A_55 {
        %dma_wait3A_153 = arith.constant 0 : i32
        %dma_wait3A_154 = tpu.memref_slice %arg4[%mul3A_42, %dma_wait3A_153] : memref<131072x128xf32, #tpu.memory_space<hbm>> -> memref<128x128xf32, #tpu.memory_space<hbm>>
        %dma_wait3A_155 = arith.constant 0 : i32
        %dma_wait3A_156 = tpu.memref_slice %arg4[%mul3A_42, %dma_wait3A_155] : memref<131072x128xf32, #tpu.memory_space<hbm>> -> memref<128x128xf32, #tpu.memory_space<hbm>>
        tpu.wait_dma2 semaphore(%arg14 : memref<!tpu.dma_semaphore, #tpu.memory_space<semaphore_mem>>) src(%arg6 : memref<128x128xf32, #tpu.memory_space<vmem>>) dst(%dma_wait3A_156 : memref<128x128xf32, #tpu.memory_space<hbm>>)
        %dma_start3A_157 = arith.constant 0 : i32
        %dma_start3A_158 = tpu.memref_slice %arg5[%add3A_53, %dma_start3A_157] : memref<32x128xi32, #tpu.memory_space<vmem>> -> memref<1x128xi32, #tpu.memory_space<vmem>>
        %dma_start3A_159 = tpu.memref_squeeze %dma_start3A_158 : memref<1x128xi32, #tpu.memory_space<vmem>> -> memref<128xi32, #tpu.memory_space<vmem>>
        %dma_start3A_160 = arith.constant 0 : i32
        %dma_start3A_161 = arith.constant 0 : i32
        %dma_start3A_162 = tpu.memref_slice %arg2[%dma_start3A_160, %dma_start3A_161] : memref<8192x128xf32, #tpu.memory_space<hbm>> -> memref<8192x128xf32, #tpu.memory_space<hbm>>
        tpu.enqueue_indirect_dma source(%dma_start3A_162 : memref<8192x128xf32, #tpu.memory_space<hbm>>) target(%arg6 : memref<128x128xf32, #tpu.memory_space<vmem>>) offsets(%dma_start3A_159 : memref<128xi32, #tpu.memory_space<vmem>>) semaphore(%arg10 : memref<!tpu.dma_semaphore, #tpu.memory_space<semaphore_mem>>)
      } else {
      }
      %ge3A = arith.constant 32 : i32
      %ge3A_56 = arith.cmpi sge, %add3A_53, %ge3A : i32
      %convert_element_type3A_57 = arith.extui %ge3A_56 : i1 to i32
      %cond3A_58 = arith.constant 0 : i32
      %cond3A_59 = arith.cmpi ne, %convert_element_type3A_57, %cond3A_58 : i32
      scf.if %cond3A_59 {
        %dma_wait3A_153 = arith.constant 0 : i32
        %dma_wait3A_154 = tpu.memref_slice %arg4[%mul3A_42, %dma_wait3A_153] : memref<131072x128xf32, #tpu.memory_space<hbm>> -> memref<128x128xf32, #tpu.memory_space<hbm>>
        %dma_wait3A_155 = arith.constant 0 : i32
        %dma_wait3A_156 = tpu.memref_slice %arg4[%mul3A_42, %dma_wait3A_155] : memref<131072x128xf32, #tpu.memory_space<hbm>> -> memref<128x128xf32, #tpu.memory_space<hbm>>
        tpu.wait_dma2 semaphore(%arg14 : memref<!tpu.dma_semaphore, #tpu.memory_space<semaphore_mem>>) src(%arg6 : memref<128x128xf32, #tpu.memory_space<vmem>>) dst(%dma_wait3A_156 : memref<128x128xf32, #tpu.memory_space<hbm>>)
      } else {
      }
      %mul3A_60 = arith.constant 4 : i32
      %mul3A_61 = arith.muli %scan3A_33, %mul3A_60 : i32
      %add3A_62 = arith.constant 1 : i32
      %add3A_63 = arith.addi %mul3A_61, %add3A_62 : i32
      %mul3A_64 = arith.constant 32 : i32
      %mul3A_65 = arith.muli %add3A, %mul3A_64 : i32
      %add3A_66 = arith.addi %mul3A_65, %add3A_63 : i32
      %mul3A_67 = arith.constant 128 : i32
      %mul3A_68 = arith.muli %add3A_66, %mul3A_67 : i32
      %dma_wait3A_69 = arith.constant 0 : i32
      %dma_wait3A_70 = tpu.memref_slice %arg5[%add3A_63, %dma_wait3A_69] : memref<32x128xi32, #tpu.memory_space<vmem>> -> memref<1x128xi32, #tpu.memory_space<vmem>>
      %dma_wait3A_71 = tpu.memref_squeeze %dma_wait3A_70 : memref<1x128xi32, #tpu.memory_space<vmem>> -> memref<128xi32, #tpu.memory_space<vmem>>
      %dma_wait3A_72 = arith.constant 0 : i32
      %dma_wait3A_73 = arith.constant 0 : i32
      %dma_wait3A_74 = tpu.memref_slice %arg2[%dma_wait3A_72, %dma_wait3A_73] : memref<8192x128xf32, #tpu.memory_space<hbm>> -> memref<8192x128xf32, #tpu.memory_space<hbm>>
      tpu.wait_indirect_dma semaphore(%arg11 : memref<!tpu.dma_semaphore, #tpu.memory_space<semaphore_mem>>) src(%dma_wait3A_74 : memref<8192x128xf32, #tpu.memory_space<hbm>>) dst(%arg7 : memref<128x128xf32, #tpu.memory_space<vmem>>)
      %dma_start3A_75 = arith.constant 0 : i32
      %dma_start3A_76 = tpu.memref_slice %arg4[%mul3A_68, %dma_start3A_75] : memref<131072x128xf32, #tpu.memory_space<hbm>> -> memref<128x128xf32, #tpu.memory_space<hbm>>
      %dma_start3A_77 = arith.constant 0 : i32
      %dma_start3A_78 = tpu.memref_slice %arg4[%mul3A_68, %dma_start3A_77] : memref<131072x128xf32, #tpu.memory_space<hbm>> -> memref<128x128xf32, #tpu.memory_space<hbm>>
      tpu.enqueue_dma source(%arg7 : memref<128x128xf32, #tpu.memory_space<vmem>>) target(%dma_start3A_78 : memref<128x128xf32, #tpu.memory_space<hbm>>) target_semaphore(%arg15 : memref<!tpu.dma_semaphore, #tpu.memory_space<semaphore_mem>>)
      %add3A_79 = arith.constant 4 : i32
      %add3A_80 = arith.addi %add3A_63, %add3A_79 : i32
      %lt3A_81 = arith.constant 32 : i32
      %lt3A_82 = arith.cmpi slt, %add3A_80, %lt3A_81 : i32
      %convert_element_type3A_83 = arith.extui %lt3A_82 : i1 to i32
      %cond3A_84 = arith.constant 0 : i32
      %cond3A_85 = arith.cmpi ne, %convert_element_type3A_83, %cond3A_84 : i32
      scf.if %cond3A_85 {
        %dma_wait3A_153 = arith.constant 0 : i32
        %dma_wait3A_154 = tpu.memref_slice %arg4[%mul3A_68, %dma_wait3A_153] : memref<131072x128xf32, #tpu.memory_space<hbm>> -> memref<128x128xf32, #tpu.memory_space<hbm>>
        %dma_wait3A_155 = arith.constant 0 : i32
        %dma_wait3A_156 = tpu.memref_slice %arg4[%mul3A_68, %dma_wait3A_155] : memref<131072x128xf32, #tpu.memory_space<hbm>> -> memref<128x128xf32, #tpu.memory_space<hbm>>
        tpu.wait_dma2 semaphore(%arg15 : memref<!tpu.dma_semaphore, #tpu.memory_space<semaphore_mem>>) src(%arg7 : memref<128x128xf32, #tpu.memory_space<vmem>>) dst(%dma_wait3A_156 : memref<128x128xf32, #tpu.memory_space<hbm>>)
        %dma_start3A_157 = arith.constant 0 : i32
        %dma_start3A_158 = tpu.memref_slice %arg5[%add3A_80, %dma_start3A_157] : memref<32x128xi32, #tpu.memory_space<vmem>> -> memref<1x128xi32, #tpu.memory_space<vmem>>
        %dma_start3A_159 = tpu.memref_squeeze %dma_start3A_158 : memref<1x128xi32, #tpu.memory_space<vmem>> -> memref<128xi32, #tpu.memory_space<vmem>>
        %dma_start3A_160 = arith.constant 0 : i32
        %dma_start3A_161 = arith.constant 0 : i32
        %dma_start3A_162 = tpu.memref_slice %arg2[%dma_start3A_160, %dma_start3A_161] : memref<8192x128xf32, #tpu.memory_space<hbm>> -> memref<8192x128xf32, #tpu.memory_space<hbm>>
        tpu.enqueue_indirect_dma source(%dma_start3A_162 : memref<8192x128xf32, #tpu.memory_space<hbm>>) target(%arg7 : memref<128x128xf32, #tpu.memory_space<vmem>>) offsets(%dma_start3A_159 : memref<128xi32, #tpu.memory_space<vmem>>) semaphore(%arg11 : memref<!tpu.dma_semaphore, #tpu.memory_space<semaphore_mem>>)
      } else {
      }
      %ge3A_86 = arith.constant 32 : i32
      %ge3A_87 = arith.cmpi sge, %add3A_80, %ge3A_86 : i32
      %convert_element_type3A_88 = arith.extui %ge3A_87 : i1 to i32
      %cond3A_89 = arith.constant 0 : i32
      %cond3A_90 = arith.cmpi ne, %convert_element_type3A_88, %cond3A_89 : i32
      scf.if %cond3A_90 {
        %dma_wait3A_153 = arith.constant 0 : i32
        %dma_wait3A_154 = tpu.memref_slice %arg4[%mul3A_68, %dma_wait3A_153] : memref<131072x128xf32, #tpu.memory_space<hbm>> -> memref<128x128xf32, #tpu.memory_space<hbm>>
        %dma_wait3A_155 = arith.constant 0 : i32
        %dma_wait3A_156 = tpu.memref_slice %arg4[%mul3A_68, %dma_wait3A_155] : memref<131072x128xf32, #tpu.memory_space<hbm>> -> memref<128x128xf32, #tpu.memory_space<hbm>>
        tpu.wait_dma2 semaphore(%arg15 : memref<!tpu.dma_semaphore, #tpu.memory_space<semaphore_mem>>) src(%arg7 : memref<128x128xf32, #tpu.memory_space<vmem>>) dst(%dma_wait3A_156 : memref<128x128xf32, #tpu.memory_space<hbm>>)
      } else {
      }
      %mul3A_91 = arith.constant 4 : i32
      %mul3A_92 = arith.muli %scan3A_33, %mul3A_91 : i32
      %add3A_93 = arith.constant 2 : i32
      %add3A_94 = arith.addi %mul3A_92, %add3A_93 : i32
      %mul3A_95 = arith.constant 32 : i32
      %mul3A_96 = arith.muli %add3A, %mul3A_95 : i32
      %add3A_97 = arith.addi %mul3A_96, %add3A_94 : i32
      %mul3A_98 = arith.constant 128 : i32
      %mul3A_99 = arith.muli %add3A_97, %mul3A_98 : i32
      %dma_wait3A_100 = arith.constant 0 : i32
      %dma_wait3A_101 = tpu.memref_slice %arg5[%add3A_94, %dma_wait3A_100] : memref<32x128xi32, #tpu.memory_space<vmem>> -> memref<1x128xi32, #tpu.memory_space<vmem>>
      %dma_wait3A_102 = tpu.memref_squeeze %dma_wait3A_101 : memref<1x128xi32, #tpu.memory_space<vmem>> -> memref<128xi32, #tpu.memory_space<vmem>>
      %dma_wait3A_103 = arith.constant 0 : i32
      %dma_wait3A_104 = arith.constant 0 : i32
      %dma_wait3A_105 = tpu.memref_slice %arg2[%dma_wait3A_103, %dma_wait3A_104] : memref<8192x128xf32, #tpu.memory_space<hbm>> -> memref<8192x128xf32, #tpu.memory_space<hbm>>
      tpu.wait_indirect_dma semaphore(%arg12 : memref<!tpu.dma_semaphore, #tpu.memory_space<semaphore_mem>>) src(%dma_wait3A_105 : memref<8192x128xf32, #tpu.memory_space<hbm>>) dst(%arg8 : memref<128x128xf32, #tpu.memory_space<vmem>>)
      %dma_start3A_106 = arith.constant 0 : i32
      %dma_start3A_107 = tpu.memref_slice %arg4[%mul3A_99, %dma_start3A_106] : memref<131072x128xf32, #tpu.memory_space<hbm>> -> memref<128x128xf32, #tpu.memory_space<hbm>>
      %dma_start3A_108 = arith.constant 0 : i32
      %dma_start3A_109 = tpu.memref_slice %arg4[%mul3A_99, %dma_start3A_108] : memref<131072x128xf32, #tpu.memory_space<hbm>> -> memref<128x128xf32, #tpu.memory_space<hbm>>
      tpu.enqueue_dma source(%arg8 : memref<128x128xf32, #tpu.memory_space<vmem>>) target(%dma_start3A_109 : memref<128x128xf32, #tpu.memory_space<hbm>>) target_semaphore(%arg16 : memref<!tpu.dma_semaphore, #tpu.memory_space<semaphore_mem>>)
      %add3A_110 = arith.constant 4 : i32
      %add3A_111 = arith.addi %add3A_94, %add3A_110 : i32
      %lt3A_112 = arith.constant 32 : i32
      %lt3A_113 = arith.cmpi slt, %add3A_111, %lt3A_112 : i32
      %convert_element_type3A_114 = arith.extui %lt3A_113 : i1 to i32
      %cond3A_115 = arith.constant 0 : i32
      %cond3A_116 = arith.cmpi ne, %convert_element_type3A_114, %cond3A_115 : i32
      scf.if %cond3A_116 {
        %dma_wait3A_153 = arith.constant 0 : i32
        %dma_wait3A_154 = tpu.memref_slice %arg4[%mul3A_99, %dma_wait3A_153] : memref<131072x128xf32, #tpu.memory_space<hbm>> -> memref<128x128xf32, #tpu.memory_space<hbm>>
        %dma_wait3A_155 = arith.constant 0 : i32
        %dma_wait3A_156 = tpu.memref_slice %arg4[%mul3A_99, %dma_wait3A_155] : memref<131072x128xf32, #tpu.memory_space<hbm>> -> memref<128x128xf32, #tpu.memory_space<hbm>>
        tpu.wait_dma2 semaphore(%arg16 : memref<!tpu.dma_semaphore, #tpu.memory_space<semaphore_mem>>) src(%arg8 : memref<128x128xf32, #tpu.memory_space<vmem>>) dst(%dma_wait3A_156 : memref<128x128xf32, #tpu.memory_space<hbm>>)
        %dma_start3A_157 = arith.constant 0 : i32
        %dma_start3A_158 = tpu.memref_slice %arg5[%add3A_111, %dma_start3A_157] : memref<32x128xi32, #tpu.memory_space<vmem>> -> memref<1x128xi32, #tpu.memory_space<vmem>>
        %dma_start3A_159 = tpu.memref_squeeze %dma_start3A_158 : memref<1x128xi32, #tpu.memory_space<vmem>> -> memref<128xi32, #tpu.memory_space<vmem>>
        %dma_start3A_160 = arith.constant 0 : i32
        %dma_start3A_161 = arith.constant 0 : i32
        %dma_start3A_162 = tpu.memref_slice %arg2[%dma_start3A_160, %dma_start3A_161] : memref<8192x128xf32, #tpu.memory_space<hbm>> -> memref<8192x128xf32, #tpu.memory_space<hbm>>
        tpu.enqueue_indirect_dma source(%dma_start3A_162 : memref<8192x128xf32, #tpu.memory_space<hbm>>) target(%arg8 : memref<128x128xf32, #tpu.memory_space<vmem>>) offsets(%dma_start3A_159 : memref<128xi32, #tpu.memory_space<vmem>>) semaphore(%arg12 : memref<!tpu.dma_semaphore, #tpu.memory_space<semaphore_mem>>)
      } else {
      }
      %ge3A_117 = arith.constant 32 : i32
      %ge3A_118 = arith.cmpi sge, %add3A_111, %ge3A_117 : i32
      %convert_element_type3A_119 = arith.extui %ge3A_118 : i1 to i32
      %cond3A_120 = arith.constant 0 : i32
      %cond3A_121 = arith.cmpi ne, %convert_element_type3A_119, %cond3A_120 : i32
      scf.if %cond3A_121 {
        %dma_wait3A_153 = arith.constant 0 : i32
        %dma_wait3A_154 = tpu.memref_slice %arg4[%mul3A_99, %dma_wait3A_153] : memref<131072x128xf32, #tpu.memory_space<hbm>> -> memref<128x128xf32, #tpu.memory_space<hbm>>
        %dma_wait3A_155 = arith.constant 0 : i32
        %dma_wait3A_156 = tpu.memref_slice %arg4[%mul3A_99, %dma_wait3A_155] : memref<131072x128xf32, #tpu.memory_space<hbm>> -> memref<128x128xf32, #tpu.memory_space<hbm>>
        tpu.wait_dma2 semaphore(%arg16 : memref<!tpu.dma_semaphore, #tpu.memory_space<semaphore_mem>>) src(%arg8 : memref<128x128xf32, #tpu.memory_space<vmem>>) dst(%dma_wait3A_156 : memref<128x128xf32, #tpu.memory_space<hbm>>)
      } else {
      }
      %mul3A_122 = arith.constant 4 : i32
      %mul3A_123 = arith.muli %scan3A_33, %mul3A_122 : i32
      %add3A_124 = arith.constant 3 : i32
      %add3A_125 = arith.addi %mul3A_123, %add3A_124 : i32
      %mul3A_126 = arith.constant 32 : i32
      %mul3A_127 = arith.muli %add3A, %mul3A_126 : i32
      %add3A_128 = arith.addi %mul3A_127, %add3A_125 : i32
      %mul3A_129 = arith.constant 128 : i32
      %mul3A_130 = arith.muli %add3A_128, %mul3A_129 : i32
      %dma_wait3A_131 = arith.constant 0 : i32
      %dma_wait3A_132 = tpu.memref_slice %arg5[%add3A_125, %dma_wait3A_131] : memref<32x128xi32, #tpu.memory_space<vmem>> -> memref<1x128xi32, #tpu.memory_space<vmem>>
      %dma_wait3A_133 = tpu.memref_squeeze %dma_wait3A_132 : memref<1x128xi32, #tpu.memory_space<vmem>> -> memref<128xi32, #tpu.memory_space<vmem>>
      %dma_wait3A_134 = arith.constant 0 : i32
      %dma_wait3A_135 = arith.constant 0 : i32
      %dma_wait3A_136 = tpu.memref_slice %arg2[%dma_wait3A_134, %dma_wait3A_135] : memref<8192x128xf32, #tpu.memory_space<hbm>> -> memref<8192x128xf32, #tpu.memory_space<hbm>>
      tpu.wait_indirect_dma semaphore(%arg13 : memref<!tpu.dma_semaphore, #tpu.memory_space<semaphore_mem>>) src(%dma_wait3A_136 : memref<8192x128xf32, #tpu.memory_space<hbm>>) dst(%arg9 : memref<128x128xf32, #tpu.memory_space<vmem>>)
      %dma_start3A_137 = arith.constant 0 : i32
      %dma_start3A_138 = tpu.memref_slice %arg4[%mul3A_130, %dma_start3A_137] : memref<131072x128xf32, #tpu.memory_space<hbm>> -> memref<128x128xf32, #tpu.memory_space<hbm>>
      %dma_start3A_139 = arith.constant 0 : i32
      %dma_start3A_140 = tpu.memref_slice %arg4[%mul3A_130, %dma_start3A_139] : memref<131072x128xf32, #tpu.memory_space<hbm>> -> memref<128x128xf32, #tpu.memory_space<hbm>>
      tpu.enqueue_dma source(%arg9 : memref<128x128xf32, #tpu.memory_space<vmem>>) target(%dma_start3A_140 : memref<128x128xf32, #tpu.memory_space<hbm>>) target_semaphore(%arg17 : memref<!tpu.dma_semaphore, #tpu.memory_space<semaphore_mem>>)
      %add3A_141 = arith.constant 4 : i32
      %add3A_142 = arith.addi %add3A_125, %add3A_141 : i32
      %lt3A_143 = arith.constant 32 : i32
      %lt3A_144 = arith.cmpi slt, %add3A_142, %lt3A_143 : i32
      %convert_element_type3A_145 = arith.extui %lt3A_144 : i1 to i32
      %cond3A_146 = arith.constant 0 : i32
      %cond3A_147 = arith.cmpi ne, %convert_element_type3A_145, %cond3A_146 : i32
      scf.if %cond3A_147 {
        %dma_wait3A_153 = arith.constant 0 : i32
        %dma_wait3A_154 = tpu.memref_slice %arg4[%mul3A_130, %dma_wait3A_153] : memref<131072x128xf32, #tpu.memory_space<hbm>> -> memref<128x128xf32, #tpu.memory_space<hbm>>
        %dma_wait3A_155 = arith.constant 0 : i32
        %dma_wait3A_156 = tpu.memref_slice %arg4[%mul3A_130, %dma_wait3A_155] : memref<131072x128xf32, #tpu.memory_space<hbm>> -> memref<128x128xf32, #tpu.memory_space<hbm>>
        tpu.wait_dma2 semaphore(%arg17 : memref<!tpu.dma_semaphore, #tpu.memory_space<semaphore_mem>>) src(%arg9 : memref<128x128xf32, #tpu.memory_space<vmem>>) dst(%dma_wait3A_156 : memref<128x128xf32, #tpu.memory_space<hbm>>)
        %dma_start3A_157 = arith.constant 0 : i32
        %dma_start3A_158 = tpu.memref_slice %arg5[%add3A_142, %dma_start3A_157] : memref<32x128xi32, #tpu.memory_space<vmem>> -> memref<1x128xi32, #tpu.memory_space<vmem>>
        %dma_start3A_159 = tpu.memref_squeeze %dma_start3A_158 : memref<1x128xi32, #tpu.memory_space<vmem>> -> memref<128xi32, #tpu.memory_space<vmem>>
        %dma_start3A_160 = arith.constant 0 : i32
        %dma_start3A_161 = arith.constant 0 : i32
        %dma_start3A_162 = tpu.memref_slice %arg2[%dma_start3A_160, %dma_start3A_161] : memref<8192x128xf32, #tpu.memory_space<hbm>> -> memref<8192x128xf32, #tpu.memory_space<hbm>>
        tpu.enqueue_indirect_dma source(%dma_start3A_162 : memref<8192x128xf32, #tpu.memory_space<hbm>>) target(%arg9 : memref<128x128xf32, #tpu.memory_space<vmem>>) offsets(%dma_start3A_159 : memref<128xi32, #tpu.memory_space<vmem>>) semaphore(%arg13 : memref<!tpu.dma_semaphore, #tpu.memory_space<semaphore_mem>>)
      } else {
      }
      %ge3A_148 = arith.constant 32 : i32
      %ge3A_149 = arith.cmpi sge, %add3A_142, %ge3A_148 : i32
      %convert_element_type3A_150 = arith.extui %ge3A_149 : i1 to i32
      %cond3A_151 = arith.constant 0 : i32
      %cond3A_152 = arith.cmpi ne, %convert_element_type3A_150, %cond3A_151 : i32
      scf.if %cond3A_152 {
        %dma_wait3A_153 = arith.constant 0 : i32
        %dma_wait3A_154 = tpu.memref_slice %arg4[%mul3A_130, %dma_wait3A_153] : memref<131072x128xf32, #tpu.memory_space<hbm>> -> memref<128x128xf32, #tpu.memory_space<hbm>>
        %dma_wait3A_155 = arith.constant 0 : i32
        %dma_wait3A_156 = tpu.memref_slice %arg4[%mul3A_130, %dma_wait3A_155] : memref<131072x128xf32, #tpu.memory_space<hbm>> -> memref<128x128xf32, #tpu.memory_space<hbm>>
        tpu.wait_dma2 semaphore(%arg17 : memref<!tpu.dma_semaphore, #tpu.memory_space<semaphore_mem>>) src(%arg9 : memref<128x128xf32, #tpu.memory_space<vmem>>) dst(%dma_wait3A_156 : memref<128x128xf32, #tpu.memory_space<hbm>>)
      } else {
      }
    }
    %scan3A_32 = arith.constant 8 : i32
    return
  }
}

#map = affine_map<(d0, d1) -> (0, 0)>
#map1 = affine_map<(d0, d1) -> (0, 0, 0)>
module attributes {stable_mosaic.version = 14 : i64} {
  func.func @gk(%arg0: i32, %arg1: i32, %arg2: memref<8192x128xf32, #tpu.memory_space<hbm>>, %arg3: memref<32x32x128xi32, #tpu.memory_space<hbm>>, %arg4: memref<131072x128xf32, #tpu.memory_space<hbm>>, %arg5: memref<32x128xi32, #tpu.memory_space<vmem>>, %arg6: memref<128x128xf32, #tpu.memory_space<vmem>>, %arg7: memref<128x128xf32, #tpu.memory_space<vmem>>, %arg8: memref<128x128xf32, #tpu.memory_space<vmem>>, %arg9: memref<128x128xf32, #tpu.memory_space<vmem>>, %arg10: memref<!tpu.dma_semaphore, #tpu.memory_space<semaphore_mem>>, %arg11: memref<!tpu.dma_semaphore, #tpu.memory_space<semaphore_mem>>, %arg12: memref<!tpu.dma_semaphore, #tpu.memory_space<semaphore_mem>>, %arg13: memref<!tpu.dma_semaphore, #tpu.memory_space<semaphore_mem>>, %arg14: memref<!tpu.dma_semaphore, #tpu.memory_space<semaphore_mem>>, %arg15: memref<!tpu.dma_semaphore, #tpu.memory_space<semaphore_mem>>, %arg16: memref<!tpu.dma_semaphore, #tpu.memory_space<semaphore_mem>>, %arg17: memref<!tpu.dma_semaphore, #tpu.memory_space<semaphore_mem>>) attributes {dimension_semantics = [#tpu.dimension_semantics<core_parallel>, #tpu.dimension_semantics<subcore_parallel>], iteration_bounds = array<i64: 2, 16>, scalar_prefetch = 0 : i64, scratch_operands = 13 : i64, tpu.core_type = #tpu.core_type<sc_vector_subcore>, window_params = [{transform_indices = #map}, {transform_indices = #map1}, {transform_indices = #map}]} {
    %mul3A = arith.constant 2 : i32
    %mul3A_0 = arith.muli %arg1, %mul3A : i32
    %add3A = arith.addi %mul3A_0, %arg0 : i32
    "tpu.region"() ({
      %run_scoped3A = tpu.sem_alloc : memref<!tpu.dma_semaphore, #tpu.memory_space<semaphore_mem>>
      %dma_start3A_33 = arith.constant 0 : i32
      %dma_start3A_34 = arith.constant 0 : i32
      %dma_start3A_35 = tpu.memref_slice %arg3[%add3A, %dma_start3A_33, %dma_start3A_34] : memref<32x32x128xi32, #tpu.memory_space<hbm>> -> memref<1x32x128xi32, #tpu.memory_space<hbm>>
      %dma_start3A_36 = tpu.memref_squeeze %dma_start3A_35 : memref<1x32x128xi32, #tpu.memory_space<hbm>> -> memref<32x128xi32, #tpu.memory_space<hbm>>
      %dma_start3A_37 = arith.constant 0 : i32
      %dma_start3A_38 = arith.constant 0 : i32
      %dma_start3A_39 = tpu.memref_slice %arg3[%add3A, %dma_start3A_37, %dma_start3A_38] : memref<32x32x128xi32, #tpu.memory_space<hbm>> -> memref<1x32x128xi32, #tpu.memory_space<hbm>>
      %dma_start3A_40 = tpu.memref_squeeze %dma_start3A_39 : memref<1x32x128xi32, #tpu.memory_space<hbm>> -> memref<32x128xi32, #tpu.memory_space<hbm>>
      tpu.enqueue_dma source(%dma_start3A_40 : memref<32x128xi32, #tpu.memory_space<hbm>>) target(%arg5 : memref<32x128xi32, #tpu.memory_space<vmem>>) target_semaphore(%run_scoped3A : memref<!tpu.dma_semaphore, #tpu.memory_space<semaphore_mem>>)
      %dma_wait3A = arith.constant 0 : i32
      %dma_wait3A_41 = arith.constant 0 : i32
      %dma_wait3A_42 = tpu.memref_slice %arg3[%add3A, %dma_wait3A, %dma_wait3A_41] : memref<32x32x128xi32, #tpu.memory_space<hbm>> -> memref<1x32x128xi32, #tpu.memory_space<hbm>>
      %dma_wait3A_43 = tpu.memref_squeeze %dma_wait3A_42 : memref<1x32x128xi32, #tpu.memory_space<hbm>> -> memref<32x128xi32, #tpu.memory_space<hbm>>
      %dma_wait3A_44 = arith.constant 0 : i32
      %dma_wait3A_45 = arith.constant 0 : i32
      %dma_wait3A_46 = tpu.memref_slice %arg3[%add3A, %dma_wait3A_44, %dma_wait3A_45] : memref<32x32x128xi32, #tpu.memory_space<hbm>> -> memref<1x32x128xi32, #tpu.memory_space<hbm>>
      %dma_wait3A_47 = tpu.memref_squeeze %dma_wait3A_46 : memref<1x32x128xi32, #tpu.memory_space<hbm>> -> memref<32x128xi32, #tpu.memory_space<hbm>>
      tpu.wait_dma2 semaphore(%run_scoped3A : memref<!tpu.dma_semaphore, #tpu.memory_space<semaphore_mem>>) src(%dma_wait3A_47 : memref<32x128xi32, #tpu.memory_space<hbm>>) dst(%arg5 : memref<32x128xi32, #tpu.memory_space<vmem>>)
      tpu.yield
    }) : () -> ()
    %dma_start3A = arith.constant 0 : i32
    %dma_start3A_1 = arith.constant 0 : i32
    %dma_start3A_2 = tpu.memref_slice %arg5[%dma_start3A, %dma_start3A_1] : memref<32x128xi32, #tpu.memory_space<vmem>> -> memref<1x128xi32, #tpu.memory_space<vmem>>
    %dma_start3A_3 = tpu.memref_squeeze %dma_start3A_2 : memref<1x128xi32, #tpu.memory_space<vmem>> -> memref<128xi32, #tpu.memory_space<vmem>>
    %dma_start3A_4 = arith.constant 0 : i32
    %dma_start3A_5 = arith.constant 0 : i32
    %dma_start3A_6 = tpu.memref_slice %arg2[%dma_start3A_4, %dma_start3A_5] : memref<8192x128xf32, #tpu.memory_space<hbm>> -> memref<8192x128xf32, #tpu.memory_space<hbm>>
    tpu.enqueue_indirect_dma source(%dma_start3A_6 : memref<8192x128xf32, #tpu.memory_space<hbm>>) target(%arg6 : memref<128x128xf32, #tpu.memory_space<vmem>>) offsets(%dma_start3A_3 : memref<128xi32, #tpu.memory_space<vmem>>) semaphore(%arg10 : memref<!tpu.dma_semaphore, #tpu.memory_space<semaphore_mem>>)
    %dma_start3A_7 = arith.constant 1 : i32
    %dma_start3A_8 = arith.constant 0 : i32
    %dma_start3A_9 = tpu.memref_slice %arg5[%dma_start3A_7, %dma_start3A_8] : memref<32x128xi32, #tpu.memory_space<vmem>> -> memref<1x128xi32, #tpu.memory_space<vmem>>
    %dma_start3A_10 = tpu.memref_squeeze %dma_start3A_9 : memref<1x128xi32, #tpu.memory_space<vmem>> -> memref<128xi32, #tpu.memory_space<vmem>>
    %dma_start3A_11 = arith.constant 0 : i32
    %dma_start3A_12 = arith.constant 0 : i32
    %dma_start3A_13 = tpu.memref_slice %arg2[%dma_start3A_11, %dma_start3A_12] : memref<8192x128xf32, #tpu.memory_space<hbm>> -> memref<8192x128xf32, #tpu.memory_space<hbm>>
    tpu.enqueue_indirect_dma source(%dma_start3A_13 : memref<8192x128xf32, #tpu.memory_space<hbm>>) target(%arg7 : memref<128x128xf32, #tpu.memory_space<vmem>>) offsets(%dma_start3A_10 : memref<128xi32, #tpu.memory_space<vmem>>) semaphore(%arg11 : memref<!tpu.dma_semaphore, #tpu.memory_space<semaphore_mem>>)
    %dma_start3A_14 = arith.constant 2 : i32
    %dma_start3A_15 = arith.constant 0 : i32
    %dma_start3A_16 = tpu.memref_slice %arg5[%dma_start3A_14, %dma_start3A_15] : memref<32x128xi32, #tpu.memory_space<vmem>> -> memref<1x128xi32, #tpu.memory_space<vmem>>
    %dma_start3A_17 = tpu.memref_squeeze %dma_start3A_16 : memref<1x128xi32, #tpu.memory_space<vmem>> -> memref<128xi32, #tpu.memory_space<vmem>>
    %dma_start3A_18 = arith.constant 0 : i32
    %dma_start3A_19 = arith.constant 0 : i32
    %dma_start3A_20 = tpu.memref_slice %arg2[%dma_start3A_18, %dma_start3A_19] : memref<8192x128xf32, #tpu.memory_space<hbm>> -> memref<8192x128xf32, #tpu.memory_space<hbm>>
    tpu.enqueue_indirect_dma source(%dma_start3A_20 : memref<8192x128xf32, #tpu.memory_space<hbm>>) target(%arg8 : memref<128x128xf32, #tpu.memory_space<vmem>>) offsets(%dma_start3A_17 : memref<128xi32, #tpu.memory_space<vmem>>) semaphore(%arg12 : memref<!tpu.dma_semaphore, #tpu.memory_space<semaphore_mem>>)
    %dma_start3A_21 = arith.constant 3 : i32
    %dma_start3A_22 = arith.constant 0 : i32
    %dma_start3A_23 = tpu.memref_slice %arg5[%dma_start3A_21, %dma_start3A_22] : memref<32x128xi32, #tpu.memory_space<vmem>> -> memref<1x128xi32, #tpu.memory_space<vmem>>
    %dma_start3A_24 = tpu.memref_squeeze %dma_start3A_23 : memref<1x128xi32, #tpu.memory_space<vmem>> -> memref<128xi32, #tpu.memory_space<vmem>>
    %dma_start3A_25 = arith.constant 0 : i32
    %dma_start3A_26 = arith.constant 0 : i32
    %dma_start3A_27 = tpu.memref_slice %arg2[%dma_start3A_25, %dma_start3A_26] : memref<8192x128xf32, #tpu.memory_space<hbm>> -> memref<8192x128xf32, #tpu.memory_space<hbm>>
    tpu.enqueue_indirect_dma source(%dma_start3A_27 : memref<8192x128xf32, #tpu.memory_space<hbm>>) target(%arg9 : memref<128x128xf32, #tpu.memory_space<vmem>>) offsets(%dma_start3A_24 : memref<128xi32, #tpu.memory_space<vmem>>) semaphore(%arg13 : memref<!tpu.dma_semaphore, #tpu.memory_space<semaphore_mem>>)
    %scan3A = arith.constant 0 : i32
    %scan3A_28 = arith.constant 0 : i32
    %scan3A_29 = arith.constant 8 : i32
    %scan3A_30 = arith.addi %scan3A_28, %scan3A_29 : i32
    %scan3A_31 = arith.constant 1 : i32
    scf.for %scan3A_33 = %scan3A_28 to %scan3A_30 step %scan3A_31  : i32 {
      %mul3A_34 = arith.constant 4 : i32
      %mul3A_35 = arith.muli %scan3A_33, %mul3A_34 : i32
      %add3A_36 = arith.constant 0 : i32
      %add3A_37 = arith.addi %mul3A_35, %add3A_36 : i32
      %mul3A_38 = arith.constant 32 : i32
      %mul3A_39 = arith.muli %add3A, %mul3A_38 : i32
      %add3A_40 = arith.addi %mul3A_39, %add3A_37 : i32
      %mul3A_41 = arith.constant 128 : i32
      %mul3A_42 = arith.muli %add3A_40, %mul3A_41 : i32
      %dma_wait3A = arith.constant 0 : i32
      %dma_wait3A_43 = tpu.memref_slice %arg5[%add3A_37, %dma_wait3A] : memref<32x128xi32, #tpu.memory_space<vmem>> -> memref<1x128xi32, #tpu.memory_space<vmem>>
      %dma_wait3A_44 = tpu.memref_squeeze %dma_wait3A_43 : memref<1x128xi32, #tpu.memory_space<vmem>> -> memref<128xi32, #tpu.memory_space<vmem>>
      %dma_wait3A_45 = arith.constant 0 : i32
      %dma_wait3A_46 = arith.constant 0 : i32
      %dma_wait3A_47 = tpu.memref_slice %arg2[%dma_wait3A_45, %dma_wait3A_46] : memref<8192x128xf32, #tpu.memory_space<hbm>> -> memref<8192x128xf32, #tpu.memory_space<hbm>>
      tpu.wait_indirect_dma semaphore(%arg10 : memref<!tpu.dma_semaphore, #tpu.memory_space<semaphore_mem>>) src(%dma_wait3A_47 : memref<8192x128xf32, #tpu.memory_space<hbm>>) dst(%arg6 : memref<128x128xf32, #tpu.memory_space<vmem>>)
      %dma_start3A_48 = arith.constant 0 : i32
      %dma_start3A_49 = tpu.memref_slice %arg4[%mul3A_42, %dma_start3A_48] : memref<131072x128xf32, #tpu.memory_space<hbm>> -> memref<128x128xf32, #tpu.memory_space<hbm>>
      %dma_start3A_50 = arith.constant 0 : i32
      %dma_start3A_51 = tpu.memref_slice %arg4[%mul3A_42, %dma_start3A_50] : memref<131072x128xf32, #tpu.memory_space<hbm>> -> memref<128x128xf32, #tpu.memory_space<hbm>>
      tpu.enqueue_dma source(%arg6 : memref<128x128xf32, #tpu.memory_space<vmem>>) target(%dma_start3A_51 : memref<128x128xf32, #tpu.memory_space<hbm>>) target_semaphore(%arg14 : memref<!tpu.dma_semaphore, #tpu.memory_space<semaphore_mem>>)
      %add3A_52 = arith.constant 4 : i32
      %add3A_53 = arith.addi %add3A_37, %add3A_52 : i32
      %lt3A = arith.constant 32 : i32
      %lt3A_54 = arith.cmpi slt, %add3A_53, %lt3A : i32
      %convert_element_type3A = arith.extui %lt3A_54 : i1 to i32
      %cond3A = arith.constant 0 : i32
      %cond3A_55 = arith.cmpi ne, %convert_element_type3A, %cond3A : i32
      scf.if %cond3A_55 {
        %dma_wait3A_153 = arith.constant 0 : i32
        %dma_wait3A_154 = tpu.memref_slice %arg4[%mul3A_42, %dma_wait3A_153] : memref<131072x128xf32, #tpu.memory_space<hbm>> -> memref<128x128xf32, #tpu.memory_space<hbm>>
        %dma_wait3A_155 = arith.constant 0 : i32
        %dma_wait3A_156 = tpu.memref_slice %arg4[%mul3A_42, %dma_wait3A_155] : memref<131072x128xf32, #tpu.memory_space<hbm>> -> memref<128x128xf32, #tpu.memory_space<hbm>>
        tpu.wait_dma2 semaphore(%arg14 : memref<!tpu.dma_semaphore, #tpu.memory_space<semaphore_mem>>) src(%arg6 : memref<128x128xf32, #tpu.memory_space<vmem>>) dst(%dma_wait3A_156 : memref<128x128xf32, #tpu.memory_space<hbm>>)
        %dma_start3A_157 = arith.constant 0 : i32
        %dma_start3A_158 = tpu.memref_slice %arg5[%add3A_53, %dma_start3A_157] : memref<32x128xi32, #tpu.memory_space<vmem>> -> memref<1x128xi32, #tpu.memory_space<vmem>>
        %dma_start3A_159 = tpu.memref_squeeze %dma_start3A_158 : memref<1x128xi32, #tpu.memory_space<vmem>> -> memref<128xi32, #tpu.memory_space<vmem>>
        %dma_start3A_160 = arith.constant 0 : i32
        %dma_start3A_161 = arith.constant 0 : i32
        %dma_start3A_162 = tpu.memref_slice %arg2[%dma_start3A_160, %dma_start3A_161] : memref<8192x128xf32, #tpu.memory_space<hbm>> -> memref<8192x128xf32, #tpu.memory_space<hbm>>
        tpu.enqueue_indirect_dma source(%dma_start3A_162 : memref<8192x128xf32, #tpu.memory_space<hbm>>) target(%arg6 : memref<128x128xf32, #tpu.memory_space<vmem>>) offsets(%dma_start3A_159 : memref<128xi32, #tpu.memory_space<vmem>>) semaphore(%arg10 : memref<!tpu.dma_semaphore, #tpu.memory_space<semaphore_mem>>)
      } else {
      }
      %ge3A = arith.constant 32 : i32
      %ge3A_56 = arith.cmpi sge, %add3A_53, %ge3A : i32
      %convert_element_type3A_57 = arith.extui %ge3A_56 : i1 to i32
      %cond3A_58 = arith.constant 0 : i32
      %cond3A_59 = arith.cmpi ne, %convert_element_type3A_57, %cond3A_58 : i32
      scf.if %cond3A_59 {
        %dma_wait3A_153 = arith.constant 0 : i32
        %dma_wait3A_154 = tpu.memref_slice %arg4[%mul3A_42, %dma_wait3A_153] : memref<131072x128xf32, #tpu.memory_space<hbm>> -> memref<128x128xf32, #tpu.memory_space<hbm>>
        %dma_wait3A_155 = arith.constant 0 : i32
        %dma_wait3A_156 = tpu.memref_slice %arg4[%mul3A_42, %dma_wait3A_155] : memref<131072x128xf32, #tpu.memory_space<hbm>> -> memref<128x128xf32, #tpu.memory_space<hbm>>
        tpu.wait_dma2 semaphore(%arg14 : memref<!tpu.dma_semaphore, #tpu.memory_space<semaphore_mem>>) src(%arg6 : memref<128x128xf32, #tpu.memory_space<vmem>>) dst(%dma_wait3A_156 : memref<128x128xf32, #tpu.memory_space<hbm>>)
      } else {
      }
      %mul3A_60 = arith.constant 4 : i32
      %mul3A_61 = arith.muli %scan3A_33, %mul3A_60 : i32
      %add3A_62 = arith.constant 1 : i32
      %add3A_63 = arith.addi %mul3A_61, %add3A_62 : i32
      %mul3A_64 = arith.constant 32 : i32
      %mul3A_65 = arith.muli %add3A, %mul3A_64 : i32
      %add3A_66 = arith.addi %mul3A_65, %add3A_63 : i32
      %mul3A_67 = arith.constant 128 : i32
      %mul3A_68 = arith.muli %add3A_66, %mul3A_67 : i32
      %dma_wait3A_69 = arith.constant 0 : i32
      %dma_wait3A_70 = tpu.memref_slice %arg5[%add3A_63, %dma_wait3A_69] : memref<32x128xi32, #tpu.memory_space<vmem>> -> memref<1x128xi32, #tpu.memory_space<vmem>>
      %dma_wait3A_71 = tpu.memref_squeeze %dma_wait3A_70 : memref<1x128xi32, #tpu.memory_space<vmem>> -> memref<128xi32, #tpu.memory_space<vmem>>
      %dma_wait3A_72 = arith.constant 0 : i32
      %dma_wait3A_73 = arith.constant 0 : i32
      %dma_wait3A_74 = tpu.memref_slice %arg2[%dma_wait3A_72, %dma_wait3A_73] : memref<8192x128xf32, #tpu.memory_space<hbm>> -> memref<8192x128xf32, #tpu.memory_space<hbm>>
      tpu.wait_indirect_dma semaphore(%arg11 : memref<!tpu.dma_semaphore, #tpu.memory_space<semaphore_mem>>) src(%dma_wait3A_74 : memref<8192x128xf32, #tpu.memory_space<hbm>>) dst(%arg7 : memref<128x128xf32, #tpu.memory_space<vmem>>)
      %dma_start3A_75 = arith.constant 0 : i32
      %dma_start3A_76 = tpu.memref_slice %arg4[%mul3A_68, %dma_start3A_75] : memref<131072x128xf32, #tpu.memory_space<hbm>> -> memref<128x128xf32, #tpu.memory_space<hbm>>
      %dma_start3A_77 = arith.constant 0 : i32
      %dma_start3A_78 = tpu.memref_slice %arg4[%mul3A_68, %dma_start3A_77] : memref<131072x128xf32, #tpu.memory_space<hbm>> -> memref<128x128xf32, #tpu.memory_space<hbm>>
      tpu.enqueue_dma source(%arg7 : memref<128x128xf32, #tpu.memory_space<vmem>>) target(%dma_start3A_78 : memref<128x128xf32, #tpu.memory_space<hbm>>) target_semaphore(%arg15 : memref<!tpu.dma_semaphore, #tpu.memory_space<semaphore_mem>>)
      %add3A_79 = arith.constant 4 : i32
      %add3A_80 = arith.addi %add3A_63, %add3A_79 : i32
      %lt3A_81 = arith.constant 32 : i32
      %lt3A_82 = arith.cmpi slt, %add3A_80, %lt3A_81 : i32
      %convert_element_type3A_83 = arith.extui %lt3A_82 : i1 to i32
      %cond3A_84 = arith.constant 0 : i32
      %cond3A_85 = arith.cmpi ne, %convert_element_type3A_83, %cond3A_84 : i32
      scf.if %cond3A_85 {
        %dma_wait3A_153 = arith.constant 0 : i32
        %dma_wait3A_154 = tpu.memref_slice %arg4[%mul3A_68, %dma_wait3A_153] : memref<131072x128xf32, #tpu.memory_space<hbm>> -> memref<128x128xf32, #tpu.memory_space<hbm>>
        %dma_wait3A_155 = arith.constant 0 : i32
        %dma_wait3A_156 = tpu.memref_slice %arg4[%mul3A_68, %dma_wait3A_155] : memref<131072x128xf32, #tpu.memory_space<hbm>> -> memref<128x128xf32, #tpu.memory_space<hbm>>
        tpu.wait_dma2 semaphore(%arg15 : memref<!tpu.dma_semaphore, #tpu.memory_space<semaphore_mem>>) src(%arg7 : memref<128x128xf32, #tpu.memory_space<vmem>>) dst(%dma_wait3A_156 : memref<128x128xf32, #tpu.memory_space<hbm>>)
        %dma_start3A_157 = arith.constant 0 : i32
        %dma_start3A_158 = tpu.memref_slice %arg5[%add3A_80, %dma_start3A_157] : memref<32x128xi32, #tpu.memory_space<vmem>> -> memref<1x128xi32, #tpu.memory_space<vmem>>
        %dma_start3A_159 = tpu.memref_squeeze %dma_start3A_158 : memref<1x128xi32, #tpu.memory_space<vmem>> -> memref<128xi32, #tpu.memory_space<vmem>>
        %dma_start3A_160 = arith.constant 0 : i32
        %dma_start3A_161 = arith.constant 0 : i32
        %dma_start3A_162 = tpu.memref_slice %arg2[%dma_start3A_160, %dma_start3A_161] : memref<8192x128xf32, #tpu.memory_space<hbm>> -> memref<8192x128xf32, #tpu.memory_space<hbm>>
        tpu.enqueue_indirect_dma source(%dma_start3A_162 : memref<8192x128xf32, #tpu.memory_space<hbm>>) target(%arg7 : memref<128x128xf32, #tpu.memory_space<vmem>>) offsets(%dma_start3A_159 : memref<128xi32, #tpu.memory_space<vmem>>) semaphore(%arg11 : memref<!tpu.dma_semaphore, #tpu.memory_space<semaphore_mem>>)
      } else {
      }
      %ge3A_86 = arith.constant 32 : i32
      %ge3A_87 = arith.cmpi sge, %add3A_80, %ge3A_86 : i32
      %convert_element_type3A_88 = arith.extui %ge3A_87 : i1 to i32
      %cond3A_89 = arith.constant 0 : i32
      %cond3A_90 = arith.cmpi ne, %convert_element_type3A_88, %cond3A_89 : i32
      scf.if %cond3A_90 {
        %dma_wait3A_153 = arith.constant 0 : i32
        %dma_wait3A_154 = tpu.memref_slice %arg4[%mul3A_68, %dma_wait3A_153] : memref<131072x128xf32, #tpu.memory_space<hbm>> -> memref<128x128xf32, #tpu.memory_space<hbm>>
        %dma_wait3A_155 = arith.constant 0 : i32
        %dma_wait3A_156 = tpu.memref_slice %arg4[%mul3A_68, %dma_wait3A_155] : memref<131072x128xf32, #tpu.memory_space<hbm>> -> memref<128x128xf32, #tpu.memory_space<hbm>>
        tpu.wait_dma2 semaphore(%arg15 : memref<!tpu.dma_semaphore, #tpu.memory_space<semaphore_mem>>) src(%arg7 : memref<128x128xf32, #tpu.memory_space<vmem>>) dst(%dma_wait3A_156 : memref<128x128xf32, #tpu.memory_space<hbm>>)
      } else {
      }
      %mul3A_91 = arith.constant 4 : i32
      %mul3A_92 = arith.muli %scan3A_33, %mul3A_91 : i32
      %add3A_93 = arith.constant 2 : i32
      %add3A_94 = arith.addi %mul3A_92, %add3A_93 : i32
      %mul3A_95 = arith.constant 32 : i32
      %mul3A_96 = arith.muli %add3A, %mul3A_95 : i32
      %add3A_97 = arith.addi %mul3A_96, %add3A_94 : i32
      %mul3A_98 = arith.constant 128 : i32
      %mul3A_99 = arith.muli %add3A_97, %mul3A_98 : i32
      %dma_wait3A_100 = arith.constant 0 : i32
      %dma_wait3A_101 = tpu.memref_slice %arg5[%add3A_94, %dma_wait3A_100] : memref<32x128xi32, #tpu.memory_space<vmem>> -> memref<1x128xi32, #tpu.memory_space<vmem>>
      %dma_wait3A_102 = tpu.memref_squeeze %dma_wait3A_101 : memref<1x128xi32, #tpu.memory_space<vmem>> -> memref<128xi32, #tpu.memory_space<vmem>>
      %dma_wait3A_103 = arith.constant 0 : i32
      %dma_wait3A_104 = arith.constant 0 : i32
      %dma_wait3A_105 = tpu.memref_slice %arg2[%dma_wait3A_103, %dma_wait3A_104] : memref<8192x128xf32, #tpu.memory_space<hbm>> -> memref<8192x128xf32, #tpu.memory_space<hbm>>
      tpu.wait_indirect_dma semaphore(%arg12 : memref<!tpu.dma_semaphore, #tpu.memory_space<semaphore_mem>>) src(%dma_wait3A_105 : memref<8192x128xf32, #tpu.memory_space<hbm>>) dst(%arg8 : memref<128x128xf32, #tpu.memory_space<vmem>>)
      %dma_start3A_106 = arith.constant 0 : i32
      %dma_start3A_107 = tpu.memref_slice %arg4[%mul3A_99, %dma_start3A_106] : memref<131072x128xf32, #tpu.memory_space<hbm>> -> memref<128x128xf32, #tpu.memory_space<hbm>>
      %dma_start3A_108 = arith.constant 0 : i32
      %dma_start3A_109 = tpu.memref_slice %arg4[%mul3A_99, %dma_start3A_108] : memref<131072x128xf32, #tpu.memory_space<hbm>> -> memref<128x128xf32, #tpu.memory_space<hbm>>
      tpu.enqueue_dma source(%arg8 : memref<128x128xf32, #tpu.memory_space<vmem>>) target(%dma_start3A_109 : memref<128x128xf32, #tpu.memory_space<hbm>>) target_semaphore(%arg16 : memref<!tpu.dma_semaphore, #tpu.memory_space<semaphore_mem>>)
      %add3A_110 = arith.constant 4 : i32
      %add3A_111 = arith.addi %add3A_94, %add3A_110 : i32
      %lt3A_112 = arith.constant 32 : i32
      %lt3A_113 = arith.cmpi slt, %add3A_111, %lt3A_112 : i32
      %convert_element_type3A_114 = arith.extui %lt3A_113 : i1 to i32
      %cond3A_115 = arith.constant 0 : i32
      %cond3A_116 = arith.cmpi ne, %convert_element_type3A_114, %cond3A_115 : i32
      scf.if %cond3A_116 {
        %dma_wait3A_153 = arith.constant 0 : i32
        %dma_wait3A_154 = tpu.memref_slice %arg4[%mul3A_99, %dma_wait3A_153] : memref<131072x128xf32, #tpu.memory_space<hbm>> -> memref<128x128xf32, #tpu.memory_space<hbm>>
        %dma_wait3A_155 = arith.constant 0 : i32
        %dma_wait3A_156 = tpu.memref_slice %arg4[%mul3A_99, %dma_wait3A_155] : memref<131072x128xf32, #tpu.memory_space<hbm>> -> memref<128x128xf32, #tpu.memory_space<hbm>>
        tpu.wait_dma2 semaphore(%arg16 : memref<!tpu.dma_semaphore, #tpu.memory_space<semaphore_mem>>) src(%arg8 : memref<128x128xf32, #tpu.memory_space<vmem>>) dst(%dma_wait3A_156 : memref<128x128xf32, #tpu.memory_space<hbm>>)
        %dma_start3A_157 = arith.constant 0 : i32
        %dma_start3A_158 = tpu.memref_slice %arg5[%add3A_111, %dma_start3A_157] : memref<32x128xi32, #tpu.memory_space<vmem>> -> memref<1x128xi32, #tpu.memory_space<vmem>>
        %dma_start3A_159 = tpu.memref_squeeze %dma_start3A_158 : memref<1x128xi32, #tpu.memory_space<vmem>> -> memref<128xi32, #tpu.memory_space<vmem>>
        %dma_start3A_160 = arith.constant 0 : i32
        %dma_start3A_161 = arith.constant 0 : i32
        %dma_start3A_162 = tpu.memref_slice %arg2[%dma_start3A_160, %dma_start3A_161] : memref<8192x128xf32, #tpu.memory_space<hbm>> -> memref<8192x128xf32, #tpu.memory_space<hbm>>
        tpu.enqueue_indirect_dma source(%dma_start3A_162 : memref<8192x128xf32, #tpu.memory_space<hbm>>) target(%arg8 : memref<128x128xf32, #tpu.memory_space<vmem>>) offsets(%dma_start3A_159 : memref<128xi32, #tpu.memory_space<vmem>>) semaphore(%arg12 : memref<!tpu.dma_semaphore, #tpu.memory_space<semaphore_mem>>)
      } else {
      }
      %ge3A_117 = arith.constant 32 : i32
      %ge3A_118 = arith.cmpi sge, %add3A_111, %ge3A_117 : i32
      %convert_element_type3A_119 = arith.extui %ge3A_118 : i1 to i32
      %cond3A_120 = arith.constant 0 : i32
      %cond3A_121 = arith.cmpi ne, %convert_element_type3A_119, %cond3A_120 : i32
      scf.if %cond3A_121 {
        %dma_wait3A_153 = arith.constant 0 : i32
        %dma_wait3A_154 = tpu.memref_slice %arg4[%mul3A_99, %dma_wait3A_153] : memref<131072x128xf32, #tpu.memory_space<hbm>> -> memref<128x128xf32, #tpu.memory_space<hbm>>
        %dma_wait3A_155 = arith.constant 0 : i32
        %dma_wait3A_156 = tpu.memref_slice %arg4[%mul3A_99, %dma_wait3A_155] : memref<131072x128xf32, #tpu.memory_space<hbm>> -> memref<128x128xf32, #tpu.memory_space<hbm>>
        tpu.wait_dma2 semaphore(%arg16 : memref<!tpu.dma_semaphore, #tpu.memory_space<semaphore_mem>>) src(%arg8 : memref<128x128xf32, #tpu.memory_space<vmem>>) dst(%dma_wait3A_156 : memref<128x128xf32, #tpu.memory_space<hbm>>)
      } else {
      }
      %mul3A_122 = arith.constant 4 : i32
      %mul3A_123 = arith.muli %scan3A_33, %mul3A_122 : i32
      %add3A_124 = arith.constant 3 : i32
      %add3A_125 = arith.addi %mul3A_123, %add3A_124 : i32
      %mul3A_126 = arith.constant 32 : i32
      %mul3A_127 = arith.muli %add3A, %mul3A_126 : i32
      %add3A_128 = arith.addi %mul3A_127, %add3A_125 : i32
      %mul3A_129 = arith.constant 128 : i32
      %mul3A_130 = arith.muli %add3A_128, %mul3A_129 : i32
      %dma_wait3A_131 = arith.constant 0 : i32
      %dma_wait3A_132 = tpu.memref_slice %arg5[%add3A_125, %dma_wait3A_131] : memref<32x128xi32, #tpu.memory_space<vmem>> -> memref<1x128xi32, #tpu.memory_space<vmem>>
      %dma_wait3A_133 = tpu.memref_squeeze %dma_wait3A_132 : memref<1x128xi32, #tpu.memory_space<vmem>> -> memref<128xi32, #tpu.memory_space<vmem>>
      %dma_wait3A_134 = arith.constant 0 : i32
      %dma_wait3A_135 = arith.constant 0 : i32
      %dma_wait3A_136 = tpu.memref_slice %arg2[%dma_wait3A_134, %dma_wait3A_135] : memref<8192x128xf32, #tpu.memory_space<hbm>> -> memref<8192x128xf32, #tpu.memory_space<hbm>>
      tpu.wait_indirect_dma semaphore(%arg13 : memref<!tpu.dma_semaphore, #tpu.memory_space<semaphore_mem>>) src(%dma_wait3A_136 : memref<8192x128xf32, #tpu.memory_space<hbm>>) dst(%arg9 : memref<128x128xf32, #tpu.memory_space<vmem>>)
      %dma_start3A_137 = arith.constant 0 : i32
      %dma_start3A_138 = tpu.memref_slice %arg4[%mul3A_130, %dma_start3A_137] : memref<131072x128xf32, #tpu.memory_space<hbm>> -> memref<128x128xf32, #tpu.memory_space<hbm>>
      %dma_start3A_139 = arith.constant 0 : i32
      %dma_start3A_140 = tpu.memref_slice %arg4[%mul3A_130, %dma_start3A_139] : memref<131072x128xf32, #tpu.memory_space<hbm>> -> memref<128x128xf32, #tpu.memory_space<hbm>>
      tpu.enqueue_dma source(%arg9 : memref<128x128xf32, #tpu.memory_space<vmem>>) target(%dma_start3A_140 : memref<128x128xf32, #tpu.memory_space<hbm>>) target_semaphore(%arg17 : memref<!tpu.dma_semaphore, #tpu.memory_space<semaphore_mem>>)
      %add3A_141 = arith.constant 4 : i32
      %add3A_142 = arith.addi %add3A_125, %add3A_141 : i32
      %lt3A_143 = arith.constant 32 : i32
      %lt3A_144 = arith.cmpi slt, %add3A_142, %lt3A_143 : i32
      %convert_element_type3A_145 = arith.extui %lt3A_144 : i1 to i32
      %cond3A_146 = arith.constant 0 : i32
      %cond3A_147 = arith.cmpi ne, %convert_element_type3A_145, %cond3A_146 : i32
      scf.if %cond3A_147 {
        %dma_wait3A_153 = arith.constant 0 : i32
        %dma_wait3A_154 = tpu.memref_slice %arg4[%mul3A_130, %dma_wait3A_153] : memref<131072x128xf32, #tpu.memory_space<hbm>> -> memref<128x128xf32, #tpu.memory_space<hbm>>
        %dma_wait3A_155 = arith.constant 0 : i32
        %dma_wait3A_156 = tpu.memref_slice %arg4[%mul3A_130, %dma_wait3A_155] : memref<131072x128xf32, #tpu.memory_space<hbm>> -> memref<128x128xf32, #tpu.memory_space<hbm>>
        tpu.wait_dma2 semaphore(%arg17 : memref<!tpu.dma_semaphore, #tpu.memory_space<semaphore_mem>>) src(%arg9 : memref<128x128xf32, #tpu.memory_space<vmem>>) dst(%dma_wait3A_156 : memref<128x128xf32, #tpu.memory_space<hbm>>)
        %dma_start3A_157 = arith.constant 0 : i32
        %dma_start3A_158 = tpu.memref_slice %arg5[%add3A_142, %dma_start3A_157] : memref<32x128xi32, #tpu.memory_space<vmem>> -> memref<1x128xi32, #tpu.memory_space<vmem>>
        %dma_start3A_159 = tpu.memref_squeeze %dma_start3A_158 : memref<1x128xi32, #tpu.memory_space<vmem>> -> memref<128xi32, #tpu.memory_space<vmem>>
        %dma_start3A_160 = arith.constant 0 : i32
        %dma_start3A_161 = arith.constant 0 : i32
        %dma_start3A_162 = tpu.memref_slice %arg2[%dma_start3A_160, %dma_start3A_161] : memref<8192x128xf32, #tpu.memory_space<hbm>> -> memref<8192x128xf32, #tpu.memory_space<hbm>>
        tpu.enqueue_indirect_dma source(%dma_start3A_162 : memref<8192x128xf32, #tpu.memory_space<hbm>>) target(%arg9 : memref<128x128xf32, #tpu.memory_space<vmem>>) offsets(%dma_start3A_159 : memref<128xi32, #tpu.memory_space<vmem>>) semaphore(%arg13 : memref<!tpu.dma_semaphore, #tpu.memory_space<semaphore_mem>>)
      } else {
      }
      %ge3A_148 = arith.constant 32 : i32
      %ge3A_149 = arith.cmpi sge, %add3A_142, %ge3A_148 : i32
      %convert_element_type3A_150 = arith.extui %ge3A_149 : i1 to i32
      %cond3A_151 = arith.constant 0 : i32
      %cond3A_152 = arith.cmpi ne, %convert_element_type3A_150, %cond3A_151 : i32
      scf.if %cond3A_152 {
        %dma_wait3A_153 = arith.constant 0 : i32
        %dma_wait3A_154 = tpu.memref_slice %arg4[%mul3A_130, %dma_wait3A_153] : memref<131072x128xf32, #tpu.memory_space<hbm>> -> memref<128x128xf32, #tpu.memory_space<hbm>>
        %dma_wait3A_155 = arith.constant 0 : i32
        %dma_wait3A_156 = tpu.memref_slice %arg4[%mul3A_130, %dma_wait3A_155] : memref<131072x128xf32, #tpu.memory_space<hbm>> -> memref<128x128xf32, #tpu.memory_space<hbm>>
        tpu.wait_dma2 semaphore(%arg17 : memref<!tpu.dma_semaphore, #tpu.memory_space<semaphore_mem>>) src(%arg9 : memref<128x128xf32, #tpu.memory_space<vmem>>) dst(%dma_wait3A_156 : memref<128x128xf32, #tpu.memory_space<hbm>>)
      } else {
      }
    }
    %scan3A_32 = arith.constant 8 : i32
    return
  }
}

#map = affine_map<(d0, d1) -> (0, 0)>
#map1 = affine_map<(d0, d1) -> (0, 0, 0)>
module attributes {stable_mosaic.version = 14 : i64} {
  func.func @gk(%arg0: i32, %arg1: i32, %arg2: memref<8192x128xf32, #tpu.memory_space<hbm>>, %arg3: memref<32x32x128xi32, #tpu.memory_space<hbm>>, %arg4: memref<131072x128xf32, #tpu.memory_space<hbm>>, %arg5: memref<32x128xi32, #tpu.memory_space<vmem>>, %arg6: memref<128x128xf32, #tpu.memory_space<vmem>>, %arg7: memref<128x128xf32, #tpu.memory_space<vmem>>, %arg8: memref<128x128xf32, #tpu.memory_space<vmem>>, %arg9: memref<128x128xf32, #tpu.memory_space<vmem>>, %arg10: memref<!tpu.dma_semaphore, #tpu.memory_space<semaphore_mem>>, %arg11: memref<!tpu.dma_semaphore, #tpu.memory_space<semaphore_mem>>, %arg12: memref<!tpu.dma_semaphore, #tpu.memory_space<semaphore_mem>>, %arg13: memref<!tpu.dma_semaphore, #tpu.memory_space<semaphore_mem>>, %arg14: memref<!tpu.dma_semaphore, #tpu.memory_space<semaphore_mem>>, %arg15: memref<!tpu.dma_semaphore, #tpu.memory_space<semaphore_mem>>, %arg16: memref<!tpu.dma_semaphore, #tpu.memory_space<semaphore_mem>>, %arg17: memref<!tpu.dma_semaphore, #tpu.memory_space<semaphore_mem>>) attributes {dimension_semantics = [#tpu.dimension_semantics<core_parallel>, #tpu.dimension_semantics<subcore_parallel>], iteration_bounds = array<i64: 2, 16>, scalar_prefetch = 0 : i64, scratch_operands = 13 : i64, tpu.core_type = #tpu.core_type<sc_vector_subcore>, window_params = [{transform_indices = #map}, {transform_indices = #map1}, {transform_indices = #map}]} {
    %mul3A = arith.constant 2 : i32
    %mul3A_0 = arith.muli %arg1, %mul3A : i32
    %add3A = arith.addi %mul3A_0, %arg0 : i32
    "tpu.region"() ({
      %run_scoped3A = tpu.sem_alloc : memref<!tpu.dma_semaphore, #tpu.memory_space<semaphore_mem>>
      %dma_start3A_33 = arith.constant 0 : i32
      %dma_start3A_34 = arith.constant 0 : i32
      %dma_start3A_35 = tpu.memref_slice %arg3[%add3A, %dma_start3A_33, %dma_start3A_34] : memref<32x32x128xi32, #tpu.memory_space<hbm>> -> memref<1x32x128xi32, #tpu.memory_space<hbm>>
      %dma_start3A_36 = tpu.memref_squeeze %dma_start3A_35 : memref<1x32x128xi32, #tpu.memory_space<hbm>> -> memref<32x128xi32, #tpu.memory_space<hbm>>
      %dma_start3A_37 = arith.constant 0 : i32
      %dma_start3A_38 = arith.constant 0 : i32
      %dma_start3A_39 = tpu.memref_slice %arg3[%add3A, %dma_start3A_37, %dma_start3A_38] : memref<32x32x128xi32, #tpu.memory_space<hbm>> -> memref<1x32x128xi32, #tpu.memory_space<hbm>>
      %dma_start3A_40 = tpu.memref_squeeze %dma_start3A_39 : memref<1x32x128xi32, #tpu.memory_space<hbm>> -> memref<32x128xi32, #tpu.memory_space<hbm>>
      tpu.enqueue_dma source(%dma_start3A_40 : memref<32x128xi32, #tpu.memory_space<hbm>>) target(%arg5 : memref<32x128xi32, #tpu.memory_space<vmem>>) target_semaphore(%run_scoped3A : memref<!tpu.dma_semaphore, #tpu.memory_space<semaphore_mem>>)
      %dma_wait3A = arith.constant 0 : i32
      %dma_wait3A_41 = arith.constant 0 : i32
      %dma_wait3A_42 = tpu.memref_slice %arg3[%add3A, %dma_wait3A, %dma_wait3A_41] : memref<32x32x128xi32, #tpu.memory_space<hbm>> -> memref<1x32x128xi32, #tpu.memory_space<hbm>>
      %dma_wait3A_43 = tpu.memref_squeeze %dma_wait3A_42 : memref<1x32x128xi32, #tpu.memory_space<hbm>> -> memref<32x128xi32, #tpu.memory_space<hbm>>
      %dma_wait3A_44 = arith.constant 0 : i32
      %dma_wait3A_45 = arith.constant 0 : i32
      %dma_wait3A_46 = tpu.memref_slice %arg3[%add3A, %dma_wait3A_44, %dma_wait3A_45] : memref<32x32x128xi32, #tpu.memory_space<hbm>> -> memref<1x32x128xi32, #tpu.memory_space<hbm>>
      %dma_wait3A_47 = tpu.memref_squeeze %dma_wait3A_46 : memref<1x32x128xi32, #tpu.memory_space<hbm>> -> memref<32x128xi32, #tpu.memory_space<hbm>>
      tpu.wait_dma2 semaphore(%run_scoped3A : memref<!tpu.dma_semaphore, #tpu.memory_space<semaphore_mem>>) src(%dma_wait3A_47 : memref<32x128xi32, #tpu.memory_space<hbm>>) dst(%arg5 : memref<32x128xi32, #tpu.memory_space<vmem>>)
      tpu.yield
    }) : () -> ()
    %dma_start3A = arith.constant 0 : i32
    %dma_start3A_1 = arith.constant 0 : i32
    %dma_start3A_2 = tpu.memref_slice %arg5[%dma_start3A, %dma_start3A_1] : memref<32x128xi32, #tpu.memory_space<vmem>> -> memref<1x128xi32, #tpu.memory_space<vmem>>
    %dma_start3A_3 = tpu.memref_squeeze %dma_start3A_2 : memref<1x128xi32, #tpu.memory_space<vmem>> -> memref<128xi32, #tpu.memory_space<vmem>>
    %dma_start3A_4 = arith.constant 0 : i32
    %dma_start3A_5 = arith.constant 0 : i32
    %dma_start3A_6 = tpu.memref_slice %arg2[%dma_start3A_4, %dma_start3A_5] : memref<8192x128xf32, #tpu.memory_space<hbm>> -> memref<8192x128xf32, #tpu.memory_space<hbm>>
    tpu.enqueue_indirect_dma source(%dma_start3A_6 : memref<8192x128xf32, #tpu.memory_space<hbm>>) target(%arg6 : memref<128x128xf32, #tpu.memory_space<vmem>>) offsets(%dma_start3A_3 : memref<128xi32, #tpu.memory_space<vmem>>) semaphore(%arg10 : memref<!tpu.dma_semaphore, #tpu.memory_space<semaphore_mem>>)
    %dma_start3A_7 = arith.constant 1 : i32
    %dma_start3A_8 = arith.constant 0 : i32
    %dma_start3A_9 = tpu.memref_slice %arg5[%dma_start3A_7, %dma_start3A_8] : memref<32x128xi32, #tpu.memory_space<vmem>> -> memref<1x128xi32, #tpu.memory_space<vmem>>
    %dma_start3A_10 = tpu.memref_squeeze %dma_start3A_9 : memref<1x128xi32, #tpu.memory_space<vmem>> -> memref<128xi32, #tpu.memory_space<vmem>>
    %dma_start3A_11 = arith.constant 0 : i32
    %dma_start3A_12 = arith.constant 0 : i32
    %dma_start3A_13 = tpu.memref_slice %arg2[%dma_start3A_11, %dma_start3A_12] : memref<8192x128xf32, #tpu.memory_space<hbm>> -> memref<8192x128xf32, #tpu.memory_space<hbm>>
    tpu.enqueue_indirect_dma source(%dma_start3A_13 : memref<8192x128xf32, #tpu.memory_space<hbm>>) target(%arg7 : memref<128x128xf32, #tpu.memory_space<vmem>>) offsets(%dma_start3A_10 : memref<128xi32, #tpu.memory_space<vmem>>) semaphore(%arg11 : memref<!tpu.dma_semaphore, #tpu.memory_space<semaphore_mem>>)
    %dma_start3A_14 = arith.constant 2 : i32
    %dma_start3A_15 = arith.constant 0 : i32
    %dma_start3A_16 = tpu.memref_slice %arg5[%dma_start3A_14, %dma_start3A_15] : memref<32x128xi32, #tpu.memory_space<vmem>> -> memref<1x128xi32, #tpu.memory_space<vmem>>
    %dma_start3A_17 = tpu.memref_squeeze %dma_start3A_16 : memref<1x128xi32, #tpu.memory_space<vmem>> -> memref<128xi32, #tpu.memory_space<vmem>>
    %dma_start3A_18 = arith.constant 0 : i32
    %dma_start3A_19 = arith.constant 0 : i32
    %dma_start3A_20 = tpu.memref_slice %arg2[%dma_start3A_18, %dma_start3A_19] : memref<8192x128xf32, #tpu.memory_space<hbm>> -> memref<8192x128xf32, #tpu.memory_space<hbm>>
    tpu.enqueue_indirect_dma source(%dma_start3A_20 : memref<8192x128xf32, #tpu.memory_space<hbm>>) target(%arg8 : memref<128x128xf32, #tpu.memory_space<vmem>>) offsets(%dma_start3A_17 : memref<128xi32, #tpu.memory_space<vmem>>) semaphore(%arg12 : memref<!tpu.dma_semaphore, #tpu.memory_space<semaphore_mem>>)
    %dma_start3A_21 = arith.constant 3 : i32
    %dma_start3A_22 = arith.constant 0 : i32
    %dma_start3A_23 = tpu.memref_slice %arg5[%dma_start3A_21, %dma_start3A_22] : memref<32x128xi32, #tpu.memory_space<vmem>> -> memref<1x128xi32, #tpu.memory_space<vmem>>
    %dma_start3A_24 = tpu.memref_squeeze %dma_start3A_23 : memref<1x128xi32, #tpu.memory_space<vmem>> -> memref<128xi32, #tpu.memory_space<vmem>>
    %dma_start3A_25 = arith.constant 0 : i32
    %dma_start3A_26 = arith.constant 0 : i32
    %dma_start3A_27 = tpu.memref_slice %arg2[%dma_start3A_25, %dma_start3A_26] : memref<8192x128xf32, #tpu.memory_space<hbm>> -> memref<8192x128xf32, #tpu.memory_space<hbm>>
    tpu.enqueue_indirect_dma source(%dma_start3A_27 : memref<8192x128xf32, #tpu.memory_space<hbm>>) target(%arg9 : memref<128x128xf32, #tpu.memory_space<vmem>>) offsets(%dma_start3A_24 : memref<128xi32, #tpu.memory_space<vmem>>) semaphore(%arg13 : memref<!tpu.dma_semaphore, #tpu.memory_space<semaphore_mem>>)
    %scan3A = arith.constant 0 : i32
    %scan3A_28 = arith.constant 0 : i32
    %scan3A_29 = arith.constant 8 : i32
    %scan3A_30 = arith.addi %scan3A_28, %scan3A_29 : i32
    %scan3A_31 = arith.constant 1 : i32
    scf.for %scan3A_33 = %scan3A_28 to %scan3A_30 step %scan3A_31  : i32 {
      %mul3A_34 = arith.constant 4 : i32
      %mul3A_35 = arith.muli %scan3A_33, %mul3A_34 : i32
      %add3A_36 = arith.constant 0 : i32
      %add3A_37 = arith.addi %mul3A_35, %add3A_36 : i32
      %mul3A_38 = arith.constant 32 : i32
      %mul3A_39 = arith.muli %add3A, %mul3A_38 : i32
      %add3A_40 = arith.addi %mul3A_39, %add3A_37 : i32
      %mul3A_41 = arith.constant 128 : i32
      %mul3A_42 = arith.muli %add3A_40, %mul3A_41 : i32
      %dma_wait3A = arith.constant 0 : i32
      %dma_wait3A_43 = tpu.memref_slice %arg5[%add3A_37, %dma_wait3A] : memref<32x128xi32, #tpu.memory_space<vmem>> -> memref<1x128xi32, #tpu.memory_space<vmem>>
      %dma_wait3A_44 = tpu.memref_squeeze %dma_wait3A_43 : memref<1x128xi32, #tpu.memory_space<vmem>> -> memref<128xi32, #tpu.memory_space<vmem>>
      %dma_wait3A_45 = arith.constant 0 : i32
      %dma_wait3A_46 = arith.constant 0 : i32
      %dma_wait3A_47 = tpu.memref_slice %arg2[%dma_wait3A_45, %dma_wait3A_46] : memref<8192x128xf32, #tpu.memory_space<hbm>> -> memref<8192x128xf32, #tpu.memory_space<hbm>>
      tpu.wait_indirect_dma semaphore(%arg10 : memref<!tpu.dma_semaphore, #tpu.memory_space<semaphore_mem>>) src(%dma_wait3A_47 : memref<8192x128xf32, #tpu.memory_space<hbm>>) dst(%arg6 : memref<128x128xf32, #tpu.memory_space<vmem>>)
      %dma_start3A_48 = arith.constant 0 : i32
      %dma_start3A_49 = tpu.memref_slice %arg4[%mul3A_42, %dma_start3A_48] : memref<131072x128xf32, #tpu.memory_space<hbm>> -> memref<128x128xf32, #tpu.memory_space<hbm>>
      %dma_start3A_50 = arith.constant 0 : i32
      %dma_start3A_51 = tpu.memref_slice %arg4[%mul3A_42, %dma_start3A_50] : memref<131072x128xf32, #tpu.memory_space<hbm>> -> memref<128x128xf32, #tpu.memory_space<hbm>>
      tpu.enqueue_dma source(%arg6 : memref<128x128xf32, #tpu.memory_space<vmem>>) target(%dma_start3A_51 : memref<128x128xf32, #tpu.memory_space<hbm>>) target_semaphore(%arg14 : memref<!tpu.dma_semaphore, #tpu.memory_space<semaphore_mem>>)
      %add3A_52 = arith.constant 4 : i32
      %add3A_53 = arith.addi %add3A_37, %add3A_52 : i32
      %lt3A = arith.constant 32 : i32
      %lt3A_54 = arith.cmpi slt, %add3A_53, %lt3A : i32
      %convert_element_type3A = arith.extui %lt3A_54 : i1 to i32
      %cond3A = arith.constant 0 : i32
      %cond3A_55 = arith.cmpi ne, %convert_element_type3A, %cond3A : i32
      scf.if %cond3A_55 {
        %dma_wait3A_153 = arith.constant 0 : i32
        %dma_wait3A_154 = tpu.memref_slice %arg4[%mul3A_42, %dma_wait3A_153] : memref<131072x128xf32, #tpu.memory_space<hbm>> -> memref<128x128xf32, #tpu.memory_space<hbm>>
        %dma_wait3A_155 = arith.constant 0 : i32
        %dma_wait3A_156 = tpu.memref_slice %arg4[%mul3A_42, %dma_wait3A_155] : memref<131072x128xf32, #tpu.memory_space<hbm>> -> memref<128x128xf32, #tpu.memory_space<hbm>>
        tpu.wait_dma2 semaphore(%arg14 : memref<!tpu.dma_semaphore, #tpu.memory_space<semaphore_mem>>) src(%arg6 : memref<128x128xf32, #tpu.memory_space<vmem>>) dst(%dma_wait3A_156 : memref<128x128xf32, #tpu.memory_space<hbm>>)
        %dma_start3A_157 = arith.constant 0 : i32
        %dma_start3A_158 = tpu.memref_slice %arg5[%add3A_53, %dma_start3A_157] : memref<32x128xi32, #tpu.memory_space<vmem>> -> memref<1x128xi32, #tpu.memory_space<vmem>>
        %dma_start3A_159 = tpu.memref_squeeze %dma_start3A_158 : memref<1x128xi32, #tpu.memory_space<vmem>> -> memref<128xi32, #tpu.memory_space<vmem>>
        %dma_start3A_160 = arith.constant 0 : i32
        %dma_start3A_161 = arith.constant 0 : i32
        %dma_start3A_162 = tpu.memref_slice %arg2[%dma_start3A_160, %dma_start3A_161] : memref<8192x128xf32, #tpu.memory_space<hbm>> -> memref<8192x128xf32, #tpu.memory_space<hbm>>
        tpu.enqueue_indirect_dma source(%dma_start3A_162 : memref<8192x128xf32, #tpu.memory_space<hbm>>) target(%arg6 : memref<128x128xf32, #tpu.memory_space<vmem>>) offsets(%dma_start3A_159 : memref<128xi32, #tpu.memory_space<vmem>>) semaphore(%arg10 : memref<!tpu.dma_semaphore, #tpu.memory_space<semaphore_mem>>)
      } else {
      }
      %ge3A = arith.constant 32 : i32
      %ge3A_56 = arith.cmpi sge, %add3A_53, %ge3A : i32
      %convert_element_type3A_57 = arith.extui %ge3A_56 : i1 to i32
      %cond3A_58 = arith.constant 0 : i32
      %cond3A_59 = arith.cmpi ne, %convert_element_type3A_57, %cond3A_58 : i32
      scf.if %cond3A_59 {
        %dma_wait3A_153 = arith.constant 0 : i32
        %dma_wait3A_154 = tpu.memref_slice %arg4[%mul3A_42, %dma_wait3A_153] : memref<131072x128xf32, #tpu.memory_space<hbm>> -> memref<128x128xf32, #tpu.memory_space<hbm>>
        %dma_wait3A_155 = arith.constant 0 : i32
        %dma_wait3A_156 = tpu.memref_slice %arg4[%mul3A_42, %dma_wait3A_155] : memref<131072x128xf32, #tpu.memory_space<hbm>> -> memref<128x128xf32, #tpu.memory_space<hbm>>
        tpu.wait_dma2 semaphore(%arg14 : memref<!tpu.dma_semaphore, #tpu.memory_space<semaphore_mem>>) src(%arg6 : memref<128x128xf32, #tpu.memory_space<vmem>>) dst(%dma_wait3A_156 : memref<128x128xf32, #tpu.memory_space<hbm>>)
      } else {
      }
      %mul3A_60 = arith.constant 4 : i32
      %mul3A_61 = arith.muli %scan3A_33, %mul3A_60 : i32
      %add3A_62 = arith.constant 1 : i32
      %add3A_63 = arith.addi %mul3A_61, %add3A_62 : i32
      %mul3A_64 = arith.constant 32 : i32
      %mul3A_65 = arith.muli %add3A, %mul3A_64 : i32
      %add3A_66 = arith.addi %mul3A_65, %add3A_63 : i32
      %mul3A_67 = arith.constant 128 : i32
      %mul3A_68 = arith.muli %add3A_66, %mul3A_67 : i32
      %dma_wait3A_69 = arith.constant 0 : i32
      %dma_wait3A_70 = tpu.memref_slice %arg5[%add3A_63, %dma_wait3A_69] : memref<32x128xi32, #tpu.memory_space<vmem>> -> memref<1x128xi32, #tpu.memory_space<vmem>>
      %dma_wait3A_71 = tpu.memref_squeeze %dma_wait3A_70 : memref<1x128xi32, #tpu.memory_space<vmem>> -> memref<128xi32, #tpu.memory_space<vmem>>
      %dma_wait3A_72 = arith.constant 0 : i32
      %dma_wait3A_73 = arith.constant 0 : i32
      %dma_wait3A_74 = tpu.memref_slice %arg2[%dma_wait3A_72, %dma_wait3A_73] : memref<8192x128xf32, #tpu.memory_space<hbm>> -> memref<8192x128xf32, #tpu.memory_space<hbm>>
      tpu.wait_indirect_dma semaphore(%arg11 : memref<!tpu.dma_semaphore, #tpu.memory_space<semaphore_mem>>) src(%dma_wait3A_74 : memref<8192x128xf32, #tpu.memory_space<hbm>>) dst(%arg7 : memref<128x128xf32, #tpu.memory_space<vmem>>)
      %dma_start3A_75 = arith.constant 0 : i32
      %dma_start3A_76 = tpu.memref_slice %arg4[%mul3A_68, %dma_start3A_75] : memref<131072x128xf32, #tpu.memory_space<hbm>> -> memref<128x128xf32, #tpu.memory_space<hbm>>
      %dma_start3A_77 = arith.constant 0 : i32
      %dma_start3A_78 = tpu.memref_slice %arg4[%mul3A_68, %dma_start3A_77] : memref<131072x128xf32, #tpu.memory_space<hbm>> -> memref<128x128xf32, #tpu.memory_space<hbm>>
      tpu.enqueue_dma source(%arg7 : memref<128x128xf32, #tpu.memory_space<vmem>>) target(%dma_start3A_78 : memref<128x128xf32, #tpu.memory_space<hbm>>) target_semaphore(%arg15 : memref<!tpu.dma_semaphore, #tpu.memory_space<semaphore_mem>>)
      %add3A_79 = arith.constant 4 : i32
      %add3A_80 = arith.addi %add3A_63, %add3A_79 : i32
      %lt3A_81 = arith.constant 32 : i32
      %lt3A_82 = arith.cmpi slt, %add3A_80, %lt3A_81 : i32
      %convert_element_type3A_83 = arith.extui %lt3A_82 : i1 to i32
      %cond3A_84 = arith.constant 0 : i32
      %cond3A_85 = arith.cmpi ne, %convert_element_type3A_83, %cond3A_84 : i32
      scf.if %cond3A_85 {
        %dma_wait3A_153 = arith.constant 0 : i32
        %dma_wait3A_154 = tpu.memref_slice %arg4[%mul3A_68, %dma_wait3A_153] : memref<131072x128xf32, #tpu.memory_space<hbm>> -> memref<128x128xf32, #tpu.memory_space<hbm>>
        %dma_wait3A_155 = arith.constant 0 : i32
        %dma_wait3A_156 = tpu.memref_slice %arg4[%mul3A_68, %dma_wait3A_155] : memref<131072x128xf32, #tpu.memory_space<hbm>> -> memref<128x128xf32, #tpu.memory_space<hbm>>
        tpu.wait_dma2 semaphore(%arg15 : memref<!tpu.dma_semaphore, #tpu.memory_space<semaphore_mem>>) src(%arg7 : memref<128x128xf32, #tpu.memory_space<vmem>>) dst(%dma_wait3A_156 : memref<128x128xf32, #tpu.memory_space<hbm>>)
        %dma_start3A_157 = arith.constant 0 : i32
        %dma_start3A_158 = tpu.memref_slice %arg5[%add3A_80, %dma_start3A_157] : memref<32x128xi32, #tpu.memory_space<vmem>> -> memref<1x128xi32, #tpu.memory_space<vmem>>
        %dma_start3A_159 = tpu.memref_squeeze %dma_start3A_158 : memref<1x128xi32, #tpu.memory_space<vmem>> -> memref<128xi32, #tpu.memory_space<vmem>>
        %dma_start3A_160 = arith.constant 0 : i32
        %dma_start3A_161 = arith.constant 0 : i32
        %dma_start3A_162 = tpu.memref_slice %arg2[%dma_start3A_160, %dma_start3A_161] : memref<8192x128xf32, #tpu.memory_space<hbm>> -> memref<8192x128xf32, #tpu.memory_space<hbm>>
        tpu.enqueue_indirect_dma source(%dma_start3A_162 : memref<8192x128xf32, #tpu.memory_space<hbm>>) target(%arg7 : memref<128x128xf32, #tpu.memory_space<vmem>>) offsets(%dma_start3A_159 : memref<128xi32, #tpu.memory_space<vmem>>) semaphore(%arg11 : memref<!tpu.dma_semaphore, #tpu.memory_space<semaphore_mem>>)
      } else {
      }
      %ge3A_86 = arith.constant 32 : i32
      %ge3A_87 = arith.cmpi sge, %add3A_80, %ge3A_86 : i32
      %convert_element_type3A_88 = arith.extui %ge3A_87 : i1 to i32
      %cond3A_89 = arith.constant 0 : i32
      %cond3A_90 = arith.cmpi ne, %convert_element_type3A_88, %cond3A_89 : i32
      scf.if %cond3A_90 {
        %dma_wait3A_153 = arith.constant 0 : i32
        %dma_wait3A_154 = tpu.memref_slice %arg4[%mul3A_68, %dma_wait3A_153] : memref<131072x128xf32, #tpu.memory_space<hbm>> -> memref<128x128xf32, #tpu.memory_space<hbm>>
        %dma_wait3A_155 = arith.constant 0 : i32
        %dma_wait3A_156 = tpu.memref_slice %arg4[%mul3A_68, %dma_wait3A_155] : memref<131072x128xf32, #tpu.memory_space<hbm>> -> memref<128x128xf32, #tpu.memory_space<hbm>>
        tpu.wait_dma2 semaphore(%arg15 : memref<!tpu.dma_semaphore, #tpu.memory_space<semaphore_mem>>) src(%arg7 : memref<128x128xf32, #tpu.memory_space<vmem>>) dst(%dma_wait3A_156 : memref<128x128xf32, #tpu.memory_space<hbm>>)
      } else {
      }
      %mul3A_91 = arith.constant 4 : i32
      %mul3A_92 = arith.muli %scan3A_33, %mul3A_91 : i32
      %add3A_93 = arith.constant 2 : i32
      %add3A_94 = arith.addi %mul3A_92, %add3A_93 : i32
      %mul3A_95 = arith.constant 32 : i32
      %mul3A_96 = arith.muli %add3A, %mul3A_95 : i32
      %add3A_97 = arith.addi %mul3A_96, %add3A_94 : i32
      %mul3A_98 = arith.constant 128 : i32
      %mul3A_99 = arith.muli %add3A_97, %mul3A_98 : i32
      %dma_wait3A_100 = arith.constant 0 : i32
      %dma_wait3A_101 = tpu.memref_slice %arg5[%add3A_94, %dma_wait3A_100] : memref<32x128xi32, #tpu.memory_space<vmem>> -> memref<1x128xi32, #tpu.memory_space<vmem>>
      %dma_wait3A_102 = tpu.memref_squeeze %dma_wait3A_101 : memref<1x128xi32, #tpu.memory_space<vmem>> -> memref<128xi32, #tpu.memory_space<vmem>>
      %dma_wait3A_103 = arith.constant 0 : i32
      %dma_wait3A_104 = arith.constant 0 : i32
      %dma_wait3A_105 = tpu.memref_slice %arg2[%dma_wait3A_103, %dma_wait3A_104] : memref<8192x128xf32, #tpu.memory_space<hbm>> -> memref<8192x128xf32, #tpu.memory_space<hbm>>
      tpu.wait_indirect_dma semaphore(%arg12 : memref<!tpu.dma_semaphore, #tpu.memory_space<semaphore_mem>>) src(%dma_wait3A_105 : memref<8192x128xf32, #tpu.memory_space<hbm>>) dst(%arg8 : memref<128x128xf32, #tpu.memory_space<vmem>>)
      %dma_start3A_106 = arith.constant 0 : i32
      %dma_start3A_107 = tpu.memref_slice %arg4[%mul3A_99, %dma_start3A_106] : memref<131072x128xf32, #tpu.memory_space<hbm>> -> memref<128x128xf32, #tpu.memory_space<hbm>>
      %dma_start3A_108 = arith.constant 0 : i32
      %dma_start3A_109 = tpu.memref_slice %arg4[%mul3A_99, %dma_start3A_108] : memref<131072x128xf32, #tpu.memory_space<hbm>> -> memref<128x128xf32, #tpu.memory_space<hbm>>
      tpu.enqueue_dma source(%arg8 : memref<128x128xf32, #tpu.memory_space<vmem>>) target(%dma_start3A_109 : memref<128x128xf32, #tpu.memory_space<hbm>>) target_semaphore(%arg16 : memref<!tpu.dma_semaphore, #tpu.memory_space<semaphore_mem>>)
      %add3A_110 = arith.constant 4 : i32
      %add3A_111 = arith.addi %add3A_94, %add3A_110 : i32
      %lt3A_112 = arith.constant 32 : i32
      %lt3A_113 = arith.cmpi slt, %add3A_111, %lt3A_112 : i32
      %convert_element_type3A_114 = arith.extui %lt3A_113 : i1 to i32
      %cond3A_115 = arith.constant 0 : i32
      %cond3A_116 = arith.cmpi ne, %convert_element_type3A_114, %cond3A_115 : i32
      scf.if %cond3A_116 {
        %dma_wait3A_153 = arith.constant 0 : i32
        %dma_wait3A_154 = tpu.memref_slice %arg4[%mul3A_99, %dma_wait3A_153] : memref<131072x128xf32, #tpu.memory_space<hbm>> -> memref<128x128xf32, #tpu.memory_space<hbm>>
        %dma_wait3A_155 = arith.constant 0 : i32
        %dma_wait3A_156 = tpu.memref_slice %arg4[%mul3A_99, %dma_wait3A_155] : memref<131072x128xf32, #tpu.memory_space<hbm>> -> memref<128x128xf32, #tpu.memory_space<hbm>>
        tpu.wait_dma2 semaphore(%arg16 : memref<!tpu.dma_semaphore, #tpu.memory_space<semaphore_mem>>) src(%arg8 : memref<128x128xf32, #tpu.memory_space<vmem>>) dst(%dma_wait3A_156 : memref<128x128xf32, #tpu.memory_space<hbm>>)
        %dma_start3A_157 = arith.constant 0 : i32
        %dma_start3A_158 = tpu.memref_slice %arg5[%add3A_111, %dma_start3A_157] : memref<32x128xi32, #tpu.memory_space<vmem>> -> memref<1x128xi32, #tpu.memory_space<vmem>>
        %dma_start3A_159 = tpu.memref_squeeze %dma_start3A_158 : memref<1x128xi32, #tpu.memory_space<vmem>> -> memref<128xi32, #tpu.memory_space<vmem>>
        %dma_start3A_160 = arith.constant 0 : i32
        %dma_start3A_161 = arith.constant 0 : i32
        %dma_start3A_162 = tpu.memref_slice %arg2[%dma_start3A_160, %dma_start3A_161] : memref<8192x128xf32, #tpu.memory_space<hbm>> -> memref<8192x128xf32, #tpu.memory_space<hbm>>
        tpu.enqueue_indirect_dma source(%dma_start3A_162 : memref<8192x128xf32, #tpu.memory_space<hbm>>) target(%arg8 : memref<128x128xf32, #tpu.memory_space<vmem>>) offsets(%dma_start3A_159 : memref<128xi32, #tpu.memory_space<vmem>>) semaphore(%arg12 : memref<!tpu.dma_semaphore, #tpu.memory_space<semaphore_mem>>)
      } else {
      }
      %ge3A_117 = arith.constant 32 : i32
      %ge3A_118 = arith.cmpi sge, %add3A_111, %ge3A_117 : i32
      %convert_element_type3A_119 = arith.extui %ge3A_118 : i1 to i32
      %cond3A_120 = arith.constant 0 : i32
      %cond3A_121 = arith.cmpi ne, %convert_element_type3A_119, %cond3A_120 : i32
      scf.if %cond3A_121 {
        %dma_wait3A_153 = arith.constant 0 : i32
        %dma_wait3A_154 = tpu.memref_slice %arg4[%mul3A_99, %dma_wait3A_153] : memref<131072x128xf32, #tpu.memory_space<hbm>> -> memref<128x128xf32, #tpu.memory_space<hbm>>
        %dma_wait3A_155 = arith.constant 0 : i32
        %dma_wait3A_156 = tpu.memref_slice %arg4[%mul3A_99, %dma_wait3A_155] : memref<131072x128xf32, #tpu.memory_space<hbm>> -> memref<128x128xf32, #tpu.memory_space<hbm>>
        tpu.wait_dma2 semaphore(%arg16 : memref<!tpu.dma_semaphore, #tpu.memory_space<semaphore_mem>>) src(%arg8 : memref<128x128xf32, #tpu.memory_space<vmem>>) dst(%dma_wait3A_156 : memref<128x128xf32, #tpu.memory_space<hbm>>)
      } else {
      }
      %mul3A_122 = arith.constant 4 : i32
      %mul3A_123 = arith.muli %scan3A_33, %mul3A_122 : i32
      %add3A_124 = arith.constant 3 : i32
      %add3A_125 = arith.addi %mul3A_123, %add3A_124 : i32
      %mul3A_126 = arith.constant 32 : i32
      %mul3A_127 = arith.muli %add3A, %mul3A_126 : i32
      %add3A_128 = arith.addi %mul3A_127, %add3A_125 : i32
      %mul3A_129 = arith.constant 128 : i32
      %mul3A_130 = arith.muli %add3A_128, %mul3A_129 : i32
      %dma_wait3A_131 = arith.constant 0 : i32
      %dma_wait3A_132 = tpu.memref_slice %arg5[%add3A_125, %dma_wait3A_131] : memref<32x128xi32, #tpu.memory_space<vmem>> -> memref<1x128xi32, #tpu.memory_space<vmem>>
      %dma_wait3A_133 = tpu.memref_squeeze %dma_wait3A_132 : memref<1x128xi32, #tpu.memory_space<vmem>> -> memref<128xi32, #tpu.memory_space<vmem>>
      %dma_wait3A_134 = arith.constant 0 : i32
      %dma_wait3A_135 = arith.constant 0 : i32
      %dma_wait3A_136 = tpu.memref_slice %arg2[%dma_wait3A_134, %dma_wait3A_135] : memref<8192x128xf32, #tpu.memory_space<hbm>> -> memref<8192x128xf32, #tpu.memory_space<hbm>>
      tpu.wait_indirect_dma semaphore(%arg13 : memref<!tpu.dma_semaphore, #tpu.memory_space<semaphore_mem>>) src(%dma_wait3A_136 : memref<8192x128xf32, #tpu.memory_space<hbm>>) dst(%arg9 : memref<128x128xf32, #tpu.memory_space<vmem>>)
      %dma_start3A_137 = arith.constant 0 : i32
      %dma_start3A_138 = tpu.memref_slice %arg4[%mul3A_130, %dma_start3A_137] : memref<131072x128xf32, #tpu.memory_space<hbm>> -> memref<128x128xf32, #tpu.memory_space<hbm>>
      %dma_start3A_139 = arith.constant 0 : i32
      %dma_start3A_140 = tpu.memref_slice %arg4[%mul3A_130, %dma_start3A_139] : memref<131072x128xf32, #tpu.memory_space<hbm>> -> memref<128x128xf32, #tpu.memory_space<hbm>>
      tpu.enqueue_dma source(%arg9 : memref<128x128xf32, #tpu.memory_space<vmem>>) target(%dma_start3A_140 : memref<128x128xf32, #tpu.memory_space<hbm>>) target_semaphore(%arg17 : memref<!tpu.dma_semaphore, #tpu.memory_space<semaphore_mem>>)
      %add3A_141 = arith.constant 4 : i32
      %add3A_142 = arith.addi %add3A_125, %add3A_141 : i32
      %lt3A_143 = arith.constant 32 : i32
      %lt3A_144 = arith.cmpi slt, %add3A_142, %lt3A_143 : i32
      %convert_element_type3A_145 = arith.extui %lt3A_144 : i1 to i32
      %cond3A_146 = arith.constant 0 : i32
      %cond3A_147 = arith.cmpi ne, %convert_element_type3A_145, %cond3A_146 : i32
      scf.if %cond3A_147 {
        %dma_wait3A_153 = arith.constant 0 : i32
        %dma_wait3A_154 = tpu.memref_slice %arg4[%mul3A_130, %dma_wait3A_153] : memref<131072x128xf32, #tpu.memory_space<hbm>> -> memref<128x128xf32, #tpu.memory_space<hbm>>
        %dma_wait3A_155 = arith.constant 0 : i32
        %dma_wait3A_156 = tpu.memref_slice %arg4[%mul3A_130, %dma_wait3A_155] : memref<131072x128xf32, #tpu.memory_space<hbm>> -> memref<128x128xf32, #tpu.memory_space<hbm>>
        tpu.wait_dma2 semaphore(%arg17 : memref<!tpu.dma_semaphore, #tpu.memory_space<semaphore_mem>>) src(%arg9 : memref<128x128xf32, #tpu.memory_space<vmem>>) dst(%dma_wait3A_156 : memref<128x128xf32, #tpu.memory_space<hbm>>)
        %dma_start3A_157 = arith.constant 0 : i32
        %dma_start3A_158 = tpu.memref_slice %arg5[%add3A_142, %dma_start3A_157] : memref<32x128xi32, #tpu.memory_space<vmem>> -> memref<1x128xi32, #tpu.memory_space<vmem>>
        %dma_start3A_159 = tpu.memref_squeeze %dma_start3A_158 : memref<1x128xi32, #tpu.memory_space<vmem>> -> memref<128xi32, #tpu.memory_space<vmem>>
        %dma_start3A_160 = arith.constant 0 : i32
        %dma_start3A_161 = arith.constant 0 : i32
        %dma_start3A_162 = tpu.memref_slice %arg2[%dma_start3A_160, %dma_start3A_161] : memref<8192x128xf32, #tpu.memory_space<hbm>> -> memref<8192x128xf32, #tpu.memory_space<hbm>>
        tpu.enqueue_indirect_dma source(%dma_start3A_162 : memref<8192x128xf32, #tpu.memory_space<hbm>>) target(%arg9 : memref<128x128xf32, #tpu.memory_space<vmem>>) offsets(%dma_start3A_159 : memref<128xi32, #tpu.memory_space<vmem>>) semaphore(%arg13 : memref<!tpu.dma_semaphore, #tpu.memory_space<semaphore_mem>>)
      } else {
      }
      %ge3A_148 = arith.constant 32 : i32
      %ge3A_149 = arith.cmpi sge, %add3A_142, %ge3A_148 : i32
      %convert_element_type3A_150 = arith.extui %ge3A_149 : i1 to i32
      %cond3A_151 = arith.constant 0 : i32
      %cond3A_152 = arith.cmpi ne, %convert_element_type3A_150, %cond3A_151 : i32
      scf.if %cond3A_152 {
        %dma_wait3A_153 = arith.constant 0 : i32
        %dma_wait3A_154 = tpu.memref_slice %arg4[%mul3A_130, %dma_wait3A_153] : memref<131072x128xf32, #tpu.memory_space<hbm>> -> memref<128x128xf32, #tpu.memory_space<hbm>>
        %dma_wait3A_155 = arith.constant 0 : i32
        %dma_wait3A_156 = tpu.memref_slice %arg4[%mul3A_130, %dma_wait3A_155] : memref<131072x128xf32, #tpu.memory_space<hbm>> -> memref<128x128xf32, #tpu.memory_space<hbm>>
        tpu.wait_dma2 semaphore(%arg17 : memref<!tpu.dma_semaphore, #tpu.memory_space<semaphore_mem>>) src(%arg9 : memref<128x128xf32, #tpu.memory_space<vmem>>) dst(%dma_wait3A_156 : memref<128x128xf32, #tpu.memory_space<hbm>>)
      } else {
      }
    }
    %scan3A_32 = arith.constant 8 : i32
    return
  }
}

module attributes {stable_mosaic.version = 14 : i64} {
  func.func @_in2f_kernel(%arg0: i32, %arg1: memref<1024x128xf32, #tpu.memory_space<vmem>>, %arg2: memref<128x128xf32, #tpu.memory_space<vmem>>, %arg3: memref<1024x128xf32, #tpu.memory_space<vmem>>) attributes {dimension_semantics = [#tpu.dimension_semantics<arbitrary>], iteration_bounds = array<i64: 8>, scalar_prefetch = 0 : i64, scratch_operands = 0 : i64, tpu.core_type = #tpu.core_type<tc>, window_params = [{transform_indices = @transform_0, window_bounds = array<i64: 1024, 128>}, {pipeline_mode = #tpu.pipeline_mode<synchronous>, transform_indices = @transform_1, window_bounds = array<i64: 128, 128>}, {transform_indices = @transform_2, window_bounds = array<i64: 1024, 128>}]} {
    %get3A = arith.constant 0 : index
    %get3A_0 = arith.constant 0 : index
    %get3A_1 = vector.load %arg1[%get3A, %get3A_0] : memref<1024x128xf32, #tpu.memory_space<vmem>>, vector<1024x128xf32>
    %get3A_2 = arith.constant 0 : index
    %get3A_3 = arith.constant 0 : index
    %get3A_4 = vector.load %arg2[%get3A_2, %get3A_3] : memref<128x128xf32, #tpu.memory_space<vmem>>, vector<128x128xf32>
    %dot_general3A = arith.constant dense<0.000000e+00> : vector<1024x128xf32>
    %dot_general3A_5 = tpu.matmul %get3A_1, %get3A_4, %dot_general3A {dimension_numbers = #tpu.dot_dimension_numbers<[1], [0], [0], [1], [0, 0, 1, 1], [], []>, transpose_lhs_hint = false} : vector<1024x128xf32>, vector<128x128xf32>, vector<1024x128xf32> -> vector<1024x128xf32>
    %swap3A = arith.constant 0 : index
    %swap3A_6 = arith.constant 0 : index
    %swap3A_7 = vector.load %arg3[%swap3A, %swap3A_6] : memref<1024x128xf32, #tpu.memory_space<vmem>>, vector<1024x128xf32>
    tpu.vector_store %arg3[%swap3A, %swap3A_6], %dot_general3A_5 {strides = array<i32>} : memref<1024x128xf32, #tpu.memory_space<vmem>>, vector<1024x128xf32>,
    return
  }
  func.func @transform_0(%arg0: i32) -> (i32, i32) {
    %c0_i32 = arith.constant 0 : i32
    %c0_i32_0 = arith.constant 0 : i32
    return %arg0, %c0_i32 : i32, i32
  }
  func.func @transform_1(%arg0: i32) -> (i32, i32) {
    %c0_i32 = arith.constant 0 : i32
    %c0_i32_0 = arith.constant 0 : i32
    %c0_i32_1 = arith.constant 0 : i32
    return %c0_i32, %c0_i32_0 : i32, i32
  }
  func.func @transform_2(%arg0: i32) -> (i32, i32) {
    %c0_i32 = arith.constant 0 : i32
    %c0_i32_0 = arith.constant 0 : i32
    return %arg0, %c0_i32 : i32, i32
  }
}

module attributes {stable_mosaic.version = 14 : i64} {
  func.func @_fused_kernel(%arg0: i32, %arg1: i32, %arg2: memref<1x50x8x1024xf32, #tpu.memory_space<vmem>>, %arg3: memref<8192x128xf32, #tpu.memory_space<vmem>>, %arg4: memref<1x8x1024xf32, #tpu.memory_space<vmem>>, %arg5: memref<50x128xf32, #tpu.memory_space<vmem>>, %arg6: memref<1x128xf32, #tpu.memory_space<vmem>>, %arg7: memref<128x128xf32, #tpu.memory_space<vmem>>, %arg8: memref<1x128xf32, #tpu.memory_space<vmem>>, %arg9: memref<1024x128xf32, #tpu.memory_space<vmem>>, %arg10: memref<1024x128xf32, #tpu.memory_space<vmem>>) attributes {dimension_semantics = [#tpu.dimension_semantics<arbitrary>, #tpu.dimension_semantics<arbitrary>], iteration_bounds = array<i64: 8, 2>, scalar_prefetch = 0 : i64, scratch_operands = 1 : i64, tpu.core_type = #tpu.core_type<tc>, window_params = [{transform_indices = @transform_0, window_bounds = array<i64: 1, 50, 8, 1024>}, {transform_indices = @transform_1, window_bounds = array<i64: 8192, 128>}, {transform_indices = @transform_2, window_bounds = array<i64: 1, 8, 1024>}, {pipeline_mode = #tpu.pipeline_mode<synchronous>, transform_indices = @transform_3, window_bounds = array<i64: 50, 128>}, {pipeline_mode = #tpu.pipeline_mode<synchronous>, transform_indices = @transform_4, window_bounds = array<i64: 1, 128>}, {pipeline_mode = #tpu.pipeline_mode<synchronous>, transform_indices = @transform_5, window_bounds = array<i64: 128, 128>}, {pipeline_mode = #tpu.pipeline_mode<synchronous>, transform_indices = @transform_6, window_bounds = array<i64: 1, 128>}, {transform_indices = @transform_7, window_bounds = array<i64: 1024, 128>}]} {
    %get3A = arith.constant 0 : index
    %get3A_0 = arith.constant 0 : index
    %get3A_1 = arith.constant 0 : index
    %get3A_2 = vector.load %arg4[%get3A, %get3A_0, %get3A_1] : memref<1x8x1024xf32, #tpu.memory_space<vmem>>, vector<1x8x1024xf32>
    %get3A_3 = vector.shape_cast %get3A_2 : vector<1x8x1024xf32> to vector<8x1024xf32>
    %transpose3A = tpu.transpose %get3A_3, [1, 0] : vector<8x1024xf32> -> vector<1024x8xf32>
    %get3A_4 = arith.constant 0 : index
    %get3A_5 = arith.constant 0 : index
    %get3A_6 = arith.constant 0 : index
    %get3A_7 = arith.constant 0 : index
    %get3A_8 = vector.load %arg2[%get3A_4, %get3A_5, %get3A_6, %get3A_7] : memref<1x50x8x1024xf32, #tpu.memory_space<vmem>>, vector<1x50x1x1024xf32>
    %get3A_9 = vector.shape_cast %get3A_8 : vector<1x50x1x1024xf32> to vector<50x1024xf32>
    %get3A_10 = arith.constant 0 : index
    %get3A_11 = arith.constant 0 : index
    %get3A_12 = vector.load %arg5[%get3A_10, %get3A_11] : memref<50x128xf32, #tpu.memory_space<vmem>>, vector<50x128xf32>
    %dot_general3A = arith.constant dense<0.000000e+00> : vector<1024x128xf32>
    %dot_general3A_13 = tpu.matmul %get3A_9, %get3A_12, %dot_general3A {dimension_numbers = #tpu.dot_dimension_numbers<[0], [0], [1], [1], [0, 1, 1, 1], [], []>, transpose_lhs_hint = false} : vector<50x1024xf32>, vector<50x128xf32>, vector<1024x128xf32> -> vector<1024x128xf32>
    %get3A_14 = arith.constant 0 : index
    %get3A_15 = arith.constant 0 : index
    %get3A_16 = vector.load %arg6[%get3A_14, %get3A_15] : memref<1x128xf32, #tpu.memory_space<vmem>>, vector<1x128xf32>
    %add3A = vector.broadcast %get3A_16 : vector<1x128xf32> to vector<1024x128xf32>
    %add3A_17 = arith.addf %dot_general3A_13, %add3A : vector<1024x128xf32>
    %custom_jvp_call3A = arith.constant 0.000000e+00 : f32
    %max3A = vector.broadcast %custom_jvp_call3A : f32 to vector<1024x128xf32>
    %max3A_18 = arith.maximumf %add3A_17, %max3A : vector<1024x128xf32>
    %sub3A = vector.broadcast %custom_jvp_call3A : f32 to vector<1024x128xf32>
    %sub3A_19 = arith.subf %add3A_17, %sub3A : vector<1024x128xf32>
    %ne3A = arith.cmpf one, %sub3A_19, %sub3A_19 : vector<1024x128xf32>
    %add3A_20 = vector.broadcast %custom_jvp_call3A : f32 to vector<1024x128xf32>
    %add3A_21 = arith.addf %add3A_17, %add3A_20 : vector<1024x128xf32>
    %abs3A = math.absf %sub3A_19 : vector<1024x128xf32>
    %neg3A = arith.constant 0.000000e+00 : f32
    %neg3A_22 = vector.broadcast %neg3A : f32 to vector<1024x128xf32>
    %neg3A_23 = arith.subf %neg3A_22, %abs3A : vector<1024x128xf32>
    %exp3A = math.exp %neg3A_23 : vector<1024x128xf32>
    %log1p3A = math.log1p %exp3A : vector<1024x128xf32>
    %add3A_24 = arith.addf %max3A_18, %log1p3A : vector<1024x128xf32>
    %select_n3A = arith.select %ne3A, %add3A_21, %add3A_24 : vector<1024x128xi1>, vector<1024x128xf32>
    %log3A = arith.constant 2.000000e+00 : f32
    %log3A_25 = math.log %log3A : f32
    %sub3A_26 = vector.broadcast %log3A_25 : f32 to vector<1024x128xf32>
    %sub3A_27 = arith.subf %select_n3A, %sub3A_26 : vector<1024x128xf32>
    %get3A_28 = arith.constant 0 : index
    %get3A_29 = arith.constant 0 : index
    %get3A_30 = vector.load %arg7[%get3A_28, %get3A_29] : memref<128x128xf32, #tpu.memory_space<vmem>>, vector<128x128xf32>
    %dot_general3A_31 = arith.constant dense<0.000000e+00> : vector<1024x128xf32>
    %dot_general3A_32 = tpu.matmul %sub3A_27, %get3A_30, %dot_general3A_31 {dimension_numbers = #tpu.dot_dimension_numbers<[1], [0], [0], [1], [0, 0, 1, 1], [], []>, transpose_lhs_hint = false} : vector<1024x128xf32>, vector<128x128xf32>, vector<1024x128xf32> -> vector<1024x128xf32>
    %get3A_33 = arith.constant 0 : index
    %get3A_34 = arith.constant 0 : index
    %get3A_35 = vector.load %arg8[%get3A_33, %get3A_34] : memref<1x128xf32, #tpu.memory_space<vmem>>, vector<1x128xf32>
    %add3A_36 = vector.broadcast %get3A_35 : vector<1x128xf32> to vector<1024x128xf32>
    %add3A_37 = arith.addf %dot_general3A_32, %add3A_36 : vector<1024x128xf32>
    %slice3A = vector.extract_strided_slice %transpose3A {offsets = [0, 0], sizes = [1024, 1], strides = [1, 1]} : vector<1024x8xf32> to vector<1024x1xf32>
    %mul3A = vector.broadcast %slice3A : vector<1024x1xf32> to vector<1024x128xf32>
    %mul3A_38 = arith.mulf %add3A_37, %mul3A : vector<1024x128xf32>
    %get3A_39 = arith.constant 0 : index
    %get3A_40 = arith.constant 0 : index
    %get3A_41 = vector.load %arg3[%get3A_39, %get3A_40] : memref<8192x128xf32, #tpu.memory_space<vmem>>, vector<1024x128xf32>
    %mul3A_42 = arith.mulf %mul3A_38, %get3A_41 : vector<1024x128xf32>
    %get3A_43 = arith.constant 0 : index
    %get3A_44 = arith.constant 0 : index
    %get3A_45 = arith.constant 1 : index
    %get3A_46 = arith.constant 0 : index
    %get3A_47 = vector.load %arg2[%get3A_43, %get3A_44, %get3A_45, %get3A_46] : memref<1x50x8x1024xf32, #tpu.memory_space<vmem>>, vector<1x50x1x1024xf32>
    %get3A_48 = vector.shape_cast %get3A_47 : vector<1x50x1x1024xf32> to vector<50x1024xf32>
    %get3A_49 = arith.constant 0 : index
    %get3A_50 = arith.constant 0 : index
    %get3A_51 = vector.load %arg5[%get3A_49, %get3A_50] : memref<50x128xf32, #tpu.memory_space<vmem>>, vector<50x128xf32>
    %dot_general3A_52 = arith.constant dense<0.000000e+00> : vector<1024x128xf32>
    %dot_general3A_53 = tpu.matmul %get3A_48, %get3A_51, %dot_general3A_52 {dimension_numbers = #tpu.dot_dimension_numbers<[0], [0], [1], [1], [0, 1, 1, 1], [], []>, transpose_lhs_hint = false} : vector<50x1024xf32>, vector<50x128xf32>, vector<1024x128xf32> -> vector<1024x128xf32>
    %get3A_54 = arith.constant 0 : index
    %get3A_55 = arith.constant 0 : index
    %get3A_56 = vector.load %arg6[%get3A_54, %get3A_55] : memref<1x128xf32, #tpu.memory_space<vmem>>, vector<1x128xf32>
    %add3A_57 = vector.broadcast %get3A_56 : vector<1x128xf32> to vector<1024x128xf32>
    %add3A_58 = arith.addf %dot_general3A_53, %add3A_57 : vector<1024x128xf32>
    %custom_jvp_call3A_59 = arith.constant 0.000000e+00 : f32
    %max3A_60 = vector.broadcast %custom_jvp_call3A_59 : f32 to vector<1024x128xf32>
    %max3A_61 = arith.maximumf %add3A_58, %max3A_60 : vector<1024x128xf32>
    %sub3A_62 = vector.broadcast %custom_jvp_call3A_59 : f32 to vector<1024x128xf32>
    %sub3A_63 = arith.subf %add3A_58, %sub3A_62 : vector<1024x128xf32>
    %ne3A_64 = arith.cmpf one, %sub3A_63, %sub3A_63 : vector<1024x128xf32>
    %add3A_65 = vector.broadcast %custom_jvp_call3A_59 : f32 to vector<1024x128xf32>
    %add3A_66 = arith.addf %add3A_58, %add3A_65 : vector<1024x128xf32>
    %abs3A_67 = math.absf %sub3A_63 : vector<1024x128xf32>
    %neg3A_68 = arith.constant 0.000000e+00 : f32
    %neg3A_69 = vector.broadcast %neg3A_68 : f32 to vector<1024x128xf32>
    %neg3A_70 = arith.subf %neg3A_69, %abs3A_67 : vector<1024x128xf32>
    %exp3A_71 = math.exp %neg3A_70 : vector<1024x128xf32>
    %log1p3A_72 = math.log1p %exp3A_71 : vector<1024x128xf32>
    %add3A_73 = arith.addf %max3A_61, %log1p3A_72 : vector<1024x128xf32>
    %select_n3A_74 = arith.select %ne3A_64, %add3A_66, %add3A_73 : vector<1024x128xi1>, vector<1024x128xf32>
    %log3A_75 = arith.constant 2.000000e+00 : f32
    %log3A_76 = math.log %log3A_75 : f32
    %sub3A_77 = vector.broadcast %log3A_76 : f32 to vector<1024x128xf32>
    %sub3A_78 = arith.subf %select_n3A_74, %sub3A_77 : vector<1024x128xf32>
    %get3A_79 = arith.constant 0 : index
    %get3A_80 = arith.constant 0 : index
    %get3A_81 = vector.load %arg7[%get3A_79, %get3A_80] : memref<128x128xf32, #tpu.memory_space<vmem>>, vector<128x128xf32>
    %dot_general3A_82 = arith.constant dense<0.000000e+00> : vector<1024x128xf32>
    %dot_general3A_83 = tpu.matmul %sub3A_78, %get3A_81, %dot_general3A_82 {dimension_numbers = #tpu.dot_dimension_numbers<[1], [0], [0], [1], [0, 0, 1, 1], [], []>, transpose_lhs_hint = false} : vector<1024x128xf32>, vector<128x128xf32>, vector<1024x128xf32> -> vector<1024x128xf32>
    %get3A_84 = arith.constant 0 : index
    %get3A_85 = arith.constant 0 : index
    %get3A_86 = vector.load %arg8[%get3A_84, %get3A_85] : memref<1x128xf32, #tpu.memory_space<vmem>>, vector<1x128xf32>
    %add3A_87 = vector.broadcast %get3A_86 : vector<1x128xf32> to vector<1024x128xf32>
    %add3A_88 = arith.addf %dot_general3A_83, %add3A_87 : vector<1024x128xf32>
    %slice3A_89 = vector.extract_strided_slice %transpose3A {offsets = [0, 1], sizes = [1024, 1], strides = [1, 1]} : vector<1024x8xf32> to vector<1024x1xf32>
    %mul3A_90 = vector.broadcast %slice3A_89 : vector<1024x1xf32> to vector<1024x128xf32>
    %mul3A_91 = arith.mulf %add3A_88, %mul3A_90 : vector<1024x128xf32>
    %get3A_92 = arith.constant 1024 : index
    %get3A_93 = arith.constant 0 : index
    %get3A_94 = vector.load %arg3[%get3A_92, %get3A_93] : memref<8192x128xf32, #tpu.memory_space<vmem>>, vector<1024x128xf32>
    %mul3A_95 = arith.mulf %mul3A_91, %get3A_94 : vector<1024x128xf32>
    %add3A_96 = arith.addf %mul3A_42, %mul3A_95 : vector<1024x128xf32>
    %get3A_97 = arith.constant 0 : index
    %get3A_98 = arith.constant 0 : index
    %get3A_99 = arith.constant 2 : index
    %get3A_100 = arith.constant 0 : index
    %get3A_101 = vector.load %arg2[%get3A_97, %get3A_98, %get3A_99, %get3A_100] : memref<1x50x8x1024xf32, #tpu.memory_space<vmem>>, vector<1x50x1x1024xf32>
    %get3A_102 = vector.shape_cast %get3A_101 : vector<1x50x1x1024xf32> to vector<50x1024xf32>
    %get3A_103 = arith.constant 0 : index
    %get3A_104 = arith.constant 0 : index
    %get3A_105 = vector.load %arg5[%get3A_103, %get3A_104] : memref<50x128xf32, #tpu.memory_space<vmem>>, vector<50x128xf32>
    %dot_general3A_106 = arith.constant dense<0.000000e+00> : vector<1024x128xf32>
    %dot_general3A_107 = tpu.matmul %get3A_102, %get3A_105, %dot_general3A_106 {dimension_numbers = #tpu.dot_dimension_numbers<[0], [0], [1], [1], [0, 1, 1, 1], [], []>, transpose_lhs_hint = false} : vector<50x1024xf32>, vector<50x128xf32>, vector<1024x128xf32> -> vector<1024x128xf32>
    %get3A_108 = arith.constant 0 : index
    %get3A_109 = arith.constant 0 : index
    %get3A_110 = vector.load %arg6[%get3A_108, %get3A_109] : memref<1x128xf32, #tpu.memory_space<vmem>>, vector<1x128xf32>
    %add3A_111 = vector.broadcast %get3A_110 : vector<1x128xf32> to vector<1024x128xf32>
    %add3A_112 = arith.addf %dot_general3A_107, %add3A_111 : vector<1024x128xf32>
    %custom_jvp_call3A_113 = arith.constant 0.000000e+00 : f32
    %max3A_114 = vector.broadcast %custom_jvp_call3A_113 : f32 to vector<1024x128xf32>
    %max3A_115 = arith.maximumf %add3A_112, %max3A_114 : vector<1024x128xf32>
    %sub3A_116 = vector.broadcast %custom_jvp_call3A_113 : f32 to vector<1024x128xf32>
    %sub3A_117 = arith.subf %add3A_112, %sub3A_116 : vector<1024x128xf32>
    %ne3A_118 = arith.cmpf one, %sub3A_117, %sub3A_117 : vector<1024x128xf32>
    %add3A_119 = vector.broadcast %custom_jvp_call3A_113 : f32 to vector<1024x128xf32>
    %add3A_120 = arith.addf %add3A_112, %add3A_119 : vector<1024x128xf32>
    %abs3A_121 = math.absf %sub3A_117 : vector<1024x128xf32>
    %neg3A_122 = arith.constant 0.000000e+00 : f32
    %neg3A_123 = vector.broadcast %neg3A_122 : f32 to vector<1024x128xf32>
    %neg3A_124 = arith.subf %neg3A_123, %abs3A_121 : vector<1024x128xf32>
    %exp3A_125 = math.exp %neg3A_124 : vector<1024x128xf32>
    %log1p3A_126 = math.log1p %exp3A_125 : vector<1024x128xf32>
    %add3A_127 = arith.addf %max3A_115, %log1p3A_126 : vector<1024x128xf32>
    %select_n3A_128 = arith.select %ne3A_118, %add3A_120, %add3A_127 : vector<1024x128xi1>, vector<1024x128xf32>
    %log3A_129 = arith.constant 2.000000e+00 : f32
    %log3A_130 = math.log %log3A_129 : f32
    %sub3A_131 = vector.broadcast %log3A_130 : f32 to vector<1024x128xf32>
    %sub3A_132 = arith.subf %select_n3A_128, %sub3A_131 : vector<1024x128xf32>
    %get3A_133 = arith.constant 0 : index
    %get3A_134 = arith.constant 0 : index
    %get3A_135 = vector.load %arg7[%get3A_133, %get3A_134] : memref<128x128xf32, #tpu.memory_space<vmem>>, vector<128x128xf32>
    %dot_general3A_136 = arith.constant dense<0.000000e+00> : vector<1024x128xf32>
    %dot_general3A_137 = tpu.matmul %sub3A_132, %get3A_135, %dot_general3A_136 {dimension_numbers = #tpu.dot_dimension_numbers<[1], [0], [0], [1], [0, 0, 1, 1], [], []>, transpose_lhs_hint = false} : vector<1024x128xf32>, vector<128x128xf32>, vector<1024x128xf32> -> vector<1024x128xf32>
    %get3A_138 = arith.constant 0 : index
    %get3A_139 = arith.constant 0 : index
    %get3A_140 = vector.load %arg8[%get3A_138, %get3A_139] : memref<1x128xf32, #tpu.memory_space<vmem>>, vector<1x128xf32>
    %add3A_141 = vector.broadcast %get3A_140 : vector<1x128xf32> to vector<1024x128xf32>
    %add3A_142 = arith.addf %dot_general3A_137, %add3A_141 : vector<1024x128xf32>
    %slice3A_143 = vector.extract_strided_slice %transpose3A {offsets = [0, 2], sizes = [1024, 1], strides = [1, 1]} : vector<1024x8xf32> to vector<1024x1xf32>
    %mul3A_144 = vector.broadcast %slice3A_143 : vector<1024x1xf32> to vector<1024x128xf32>
    %mul3A_145 = arith.mulf %add3A_142, %mul3A_144 : vector<1024x128xf32>
    %get3A_146 = arith.constant 2048 : index
    %get3A_147 = arith.constant 0 : index
    %get3A_148 = vector.load %arg3[%get3A_146, %get3A_147] : memref<8192x128xf32, #tpu.memory_space<vmem>>, vector<1024x128xf32>
    %mul3A_149 = arith.mulf %mul3A_145, %get3A_148 : vector<1024x128xf32>
    %add3A_150 = arith.addf %add3A_96, %mul3A_149 : vector<1024x128xf32>
    %get3A_151 = arith.constant 0 : index
    %get3A_152 = arith.constant 0 : index
    %get3A_153 = arith.constant 3 : index
    %get3A_154 = arith.constant 0 : index
    %get3A_155 = vector.load %arg2[%get3A_151, %get3A_152, %get3A_153, %get3A_154] : memref<1x50x8x1024xf32, #tpu.memory_space<vmem>>, vector<1x50x1x1024xf32>
    %get3A_156 = vector.shape_cast %get3A_155 : vector<1x50x1x1024xf32> to vector<50x1024xf32>
    %get3A_157 = arith.constant 0 : index
    %get3A_158 = arith.constant 0 : index
    %get3A_159 = vector.load %arg5[%get3A_157, %get3A_158] : memref<50x128xf32, #tpu.memory_space<vmem>>, vector<50x128xf32>
    %dot_general3A_160 = arith.constant dense<0.000000e+00> : vector<1024x128xf32>
    %dot_general3A_161 = tpu.matmul %get3A_156, %get3A_159, %dot_general3A_160 {dimension_numbers = #tpu.dot_dimension_numbers<[0], [0], [1], [1], [0, 1, 1, 1], [], []>, transpose_lhs_hint = false} : vector<50x1024xf32>, vector<50x128xf32>, vector<1024x128xf32> -> vector<1024x128xf32>
    %get3A_162 = arith.constant 0 : index
    %get3A_163 = arith.constant 0 : index
    %get3A_164 = vector.load %arg6[%get3A_162, %get3A_163] : memref<1x128xf32, #tpu.memory_space<vmem>>, vector<1x128xf32>
    %add3A_165 = vector.broadcast %get3A_164 : vector<1x128xf32> to vector<1024x128xf32>
    %add3A_166 = arith.addf %dot_general3A_161, %add3A_165 : vector<1024x128xf32>
    %custom_jvp_call3A_167 = arith.constant 0.000000e+00 : f32
    %max3A_168 = vector.broadcast %custom_jvp_call3A_167 : f32 to vector<1024x128xf32>
    %max3A_169 = arith.maximumf %add3A_166, %max3A_168 : vector<1024x128xf32>
    %sub3A_170 = vector.broadcast %custom_jvp_call3A_167 : f32 to vector<1024x128xf32>
    %sub3A_171 = arith.subf %add3A_166, %sub3A_170 : vector<1024x128xf32>
    %ne3A_172 = arith.cmpf one, %sub3A_171, %sub3A_171 : vector<1024x128xf32>
    %add3A_173 = vector.broadcast %custom_jvp_call3A_167 : f32 to vector<1024x128xf32>
    %add3A_174 = arith.addf %add3A_166, %add3A_173 : vector<1024x128xf32>
    %abs3A_175 = math.absf %sub3A_171 : vector<1024x128xf32>
    %neg3A_176 = arith.constant 0.000000e+00 : f32
    %neg3A_177 = vector.broadcast %neg3A_176 : f32 to vector<1024x128xf32>
    %neg3A_178 = arith.subf %neg3A_177, %abs3A_175 : vector<1024x128xf32>
    %exp3A_179 = math.exp %neg3A_178 : vector<1024x128xf32>
    %log1p3A_180 = math.log1p %exp3A_179 : vector<1024x128xf32>
    %add3A_181 = arith.addf %max3A_169, %log1p3A_180 : vector<1024x128xf32>
    %select_n3A_182 = arith.select %ne3A_172, %add3A_174, %add3A_181 : vector<1024x128xi1>, vector<1024x128xf32>
    %log3A_183 = arith.constant 2.000000e+00 : f32
    %log3A_184 = math.log %log3A_183 : f32
    %sub3A_185 = vector.broadcast %log3A_184 : f32 to vector<1024x128xf32>
    %sub3A_186 = arith.subf %select_n3A_182, %sub3A_185 : vector<1024x128xf32>
    %get3A_187 = arith.constant 0 : index
    %get3A_188 = arith.constant 0 : index
    %get3A_189 = vector.load %arg7[%get3A_187, %get3A_188] : memref<128x128xf32, #tpu.memory_space<vmem>>, vector<128x128xf32>
    %dot_general3A_190 = arith.constant dense<0.000000e+00> : vector<1024x128xf32>
    %dot_general3A_191 = tpu.matmul %sub3A_186, %get3A_189, %dot_general3A_190 {dimension_numbers = #tpu.dot_dimension_numbers<[1], [0], [0], [1], [0, 0, 1, 1], [], []>, transpose_lhs_hint = false} : vector<1024x128xf32>, vector<128x128xf32>, vector<1024x128xf32> -> vector<1024x128xf32>
    %get3A_192 = arith.constant 0 : index
    %get3A_193 = arith.constant 0 : index
    %get3A_194 = vector.load %arg8[%get3A_192, %get3A_193] : memref<1x128xf32, #tpu.memory_space<vmem>>, vector<1x128xf32>
    %add3A_195 = vector.broadcast %get3A_194 : vector<1x128xf32> to vector<1024x128xf32>
    %add3A_196 = arith.addf %dot_general3A_191, %add3A_195 : vector<1024x128xf32>
    %slice3A_197 = vector.extract_strided_slice %transpose3A {offsets = [0, 3], sizes = [1024, 1], strides = [1, 1]} : vector<1024x8xf32> to vector<1024x1xf32>
    %mul3A_198 = vector.broadcast %slice3A_197 : vector<1024x1xf32> to vector<1024x128xf32>
    %mul3A_199 = arith.mulf %add3A_196, %mul3A_198 : vector<1024x128xf32>
    %get3A_200 = arith.constant 3072 : index
    %get3A_201 = arith.constant 0 : index
    %get3A_202 = vector.load %arg3[%get3A_200, %get3A_201] : memref<8192x128xf32, #tpu.memory_space<vmem>>, vector<1024x128xf32>
    %mul3A_203 = arith.mulf %mul3A_199, %get3A_202 : vector<1024x128xf32>
    %add3A_204 = arith.addf %add3A_150, %mul3A_203 : vector<1024x128xf32>
    %get3A_205 = arith.constant 0 : index
    %get3A_206 = arith.constant 0 : index
    %get3A_207 = arith.constant 4 : index
    %get3A_208 = arith.constant 0 : index
    %get3A_209 = vector.load %arg2[%get3A_205, %get3A_206, %get3A_207, %get3A_208] : memref<1x50x8x1024xf32, #tpu.memory_space<vmem>>, vector<1x50x1x1024xf32>
    %get3A_210 = vector.shape_cast %get3A_209 : vector<1x50x1x1024xf32> to vector<50x1024xf32>
    %get3A_211 = arith.constant 0 : index
    %get3A_212 = arith.constant 0 : index
    %get3A_213 = vector.load %arg5[%get3A_211, %get3A_212] : memref<50x128xf32, #tpu.memory_space<vmem>>, vector<50x128xf32>
    %dot_general3A_214 = arith.constant dense<0.000000e+00> : vector<1024x128xf32>
    %dot_general3A_215 = tpu.matmul %get3A_210, %get3A_213, %dot_general3A_214 {dimension_numbers = #tpu.dot_dimension_numbers<[0], [0], [1], [1], [0, 1, 1, 1], [], []>, transpose_lhs_hint = false} : vector<50x1024xf32>, vector<50x128xf32>, vector<1024x128xf32> -> vector<1024x128xf32>
    %get3A_216 = arith.constant 0 : index
    %get3A_217 = arith.constant 0 : index
    %get3A_218 = vector.load %arg6[%get3A_216, %get3A_217] : memref<1x128xf32, #tpu.memory_space<vmem>>, vector<1x128xf32>
    %add3A_219 = vector.broadcast %get3A_218 : vector<1x128xf32> to vector<1024x128xf32>
    %add3A_220 = arith.addf %dot_general3A_215, %add3A_219 : vector<1024x128xf32>
    %custom_jvp_call3A_221 = arith.constant 0.000000e+00 : f32
    %max3A_222 = vector.broadcast %custom_jvp_call3A_221 : f32 to vector<1024x128xf32>
    %max3A_223 = arith.maximumf %add3A_220, %max3A_222 : vector<1024x128xf32>
    %sub3A_224 = vector.broadcast %custom_jvp_call3A_221 : f32 to vector<1024x128xf32>
    %sub3A_225 = arith.subf %add3A_220, %sub3A_224 : vector<1024x128xf32>
    %ne3A_226 = arith.cmpf one, %sub3A_225, %sub3A_225 : vector<1024x128xf32>
    %add3A_227 = vector.broadcast %custom_jvp_call3A_221 : f32 to vector<1024x128xf32>
    %add3A_228 = arith.addf %add3A_220, %add3A_227 : vector<1024x128xf32>
    %abs3A_229 = math.absf %sub3A_225 : vector<1024x128xf32>
    %neg3A_230 = arith.constant 0.000000e+00 : f32
    %neg3A_231 = vector.broadcast %neg3A_230 : f32 to vector<1024x128xf32>
    %neg3A_232 = arith.subf %neg3A_231, %abs3A_229 : vector<1024x128xf32>
    %exp3A_233 = math.exp %neg3A_232 : vector<1024x128xf32>
    %log1p3A_234 = math.log1p %exp3A_233 : vector<1024x128xf32>
    %add3A_235 = arith.addf %max3A_223, %log1p3A_234 : vector<1024x128xf32>
    %select_n3A_236 = arith.select %ne3A_226, %add3A_228, %add3A_235 : vector<1024x128xi1>, vector<1024x128xf32>
    %log3A_237 = arith.constant 2.000000e+00 : f32
    %log3A_238 = math.log %log3A_237 : f32
    %sub3A_239 = vector.broadcast %log3A_238 : f32 to vector<1024x128xf32>
    %sub3A_240 = arith.subf %select_n3A_236, %sub3A_239 : vector<1024x128xf32>
    %get3A_241 = arith.constant 0 : index
    %get3A_242 = arith.constant 0 : index
    %get3A_243 = vector.load %arg7[%get3A_241, %get3A_242] : memref<128x128xf32, #tpu.memory_space<vmem>>, vector<128x128xf32>
    %dot_general3A_244 = arith.constant dense<0.000000e+00> : vector<1024x128xf32>
    %dot_general3A_245 = tpu.matmul %sub3A_240, %get3A_243, %dot_general3A_244 {dimension_numbers = #tpu.dot_dimension_numbers<[1], [0], [0], [1], [0, 0, 1, 1], [], []>, transpose_lhs_hint = false} : vector<1024x128xf32>, vector<128x128xf32>, vector<1024x128xf32> -> vector<1024x128xf32>
    %get3A_246 = arith.constant 0 : index
    %get3A_247 = arith.constant 0 : index
    %get3A_248 = vector.load %arg8[%get3A_246, %get3A_247] : memref<1x128xf32, #tpu.memory_space<vmem>>, vector<1x128xf32>
    %add3A_249 = vector.broadcast %get3A_248 : vector<1x128xf32> to vector<1024x128xf32>
    %add3A_250 = arith.addf %dot_general3A_245, %add3A_249 : vector<1024x128xf32>
    %slice3A_251 = vector.extract_strided_slice %transpose3A {offsets = [0, 4], sizes = [1024, 1], strides = [1, 1]} : vector<1024x8xf32> to vector<1024x1xf32>
    %mul3A_252 = vector.broadcast %slice3A_251 : vector<1024x1xf32> to vector<1024x128xf32>
    %mul3A_253 = arith.mulf %add3A_250, %mul3A_252 : vector<1024x128xf32>
    %get3A_254 = arith.constant 4096 : index
    %get3A_255 = arith.constant 0 : index
    %get3A_256 = vector.load %arg3[%get3A_254, %get3A_255] : memref<8192x128xf32, #tpu.memory_space<vmem>>, vector<1024x128xf32>
    %mul3A_257 = arith.mulf %mul3A_253, %get3A_256 : vector<1024x128xf32>
    %add3A_258 = arith.addf %add3A_204, %mul3A_257 : vector<1024x128xf32>
    %get3A_259 = arith.constant 0 : index
    %get3A_260 = arith.constant 0 : index
    %get3A_261 = arith.constant 5 : index
    %get3A_262 = arith.constant 0 : index
    %get3A_263 = vector.load %arg2[%get3A_259, %get3A_260, %get3A_261, %get3A_262] : memref<1x50x8x1024xf32, #tpu.memory_space<vmem>>, vector<1x50x1x1024xf32>
    %get3A_264 = vector.shape_cast %get3A_263 : vector<1x50x1x1024xf32> to vector<50x1024xf32>
    %get3A_265 = arith.constant 0 : index
    %get3A_266 = arith.constant 0 : index
    %get3A_267 = vector.load %arg5[%get3A_265, %get3A_266] : memref<50x128xf32, #tpu.memory_space<vmem>>, vector<50x128xf32>
    %dot_general3A_268 = arith.constant dense<0.000000e+00> : vector<1024x128xf32>
    %dot_general3A_269 = tpu.matmul %get3A_264, %get3A_267, %dot_general3A_268 {dimension_numbers = #tpu.dot_dimension_numbers<[0], [0], [1], [1], [0, 1, 1, 1], [], []>, transpose_lhs_hint = false} : vector<50x1024xf32>, vector<50x128xf32>, vector<1024x128xf32> -> vector<1024x128xf32>
    %get3A_270 = arith.constant 0 : index
    %get3A_271 = arith.constant 0 : index
    %get3A_272 = vector.load %arg6[%get3A_270, %get3A_271] : memref<1x128xf32, #tpu.memory_space<vmem>>, vector<1x128xf32>
    %add3A_273 = vector.broadcast %get3A_272 : vector<1x128xf32> to vector<1024x128xf32>
    %add3A_274 = arith.addf %dot_general3A_269, %add3A_273 : vector<1024x128xf32>
    %custom_jvp_call3A_275 = arith.constant 0.000000e+00 : f32
    %max3A_276 = vector.broadcast %custom_jvp_call3A_275 : f32 to vector<1024x128xf32>
    %max3A_277 = arith.maximumf %add3A_274, %max3A_276 : vector<1024x128xf32>
    %sub3A_278 = vector.broadcast %custom_jvp_call3A_275 : f32 to vector<1024x128xf32>
    %sub3A_279 = arith.subf %add3A_274, %sub3A_278 : vector<1024x128xf32>
    %ne3A_280 = arith.cmpf one, %sub3A_279, %sub3A_279 : vector<1024x128xf32>
    %add3A_281 = vector.broadcast %custom_jvp_call3A_275 : f32 to vector<1024x128xf32>
    %add3A_282 = arith.addf %add3A_274, %add3A_281 : vector<1024x128xf32>
    %abs3A_283 = math.absf %sub3A_279 : vector<1024x128xf32>
    %neg3A_284 = arith.constant 0.000000e+00 : f32
    %neg3A_285 = vector.broadcast %neg3A_284 : f32 to vector<1024x128xf32>
    %neg3A_286 = arith.subf %neg3A_285, %abs3A_283 : vector<1024x128xf32>
    %exp3A_287 = math.exp %neg3A_286 : vector<1024x128xf32>
    %log1p3A_288 = math.log1p %exp3A_287 : vector<1024x128xf32>
    %add3A_289 = arith.addf %max3A_277, %log1p3A_288 : vector<1024x128xf32>
    %select_n3A_290 = arith.select %ne3A_280, %add3A_282, %add3A_289 : vector<1024x128xi1>, vector<1024x128xf32>
    %log3A_291 = arith.constant 2.000000e+00 : f32
    %log3A_292 = math.log %log3A_291 : f32
    %sub3A_293 = vector.broadcast %log3A_292 : f32 to vector<1024x128xf32>
    %sub3A_294 = arith.subf %select_n3A_290, %sub3A_293 : vector<1024x128xf32>
    %get3A_295 = arith.constant 0 : index
    %get3A_296 = arith.constant 0 : index
    %get3A_297 = vector.load %arg7[%get3A_295, %get3A_296] : memref<128x128xf32, #tpu.memory_space<vmem>>, vector<128x128xf32>
    %dot_general3A_298 = arith.constant dense<0.000000e+00> : vector<1024x128xf32>
    %dot_general3A_299 = tpu.matmul %sub3A_294, %get3A_297, %dot_general3A_298 {dimension_numbers = #tpu.dot_dimension_numbers<[1], [0], [0], [1], [0, 0, 1, 1], [], []>, transpose_lhs_hint = false} : vector<1024x128xf32>, vector<128x128xf32>, vector<1024x128xf32> -> vector<1024x128xf32>
    %get3A_300 = arith.constant 0 : index
    %get3A_301 = arith.constant 0 : index
    %get3A_302 = vector.load %arg8[%get3A_300, %get3A_301] : memref<1x128xf32, #tpu.memory_space<vmem>>, vector<1x128xf32>
    %add3A_303 = vector.broadcast %get3A_302 : vector<1x128xf32> to vector<1024x128xf32>
    %add3A_304 = arith.addf %dot_general3A_299, %add3A_303 : vector<1024x128xf32>
    %slice3A_305 = vector.extract_strided_slice %transpose3A {offsets = [0, 5], sizes = [1024, 1], strides = [1, 1]} : vector<1024x8xf32> to vector<1024x1xf32>
    %mul3A_306 = vector.broadcast %slice3A_305 : vector<1024x1xf32> to vector<1024x128xf32>
    %mul3A_307 = arith.mulf %add3A_304, %mul3A_306 : vector<1024x128xf32>
    %get3A_308 = arith.constant 5120 : index
    %get3A_309 = arith.constant 0 : index
    %get3A_310 = vector.load %arg3[%get3A_308, %get3A_309] : memref<8192x128xf32, #tpu.memory_space<vmem>>, vector<1024x128xf32>
    %mul3A_311 = arith.mulf %mul3A_307, %get3A_310 : vector<1024x128xf32>
    %add3A_312 = arith.addf %add3A_258, %mul3A_311 : vector<1024x128xf32>
    %get3A_313 = arith.constant 0 : index
    %get3A_314 = arith.constant 0 : index
    %get3A_315 = arith.constant 6 : index
    %get3A_316 = arith.constant 0 : index
    %get3A_317 = vector.load %arg2[%get3A_313, %get3A_314, %get3A_315, %get3A_316] : memref<1x50x8x1024xf32, #tpu.memory_space<vmem>>, vector<1x50x1x1024xf32>
    %get3A_318 = vector.shape_cast %get3A_317 : vector<1x50x1x1024xf32> to vector<50x1024xf32>
    %get3A_319 = arith.constant 0 : index
    %get3A_320 = arith.constant 0 : index
    %get3A_321 = vector.load %arg5[%get3A_319, %get3A_320] : memref<50x128xf32, #tpu.memory_space<vmem>>, vector<50x128xf32>
    %dot_general3A_322 = arith.constant dense<0.000000e+00> : vector<1024x128xf32>
    %dot_general3A_323 = tpu.matmul %get3A_318, %get3A_321, %dot_general3A_322 {dimension_numbers = #tpu.dot_dimension_numbers<[0], [0], [1], [1], [0, 1, 1, 1], [], []>, transpose_lhs_hint = false} : vector<50x1024xf32>, vector<50x128xf32>, vector<1024x128xf32> -> vector<1024x128xf32>
    %get3A_324 = arith.constant 0 : index
    %get3A_325 = arith.constant 0 : index
    %get3A_326 = vector.load %arg6[%get3A_324, %get3A_325] : memref<1x128xf32, #tpu.memory_space<vmem>>, vector<1x128xf32>
    %add3A_327 = vector.broadcast %get3A_326 : vector<1x128xf32> to vector<1024x128xf32>
    %add3A_328 = arith.addf %dot_general3A_323, %add3A_327 : vector<1024x128xf32>
    %custom_jvp_call3A_329 = arith.constant 0.000000e+00 : f32
    %max3A_330 = vector.broadcast %custom_jvp_call3A_329 : f32 to vector<1024x128xf32>
    %max3A_331 = arith.maximumf %add3A_328, %max3A_330 : vector<1024x128xf32>
    %sub3A_332 = vector.broadcast %custom_jvp_call3A_329 : f32 to vector<1024x128xf32>
    %sub3A_333 = arith.subf %add3A_328, %sub3A_332 : vector<1024x128xf32>
    %ne3A_334 = arith.cmpf one, %sub3A_333, %sub3A_333 : vector<1024x128xf32>
    %add3A_335 = vector.broadcast %custom_jvp_call3A_329 : f32 to vector<1024x128xf32>
    %add3A_336 = arith.addf %add3A_328, %add3A_335 : vector<1024x128xf32>
    %abs3A_337 = math.absf %sub3A_333 : vector<1024x128xf32>
    %neg3A_338 = arith.constant 0.000000e+00 : f32
    %neg3A_339 = vector.broadcast %neg3A_338 : f32 to vector<1024x128xf32>
    %neg3A_340 = arith.subf %neg3A_339, %abs3A_337 : vector<1024x128xf32>
    %exp3A_341 = math.exp %neg3A_340 : vector<1024x128xf32>
    %log1p3A_342 = math.log1p %exp3A_341 : vector<1024x128xf32>
    %add3A_343 = arith.addf %max3A_331, %log1p3A_342 : vector<1024x128xf32>
    %select_n3A_344 = arith.select %ne3A_334, %add3A_336, %add3A_343 : vector<1024x128xi1>, vector<1024x128xf32>
    %log3A_345 = arith.constant 2.000000e+00 : f32
    %log3A_346 = math.log %log3A_345 : f32
    %sub3A_347 = vector.broadcast %log3A_346 : f32 to vector<1024x128xf32>
    %sub3A_348 = arith.subf %select_n3A_344, %sub3A_347 : vector<1024x128xf32>
    %get3A_349 = arith.constant 0 : index
    %get3A_350 = arith.constant 0 : index
    %get3A_351 = vector.load %arg7[%get3A_349, %get3A_350] : memref<128x128xf32, #tpu.memory_space<vmem>>, vector<128x128xf32>
    %dot_general3A_352 = arith.constant dense<0.000000e+00> : vector<1024x128xf32>
    %dot_general3A_353 = tpu.matmul %sub3A_348, %get3A_351, %dot_general3A_352 {dimension_numbers = #tpu.dot_dimension_numbers<[1], [0], [0], [1], [0, 0, 1, 1], [], []>, transpose_lhs_hint = false} : vector<1024x128xf32>, vector<128x128xf32>, vector<1024x128xf32> -> vector<1024x128xf32>
    %get3A_354 = arith.constant 0 : index
    %get3A_355 = arith.constant 0 : index
    %get3A_356 = vector.load %arg8[%get3A_354, %get3A_355] : memref<1x128xf32, #tpu.memory_space<vmem>>, vector<1x128xf32>
    %add3A_357 = vector.broadcast %get3A_356 : vector<1x128xf32> to vector<1024x128xf32>
    %add3A_358 = arith.addf %dot_general3A_353, %add3A_357 : vector<1024x128xf32>
    %slice3A_359 = vector.extract_strided_slice %transpose3A {offsets = [0, 6], sizes = [1024, 1], strides = [1, 1]} : vector<1024x8xf32> to vector<1024x1xf32>
    %mul3A_360 = vector.broadcast %slice3A_359 : vector<1024x1xf32> to vector<1024x128xf32>
    %mul3A_361 = arith.mulf %add3A_358, %mul3A_360 : vector<1024x128xf32>
    %get3A_362 = arith.constant 6144 : index
    %get3A_363 = arith.constant 0 : index
    %get3A_364 = vector.load %arg3[%get3A_362, %get3A_363] : memref<8192x128xf32, #tpu.memory_space<vmem>>, vector<1024x128xf32>
    %mul3A_365 = arith.mulf %mul3A_361, %get3A_364 : vector<1024x128xf32>
    %add3A_366 = arith.addf %add3A_312, %mul3A_365 : vector<1024x128xf32>
    %get3A_367 = arith.constant 0 : index
    %get3A_368 = arith.constant 0 : index
    %get3A_369 = arith.constant 7 : index
    %get3A_370 = arith.constant 0 : index
    %get3A_371 = vector.load %arg2[%get3A_367, %get3A_368, %get3A_369, %get3A_370] : memref<1x50x8x1024xf32, #tpu.memory_space<vmem>>, vector<1x50x1x1024xf32>
    %get3A_372 = vector.shape_cast %get3A_371 : vector<1x50x1x1024xf32> to vector<50x1024xf32>
    %get3A_373 = arith.constant 0 : index
    %get3A_374 = arith.constant 0 : index
    %get3A_375 = vector.load %arg5[%get3A_373, %get3A_374] : memref<50x128xf32, #tpu.memory_space<vmem>>, vector<50x128xf32>
    %dot_general3A_376 = arith.constant dense<0.000000e+00> : vector<1024x128xf32>
    %dot_general3A_377 = tpu.matmul %get3A_372, %get3A_375, %dot_general3A_376 {dimension_numbers = #tpu.dot_dimension_numbers<[0], [0], [1], [1], [0, 1, 1, 1], [], []>, transpose_lhs_hint = false} : vector<50x1024xf32>, vector<50x128xf32>, vector<1024x128xf32> -> vector<1024x128xf32>
    %get3A_378 = arith.constant 0 : index
    %get3A_379 = arith.constant 0 : index
    %get3A_380 = vector.load %arg6[%get3A_378, %get3A_379] : memref<1x128xf32, #tpu.memory_space<vmem>>, vector<1x128xf32>
    %add3A_381 = vector.broadcast %get3A_380 : vector<1x128xf32> to vector<1024x128xf32>
    %add3A_382 = arith.addf %dot_general3A_377, %add3A_381 : vector<1024x128xf32>
    %custom_jvp_call3A_383 = arith.constant 0.000000e+00 : f32
    %max3A_384 = vector.broadcast %custom_jvp_call3A_383 : f32 to vector<1024x128xf32>
    %max3A_385 = arith.maximumf %add3A_382, %max3A_384 : vector<1024x128xf32>
    %sub3A_386 = vector.broadcast %custom_jvp_call3A_383 : f32 to vector<1024x128xf32>
    %sub3A_387 = arith.subf %add3A_382, %sub3A_386 : vector<1024x128xf32>
    %ne3A_388 = arith.cmpf one, %sub3A_387, %sub3A_387 : vector<1024x128xf32>
    %add3A_389 = vector.broadcast %custom_jvp_call3A_383 : f32 to vector<1024x128xf32>
    %add3A_390 = arith.addf %add3A_382, %add3A_389 : vector<1024x128xf32>
    %abs3A_391 = math.absf %sub3A_387 : vector<1024x128xf32>
    %neg3A_392 = arith.constant 0.000000e+00 : f32
    %neg3A_393 = vector.broadcast %neg3A_392 : f32 to vector<1024x128xf32>
    %neg3A_394 = arith.subf %neg3A_393, %abs3A_391 : vector<1024x128xf32>
    %exp3A_395 = math.exp %neg3A_394 : vector<1024x128xf32>
    %log1p3A_396 = math.log1p %exp3A_395 : vector<1024x128xf32>
    %add3A_397 = arith.addf %max3A_385, %log1p3A_396 : vector<1024x128xf32>
    %select_n3A_398 = arith.select %ne3A_388, %add3A_390, %add3A_397 : vector<1024x128xi1>, vector<1024x128xf32>
    %log3A_399 = arith.constant 2.000000e+00 : f32
    %log3A_400 = math.log %log3A_399 : f32
    %sub3A_401 = vector.broadcast %log3A_400 : f32 to vector<1024x128xf32>
    %sub3A_402 = arith.subf %select_n3A_398, %sub3A_401 : vector<1024x128xf32>
    %get3A_403 = arith.constant 0 : index
    %get3A_404 = arith.constant 0 : index
    %get3A_405 = vector.load %arg7[%get3A_403, %get3A_404] : memref<128x128xf32, #tpu.memory_space<vmem>>, vector<128x128xf32>
    %dot_general3A_406 = arith.constant dense<0.000000e+00> : vector<1024x128xf32>
    %dot_general3A_407 = tpu.matmul %sub3A_402, %get3A_405, %dot_general3A_406 {dimension_numbers = #tpu.dot_dimension_numbers<[1], [0], [0], [1], [0, 0, 1, 1], [], []>, transpose_lhs_hint = false} : vector<1024x128xf32>, vector<128x128xf32>, vector<1024x128xf32> -> vector<1024x128xf32>
    %get3A_408 = arith.constant 0 : index
    %get3A_409 = arith.constant 0 : index
    %get3A_410 = vector.load %arg8[%get3A_408, %get3A_409] : memref<1x128xf32, #tpu.memory_space<vmem>>, vector<1x128xf32>
    %add3A_411 = vector.broadcast %get3A_410 : vector<1x128xf32> to vector<1024x128xf32>
    %add3A_412 = arith.addf %dot_general3A_407, %add3A_411 : vector<1024x128xf32>
    %slice3A_413 = vector.extract_strided_slice %transpose3A {offsets = [0, 7], sizes = [1024, 1], strides = [1, 1]} : vector<1024x8xf32> to vector<1024x1xf32>
    %mul3A_414 = vector.broadcast %slice3A_413 : vector<1024x1xf32> to vector<1024x128xf32>
    %mul3A_415 = arith.mulf %add3A_412, %mul3A_414 : vector<1024x128xf32>
    %get3A_416 = arith.constant 7168 : index
    %get3A_417 = arith.constant 0 : index
    %get3A_418 = vector.load %arg3[%get3A_416, %get3A_417] : memref<8192x128xf32, #tpu.memory_space<vmem>>, vector<1024x128xf32>
    %mul3A_419 = arith.mulf %mul3A_415, %get3A_418 : vector<1024x128xf32>
    %add3A_420 = arith.addf %add3A_366, %mul3A_419 : vector<1024x128xf32>
    %eq3A = arith.constant 0 : i32
    %eq3A_421 = arith.cmpi eq, %arg1, %eq3A : i32
    %convert_element_type3A = arith.extui %eq3A_421 : i1 to i32
    %cond3A = arith.constant 0 : i32
    %cond3A_422 = arith.cmpi ne, %convert_element_type3A, %cond3A : i32
    scf.if %cond3A_422 {
      %swap3A = arith.constant 0 : index
      %swap3A_432 = arith.constant 0 : index
      %swap3A_433 = vector.load %arg10[%swap3A, %swap3A_432] : memref<1024x128xf32, #tpu.memory_space<vmem>>, vector<1024x128xf32>
      tpu.vector_store %arg10[%swap3A, %swap3A_432], %add3A_420 {strides = array<i32>} : memref<1024x128xf32, #tpu.memory_space<vmem>>, vector<1024x128xf32>,
    } else {
    }
    %gt3A = arith.constant 0 : i32
    %gt3A_423 = arith.cmpi sgt, %arg1, %gt3A : i32
    %convert_element_type3A_424 = arith.extui %gt3A_423 : i1 to i32
    %cond3A_425 = arith.constant 0 : i32
    %cond3A_426 = arith.cmpi ne, %convert_element_type3A_424, %cond3A_425 : i32
    scf.if %cond3A_426 {
      %get3A_432 = arith.constant 0 : index
      %get3A_433 = arith.constant 0 : index
      %get3A_434 = vector.load %arg10[%get3A_432, %get3A_433] : memref<1024x128xf32, #tpu.memory_space<vmem>>, vector<1024x128xf32>
      %add3A_435 = arith.addf %get3A_434, %add3A_420 : vector<1024x128xf32>
      %swap3A = arith.constant 0 : index
      %swap3A_436 = arith.constant 0 : index
      %swap3A_437 = vector.load %arg10[%swap3A, %swap3A_436] : memref<1024x128xf32, #tpu.memory_space<vmem>>, vector<1024x128xf32>
      tpu.vector_store %arg10[%swap3A, %swap3A_436], %add3A_435 {strides = array<i32>} : memref<1024x128xf32, #tpu.memory_space<vmem>>, vector<1024x128xf32>,
    } else {
    }
    %eq3A_427 = arith.constant 1 : i32
    %eq3A_428 = arith.cmpi eq, %arg1, %eq3A_427 : i32
    %convert_element_type3A_429 = arith.extui %eq3A_428 : i1 to i32
    %cond3A_430 = arith.constant 0 : i32
    %cond3A_431 = arith.cmpi ne, %convert_element_type3A_429, %cond3A_430 : i32
    scf.if %cond3A_431 {
      %get3A_432 = arith.constant 0 : index
      %get3A_433 = arith.constant 0 : index
      %get3A_434 = vector.load %arg10[%get3A_432, %get3A_433] : memref<1024x128xf32, #tpu.memory_space<vmem>>, vector<1024x128xf32>
      %swap3A = arith.constant 0 : index
      %swap3A_435 = arith.constant 0 : index
      %swap3A_436 = vector.load %arg9[%swap3A, %swap3A_435] : memref<1024x128xf32, #tpu.memory_space<vmem>>, vector<1024x128xf32>
      tpu.vector_store %arg9[%swap3A, %swap3A_435], %get3A_434 {strides = array<i32>} : memref<1024x128xf32, #tpu.memory_space<vmem>>, vector<1024x128xf32>,
    } else {
    }
    return
  }
  func.func @transform_0(%arg0: i32, %arg1: i32) -> (i32, i32, i32, i32) {
    %add3A = arith.constant 6 : i32
    %add3A_0 = arith.addi %add3A, %arg1 : i32
    %c0_i32 = arith.constant 0 : i32
    %c0_i32_1 = arith.constant 0 : i32
    %c0_i32_2 = arith.constant 0 : i32
    return %arg0, %c0_i32, %add3A_0, %c0_i32_1 : i32, i32, i32, i32
  }
  func.func @transform_1(%arg0: i32, %arg1: i32) -> (i32, i32) {
    %mul3A = arith.constant 2 : i32
    %mul3A_0 = arith.muli %arg0, %mul3A : i32
    %add3A = arith.addi %mul3A_0, %arg1 : i32
    %c0_i32 = arith.constant 0 : i32
    %c0_i32_1 = arith.constant 0 : i32
    return %add3A, %c0_i32 : i32, i32
  }
  func.func @transform_2(%arg0: i32, %arg1: i32) -> (i32, i32, i32) {
    %add3A = arith.constant 6 : i32
    %add3A_0 = arith.addi %add3A, %arg1 : i32
    %c0_i32 = arith.constant 0 : i32
    %c0_i32_1 = arith.constant 0 : i32
    return %arg0, %add3A_0, %c0_i32 : i32, i32, i32
  }
  func.func @transform_3(%arg0: i32, %arg1: i32) -> (i32, i32) {
    %c0_i32 = arith.constant 0 : i32
    %c0_i32_0 = arith.constant 0 : i32
    %c0_i32_1 = arith.constant 0 : i32
    return %c0_i32, %c0_i32_0 : i32, i32
  }
  func.func @transform_4(%arg0: i32, %arg1: i32) -> (i32, i32) {
    %c0_i32 = arith.constant 0 : i32
    %c0_i32_0 = arith.constant 0 : i32
    %c0_i32_1 = arith.constant 0 : i32
    return %c0_i32, %c0_i32_0 : i32, i32
  }
  func.func @transform_5(%arg0: i32, %arg1: i32) -> (i32, i32) {
    %c0_i32 = arith.constant 0 : i32
    %c0_i32_0 = arith.constant 0 : i32
    %c0_i32_1 = arith.constant 0 : i32
    return %c0_i32, %c0_i32_0 : i32, i32
  }
  func.func @transform_6(%arg0: i32, %arg1: i32) -> (i32, i32) {
    %c0_i32 = arith.constant 0 : i32
    %c0_i32_0 = arith.constant 0 : i32
    %c0_i32_1 = arith.constant 0 : i32
    return %c0_i32, %c0_i32_0 : i32, i32
  }
  func.func @transform_7(%arg0: i32, %arg1: i32) -> (i32, i32) {
    %c0_i32 = arith.constant 0 : i32
    %c0_i32_0 = arith.constant 0 : i32
    return %arg0, %c0_i32 : i32, i32
  }
}

module attributes {stable_mosaic.version = 14 : i64} {
  func.func @_fused_kernel(%arg0: i32, %arg1: i32, %arg2: memref<1x50x8x1024xf32, #tpu.memory_space<vmem>>, %arg3: memref<8192x128xf32, #tpu.memory_space<vmem>>, %arg4: memref<1x8x1024xf32, #tpu.memory_space<vmem>>, %arg5: memref<50x128xf32, #tpu.memory_space<vmem>>, %arg6: memref<1x128xf32, #tpu.memory_space<vmem>>, %arg7: memref<128x128xf32, #tpu.memory_space<vmem>>, %arg8: memref<1x128xf32, #tpu.memory_space<vmem>>, %arg9: memref<1024x128xf32, #tpu.memory_space<vmem>>, %arg10: memref<1024x128xf32, #tpu.memory_space<vmem>>) attributes {dimension_semantics = [#tpu.dimension_semantics<arbitrary>, #tpu.dimension_semantics<arbitrary>], iteration_bounds = array<i64: 8, 2>, scalar_prefetch = 0 : i64, scratch_operands = 1 : i64, tpu.core_type = #tpu.core_type<tc>, window_params = [{transform_indices = @transform_0, window_bounds = array<i64: 1, 50, 8, 1024>}, {transform_indices = @transform_1, window_bounds = array<i64: 8192, 128>}, {transform_indices = @transform_2, window_bounds = array<i64: 1, 8, 1024>}, {pipeline_mode = #tpu.pipeline_mode<synchronous>, transform_indices = @transform_3, window_bounds = array<i64: 50, 128>}, {pipeline_mode = #tpu.pipeline_mode<synchronous>, transform_indices = @transform_4, window_bounds = array<i64: 1, 128>}, {pipeline_mode = #tpu.pipeline_mode<synchronous>, transform_indices = @transform_5, window_bounds = array<i64: 128, 128>}, {pipeline_mode = #tpu.pipeline_mode<synchronous>, transform_indices = @transform_6, window_bounds = array<i64: 1, 128>}, {transform_indices = @transform_7, window_bounds = array<i64: 1024, 128>}]} {
    %get3A = arith.constant 0 : index
    %get3A_0 = arith.constant 0 : index
    %get3A_1 = arith.constant 0 : index
    %get3A_2 = vector.load %arg4[%get3A, %get3A_0, %get3A_1] : memref<1x8x1024xf32, #tpu.memory_space<vmem>>, vector<1x8x1024xf32>
    %get3A_3 = vector.shape_cast %get3A_2 : vector<1x8x1024xf32> to vector<8x1024xf32>
    %transpose3A = tpu.transpose %get3A_3, [1, 0] : vector<8x1024xf32> -> vector<1024x8xf32>
    %get3A_4 = arith.constant 0 : index
    %get3A_5 = arith.constant 0 : index
    %get3A_6 = arith.constant 0 : index
    %get3A_7 = arith.constant 0 : index
    %get3A_8 = vector.load %arg2[%get3A_4, %get3A_5, %get3A_6, %get3A_7] : memref<1x50x8x1024xf32, #tpu.memory_space<vmem>>, vector<1x50x1x1024xf32>
    %get3A_9 = vector.shape_cast %get3A_8 : vector<1x50x1x1024xf32> to vector<50x1024xf32>
    %get3A_10 = arith.constant 0 : index
    %get3A_11 = arith.constant 0 : index
    %get3A_12 = vector.load %arg5[%get3A_10, %get3A_11] : memref<50x128xf32, #tpu.memory_space<vmem>>, vector<50x128xf32>
    %dot_general3A = arith.constant dense<0.000000e+00> : vector<1024x128xf32>
    %dot_general3A_13 = tpu.matmul %get3A_9, %get3A_12, %dot_general3A {dimension_numbers = #tpu.dot_dimension_numbers<[0], [0], [1], [1], [0, 1, 1, 1], [], []>, transpose_lhs_hint = false} : vector<50x1024xf32>, vector<50x128xf32>, vector<1024x128xf32> -> vector<1024x128xf32>
    %get3A_14 = arith.constant 0 : index
    %get3A_15 = arith.constant 0 : index
    %get3A_16 = vector.load %arg6[%get3A_14, %get3A_15] : memref<1x128xf32, #tpu.memory_space<vmem>>, vector<1x128xf32>
    %add3A = vector.broadcast %get3A_16 : vector<1x128xf32> to vector<1024x128xf32>
    %add3A_17 = arith.addf %dot_general3A_13, %add3A : vector<1024x128xf32>
    %custom_jvp_call3A = arith.constant 0.000000e+00 : f32
    %max3A = vector.broadcast %custom_jvp_call3A : f32 to vector<1024x128xf32>
    %max3A_18 = arith.maximumf %add3A_17, %max3A : vector<1024x128xf32>
    %sub3A = vector.broadcast %custom_jvp_call3A : f32 to vector<1024x128xf32>
    %sub3A_19 = arith.subf %add3A_17, %sub3A : vector<1024x128xf32>
    %ne3A = arith.cmpf one, %sub3A_19, %sub3A_19 : vector<1024x128xf32>
    %add3A_20 = vector.broadcast %custom_jvp_call3A : f32 to vector<1024x128xf32>
    %add3A_21 = arith.addf %add3A_17, %add3A_20 : vector<1024x128xf32>
    %abs3A = math.absf %sub3A_19 : vector<1024x128xf32>
    %neg3A = arith.constant 0.000000e+00 : f32
    %neg3A_22 = vector.broadcast %neg3A : f32 to vector<1024x128xf32>
    %neg3A_23 = arith.subf %neg3A_22, %abs3A : vector<1024x128xf32>
    %exp3A = math.exp %neg3A_23 : vector<1024x128xf32>
    %log1p3A = math.log1p %exp3A : vector<1024x128xf32>
    %add3A_24 = arith.addf %max3A_18, %log1p3A : vector<1024x128xf32>
    %select_n3A = arith.select %ne3A, %add3A_21, %add3A_24 : vector<1024x128xi1>, vector<1024x128xf32>
    %log3A = arith.constant 2.000000e+00 : f32
    %log3A_25 = math.log %log3A : f32
    %sub3A_26 = vector.broadcast %log3A_25 : f32 to vector<1024x128xf32>
    %sub3A_27 = arith.subf %select_n3A, %sub3A_26 : vector<1024x128xf32>
    %get3A_28 = arith.constant 0 : index
    %get3A_29 = arith.constant 0 : index
    %get3A_30 = vector.load %arg7[%get3A_28, %get3A_29] : memref<128x128xf32, #tpu.memory_space<vmem>>, vector<128x128xf32>
    %dot_general3A_31 = arith.constant dense<0.000000e+00> : vector<1024x128xf32>
    %dot_general3A_32 = tpu.matmul %sub3A_27, %get3A_30, %dot_general3A_31 {dimension_numbers = #tpu.dot_dimension_numbers<[1], [0], [0], [1], [0, 0, 1, 1], [], []>, transpose_lhs_hint = false} : vector<1024x128xf32>, vector<128x128xf32>, vector<1024x128xf32> -> vector<1024x128xf32>
    %get3A_33 = arith.constant 0 : index
    %get3A_34 = arith.constant 0 : index
    %get3A_35 = vector.load %arg8[%get3A_33, %get3A_34] : memref<1x128xf32, #tpu.memory_space<vmem>>, vector<1x128xf32>
    %add3A_36 = vector.broadcast %get3A_35 : vector<1x128xf32> to vector<1024x128xf32>
    %add3A_37 = arith.addf %dot_general3A_32, %add3A_36 : vector<1024x128xf32>
    %slice3A = vector.extract_strided_slice %transpose3A {offsets = [0, 0], sizes = [1024, 1], strides = [1, 1]} : vector<1024x8xf32> to vector<1024x1xf32>
    %mul3A = vector.broadcast %slice3A : vector<1024x1xf32> to vector<1024x128xf32>
    %mul3A_38 = arith.mulf %add3A_37, %mul3A : vector<1024x128xf32>
    %get3A_39 = arith.constant 0 : index
    %get3A_40 = arith.constant 0 : index
    %get3A_41 = vector.load %arg3[%get3A_39, %get3A_40] : memref<8192x128xf32, #tpu.memory_space<vmem>>, vector<1024x128xf32>
    %mul3A_42 = arith.mulf %mul3A_38, %get3A_41 : vector<1024x128xf32>
    %get3A_43 = arith.constant 0 : index
    %get3A_44 = arith.constant 0 : index
    %get3A_45 = arith.constant 1 : index
    %get3A_46 = arith.constant 0 : index
    %get3A_47 = vector.load %arg2[%get3A_43, %get3A_44, %get3A_45, %get3A_46] : memref<1x50x8x1024xf32, #tpu.memory_space<vmem>>, vector<1x50x1x1024xf32>
    %get3A_48 = vector.shape_cast %get3A_47 : vector<1x50x1x1024xf32> to vector<50x1024xf32>
    %get3A_49 = arith.constant 0 : index
    %get3A_50 = arith.constant 0 : index
    %get3A_51 = vector.load %arg5[%get3A_49, %get3A_50] : memref<50x128xf32, #tpu.memory_space<vmem>>, vector<50x128xf32>
    %dot_general3A_52 = arith.constant dense<0.000000e+00> : vector<1024x128xf32>
    %dot_general3A_53 = tpu.matmul %get3A_48, %get3A_51, %dot_general3A_52 {dimension_numbers = #tpu.dot_dimension_numbers<[0], [0], [1], [1], [0, 1, 1, 1], [], []>, transpose_lhs_hint = false} : vector<50x1024xf32>, vector<50x128xf32>, vector<1024x128xf32> -> vector<1024x128xf32>
    %get3A_54 = arith.constant 0 : index
    %get3A_55 = arith.constant 0 : index
    %get3A_56 = vector.load %arg6[%get3A_54, %get3A_55] : memref<1x128xf32, #tpu.memory_space<vmem>>, vector<1x128xf32>
    %add3A_57 = vector.broadcast %get3A_56 : vector<1x128xf32> to vector<1024x128xf32>
    %add3A_58 = arith.addf %dot_general3A_53, %add3A_57 : vector<1024x128xf32>
    %custom_jvp_call3A_59 = arith.constant 0.000000e+00 : f32
    %max3A_60 = vector.broadcast %custom_jvp_call3A_59 : f32 to vector<1024x128xf32>
    %max3A_61 = arith.maximumf %add3A_58, %max3A_60 : vector<1024x128xf32>
    %sub3A_62 = vector.broadcast %custom_jvp_call3A_59 : f32 to vector<1024x128xf32>
    %sub3A_63 = arith.subf %add3A_58, %sub3A_62 : vector<1024x128xf32>
    %ne3A_64 = arith.cmpf one, %sub3A_63, %sub3A_63 : vector<1024x128xf32>
    %add3A_65 = vector.broadcast %custom_jvp_call3A_59 : f32 to vector<1024x128xf32>
    %add3A_66 = arith.addf %add3A_58, %add3A_65 : vector<1024x128xf32>
    %abs3A_67 = math.absf %sub3A_63 : vector<1024x128xf32>
    %neg3A_68 = arith.constant 0.000000e+00 : f32
    %neg3A_69 = vector.broadcast %neg3A_68 : f32 to vector<1024x128xf32>
    %neg3A_70 = arith.subf %neg3A_69, %abs3A_67 : vector<1024x128xf32>
    %exp3A_71 = math.exp %neg3A_70 : vector<1024x128xf32>
    %log1p3A_72 = math.log1p %exp3A_71 : vector<1024x128xf32>
    %add3A_73 = arith.addf %max3A_61, %log1p3A_72 : vector<1024x128xf32>
    %select_n3A_74 = arith.select %ne3A_64, %add3A_66, %add3A_73 : vector<1024x128xi1>, vector<1024x128xf32>
    %log3A_75 = arith.constant 2.000000e+00 : f32
    %log3A_76 = math.log %log3A_75 : f32
    %sub3A_77 = vector.broadcast %log3A_76 : f32 to vector<1024x128xf32>
    %sub3A_78 = arith.subf %select_n3A_74, %sub3A_77 : vector<1024x128xf32>
    %get3A_79 = arith.constant 0 : index
    %get3A_80 = arith.constant 0 : index
    %get3A_81 = vector.load %arg7[%get3A_79, %get3A_80] : memref<128x128xf32, #tpu.memory_space<vmem>>, vector<128x128xf32>
    %dot_general3A_82 = arith.constant dense<0.000000e+00> : vector<1024x128xf32>
    %dot_general3A_83 = tpu.matmul %sub3A_78, %get3A_81, %dot_general3A_82 {dimension_numbers = #tpu.dot_dimension_numbers<[1], [0], [0], [1], [0, 0, 1, 1], [], []>, transpose_lhs_hint = false} : vector<1024x128xf32>, vector<128x128xf32>, vector<1024x128xf32> -> vector<1024x128xf32>
    %get3A_84 = arith.constant 0 : index
    %get3A_85 = arith.constant 0 : index
    %get3A_86 = vector.load %arg8[%get3A_84, %get3A_85] : memref<1x128xf32, #tpu.memory_space<vmem>>, vector<1x128xf32>
    %add3A_87 = vector.broadcast %get3A_86 : vector<1x128xf32> to vector<1024x128xf32>
    %add3A_88 = arith.addf %dot_general3A_83, %add3A_87 : vector<1024x128xf32>
    %slice3A_89 = vector.extract_strided_slice %transpose3A {offsets = [0, 1], sizes = [1024, 1], strides = [1, 1]} : vector<1024x8xf32> to vector<1024x1xf32>
    %mul3A_90 = vector.broadcast %slice3A_89 : vector<1024x1xf32> to vector<1024x128xf32>
    %mul3A_91 = arith.mulf %add3A_88, %mul3A_90 : vector<1024x128xf32>
    %get3A_92 = arith.constant 1024 : index
    %get3A_93 = arith.constant 0 : index
    %get3A_94 = vector.load %arg3[%get3A_92, %get3A_93] : memref<8192x128xf32, #tpu.memory_space<vmem>>, vector<1024x128xf32>
    %mul3A_95 = arith.mulf %mul3A_91, %get3A_94 : vector<1024x128xf32>
    %add3A_96 = arith.addf %mul3A_42, %mul3A_95 : vector<1024x128xf32>
    %get3A_97 = arith.constant 0 : index
    %get3A_98 = arith.constant 0 : index
    %get3A_99 = arith.constant 2 : index
    %get3A_100 = arith.constant 0 : index
    %get3A_101 = vector.load %arg2[%get3A_97, %get3A_98, %get3A_99, %get3A_100] : memref<1x50x8x1024xf32, #tpu.memory_space<vmem>>, vector<1x50x1x1024xf32>
    %get3A_102 = vector.shape_cast %get3A_101 : vector<1x50x1x1024xf32> to vector<50x1024xf32>
    %get3A_103 = arith.constant 0 : index
    %get3A_104 = arith.constant 0 : index
    %get3A_105 = vector.load %arg5[%get3A_103, %get3A_104] : memref<50x128xf32, #tpu.memory_space<vmem>>, vector<50x128xf32>
    %dot_general3A_106 = arith.constant dense<0.000000e+00> : vector<1024x128xf32>
    %dot_general3A_107 = tpu.matmul %get3A_102, %get3A_105, %dot_general3A_106 {dimension_numbers = #tpu.dot_dimension_numbers<[0], [0], [1], [1], [0, 1, 1, 1], [], []>, transpose_lhs_hint = false} : vector<50x1024xf32>, vector<50x128xf32>, vector<1024x128xf32> -> vector<1024x128xf32>
    %get3A_108 = arith.constant 0 : index
    %get3A_109 = arith.constant 0 : index
    %get3A_110 = vector.load %arg6[%get3A_108, %get3A_109] : memref<1x128xf32, #tpu.memory_space<vmem>>, vector<1x128xf32>
    %add3A_111 = vector.broadcast %get3A_110 : vector<1x128xf32> to vector<1024x128xf32>
    %add3A_112 = arith.addf %dot_general3A_107, %add3A_111 : vector<1024x128xf32>
    %custom_jvp_call3A_113 = arith.constant 0.000000e+00 : f32
    %max3A_114 = vector.broadcast %custom_jvp_call3A_113 : f32 to vector<1024x128xf32>
    %max3A_115 = arith.maximumf %add3A_112, %max3A_114 : vector<1024x128xf32>
    %sub3A_116 = vector.broadcast %custom_jvp_call3A_113 : f32 to vector<1024x128xf32>
    %sub3A_117 = arith.subf %add3A_112, %sub3A_116 : vector<1024x128xf32>
    %ne3A_118 = arith.cmpf one, %sub3A_117, %sub3A_117 : vector<1024x128xf32>
    %add3A_119 = vector.broadcast %custom_jvp_call3A_113 : f32 to vector<1024x128xf32>
    %add3A_120 = arith.addf %add3A_112, %add3A_119 : vector<1024x128xf32>
    %abs3A_121 = math.absf %sub3A_117 : vector<1024x128xf32>
    %neg3A_122 = arith.constant 0.000000e+00 : f32
    %neg3A_123 = vector.broadcast %neg3A_122 : f32 to vector<1024x128xf32>
    %neg3A_124 = arith.subf %neg3A_123, %abs3A_121 : vector<1024x128xf32>
    %exp3A_125 = math.exp %neg3A_124 : vector<1024x128xf32>
    %log1p3A_126 = math.log1p %exp3A_125 : vector<1024x128xf32>
    %add3A_127 = arith.addf %max3A_115, %log1p3A_126 : vector<1024x128xf32>
    %select_n3A_128 = arith.select %ne3A_118, %add3A_120, %add3A_127 : vector<1024x128xi1>, vector<1024x128xf32>
    %log3A_129 = arith.constant 2.000000e+00 : f32
    %log3A_130 = math.log %log3A_129 : f32
    %sub3A_131 = vector.broadcast %log3A_130 : f32 to vector<1024x128xf32>
    %sub3A_132 = arith.subf %select_n3A_128, %sub3A_131 : vector<1024x128xf32>
    %get3A_133 = arith.constant 0 : index
    %get3A_134 = arith.constant 0 : index
    %get3A_135 = vector.load %arg7[%get3A_133, %get3A_134] : memref<128x128xf32, #tpu.memory_space<vmem>>, vector<128x128xf32>
    %dot_general3A_136 = arith.constant dense<0.000000e+00> : vector<1024x128xf32>
    %dot_general3A_137 = tpu.matmul %sub3A_132, %get3A_135, %dot_general3A_136 {dimension_numbers = #tpu.dot_dimension_numbers<[1], [0], [0], [1], [0, 0, 1, 1], [], []>, transpose_lhs_hint = false} : vector<1024x128xf32>, vector<128x128xf32>, vector<1024x128xf32> -> vector<1024x128xf32>
    %get3A_138 = arith.constant 0 : index
    %get3A_139 = arith.constant 0 : index
    %get3A_140 = vector.load %arg8[%get3A_138, %get3A_139] : memref<1x128xf32, #tpu.memory_space<vmem>>, vector<1x128xf32>
    %add3A_141 = vector.broadcast %get3A_140 : vector<1x128xf32> to vector<1024x128xf32>
    %add3A_142 = arith.addf %dot_general3A_137, %add3A_141 : vector<1024x128xf32>
    %slice3A_143 = vector.extract_strided_slice %transpose3A {offsets = [0, 2], sizes = [1024, 1], strides = [1, 1]} : vector<1024x8xf32> to vector<1024x1xf32>
    %mul3A_144 = vector.broadcast %slice3A_143 : vector<1024x1xf32> to vector<1024x128xf32>
    %mul3A_145 = arith.mulf %add3A_142, %mul3A_144 : vector<1024x128xf32>
    %get3A_146 = arith.constant 2048 : index
    %get3A_147 = arith.constant 0 : index
    %get3A_148 = vector.load %arg3[%get3A_146, %get3A_147] : memref<8192x128xf32, #tpu.memory_space<vmem>>, vector<1024x128xf32>
    %mul3A_149 = arith.mulf %mul3A_145, %get3A_148 : vector<1024x128xf32>
    %add3A_150 = arith.addf %add3A_96, %mul3A_149 : vector<1024x128xf32>
    %get3A_151 = arith.constant 0 : index
    %get3A_152 = arith.constant 0 : index
    %get3A_153 = arith.constant 3 : index
    %get3A_154 = arith.constant 0 : index
    %get3A_155 = vector.load %arg2[%get3A_151, %get3A_152, %get3A_153, %get3A_154] : memref<1x50x8x1024xf32, #tpu.memory_space<vmem>>, vector<1x50x1x1024xf32>
    %get3A_156 = vector.shape_cast %get3A_155 : vector<1x50x1x1024xf32> to vector<50x1024xf32>
    %get3A_157 = arith.constant 0 : index
    %get3A_158 = arith.constant 0 : index
    %get3A_159 = vector.load %arg5[%get3A_157, %get3A_158] : memref<50x128xf32, #tpu.memory_space<vmem>>, vector<50x128xf32>
    %dot_general3A_160 = arith.constant dense<0.000000e+00> : vector<1024x128xf32>
    %dot_general3A_161 = tpu.matmul %get3A_156, %get3A_159, %dot_general3A_160 {dimension_numbers = #tpu.dot_dimension_numbers<[0], [0], [1], [1], [0, 1, 1, 1], [], []>, transpose_lhs_hint = false} : vector<50x1024xf32>, vector<50x128xf32>, vector<1024x128xf32> -> vector<1024x128xf32>
    %get3A_162 = arith.constant 0 : index
    %get3A_163 = arith.constant 0 : index
    %get3A_164 = vector.load %arg6[%get3A_162, %get3A_163] : memref<1x128xf32, #tpu.memory_space<vmem>>, vector<1x128xf32>
    %add3A_165 = vector.broadcast %get3A_164 : vector<1x128xf32> to vector<1024x128xf32>
    %add3A_166 = arith.addf %dot_general3A_161, %add3A_165 : vector<1024x128xf32>
    %custom_jvp_call3A_167 = arith.constant 0.000000e+00 : f32
    %max3A_168 = vector.broadcast %custom_jvp_call3A_167 : f32 to vector<1024x128xf32>
    %max3A_169 = arith.maximumf %add3A_166, %max3A_168 : vector<1024x128xf32>
    %sub3A_170 = vector.broadcast %custom_jvp_call3A_167 : f32 to vector<1024x128xf32>
    %sub3A_171 = arith.subf %add3A_166, %sub3A_170 : vector<1024x128xf32>
    %ne3A_172 = arith.cmpf one, %sub3A_171, %sub3A_171 : vector<1024x128xf32>
    %add3A_173 = vector.broadcast %custom_jvp_call3A_167 : f32 to vector<1024x128xf32>
    %add3A_174 = arith.addf %add3A_166, %add3A_173 : vector<1024x128xf32>
    %abs3A_175 = math.absf %sub3A_171 : vector<1024x128xf32>
    %neg3A_176 = arith.constant 0.000000e+00 : f32
    %neg3A_177 = vector.broadcast %neg3A_176 : f32 to vector<1024x128xf32>
    %neg3A_178 = arith.subf %neg3A_177, %abs3A_175 : vector<1024x128xf32>
    %exp3A_179 = math.exp %neg3A_178 : vector<1024x128xf32>
    %log1p3A_180 = math.log1p %exp3A_179 : vector<1024x128xf32>
    %add3A_181 = arith.addf %max3A_169, %log1p3A_180 : vector<1024x128xf32>
    %select_n3A_182 = arith.select %ne3A_172, %add3A_174, %add3A_181 : vector<1024x128xi1>, vector<1024x128xf32>
    %log3A_183 = arith.constant 2.000000e+00 : f32
    %log3A_184 = math.log %log3A_183 : f32
    %sub3A_185 = vector.broadcast %log3A_184 : f32 to vector<1024x128xf32>
    %sub3A_186 = arith.subf %select_n3A_182, %sub3A_185 : vector<1024x128xf32>
    %get3A_187 = arith.constant 0 : index
    %get3A_188 = arith.constant 0 : index
    %get3A_189 = vector.load %arg7[%get3A_187, %get3A_188] : memref<128x128xf32, #tpu.memory_space<vmem>>, vector<128x128xf32>
    %dot_general3A_190 = arith.constant dense<0.000000e+00> : vector<1024x128xf32>
    %dot_general3A_191 = tpu.matmul %sub3A_186, %get3A_189, %dot_general3A_190 {dimension_numbers = #tpu.dot_dimension_numbers<[1], [0], [0], [1], [0, 0, 1, 1], [], []>, transpose_lhs_hint = false} : vector<1024x128xf32>, vector<128x128xf32>, vector<1024x128xf32> -> vector<1024x128xf32>
    %get3A_192 = arith.constant 0 : index
    %get3A_193 = arith.constant 0 : index
    %get3A_194 = vector.load %arg8[%get3A_192, %get3A_193] : memref<1x128xf32, #tpu.memory_space<vmem>>, vector<1x128xf32>
    %add3A_195 = vector.broadcast %get3A_194 : vector<1x128xf32> to vector<1024x128xf32>
    %add3A_196 = arith.addf %dot_general3A_191, %add3A_195 : vector<1024x128xf32>
    %slice3A_197 = vector.extract_strided_slice %transpose3A {offsets = [0, 3], sizes = [1024, 1], strides = [1, 1]} : vector<1024x8xf32> to vector<1024x1xf32>
    %mul3A_198 = vector.broadcast %slice3A_197 : vector<1024x1xf32> to vector<1024x128xf32>
    %mul3A_199 = arith.mulf %add3A_196, %mul3A_198 : vector<1024x128xf32>
    %get3A_200 = arith.constant 3072 : index
    %get3A_201 = arith.constant 0 : index
    %get3A_202 = vector.load %arg3[%get3A_200, %get3A_201] : memref<8192x128xf32, #tpu.memory_space<vmem>>, vector<1024x128xf32>
    %mul3A_203 = arith.mulf %mul3A_199, %get3A_202 : vector<1024x128xf32>
    %add3A_204 = arith.addf %add3A_150, %mul3A_203 : vector<1024x128xf32>
    %get3A_205 = arith.constant 0 : index
    %get3A_206 = arith.constant 0 : index
    %get3A_207 = arith.constant 4 : index
    %get3A_208 = arith.constant 0 : index
    %get3A_209 = vector.load %arg2[%get3A_205, %get3A_206, %get3A_207, %get3A_208] : memref<1x50x8x1024xf32, #tpu.memory_space<vmem>>, vector<1x50x1x1024xf32>
    %get3A_210 = vector.shape_cast %get3A_209 : vector<1x50x1x1024xf32> to vector<50x1024xf32>
    %get3A_211 = arith.constant 0 : index
    %get3A_212 = arith.constant 0 : index
    %get3A_213 = vector.load %arg5[%get3A_211, %get3A_212] : memref<50x128xf32, #tpu.memory_space<vmem>>, vector<50x128xf32>
    %dot_general3A_214 = arith.constant dense<0.000000e+00> : vector<1024x128xf32>
    %dot_general3A_215 = tpu.matmul %get3A_210, %get3A_213, %dot_general3A_214 {dimension_numbers = #tpu.dot_dimension_numbers<[0], [0], [1], [1], [0, 1, 1, 1], [], []>, transpose_lhs_hint = false} : vector<50x1024xf32>, vector<50x128xf32>, vector<1024x128xf32> -> vector<1024x128xf32>
    %get3A_216 = arith.constant 0 : index
    %get3A_217 = arith.constant 0 : index
    %get3A_218 = vector.load %arg6[%get3A_216, %get3A_217] : memref<1x128xf32, #tpu.memory_space<vmem>>, vector<1x128xf32>
    %add3A_219 = vector.broadcast %get3A_218 : vector<1x128xf32> to vector<1024x128xf32>
    %add3A_220 = arith.addf %dot_general3A_215, %add3A_219 : vector<1024x128xf32>
    %custom_jvp_call3A_221 = arith.constant 0.000000e+00 : f32
    %max3A_222 = vector.broadcast %custom_jvp_call3A_221 : f32 to vector<1024x128xf32>
    %max3A_223 = arith.maximumf %add3A_220, %max3A_222 : vector<1024x128xf32>
    %sub3A_224 = vector.broadcast %custom_jvp_call3A_221 : f32 to vector<1024x128xf32>
    %sub3A_225 = arith.subf %add3A_220, %sub3A_224 : vector<1024x128xf32>
    %ne3A_226 = arith.cmpf one, %sub3A_225, %sub3A_225 : vector<1024x128xf32>
    %add3A_227 = vector.broadcast %custom_jvp_call3A_221 : f32 to vector<1024x128xf32>
    %add3A_228 = arith.addf %add3A_220, %add3A_227 : vector<1024x128xf32>
    %abs3A_229 = math.absf %sub3A_225 : vector<1024x128xf32>
    %neg3A_230 = arith.constant 0.000000e+00 : f32
    %neg3A_231 = vector.broadcast %neg3A_230 : f32 to vector<1024x128xf32>
    %neg3A_232 = arith.subf %neg3A_231, %abs3A_229 : vector<1024x128xf32>
    %exp3A_233 = math.exp %neg3A_232 : vector<1024x128xf32>
    %log1p3A_234 = math.log1p %exp3A_233 : vector<1024x128xf32>
    %add3A_235 = arith.addf %max3A_223, %log1p3A_234 : vector<1024x128xf32>
    %select_n3A_236 = arith.select %ne3A_226, %add3A_228, %add3A_235 : vector<1024x128xi1>, vector<1024x128xf32>
    %log3A_237 = arith.constant 2.000000e+00 : f32
    %log3A_238 = math.log %log3A_237 : f32
    %sub3A_239 = vector.broadcast %log3A_238 : f32 to vector<1024x128xf32>
    %sub3A_240 = arith.subf %select_n3A_236, %sub3A_239 : vector<1024x128xf32>
    %get3A_241 = arith.constant 0 : index
    %get3A_242 = arith.constant 0 : index
    %get3A_243 = vector.load %arg7[%get3A_241, %get3A_242] : memref<128x128xf32, #tpu.memory_space<vmem>>, vector<128x128xf32>
    %dot_general3A_244 = arith.constant dense<0.000000e+00> : vector<1024x128xf32>
    %dot_general3A_245 = tpu.matmul %sub3A_240, %get3A_243, %dot_general3A_244 {dimension_numbers = #tpu.dot_dimension_numbers<[1], [0], [0], [1], [0, 0, 1, 1], [], []>, transpose_lhs_hint = false} : vector<1024x128xf32>, vector<128x128xf32>, vector<1024x128xf32> -> vector<1024x128xf32>
    %get3A_246 = arith.constant 0 : index
    %get3A_247 = arith.constant 0 : index
    %get3A_248 = vector.load %arg8[%get3A_246, %get3A_247] : memref<1x128xf32, #tpu.memory_space<vmem>>, vector<1x128xf32>
    %add3A_249 = vector.broadcast %get3A_248 : vector<1x128xf32> to vector<1024x128xf32>
    %add3A_250 = arith.addf %dot_general3A_245, %add3A_249 : vector<1024x128xf32>
    %slice3A_251 = vector.extract_strided_slice %transpose3A {offsets = [0, 4], sizes = [1024, 1], strides = [1, 1]} : vector<1024x8xf32> to vector<1024x1xf32>
    %mul3A_252 = vector.broadcast %slice3A_251 : vector<1024x1xf32> to vector<1024x128xf32>
    %mul3A_253 = arith.mulf %add3A_250, %mul3A_252 : vector<1024x128xf32>
    %get3A_254 = arith.constant 4096 : index
    %get3A_255 = arith.constant 0 : index
    %get3A_256 = vector.load %arg3[%get3A_254, %get3A_255] : memref<8192x128xf32, #tpu.memory_space<vmem>>, vector<1024x128xf32>
    %mul3A_257 = arith.mulf %mul3A_253, %get3A_256 : vector<1024x128xf32>
    %add3A_258 = arith.addf %add3A_204, %mul3A_257 : vector<1024x128xf32>
    %get3A_259 = arith.constant 0 : index
    %get3A_260 = arith.constant 0 : index
    %get3A_261 = arith.constant 5 : index
    %get3A_262 = arith.constant 0 : index
    %get3A_263 = vector.load %arg2[%get3A_259, %get3A_260, %get3A_261, %get3A_262] : memref<1x50x8x1024xf32, #tpu.memory_space<vmem>>, vector<1x50x1x1024xf32>
    %get3A_264 = vector.shape_cast %get3A_263 : vector<1x50x1x1024xf32> to vector<50x1024xf32>
    %get3A_265 = arith.constant 0 : index
    %get3A_266 = arith.constant 0 : index
    %get3A_267 = vector.load %arg5[%get3A_265, %get3A_266] : memref<50x128xf32, #tpu.memory_space<vmem>>, vector<50x128xf32>
    %dot_general3A_268 = arith.constant dense<0.000000e+00> : vector<1024x128xf32>
    %dot_general3A_269 = tpu.matmul %get3A_264, %get3A_267, %dot_general3A_268 {dimension_numbers = #tpu.dot_dimension_numbers<[0], [0], [1], [1], [0, 1, 1, 1], [], []>, transpose_lhs_hint = false} : vector<50x1024xf32>, vector<50x128xf32>, vector<1024x128xf32> -> vector<1024x128xf32>
    %get3A_270 = arith.constant 0 : index
    %get3A_271 = arith.constant 0 : index
    %get3A_272 = vector.load %arg6[%get3A_270, %get3A_271] : memref<1x128xf32, #tpu.memory_space<vmem>>, vector<1x128xf32>
    %add3A_273 = vector.broadcast %get3A_272 : vector<1x128xf32> to vector<1024x128xf32>
    %add3A_274 = arith.addf %dot_general3A_269, %add3A_273 : vector<1024x128xf32>
    %custom_jvp_call3A_275 = arith.constant 0.000000e+00 : f32
    %max3A_276 = vector.broadcast %custom_jvp_call3A_275 : f32 to vector<1024x128xf32>
    %max3A_277 = arith.maximumf %add3A_274, %max3A_276 : vector<1024x128xf32>
    %sub3A_278 = vector.broadcast %custom_jvp_call3A_275 : f32 to vector<1024x128xf32>
    %sub3A_279 = arith.subf %add3A_274, %sub3A_278 : vector<1024x128xf32>
    %ne3A_280 = arith.cmpf one, %sub3A_279, %sub3A_279 : vector<1024x128xf32>
    %add3A_281 = vector.broadcast %custom_jvp_call3A_275 : f32 to vector<1024x128xf32>
    %add3A_282 = arith.addf %add3A_274, %add3A_281 : vector<1024x128xf32>
    %abs3A_283 = math.absf %sub3A_279 : vector<1024x128xf32>
    %neg3A_284 = arith.constant 0.000000e+00 : f32
    %neg3A_285 = vector.broadcast %neg3A_284 : f32 to vector<1024x128xf32>
    %neg3A_286 = arith.subf %neg3A_285, %abs3A_283 : vector<1024x128xf32>
    %exp3A_287 = math.exp %neg3A_286 : vector<1024x128xf32>
    %log1p3A_288 = math.log1p %exp3A_287 : vector<1024x128xf32>
    %add3A_289 = arith.addf %max3A_277, %log1p3A_288 : vector<1024x128xf32>
    %select_n3A_290 = arith.select %ne3A_280, %add3A_282, %add3A_289 : vector<1024x128xi1>, vector<1024x128xf32>
    %log3A_291 = arith.constant 2.000000e+00 : f32
    %log3A_292 = math.log %log3A_291 : f32
    %sub3A_293 = vector.broadcast %log3A_292 : f32 to vector<1024x128xf32>
    %sub3A_294 = arith.subf %select_n3A_290, %sub3A_293 : vector<1024x128xf32>
    %get3A_295 = arith.constant 0 : index
    %get3A_296 = arith.constant 0 : index
    %get3A_297 = vector.load %arg7[%get3A_295, %get3A_296] : memref<128x128xf32, #tpu.memory_space<vmem>>, vector<128x128xf32>
    %dot_general3A_298 = arith.constant dense<0.000000e+00> : vector<1024x128xf32>
    %dot_general3A_299 = tpu.matmul %sub3A_294, %get3A_297, %dot_general3A_298 {dimension_numbers = #tpu.dot_dimension_numbers<[1], [0], [0], [1], [0, 0, 1, 1], [], []>, transpose_lhs_hint = false} : vector<1024x128xf32>, vector<128x128xf32>, vector<1024x128xf32> -> vector<1024x128xf32>
    %get3A_300 = arith.constant 0 : index
    %get3A_301 = arith.constant 0 : index
    %get3A_302 = vector.load %arg8[%get3A_300, %get3A_301] : memref<1x128xf32, #tpu.memory_space<vmem>>, vector<1x128xf32>
    %add3A_303 = vector.broadcast %get3A_302 : vector<1x128xf32> to vector<1024x128xf32>
    %add3A_304 = arith.addf %dot_general3A_299, %add3A_303 : vector<1024x128xf32>
    %slice3A_305 = vector.extract_strided_slice %transpose3A {offsets = [0, 5], sizes = [1024, 1], strides = [1, 1]} : vector<1024x8xf32> to vector<1024x1xf32>
    %mul3A_306 = vector.broadcast %slice3A_305 : vector<1024x1xf32> to vector<1024x128xf32>
    %mul3A_307 = arith.mulf %add3A_304, %mul3A_306 : vector<1024x128xf32>
    %get3A_308 = arith.constant 5120 : index
    %get3A_309 = arith.constant 0 : index
    %get3A_310 = vector.load %arg3[%get3A_308, %get3A_309] : memref<8192x128xf32, #tpu.memory_space<vmem>>, vector<1024x128xf32>
    %mul3A_311 = arith.mulf %mul3A_307, %get3A_310 : vector<1024x128xf32>
    %add3A_312 = arith.addf %add3A_258, %mul3A_311 : vector<1024x128xf32>
    %get3A_313 = arith.constant 0 : index
    %get3A_314 = arith.constant 0 : index
    %get3A_315 = arith.constant 6 : index
    %get3A_316 = arith.constant 0 : index
    %get3A_317 = vector.load %arg2[%get3A_313, %get3A_314, %get3A_315, %get3A_316] : memref<1x50x8x1024xf32, #tpu.memory_space<vmem>>, vector<1x50x1x1024xf32>
    %get3A_318 = vector.shape_cast %get3A_317 : vector<1x50x1x1024xf32> to vector<50x1024xf32>
    %get3A_319 = arith.constant 0 : index
    %get3A_320 = arith.constant 0 : index
    %get3A_321 = vector.load %arg5[%get3A_319, %get3A_320] : memref<50x128xf32, #tpu.memory_space<vmem>>, vector<50x128xf32>
    %dot_general3A_322 = arith.constant dense<0.000000e+00> : vector<1024x128xf32>
    %dot_general3A_323 = tpu.matmul %get3A_318, %get3A_321, %dot_general3A_322 {dimension_numbers = #tpu.dot_dimension_numbers<[0], [0], [1], [1], [0, 1, 1, 1], [], []>, transpose_lhs_hint = false} : vector<50x1024xf32>, vector<50x128xf32>, vector<1024x128xf32> -> vector<1024x128xf32>
    %get3A_324 = arith.constant 0 : index
    %get3A_325 = arith.constant 0 : index
    %get3A_326 = vector.load %arg6[%get3A_324, %get3A_325] : memref<1x128xf32, #tpu.memory_space<vmem>>, vector<1x128xf32>
    %add3A_327 = vector.broadcast %get3A_326 : vector<1x128xf32> to vector<1024x128xf32>
    %add3A_328 = arith.addf %dot_general3A_323, %add3A_327 : vector<1024x128xf32>
    %custom_jvp_call3A_329 = arith.constant 0.000000e+00 : f32
    %max3A_330 = vector.broadcast %custom_jvp_call3A_329 : f32 to vector<1024x128xf32>
    %max3A_331 = arith.maximumf %add3A_328, %max3A_330 : vector<1024x128xf32>
    %sub3A_332 = vector.broadcast %custom_jvp_call3A_329 : f32 to vector<1024x128xf32>
    %sub3A_333 = arith.subf %add3A_328, %sub3A_332 : vector<1024x128xf32>
    %ne3A_334 = arith.cmpf one, %sub3A_333, %sub3A_333 : vector<1024x128xf32>
    %add3A_335 = vector.broadcast %custom_jvp_call3A_329 : f32 to vector<1024x128xf32>
    %add3A_336 = arith.addf %add3A_328, %add3A_335 : vector<1024x128xf32>
    %abs3A_337 = math.absf %sub3A_333 : vector<1024x128xf32>
    %neg3A_338 = arith.constant 0.000000e+00 : f32
    %neg3A_339 = vector.broadcast %neg3A_338 : f32 to vector<1024x128xf32>
    %neg3A_340 = arith.subf %neg3A_339, %abs3A_337 : vector<1024x128xf32>
    %exp3A_341 = math.exp %neg3A_340 : vector<1024x128xf32>
    %log1p3A_342 = math.log1p %exp3A_341 : vector<1024x128xf32>
    %add3A_343 = arith.addf %max3A_331, %log1p3A_342 : vector<1024x128xf32>
    %select_n3A_344 = arith.select %ne3A_334, %add3A_336, %add3A_343 : vector<1024x128xi1>, vector<1024x128xf32>
    %log3A_345 = arith.constant 2.000000e+00 : f32
    %log3A_346 = math.log %log3A_345 : f32
    %sub3A_347 = vector.broadcast %log3A_346 : f32 to vector<1024x128xf32>
    %sub3A_348 = arith.subf %select_n3A_344, %sub3A_347 : vector<1024x128xf32>
    %get3A_349 = arith.constant 0 : index
    %get3A_350 = arith.constant 0 : index
    %get3A_351 = vector.load %arg7[%get3A_349, %get3A_350] : memref<128x128xf32, #tpu.memory_space<vmem>>, vector<128x128xf32>
    %dot_general3A_352 = arith.constant dense<0.000000e+00> : vector<1024x128xf32>
    %dot_general3A_353 = tpu.matmul %sub3A_348, %get3A_351, %dot_general3A_352 {dimension_numbers = #tpu.dot_dimension_numbers<[1], [0], [0], [1], [0, 0, 1, 1], [], []>, transpose_lhs_hint = false} : vector<1024x128xf32>, vector<128x128xf32>, vector<1024x128xf32> -> vector<1024x128xf32>
    %get3A_354 = arith.constant 0 : index
    %get3A_355 = arith.constant 0 : index
    %get3A_356 = vector.load %arg8[%get3A_354, %get3A_355] : memref<1x128xf32, #tpu.memory_space<vmem>>, vector<1x128xf32>
    %add3A_357 = vector.broadcast %get3A_356 : vector<1x128xf32> to vector<1024x128xf32>
    %add3A_358 = arith.addf %dot_general3A_353, %add3A_357 : vector<1024x128xf32>
    %slice3A_359 = vector.extract_strided_slice %transpose3A {offsets = [0, 6], sizes = [1024, 1], strides = [1, 1]} : vector<1024x8xf32> to vector<1024x1xf32>
    %mul3A_360 = vector.broadcast %slice3A_359 : vector<1024x1xf32> to vector<1024x128xf32>
    %mul3A_361 = arith.mulf %add3A_358, %mul3A_360 : vector<1024x128xf32>
    %get3A_362 = arith.constant 6144 : index
    %get3A_363 = arith.constant 0 : index
    %get3A_364 = vector.load %arg3[%get3A_362, %get3A_363] : memref<8192x128xf32, #tpu.memory_space<vmem>>, vector<1024x128xf32>
    %mul3A_365 = arith.mulf %mul3A_361, %get3A_364 : vector<1024x128xf32>
    %add3A_366 = arith.addf %add3A_312, %mul3A_365 : vector<1024x128xf32>
    %get3A_367 = arith.constant 0 : index
    %get3A_368 = arith.constant 0 : index
    %get3A_369 = arith.constant 7 : index
    %get3A_370 = arith.constant 0 : index
    %get3A_371 = vector.load %arg2[%get3A_367, %get3A_368, %get3A_369, %get3A_370] : memref<1x50x8x1024xf32, #tpu.memory_space<vmem>>, vector<1x50x1x1024xf32>
    %get3A_372 = vector.shape_cast %get3A_371 : vector<1x50x1x1024xf32> to vector<50x1024xf32>
    %get3A_373 = arith.constant 0 : index
    %get3A_374 = arith.constant 0 : index
    %get3A_375 = vector.load %arg5[%get3A_373, %get3A_374] : memref<50x128xf32, #tpu.memory_space<vmem>>, vector<50x128xf32>
    %dot_general3A_376 = arith.constant dense<0.000000e+00> : vector<1024x128xf32>
    %dot_general3A_377 = tpu.matmul %get3A_372, %get3A_375, %dot_general3A_376 {dimension_numbers = #tpu.dot_dimension_numbers<[0], [0], [1], [1], [0, 1, 1, 1], [], []>, transpose_lhs_hint = false} : vector<50x1024xf32>, vector<50x128xf32>, vector<1024x128xf32> -> vector<1024x128xf32>
    %get3A_378 = arith.constant 0 : index
    %get3A_379 = arith.constant 0 : index
    %get3A_380 = vector.load %arg6[%get3A_378, %get3A_379] : memref<1x128xf32, #tpu.memory_space<vmem>>, vector<1x128xf32>
    %add3A_381 = vector.broadcast %get3A_380 : vector<1x128xf32> to vector<1024x128xf32>
    %add3A_382 = arith.addf %dot_general3A_377, %add3A_381 : vector<1024x128xf32>
    %custom_jvp_call3A_383 = arith.constant 0.000000e+00 : f32
    %max3A_384 = vector.broadcast %custom_jvp_call3A_383 : f32 to vector<1024x128xf32>
    %max3A_385 = arith.maximumf %add3A_382, %max3A_384 : vector<1024x128xf32>
    %sub3A_386 = vector.broadcast %custom_jvp_call3A_383 : f32 to vector<1024x128xf32>
    %sub3A_387 = arith.subf %add3A_382, %sub3A_386 : vector<1024x128xf32>
    %ne3A_388 = arith.cmpf one, %sub3A_387, %sub3A_387 : vector<1024x128xf32>
    %add3A_389 = vector.broadcast %custom_jvp_call3A_383 : f32 to vector<1024x128xf32>
    %add3A_390 = arith.addf %add3A_382, %add3A_389 : vector<1024x128xf32>
    %abs3A_391 = math.absf %sub3A_387 : vector<1024x128xf32>
    %neg3A_392 = arith.constant 0.000000e+00 : f32
    %neg3A_393 = vector.broadcast %neg3A_392 : f32 to vector<1024x128xf32>
    %neg3A_394 = arith.subf %neg3A_393, %abs3A_391 : vector<1024x128xf32>
    %exp3A_395 = math.exp %neg3A_394 : vector<1024x128xf32>
    %log1p3A_396 = math.log1p %exp3A_395 : vector<1024x128xf32>
    %add3A_397 = arith.addf %max3A_385, %log1p3A_396 : vector<1024x128xf32>
    %select_n3A_398 = arith.select %ne3A_388, %add3A_390, %add3A_397 : vector<1024x128xi1>, vector<1024x128xf32>
    %log3A_399 = arith.constant 2.000000e+00 : f32
    %log3A_400 = math.log %log3A_399 : f32
    %sub3A_401 = vector.broadcast %log3A_400 : f32 to vector<1024x128xf32>
    %sub3A_402 = arith.subf %select_n3A_398, %sub3A_401 : vector<1024x128xf32>
    %get3A_403 = arith.constant 0 : index
    %get3A_404 = arith.constant 0 : index
    %get3A_405 = vector.load %arg7[%get3A_403, %get3A_404] : memref<128x128xf32, #tpu.memory_space<vmem>>, vector<128x128xf32>
    %dot_general3A_406 = arith.constant dense<0.000000e+00> : vector<1024x128xf32>
    %dot_general3A_407 = tpu.matmul %sub3A_402, %get3A_405, %dot_general3A_406 {dimension_numbers = #tpu.dot_dimension_numbers<[1], [0], [0], [1], [0, 0, 1, 1], [], []>, transpose_lhs_hint = false} : vector<1024x128xf32>, vector<128x128xf32>, vector<1024x128xf32> -> vector<1024x128xf32>
    %get3A_408 = arith.constant 0 : index
    %get3A_409 = arith.constant 0 : index
    %get3A_410 = vector.load %arg8[%get3A_408, %get3A_409] : memref<1x128xf32, #tpu.memory_space<vmem>>, vector<1x128xf32>
    %add3A_411 = vector.broadcast %get3A_410 : vector<1x128xf32> to vector<1024x128xf32>
    %add3A_412 = arith.addf %dot_general3A_407, %add3A_411 : vector<1024x128xf32>
    %slice3A_413 = vector.extract_strided_slice %transpose3A {offsets = [0, 7], sizes = [1024, 1], strides = [1, 1]} : vector<1024x8xf32> to vector<1024x1xf32>
    %mul3A_414 = vector.broadcast %slice3A_413 : vector<1024x1xf32> to vector<1024x128xf32>
    %mul3A_415 = arith.mulf %add3A_412, %mul3A_414 : vector<1024x128xf32>
    %get3A_416 = arith.constant 7168 : index
    %get3A_417 = arith.constant 0 : index
    %get3A_418 = vector.load %arg3[%get3A_416, %get3A_417] : memref<8192x128xf32, #tpu.memory_space<vmem>>, vector<1024x128xf32>
    %mul3A_419 = arith.mulf %mul3A_415, %get3A_418 : vector<1024x128xf32>
    %add3A_420 = arith.addf %add3A_366, %mul3A_419 : vector<1024x128xf32>
    %eq3A = arith.constant 0 : i32
    %eq3A_421 = arith.cmpi eq, %arg1, %eq3A : i32
    %convert_element_type3A = arith.extui %eq3A_421 : i1 to i32
    %cond3A = arith.constant 0 : i32
    %cond3A_422 = arith.cmpi ne, %convert_element_type3A, %cond3A : i32
    scf.if %cond3A_422 {
      %swap3A = arith.constant 0 : index
      %swap3A_432 = arith.constant 0 : index
      %swap3A_433 = vector.load %arg10[%swap3A, %swap3A_432] : memref<1024x128xf32, #tpu.memory_space<vmem>>, vector<1024x128xf32>
      tpu.vector_store %arg10[%swap3A, %swap3A_432], %add3A_420 {strides = array<i32>} : memref<1024x128xf32, #tpu.memory_space<vmem>>, vector<1024x128xf32>,
    } else {
    }
    %gt3A = arith.constant 0 : i32
    %gt3A_423 = arith.cmpi sgt, %arg1, %gt3A : i32
    %convert_element_type3A_424 = arith.extui %gt3A_423 : i1 to i32
    %cond3A_425 = arith.constant 0 : i32
    %cond3A_426 = arith.cmpi ne, %convert_element_type3A_424, %cond3A_425 : i32
    scf.if %cond3A_426 {
      %get3A_432 = arith.constant 0 : index
      %get3A_433 = arith.constant 0 : index
      %get3A_434 = vector.load %arg10[%get3A_432, %get3A_433] : memref<1024x128xf32, #tpu.memory_space<vmem>>, vector<1024x128xf32>
      %add3A_435 = arith.addf %get3A_434, %add3A_420 : vector<1024x128xf32>
      %swap3A = arith.constant 0 : index
      %swap3A_436 = arith.constant 0 : index
      %swap3A_437 = vector.load %arg10[%swap3A, %swap3A_436] : memref<1024x128xf32, #tpu.memory_space<vmem>>, vector<1024x128xf32>
      tpu.vector_store %arg10[%swap3A, %swap3A_436], %add3A_435 {strides = array<i32>} : memref<1024x128xf32, #tpu.memory_space<vmem>>, vector<1024x128xf32>,
    } else {
    }
    %eq3A_427 = arith.constant 1 : i32
    %eq3A_428 = arith.cmpi eq, %arg1, %eq3A_427 : i32
    %convert_element_type3A_429 = arith.extui %eq3A_428 : i1 to i32
    %cond3A_430 = arith.constant 0 : i32
    %cond3A_431 = arith.cmpi ne, %convert_element_type3A_429, %cond3A_430 : i32
    scf.if %cond3A_431 {
      %get3A_432 = arith.constant 0 : index
      %get3A_433 = arith.constant 0 : index
      %get3A_434 = vector.load %arg10[%get3A_432, %get3A_433] : memref<1024x128xf32, #tpu.memory_space<vmem>>, vector<1024x128xf32>
      %swap3A = arith.constant 0 : index
      %swap3A_435 = arith.constant 0 : index
      %swap3A_436 = vector.load %arg9[%swap3A, %swap3A_435] : memref<1024x128xf32, #tpu.memory_space<vmem>>, vector<1024x128xf32>
      tpu.vector_store %arg9[%swap3A, %swap3A_435], %get3A_434 {strides = array<i32>} : memref<1024x128xf32, #tpu.memory_space<vmem>>, vector<1024x128xf32>,
    } else {
    }
    return
  }
  func.func @transform_0(%arg0: i32, %arg1: i32) -> (i32, i32, i32, i32) {
    %add3A = arith.constant 4 : i32
    %add3A_0 = arith.addi %add3A, %arg1 : i32
    %c0_i32 = arith.constant 0 : i32
    %c0_i32_1 = arith.constant 0 : i32
    %c0_i32_2 = arith.constant 0 : i32
    return %arg0, %c0_i32, %add3A_0, %c0_i32_1 : i32, i32, i32, i32
  }
  func.func @transform_1(%arg0: i32, %arg1: i32) -> (i32, i32) {
    %mul3A = arith.constant 2 : i32
    %mul3A_0 = arith.muli %arg0, %mul3A : i32
    %add3A = arith.addi %mul3A_0, %arg1 : i32
    %c0_i32 = arith.constant 0 : i32
    %c0_i32_1 = arith.constant 0 : i32
    return %add3A, %c0_i32 : i32, i32
  }
  func.func @transform_2(%arg0: i32, %arg1: i32) -> (i32, i32, i32) {
    %add3A = arith.constant 4 : i32
    %add3A_0 = arith.addi %add3A, %arg1 : i32
    %c0_i32 = arith.constant 0 : i32
    %c0_i32_1 = arith.constant 0 : i32
    return %arg0, %add3A_0, %c0_i32 : i32, i32, i32
  }
  func.func @transform_3(%arg0: i32, %arg1: i32) -> (i32, i32) {
    %c0_i32 = arith.constant 0 : i32
    %c0_i32_0 = arith.constant 0 : i32
    %c0_i32_1 = arith.constant 0 : i32
    return %c0_i32, %c0_i32_0 : i32, i32
  }
  func.func @transform_4(%arg0: i32, %arg1: i32) -> (i32, i32) {
    %c0_i32 = arith.constant 0 : i32
    %c0_i32_0 = arith.constant 0 : i32
    %c0_i32_1 = arith.constant 0 : i32
    return %c0_i32, %c0_i32_0 : i32, i32
  }
  func.func @transform_5(%arg0: i32, %arg1: i32) -> (i32, i32) {
    %c0_i32 = arith.constant 0 : i32
    %c0_i32_0 = arith.constant 0 : i32
    %c0_i32_1 = arith.constant 0 : i32
    return %c0_i32, %c0_i32_0 : i32, i32
  }
  func.func @transform_6(%arg0: i32, %arg1: i32) -> (i32, i32) {
    %c0_i32 = arith.constant 0 : i32
    %c0_i32_0 = arith.constant 0 : i32
    %c0_i32_1 = arith.constant 0 : i32
    return %c0_i32, %c0_i32_0 : i32, i32
  }
  func.func @transform_7(%arg0: i32, %arg1: i32) -> (i32, i32) {
    %c0_i32 = arith.constant 0 : i32
    %c0_i32_0 = arith.constant 0 : i32
    return %arg0, %c0_i32 : i32, i32
  }
}

module attributes {stable_mosaic.version = 14 : i64} {
  func.func @_fused_kernel(%arg0: i32, %arg1: i32, %arg2: memref<1x50x8x1024xf32, #tpu.memory_space<vmem>>, %arg3: memref<8192x128xf32, #tpu.memory_space<vmem>>, %arg4: memref<1x8x1024xf32, #tpu.memory_space<vmem>>, %arg5: memref<50x128xf32, #tpu.memory_space<vmem>>, %arg6: memref<1x128xf32, #tpu.memory_space<vmem>>, %arg7: memref<128x128xf32, #tpu.memory_space<vmem>>, %arg8: memref<1x128xf32, #tpu.memory_space<vmem>>, %arg9: memref<1024x128xf32, #tpu.memory_space<vmem>>, %arg10: memref<1024x128xf32, #tpu.memory_space<vmem>>) attributes {dimension_semantics = [#tpu.dimension_semantics<arbitrary>, #tpu.dimension_semantics<arbitrary>], iteration_bounds = array<i64: 8, 2>, scalar_prefetch = 0 : i64, scratch_operands = 1 : i64, tpu.core_type = #tpu.core_type<tc>, window_params = [{transform_indices = @transform_0, window_bounds = array<i64: 1, 50, 8, 1024>}, {transform_indices = @transform_1, window_bounds = array<i64: 8192, 128>}, {transform_indices = @transform_2, window_bounds = array<i64: 1, 8, 1024>}, {pipeline_mode = #tpu.pipeline_mode<synchronous>, transform_indices = @transform_3, window_bounds = array<i64: 50, 128>}, {pipeline_mode = #tpu.pipeline_mode<synchronous>, transform_indices = @transform_4, window_bounds = array<i64: 1, 128>}, {pipeline_mode = #tpu.pipeline_mode<synchronous>, transform_indices = @transform_5, window_bounds = array<i64: 128, 128>}, {pipeline_mode = #tpu.pipeline_mode<synchronous>, transform_indices = @transform_6, window_bounds = array<i64: 1, 128>}, {transform_indices = @transform_7, window_bounds = array<i64: 1024, 128>}]} {
    %get3A = arith.constant 0 : index
    %get3A_0 = arith.constant 0 : index
    %get3A_1 = arith.constant 0 : index
    %get3A_2 = vector.load %arg4[%get3A, %get3A_0, %get3A_1] : memref<1x8x1024xf32, #tpu.memory_space<vmem>>, vector<1x8x1024xf32>
    %get3A_3 = vector.shape_cast %get3A_2 : vector<1x8x1024xf32> to vector<8x1024xf32>
    %transpose3A = tpu.transpose %get3A_3, [1, 0] : vector<8x1024xf32> -> vector<1024x8xf32>
    %get3A_4 = arith.constant 0 : index
    %get3A_5 = arith.constant 0 : index
    %get3A_6 = arith.constant 0 : index
    %get3A_7 = arith.constant 0 : index
    %get3A_8 = vector.load %arg2[%get3A_4, %get3A_5, %get3A_6, %get3A_7] : memref<1x50x8x1024xf32, #tpu.memory_space<vmem>>, vector<1x50x1x1024xf32>
    %get3A_9 = vector.shape_cast %get3A_8 : vector<1x50x1x1024xf32> to vector<50x1024xf32>
    %get3A_10 = arith.constant 0 : index
    %get3A_11 = arith.constant 0 : index
    %get3A_12 = vector.load %arg5[%get3A_10, %get3A_11] : memref<50x128xf32, #tpu.memory_space<vmem>>, vector<50x128xf32>
    %dot_general3A = arith.constant dense<0.000000e+00> : vector<1024x128xf32>
    %dot_general3A_13 = tpu.matmul %get3A_9, %get3A_12, %dot_general3A {dimension_numbers = #tpu.dot_dimension_numbers<[0], [0], [1], [1], [0, 1, 1, 1], [], []>, transpose_lhs_hint = false} : vector<50x1024xf32>, vector<50x128xf32>, vector<1024x128xf32> -> vector<1024x128xf32>
    %get3A_14 = arith.constant 0 : index
    %get3A_15 = arith.constant 0 : index
    %get3A_16 = vector.load %arg6[%get3A_14, %get3A_15] : memref<1x128xf32, #tpu.memory_space<vmem>>, vector<1x128xf32>
    %add3A = vector.broadcast %get3A_16 : vector<1x128xf32> to vector<1024x128xf32>
    %add3A_17 = arith.addf %dot_general3A_13, %add3A : vector<1024x128xf32>
    %custom_jvp_call3A = arith.constant 0.000000e+00 : f32
    %max3A = vector.broadcast %custom_jvp_call3A : f32 to vector<1024x128xf32>
    %max3A_18 = arith.maximumf %add3A_17, %max3A : vector<1024x128xf32>
    %sub3A = vector.broadcast %custom_jvp_call3A : f32 to vector<1024x128xf32>
    %sub3A_19 = arith.subf %add3A_17, %sub3A : vector<1024x128xf32>
    %ne3A = arith.cmpf one, %sub3A_19, %sub3A_19 : vector<1024x128xf32>
    %add3A_20 = vector.broadcast %custom_jvp_call3A : f32 to vector<1024x128xf32>
    %add3A_21 = arith.addf %add3A_17, %add3A_20 : vector<1024x128xf32>
    %abs3A = math.absf %sub3A_19 : vector<1024x128xf32>
    %neg3A = arith.constant 0.000000e+00 : f32
    %neg3A_22 = vector.broadcast %neg3A : f32 to vector<1024x128xf32>
    %neg3A_23 = arith.subf %neg3A_22, %abs3A : vector<1024x128xf32>
    %exp3A = math.exp %neg3A_23 : vector<1024x128xf32>
    %log1p3A = math.log1p %exp3A : vector<1024x128xf32>
    %add3A_24 = arith.addf %max3A_18, %log1p3A : vector<1024x128xf32>
    %select_n3A = arith.select %ne3A, %add3A_21, %add3A_24 : vector<1024x128xi1>, vector<1024x128xf32>
    %log3A = arith.constant 2.000000e+00 : f32
    %log3A_25 = math.log %log3A : f32
    %sub3A_26 = vector.broadcast %log3A_25 : f32 to vector<1024x128xf32>
    %sub3A_27 = arith.subf %select_n3A, %sub3A_26 : vector<1024x128xf32>
    %get3A_28 = arith.constant 0 : index
    %get3A_29 = arith.constant 0 : index
    %get3A_30 = vector.load %arg7[%get3A_28, %get3A_29] : memref<128x128xf32, #tpu.memory_space<vmem>>, vector<128x128xf32>
    %dot_general3A_31 = arith.constant dense<0.000000e+00> : vector<1024x128xf32>
    %dot_general3A_32 = tpu.matmul %sub3A_27, %get3A_30, %dot_general3A_31 {dimension_numbers = #tpu.dot_dimension_numbers<[1], [0], [0], [1], [0, 0, 1, 1], [], []>, transpose_lhs_hint = false} : vector<1024x128xf32>, vector<128x128xf32>, vector<1024x128xf32> -> vector<1024x128xf32>
    %get3A_33 = arith.constant 0 : index
    %get3A_34 = arith.constant 0 : index
    %get3A_35 = vector.load %arg8[%get3A_33, %get3A_34] : memref<1x128xf32, #tpu.memory_space<vmem>>, vector<1x128xf32>
    %add3A_36 = vector.broadcast %get3A_35 : vector<1x128xf32> to vector<1024x128xf32>
    %add3A_37 = arith.addf %dot_general3A_32, %add3A_36 : vector<1024x128xf32>
    %slice3A = vector.extract_strided_slice %transpose3A {offsets = [0, 0], sizes = [1024, 1], strides = [1, 1]} : vector<1024x8xf32> to vector<1024x1xf32>
    %mul3A = vector.broadcast %slice3A : vector<1024x1xf32> to vector<1024x128xf32>
    %mul3A_38 = arith.mulf %add3A_37, %mul3A : vector<1024x128xf32>
    %get3A_39 = arith.constant 0 : index
    %get3A_40 = arith.constant 0 : index
    %get3A_41 = vector.load %arg3[%get3A_39, %get3A_40] : memref<8192x128xf32, #tpu.memory_space<vmem>>, vector<1024x128xf32>
    %mul3A_42 = arith.mulf %mul3A_38, %get3A_41 : vector<1024x128xf32>
    %get3A_43 = arith.constant 0 : index
    %get3A_44 = arith.constant 0 : index
    %get3A_45 = arith.constant 1 : index
    %get3A_46 = arith.constant 0 : index
    %get3A_47 = vector.load %arg2[%get3A_43, %get3A_44, %get3A_45, %get3A_46] : memref<1x50x8x1024xf32, #tpu.memory_space<vmem>>, vector<1x50x1x1024xf32>
    %get3A_48 = vector.shape_cast %get3A_47 : vector<1x50x1x1024xf32> to vector<50x1024xf32>
    %get3A_49 = arith.constant 0 : index
    %get3A_50 = arith.constant 0 : index
    %get3A_51 = vector.load %arg5[%get3A_49, %get3A_50] : memref<50x128xf32, #tpu.memory_space<vmem>>, vector<50x128xf32>
    %dot_general3A_52 = arith.constant dense<0.000000e+00> : vector<1024x128xf32>
    %dot_general3A_53 = tpu.matmul %get3A_48, %get3A_51, %dot_general3A_52 {dimension_numbers = #tpu.dot_dimension_numbers<[0], [0], [1], [1], [0, 1, 1, 1], [], []>, transpose_lhs_hint = false} : vector<50x1024xf32>, vector<50x128xf32>, vector<1024x128xf32> -> vector<1024x128xf32>
    %get3A_54 = arith.constant 0 : index
    %get3A_55 = arith.constant 0 : index
    %get3A_56 = vector.load %arg6[%get3A_54, %get3A_55] : memref<1x128xf32, #tpu.memory_space<vmem>>, vector<1x128xf32>
    %add3A_57 = vector.broadcast %get3A_56 : vector<1x128xf32> to vector<1024x128xf32>
    %add3A_58 = arith.addf %dot_general3A_53, %add3A_57 : vector<1024x128xf32>
    %custom_jvp_call3A_59 = arith.constant 0.000000e+00 : f32
    %max3A_60 = vector.broadcast %custom_jvp_call3A_59 : f32 to vector<1024x128xf32>
    %max3A_61 = arith.maximumf %add3A_58, %max3A_60 : vector<1024x128xf32>
    %sub3A_62 = vector.broadcast %custom_jvp_call3A_59 : f32 to vector<1024x128xf32>
    %sub3A_63 = arith.subf %add3A_58, %sub3A_62 : vector<1024x128xf32>
    %ne3A_64 = arith.cmpf one, %sub3A_63, %sub3A_63 : vector<1024x128xf32>
    %add3A_65 = vector.broadcast %custom_jvp_call3A_59 : f32 to vector<1024x128xf32>
    %add3A_66 = arith.addf %add3A_58, %add3A_65 : vector<1024x128xf32>
    %abs3A_67 = math.absf %sub3A_63 : vector<1024x128xf32>
    %neg3A_68 = arith.constant 0.000000e+00 : f32
    %neg3A_69 = vector.broadcast %neg3A_68 : f32 to vector<1024x128xf32>
    %neg3A_70 = arith.subf %neg3A_69, %abs3A_67 : vector<1024x128xf32>
    %exp3A_71 = math.exp %neg3A_70 : vector<1024x128xf32>
    %log1p3A_72 = math.log1p %exp3A_71 : vector<1024x128xf32>
    %add3A_73 = arith.addf %max3A_61, %log1p3A_72 : vector<1024x128xf32>
    %select_n3A_74 = arith.select %ne3A_64, %add3A_66, %add3A_73 : vector<1024x128xi1>, vector<1024x128xf32>
    %log3A_75 = arith.constant 2.000000e+00 : f32
    %log3A_76 = math.log %log3A_75 : f32
    %sub3A_77 = vector.broadcast %log3A_76 : f32 to vector<1024x128xf32>
    %sub3A_78 = arith.subf %select_n3A_74, %sub3A_77 : vector<1024x128xf32>
    %get3A_79 = arith.constant 0 : index
    %get3A_80 = arith.constant 0 : index
    %get3A_81 = vector.load %arg7[%get3A_79, %get3A_80] : memref<128x128xf32, #tpu.memory_space<vmem>>, vector<128x128xf32>
    %dot_general3A_82 = arith.constant dense<0.000000e+00> : vector<1024x128xf32>
    %dot_general3A_83 = tpu.matmul %sub3A_78, %get3A_81, %dot_general3A_82 {dimension_numbers = #tpu.dot_dimension_numbers<[1], [0], [0], [1], [0, 0, 1, 1], [], []>, transpose_lhs_hint = false} : vector<1024x128xf32>, vector<128x128xf32>, vector<1024x128xf32> -> vector<1024x128xf32>
    %get3A_84 = arith.constant 0 : index
    %get3A_85 = arith.constant 0 : index
    %get3A_86 = vector.load %arg8[%get3A_84, %get3A_85] : memref<1x128xf32, #tpu.memory_space<vmem>>, vector<1x128xf32>
    %add3A_87 = vector.broadcast %get3A_86 : vector<1x128xf32> to vector<1024x128xf32>
    %add3A_88 = arith.addf %dot_general3A_83, %add3A_87 : vector<1024x128xf32>
    %slice3A_89 = vector.extract_strided_slice %transpose3A {offsets = [0, 1], sizes = [1024, 1], strides = [1, 1]} : vector<1024x8xf32> to vector<1024x1xf32>
    %mul3A_90 = vector.broadcast %slice3A_89 : vector<1024x1xf32> to vector<1024x128xf32>
    %mul3A_91 = arith.mulf %add3A_88, %mul3A_90 : vector<1024x128xf32>
    %get3A_92 = arith.constant 1024 : index
    %get3A_93 = arith.constant 0 : index
    %get3A_94 = vector.load %arg3[%get3A_92, %get3A_93] : memref<8192x128xf32, #tpu.memory_space<vmem>>, vector<1024x128xf32>
    %mul3A_95 = arith.mulf %mul3A_91, %get3A_94 : vector<1024x128xf32>
    %add3A_96 = arith.addf %mul3A_42, %mul3A_95 : vector<1024x128xf32>
    %get3A_97 = arith.constant 0 : index
    %get3A_98 = arith.constant 0 : index
    %get3A_99 = arith.constant 2 : index
    %get3A_100 = arith.constant 0 : index
    %get3A_101 = vector.load %arg2[%get3A_97, %get3A_98, %get3A_99, %get3A_100] : memref<1x50x8x1024xf32, #tpu.memory_space<vmem>>, vector<1x50x1x1024xf32>
    %get3A_102 = vector.shape_cast %get3A_101 : vector<1x50x1x1024xf32> to vector<50x1024xf32>
    %get3A_103 = arith.constant 0 : index
    %get3A_104 = arith.constant 0 : index
    %get3A_105 = vector.load %arg5[%get3A_103, %get3A_104] : memref<50x128xf32, #tpu.memory_space<vmem>>, vector<50x128xf32>
    %dot_general3A_106 = arith.constant dense<0.000000e+00> : vector<1024x128xf32>
    %dot_general3A_107 = tpu.matmul %get3A_102, %get3A_105, %dot_general3A_106 {dimension_numbers = #tpu.dot_dimension_numbers<[0], [0], [1], [1], [0, 1, 1, 1], [], []>, transpose_lhs_hint = false} : vector<50x1024xf32>, vector<50x128xf32>, vector<1024x128xf32> -> vector<1024x128xf32>
    %get3A_108 = arith.constant 0 : index
    %get3A_109 = arith.constant 0 : index
    %get3A_110 = vector.load %arg6[%get3A_108, %get3A_109] : memref<1x128xf32, #tpu.memory_space<vmem>>, vector<1x128xf32>
    %add3A_111 = vector.broadcast %get3A_110 : vector<1x128xf32> to vector<1024x128xf32>
    %add3A_112 = arith.addf %dot_general3A_107, %add3A_111 : vector<1024x128xf32>
    %custom_jvp_call3A_113 = arith.constant 0.000000e+00 : f32
    %max3A_114 = vector.broadcast %custom_jvp_call3A_113 : f32 to vector<1024x128xf32>
    %max3A_115 = arith.maximumf %add3A_112, %max3A_114 : vector<1024x128xf32>
    %sub3A_116 = vector.broadcast %custom_jvp_call3A_113 : f32 to vector<1024x128xf32>
    %sub3A_117 = arith.subf %add3A_112, %sub3A_116 : vector<1024x128xf32>
    %ne3A_118 = arith.cmpf one, %sub3A_117, %sub3A_117 : vector<1024x128xf32>
    %add3A_119 = vector.broadcast %custom_jvp_call3A_113 : f32 to vector<1024x128xf32>
    %add3A_120 = arith.addf %add3A_112, %add3A_119 : vector<1024x128xf32>
    %abs3A_121 = math.absf %sub3A_117 : vector<1024x128xf32>
    %neg3A_122 = arith.constant 0.000000e+00 : f32
    %neg3A_123 = vector.broadcast %neg3A_122 : f32 to vector<1024x128xf32>
    %neg3A_124 = arith.subf %neg3A_123, %abs3A_121 : vector<1024x128xf32>
    %exp3A_125 = math.exp %neg3A_124 : vector<1024x128xf32>
    %log1p3A_126 = math.log1p %exp3A_125 : vector<1024x128xf32>
    %add3A_127 = arith.addf %max3A_115, %log1p3A_126 : vector<1024x128xf32>
    %select_n3A_128 = arith.select %ne3A_118, %add3A_120, %add3A_127 : vector<1024x128xi1>, vector<1024x128xf32>
    %log3A_129 = arith.constant 2.000000e+00 : f32
    %log3A_130 = math.log %log3A_129 : f32
    %sub3A_131 = vector.broadcast %log3A_130 : f32 to vector<1024x128xf32>
    %sub3A_132 = arith.subf %select_n3A_128, %sub3A_131 : vector<1024x128xf32>
    %get3A_133 = arith.constant 0 : index
    %get3A_134 = arith.constant 0 : index
    %get3A_135 = vector.load %arg7[%get3A_133, %get3A_134] : memref<128x128xf32, #tpu.memory_space<vmem>>, vector<128x128xf32>
    %dot_general3A_136 = arith.constant dense<0.000000e+00> : vector<1024x128xf32>
    %dot_general3A_137 = tpu.matmul %sub3A_132, %get3A_135, %dot_general3A_136 {dimension_numbers = #tpu.dot_dimension_numbers<[1], [0], [0], [1], [0, 0, 1, 1], [], []>, transpose_lhs_hint = false} : vector<1024x128xf32>, vector<128x128xf32>, vector<1024x128xf32> -> vector<1024x128xf32>
    %get3A_138 = arith.constant 0 : index
    %get3A_139 = arith.constant 0 : index
    %get3A_140 = vector.load %arg8[%get3A_138, %get3A_139] : memref<1x128xf32, #tpu.memory_space<vmem>>, vector<1x128xf32>
    %add3A_141 = vector.broadcast %get3A_140 : vector<1x128xf32> to vector<1024x128xf32>
    %add3A_142 = arith.addf %dot_general3A_137, %add3A_141 : vector<1024x128xf32>
    %slice3A_143 = vector.extract_strided_slice %transpose3A {offsets = [0, 2], sizes = [1024, 1], strides = [1, 1]} : vector<1024x8xf32> to vector<1024x1xf32>
    %mul3A_144 = vector.broadcast %slice3A_143 : vector<1024x1xf32> to vector<1024x128xf32>
    %mul3A_145 = arith.mulf %add3A_142, %mul3A_144 : vector<1024x128xf32>
    %get3A_146 = arith.constant 2048 : index
    %get3A_147 = arith.constant 0 : index
    %get3A_148 = vector.load %arg3[%get3A_146, %get3A_147] : memref<8192x128xf32, #tpu.memory_space<vmem>>, vector<1024x128xf32>
    %mul3A_149 = arith.mulf %mul3A_145, %get3A_148 : vector<1024x128xf32>
    %add3A_150 = arith.addf %add3A_96, %mul3A_149 : vector<1024x128xf32>
    %get3A_151 = arith.constant 0 : index
    %get3A_152 = arith.constant 0 : index
    %get3A_153 = arith.constant 3 : index
    %get3A_154 = arith.constant 0 : index
    %get3A_155 = vector.load %arg2[%get3A_151, %get3A_152, %get3A_153, %get3A_154] : memref<1x50x8x1024xf32, #tpu.memory_space<vmem>>, vector<1x50x1x1024xf32>
    %get3A_156 = vector.shape_cast %get3A_155 : vector<1x50x1x1024xf32> to vector<50x1024xf32>
    %get3A_157 = arith.constant 0 : index
    %get3A_158 = arith.constant 0 : index
    %get3A_159 = vector.load %arg5[%get3A_157, %get3A_158] : memref<50x128xf32, #tpu.memory_space<vmem>>, vector<50x128xf32>
    %dot_general3A_160 = arith.constant dense<0.000000e+00> : vector<1024x128xf32>
    %dot_general3A_161 = tpu.matmul %get3A_156, %get3A_159, %dot_general3A_160 {dimension_numbers = #tpu.dot_dimension_numbers<[0], [0], [1], [1], [0, 1, 1, 1], [], []>, transpose_lhs_hint = false} : vector<50x1024xf32>, vector<50x128xf32>, vector<1024x128xf32> -> vector<1024x128xf32>
    %get3A_162 = arith.constant 0 : index
    %get3A_163 = arith.constant 0 : index
    %get3A_164 = vector.load %arg6[%get3A_162, %get3A_163] : memref<1x128xf32, #tpu.memory_space<vmem>>, vector<1x128xf32>
    %add3A_165 = vector.broadcast %get3A_164 : vector<1x128xf32> to vector<1024x128xf32>
    %add3A_166 = arith.addf %dot_general3A_161, %add3A_165 : vector<1024x128xf32>
    %custom_jvp_call3A_167 = arith.constant 0.000000e+00 : f32
    %max3A_168 = vector.broadcast %custom_jvp_call3A_167 : f32 to vector<1024x128xf32>
    %max3A_169 = arith.maximumf %add3A_166, %max3A_168 : vector<1024x128xf32>
    %sub3A_170 = vector.broadcast %custom_jvp_call3A_167 : f32 to vector<1024x128xf32>
    %sub3A_171 = arith.subf %add3A_166, %sub3A_170 : vector<1024x128xf32>
    %ne3A_172 = arith.cmpf one, %sub3A_171, %sub3A_171 : vector<1024x128xf32>
    %add3A_173 = vector.broadcast %custom_jvp_call3A_167 : f32 to vector<1024x128xf32>
    %add3A_174 = arith.addf %add3A_166, %add3A_173 : vector<1024x128xf32>
    %abs3A_175 = math.absf %sub3A_171 : vector<1024x128xf32>
    %neg3A_176 = arith.constant 0.000000e+00 : f32
    %neg3A_177 = vector.broadcast %neg3A_176 : f32 to vector<1024x128xf32>
    %neg3A_178 = arith.subf %neg3A_177, %abs3A_175 : vector<1024x128xf32>
    %exp3A_179 = math.exp %neg3A_178 : vector<1024x128xf32>
    %log1p3A_180 = math.log1p %exp3A_179 : vector<1024x128xf32>
    %add3A_181 = arith.addf %max3A_169, %log1p3A_180 : vector<1024x128xf32>
    %select_n3A_182 = arith.select %ne3A_172, %add3A_174, %add3A_181 : vector<1024x128xi1>, vector<1024x128xf32>
    %log3A_183 = arith.constant 2.000000e+00 : f32
    %log3A_184 = math.log %log3A_183 : f32
    %sub3A_185 = vector.broadcast %log3A_184 : f32 to vector<1024x128xf32>
    %sub3A_186 = arith.subf %select_n3A_182, %sub3A_185 : vector<1024x128xf32>
    %get3A_187 = arith.constant 0 : index
    %get3A_188 = arith.constant 0 : index
    %get3A_189 = vector.load %arg7[%get3A_187, %get3A_188] : memref<128x128xf32, #tpu.memory_space<vmem>>, vector<128x128xf32>
    %dot_general3A_190 = arith.constant dense<0.000000e+00> : vector<1024x128xf32>
    %dot_general3A_191 = tpu.matmul %sub3A_186, %get3A_189, %dot_general3A_190 {dimension_numbers = #tpu.dot_dimension_numbers<[1], [0], [0], [1], [0, 0, 1, 1], [], []>, transpose_lhs_hint = false} : vector<1024x128xf32>, vector<128x128xf32>, vector<1024x128xf32> -> vector<1024x128xf32>
    %get3A_192 = arith.constant 0 : index
    %get3A_193 = arith.constant 0 : index
    %get3A_194 = vector.load %arg8[%get3A_192, %get3A_193] : memref<1x128xf32, #tpu.memory_space<vmem>>, vector<1x128xf32>
    %add3A_195 = vector.broadcast %get3A_194 : vector<1x128xf32> to vector<1024x128xf32>
    %add3A_196 = arith.addf %dot_general3A_191, %add3A_195 : vector<1024x128xf32>
    %slice3A_197 = vector.extract_strided_slice %transpose3A {offsets = [0, 3], sizes = [1024, 1], strides = [1, 1]} : vector<1024x8xf32> to vector<1024x1xf32>
    %mul3A_198 = vector.broadcast %slice3A_197 : vector<1024x1xf32> to vector<1024x128xf32>
    %mul3A_199 = arith.mulf %add3A_196, %mul3A_198 : vector<1024x128xf32>
    %get3A_200 = arith.constant 3072 : index
    %get3A_201 = arith.constant 0 : index
    %get3A_202 = vector.load %arg3[%get3A_200, %get3A_201] : memref<8192x128xf32, #tpu.memory_space<vmem>>, vector<1024x128xf32>
    %mul3A_203 = arith.mulf %mul3A_199, %get3A_202 : vector<1024x128xf32>
    %add3A_204 = arith.addf %add3A_150, %mul3A_203 : vector<1024x128xf32>
    %get3A_205 = arith.constant 0 : index
    %get3A_206 = arith.constant 0 : index
    %get3A_207 = arith.constant 4 : index
    %get3A_208 = arith.constant 0 : index
    %get3A_209 = vector.load %arg2[%get3A_205, %get3A_206, %get3A_207, %get3A_208] : memref<1x50x8x1024xf32, #tpu.memory_space<vmem>>, vector<1x50x1x1024xf32>
    %get3A_210 = vector.shape_cast %get3A_209 : vector<1x50x1x1024xf32> to vector<50x1024xf32>
    %get3A_211 = arith.constant 0 : index
    %get3A_212 = arith.constant 0 : index
    %get3A_213 = vector.load %arg5[%get3A_211, %get3A_212] : memref<50x128xf32, #tpu.memory_space<vmem>>, vector<50x128xf32>
    %dot_general3A_214 = arith.constant dense<0.000000e+00> : vector<1024x128xf32>
    %dot_general3A_215 = tpu.matmul %get3A_210, %get3A_213, %dot_general3A_214 {dimension_numbers = #tpu.dot_dimension_numbers<[0], [0], [1], [1], [0, 1, 1, 1], [], []>, transpose_lhs_hint = false} : vector<50x1024xf32>, vector<50x128xf32>, vector<1024x128xf32> -> vector<1024x128xf32>
    %get3A_216 = arith.constant 0 : index
    %get3A_217 = arith.constant 0 : index
    %get3A_218 = vector.load %arg6[%get3A_216, %get3A_217] : memref<1x128xf32, #tpu.memory_space<vmem>>, vector<1x128xf32>
    %add3A_219 = vector.broadcast %get3A_218 : vector<1x128xf32> to vector<1024x128xf32>
    %add3A_220 = arith.addf %dot_general3A_215, %add3A_219 : vector<1024x128xf32>
    %custom_jvp_call3A_221 = arith.constant 0.000000e+00 : f32
    %max3A_222 = vector.broadcast %custom_jvp_call3A_221 : f32 to vector<1024x128xf32>
    %max3A_223 = arith.maximumf %add3A_220, %max3A_222 : vector<1024x128xf32>
    %sub3A_224 = vector.broadcast %custom_jvp_call3A_221 : f32 to vector<1024x128xf32>
    %sub3A_225 = arith.subf %add3A_220, %sub3A_224 : vector<1024x128xf32>
    %ne3A_226 = arith.cmpf one, %sub3A_225, %sub3A_225 : vector<1024x128xf32>
    %add3A_227 = vector.broadcast %custom_jvp_call3A_221 : f32 to vector<1024x128xf32>
    %add3A_228 = arith.addf %add3A_220, %add3A_227 : vector<1024x128xf32>
    %abs3A_229 = math.absf %sub3A_225 : vector<1024x128xf32>
    %neg3A_230 = arith.constant 0.000000e+00 : f32
    %neg3A_231 = vector.broadcast %neg3A_230 : f32 to vector<1024x128xf32>
    %neg3A_232 = arith.subf %neg3A_231, %abs3A_229 : vector<1024x128xf32>
    %exp3A_233 = math.exp %neg3A_232 : vector<1024x128xf32>
    %log1p3A_234 = math.log1p %exp3A_233 : vector<1024x128xf32>
    %add3A_235 = arith.addf %max3A_223, %log1p3A_234 : vector<1024x128xf32>
    %select_n3A_236 = arith.select %ne3A_226, %add3A_228, %add3A_235 : vector<1024x128xi1>, vector<1024x128xf32>
    %log3A_237 = arith.constant 2.000000e+00 : f32
    %log3A_238 = math.log %log3A_237 : f32
    %sub3A_239 = vector.broadcast %log3A_238 : f32 to vector<1024x128xf32>
    %sub3A_240 = arith.subf %select_n3A_236, %sub3A_239 : vector<1024x128xf32>
    %get3A_241 = arith.constant 0 : index
    %get3A_242 = arith.constant 0 : index
    %get3A_243 = vector.load %arg7[%get3A_241, %get3A_242] : memref<128x128xf32, #tpu.memory_space<vmem>>, vector<128x128xf32>
    %dot_general3A_244 = arith.constant dense<0.000000e+00> : vector<1024x128xf32>
    %dot_general3A_245 = tpu.matmul %sub3A_240, %get3A_243, %dot_general3A_244 {dimension_numbers = #tpu.dot_dimension_numbers<[1], [0], [0], [1], [0, 0, 1, 1], [], []>, transpose_lhs_hint = false} : vector<1024x128xf32>, vector<128x128xf32>, vector<1024x128xf32> -> vector<1024x128xf32>
    %get3A_246 = arith.constant 0 : index
    %get3A_247 = arith.constant 0 : index
    %get3A_248 = vector.load %arg8[%get3A_246, %get3A_247] : memref<1x128xf32, #tpu.memory_space<vmem>>, vector<1x128xf32>
    %add3A_249 = vector.broadcast %get3A_248 : vector<1x128xf32> to vector<1024x128xf32>
    %add3A_250 = arith.addf %dot_general3A_245, %add3A_249 : vector<1024x128xf32>
    %slice3A_251 = vector.extract_strided_slice %transpose3A {offsets = [0, 4], sizes = [1024, 1], strides = [1, 1]} : vector<1024x8xf32> to vector<1024x1xf32>
    %mul3A_252 = vector.broadcast %slice3A_251 : vector<1024x1xf32> to vector<1024x128xf32>
    %mul3A_253 = arith.mulf %add3A_250, %mul3A_252 : vector<1024x128xf32>
    %get3A_254 = arith.constant 4096 : index
    %get3A_255 = arith.constant 0 : index
    %get3A_256 = vector.load %arg3[%get3A_254, %get3A_255] : memref<8192x128xf32, #tpu.memory_space<vmem>>, vector<1024x128xf32>
    %mul3A_257 = arith.mulf %mul3A_253, %get3A_256 : vector<1024x128xf32>
    %add3A_258 = arith.addf %add3A_204, %mul3A_257 : vector<1024x128xf32>
    %get3A_259 = arith.constant 0 : index
    %get3A_260 = arith.constant 0 : index
    %get3A_261 = arith.constant 5 : index
    %get3A_262 = arith.constant 0 : index
    %get3A_263 = vector.load %arg2[%get3A_259, %get3A_260, %get3A_261, %get3A_262] : memref<1x50x8x1024xf32, #tpu.memory_space<vmem>>, vector<1x50x1x1024xf32>
    %get3A_264 = vector.shape_cast %get3A_263 : vector<1x50x1x1024xf32> to vector<50x1024xf32>
    %get3A_265 = arith.constant 0 : index
    %get3A_266 = arith.constant 0 : index
    %get3A_267 = vector.load %arg5[%get3A_265, %get3A_266] : memref<50x128xf32, #tpu.memory_space<vmem>>, vector<50x128xf32>
    %dot_general3A_268 = arith.constant dense<0.000000e+00> : vector<1024x128xf32>
    %dot_general3A_269 = tpu.matmul %get3A_264, %get3A_267, %dot_general3A_268 {dimension_numbers = #tpu.dot_dimension_numbers<[0], [0], [1], [1], [0, 1, 1, 1], [], []>, transpose_lhs_hint = false} : vector<50x1024xf32>, vector<50x128xf32>, vector<1024x128xf32> -> vector<1024x128xf32>
    %get3A_270 = arith.constant 0 : index
    %get3A_271 = arith.constant 0 : index
    %get3A_272 = vector.load %arg6[%get3A_270, %get3A_271] : memref<1x128xf32, #tpu.memory_space<vmem>>, vector<1x128xf32>
    %add3A_273 = vector.broadcast %get3A_272 : vector<1x128xf32> to vector<1024x128xf32>
    %add3A_274 = arith.addf %dot_general3A_269, %add3A_273 : vector<1024x128xf32>
    %custom_jvp_call3A_275 = arith.constant 0.000000e+00 : f32
    %max3A_276 = vector.broadcast %custom_jvp_call3A_275 : f32 to vector<1024x128xf32>
    %max3A_277 = arith.maximumf %add3A_274, %max3A_276 : vector<1024x128xf32>
    %sub3A_278 = vector.broadcast %custom_jvp_call3A_275 : f32 to vector<1024x128xf32>
    %sub3A_279 = arith.subf %add3A_274, %sub3A_278 : vector<1024x128xf32>
    %ne3A_280 = arith.cmpf one, %sub3A_279, %sub3A_279 : vector<1024x128xf32>
    %add3A_281 = vector.broadcast %custom_jvp_call3A_275 : f32 to vector<1024x128xf32>
    %add3A_282 = arith.addf %add3A_274, %add3A_281 : vector<1024x128xf32>
    %abs3A_283 = math.absf %sub3A_279 : vector<1024x128xf32>
    %neg3A_284 = arith.constant 0.000000e+00 : f32
    %neg3A_285 = vector.broadcast %neg3A_284 : f32 to vector<1024x128xf32>
    %neg3A_286 = arith.subf %neg3A_285, %abs3A_283 : vector<1024x128xf32>
    %exp3A_287 = math.exp %neg3A_286 : vector<1024x128xf32>
    %log1p3A_288 = math.log1p %exp3A_287 : vector<1024x128xf32>
    %add3A_289 = arith.addf %max3A_277, %log1p3A_288 : vector<1024x128xf32>
    %select_n3A_290 = arith.select %ne3A_280, %add3A_282, %add3A_289 : vector<1024x128xi1>, vector<1024x128xf32>
    %log3A_291 = arith.constant 2.000000e+00 : f32
    %log3A_292 = math.log %log3A_291 : f32
    %sub3A_293 = vector.broadcast %log3A_292 : f32 to vector<1024x128xf32>
    %sub3A_294 = arith.subf %select_n3A_290, %sub3A_293 : vector<1024x128xf32>
    %get3A_295 = arith.constant 0 : index
    %get3A_296 = arith.constant 0 : index
    %get3A_297 = vector.load %arg7[%get3A_295, %get3A_296] : memref<128x128xf32, #tpu.memory_space<vmem>>, vector<128x128xf32>
    %dot_general3A_298 = arith.constant dense<0.000000e+00> : vector<1024x128xf32>
    %dot_general3A_299 = tpu.matmul %sub3A_294, %get3A_297, %dot_general3A_298 {dimension_numbers = #tpu.dot_dimension_numbers<[1], [0], [0], [1], [0, 0, 1, 1], [], []>, transpose_lhs_hint = false} : vector<1024x128xf32>, vector<128x128xf32>, vector<1024x128xf32> -> vector<1024x128xf32>
    %get3A_300 = arith.constant 0 : index
    %get3A_301 = arith.constant 0 : index
    %get3A_302 = vector.load %arg8[%get3A_300, %get3A_301] : memref<1x128xf32, #tpu.memory_space<vmem>>, vector<1x128xf32>
    %add3A_303 = vector.broadcast %get3A_302 : vector<1x128xf32> to vector<1024x128xf32>
    %add3A_304 = arith.addf %dot_general3A_299, %add3A_303 : vector<1024x128xf32>
    %slice3A_305 = vector.extract_strided_slice %transpose3A {offsets = [0, 5], sizes = [1024, 1], strides = [1, 1]} : vector<1024x8xf32> to vector<1024x1xf32>
    %mul3A_306 = vector.broadcast %slice3A_305 : vector<1024x1xf32> to vector<1024x128xf32>
    %mul3A_307 = arith.mulf %add3A_304, %mul3A_306 : vector<1024x128xf32>
    %get3A_308 = arith.constant 5120 : index
    %get3A_309 = arith.constant 0 : index
    %get3A_310 = vector.load %arg3[%get3A_308, %get3A_309] : memref<8192x128xf32, #tpu.memory_space<vmem>>, vector<1024x128xf32>
    %mul3A_311 = arith.mulf %mul3A_307, %get3A_310 : vector<1024x128xf32>
    %add3A_312 = arith.addf %add3A_258, %mul3A_311 : vector<1024x128xf32>
    %get3A_313 = arith.constant 0 : index
    %get3A_314 = arith.constant 0 : index
    %get3A_315 = arith.constant 6 : index
    %get3A_316 = arith.constant 0 : index
    %get3A_317 = vector.load %arg2[%get3A_313, %get3A_314, %get3A_315, %get3A_316] : memref<1x50x8x1024xf32, #tpu.memory_space<vmem>>, vector<1x50x1x1024xf32>
    %get3A_318 = vector.shape_cast %get3A_317 : vector<1x50x1x1024xf32> to vector<50x1024xf32>
    %get3A_319 = arith.constant 0 : index
    %get3A_320 = arith.constant 0 : index
    %get3A_321 = vector.load %arg5[%get3A_319, %get3A_320] : memref<50x128xf32, #tpu.memory_space<vmem>>, vector<50x128xf32>
    %dot_general3A_322 = arith.constant dense<0.000000e+00> : vector<1024x128xf32>
    %dot_general3A_323 = tpu.matmul %get3A_318, %get3A_321, %dot_general3A_322 {dimension_numbers = #tpu.dot_dimension_numbers<[0], [0], [1], [1], [0, 1, 1, 1], [], []>, transpose_lhs_hint = false} : vector<50x1024xf32>, vector<50x128xf32>, vector<1024x128xf32> -> vector<1024x128xf32>
    %get3A_324 = arith.constant 0 : index
    %get3A_325 = arith.constant 0 : index
    %get3A_326 = vector.load %arg6[%get3A_324, %get3A_325] : memref<1x128xf32, #tpu.memory_space<vmem>>, vector<1x128xf32>
    %add3A_327 = vector.broadcast %get3A_326 : vector<1x128xf32> to vector<1024x128xf32>
    %add3A_328 = arith.addf %dot_general3A_323, %add3A_327 : vector<1024x128xf32>
    %custom_jvp_call3A_329 = arith.constant 0.000000e+00 : f32
    %max3A_330 = vector.broadcast %custom_jvp_call3A_329 : f32 to vector<1024x128xf32>
    %max3A_331 = arith.maximumf %add3A_328, %max3A_330 : vector<1024x128xf32>
    %sub3A_332 = vector.broadcast %custom_jvp_call3A_329 : f32 to vector<1024x128xf32>
    %sub3A_333 = arith.subf %add3A_328, %sub3A_332 : vector<1024x128xf32>
    %ne3A_334 = arith.cmpf one, %sub3A_333, %sub3A_333 : vector<1024x128xf32>
    %add3A_335 = vector.broadcast %custom_jvp_call3A_329 : f32 to vector<1024x128xf32>
    %add3A_336 = arith.addf %add3A_328, %add3A_335 : vector<1024x128xf32>
    %abs3A_337 = math.absf %sub3A_333 : vector<1024x128xf32>
    %neg3A_338 = arith.constant 0.000000e+00 : f32
    %neg3A_339 = vector.broadcast %neg3A_338 : f32 to vector<1024x128xf32>
    %neg3A_340 = arith.subf %neg3A_339, %abs3A_337 : vector<1024x128xf32>
    %exp3A_341 = math.exp %neg3A_340 : vector<1024x128xf32>
    %log1p3A_342 = math.log1p %exp3A_341 : vector<1024x128xf32>
    %add3A_343 = arith.addf %max3A_331, %log1p3A_342 : vector<1024x128xf32>
    %select_n3A_344 = arith.select %ne3A_334, %add3A_336, %add3A_343 : vector<1024x128xi1>, vector<1024x128xf32>
    %log3A_345 = arith.constant 2.000000e+00 : f32
    %log3A_346 = math.log %log3A_345 : f32
    %sub3A_347 = vector.broadcast %log3A_346 : f32 to vector<1024x128xf32>
    %sub3A_348 = arith.subf %select_n3A_344, %sub3A_347 : vector<1024x128xf32>
    %get3A_349 = arith.constant 0 : index
    %get3A_350 = arith.constant 0 : index
    %get3A_351 = vector.load %arg7[%get3A_349, %get3A_350] : memref<128x128xf32, #tpu.memory_space<vmem>>, vector<128x128xf32>
    %dot_general3A_352 = arith.constant dense<0.000000e+00> : vector<1024x128xf32>
    %dot_general3A_353 = tpu.matmul %sub3A_348, %get3A_351, %dot_general3A_352 {dimension_numbers = #tpu.dot_dimension_numbers<[1], [0], [0], [1], [0, 0, 1, 1], [], []>, transpose_lhs_hint = false} : vector<1024x128xf32>, vector<128x128xf32>, vector<1024x128xf32> -> vector<1024x128xf32>
    %get3A_354 = arith.constant 0 : index
    %get3A_355 = arith.constant 0 : index
    %get3A_356 = vector.load %arg8[%get3A_354, %get3A_355] : memref<1x128xf32, #tpu.memory_space<vmem>>, vector<1x128xf32>
    %add3A_357 = vector.broadcast %get3A_356 : vector<1x128xf32> to vector<1024x128xf32>
    %add3A_358 = arith.addf %dot_general3A_353, %add3A_357 : vector<1024x128xf32>
    %slice3A_359 = vector.extract_strided_slice %transpose3A {offsets = [0, 6], sizes = [1024, 1], strides = [1, 1]} : vector<1024x8xf32> to vector<1024x1xf32>
    %mul3A_360 = vector.broadcast %slice3A_359 : vector<1024x1xf32> to vector<1024x128xf32>
    %mul3A_361 = arith.mulf %add3A_358, %mul3A_360 : vector<1024x128xf32>
    %get3A_362 = arith.constant 6144 : index
    %get3A_363 = arith.constant 0 : index
    %get3A_364 = vector.load %arg3[%get3A_362, %get3A_363] : memref<8192x128xf32, #tpu.memory_space<vmem>>, vector<1024x128xf32>
    %mul3A_365 = arith.mulf %mul3A_361, %get3A_364 : vector<1024x128xf32>
    %add3A_366 = arith.addf %add3A_312, %mul3A_365 : vector<1024x128xf32>
    %get3A_367 = arith.constant 0 : index
    %get3A_368 = arith.constant 0 : index
    %get3A_369 = arith.constant 7 : index
    %get3A_370 = arith.constant 0 : index
    %get3A_371 = vector.load %arg2[%get3A_367, %get3A_368, %get3A_369, %get3A_370] : memref<1x50x8x1024xf32, #tpu.memory_space<vmem>>, vector<1x50x1x1024xf32>
    %get3A_372 = vector.shape_cast %get3A_371 : vector<1x50x1x1024xf32> to vector<50x1024xf32>
    %get3A_373 = arith.constant 0 : index
    %get3A_374 = arith.constant 0 : index
    %get3A_375 = vector.load %arg5[%get3A_373, %get3A_374] : memref<50x128xf32, #tpu.memory_space<vmem>>, vector<50x128xf32>
    %dot_general3A_376 = arith.constant dense<0.000000e+00> : vector<1024x128xf32>
    %dot_general3A_377 = tpu.matmul %get3A_372, %get3A_375, %dot_general3A_376 {dimension_numbers = #tpu.dot_dimension_numbers<[0], [0], [1], [1], [0, 1, 1, 1], [], []>, transpose_lhs_hint = false} : vector<50x1024xf32>, vector<50x128xf32>, vector<1024x128xf32> -> vector<1024x128xf32>
    %get3A_378 = arith.constant 0 : index
    %get3A_379 = arith.constant 0 : index
    %get3A_380 = vector.load %arg6[%get3A_378, %get3A_379] : memref<1x128xf32, #tpu.memory_space<vmem>>, vector<1x128xf32>
    %add3A_381 = vector.broadcast %get3A_380 : vector<1x128xf32> to vector<1024x128xf32>
    %add3A_382 = arith.addf %dot_general3A_377, %add3A_381 : vector<1024x128xf32>
    %custom_jvp_call3A_383 = arith.constant 0.000000e+00 : f32
    %max3A_384 = vector.broadcast %custom_jvp_call3A_383 : f32 to vector<1024x128xf32>
    %max3A_385 = arith.maximumf %add3A_382, %max3A_384 : vector<1024x128xf32>
    %sub3A_386 = vector.broadcast %custom_jvp_call3A_383 : f32 to vector<1024x128xf32>
    %sub3A_387 = arith.subf %add3A_382, %sub3A_386 : vector<1024x128xf32>
    %ne3A_388 = arith.cmpf one, %sub3A_387, %sub3A_387 : vector<1024x128xf32>
    %add3A_389 = vector.broadcast %custom_jvp_call3A_383 : f32 to vector<1024x128xf32>
    %add3A_390 = arith.addf %add3A_382, %add3A_389 : vector<1024x128xf32>
    %abs3A_391 = math.absf %sub3A_387 : vector<1024x128xf32>
    %neg3A_392 = arith.constant 0.000000e+00 : f32
    %neg3A_393 = vector.broadcast %neg3A_392 : f32 to vector<1024x128xf32>
    %neg3A_394 = arith.subf %neg3A_393, %abs3A_391 : vector<1024x128xf32>
    %exp3A_395 = math.exp %neg3A_394 : vector<1024x128xf32>
    %log1p3A_396 = math.log1p %exp3A_395 : vector<1024x128xf32>
    %add3A_397 = arith.addf %max3A_385, %log1p3A_396 : vector<1024x128xf32>
    %select_n3A_398 = arith.select %ne3A_388, %add3A_390, %add3A_397 : vector<1024x128xi1>, vector<1024x128xf32>
    %log3A_399 = arith.constant 2.000000e+00 : f32
    %log3A_400 = math.log %log3A_399 : f32
    %sub3A_401 = vector.broadcast %log3A_400 : f32 to vector<1024x128xf32>
    %sub3A_402 = arith.subf %select_n3A_398, %sub3A_401 : vector<1024x128xf32>
    %get3A_403 = arith.constant 0 : index
    %get3A_404 = arith.constant 0 : index
    %get3A_405 = vector.load %arg7[%get3A_403, %get3A_404] : memref<128x128xf32, #tpu.memory_space<vmem>>, vector<128x128xf32>
    %dot_general3A_406 = arith.constant dense<0.000000e+00> : vector<1024x128xf32>
    %dot_general3A_407 = tpu.matmul %sub3A_402, %get3A_405, %dot_general3A_406 {dimension_numbers = #tpu.dot_dimension_numbers<[1], [0], [0], [1], [0, 0, 1, 1], [], []>, transpose_lhs_hint = false} : vector<1024x128xf32>, vector<128x128xf32>, vector<1024x128xf32> -> vector<1024x128xf32>
    %get3A_408 = arith.constant 0 : index
    %get3A_409 = arith.constant 0 : index
    %get3A_410 = vector.load %arg8[%get3A_408, %get3A_409] : memref<1x128xf32, #tpu.memory_space<vmem>>, vector<1x128xf32>
    %add3A_411 = vector.broadcast %get3A_410 : vector<1x128xf32> to vector<1024x128xf32>
    %add3A_412 = arith.addf %dot_general3A_407, %add3A_411 : vector<1024x128xf32>
    %slice3A_413 = vector.extract_strided_slice %transpose3A {offsets = [0, 7], sizes = [1024, 1], strides = [1, 1]} : vector<1024x8xf32> to vector<1024x1xf32>
    %mul3A_414 = vector.broadcast %slice3A_413 : vector<1024x1xf32> to vector<1024x128xf32>
    %mul3A_415 = arith.mulf %add3A_412, %mul3A_414 : vector<1024x128xf32>
    %get3A_416 = arith.constant 7168 : index
    %get3A_417 = arith.constant 0 : index
    %get3A_418 = vector.load %arg3[%get3A_416, %get3A_417] : memref<8192x128xf32, #tpu.memory_space<vmem>>, vector<1024x128xf32>
    %mul3A_419 = arith.mulf %mul3A_415, %get3A_418 : vector<1024x128xf32>
    %add3A_420 = arith.addf %add3A_366, %mul3A_419 : vector<1024x128xf32>
    %eq3A = arith.constant 0 : i32
    %eq3A_421 = arith.cmpi eq, %arg1, %eq3A : i32
    %convert_element_type3A = arith.extui %eq3A_421 : i1 to i32
    %cond3A = arith.constant 0 : i32
    %cond3A_422 = arith.cmpi ne, %convert_element_type3A, %cond3A : i32
    scf.if %cond3A_422 {
      %swap3A = arith.constant 0 : index
      %swap3A_432 = arith.constant 0 : index
      %swap3A_433 = vector.load %arg10[%swap3A, %swap3A_432] : memref<1024x128xf32, #tpu.memory_space<vmem>>, vector<1024x128xf32>
      tpu.vector_store %arg10[%swap3A, %swap3A_432], %add3A_420 {strides = array<i32>} : memref<1024x128xf32, #tpu.memory_space<vmem>>, vector<1024x128xf32>,
    } else {
    }
    %gt3A = arith.constant 0 : i32
    %gt3A_423 = arith.cmpi sgt, %arg1, %gt3A : i32
    %convert_element_type3A_424 = arith.extui %gt3A_423 : i1 to i32
    %cond3A_425 = arith.constant 0 : i32
    %cond3A_426 = arith.cmpi ne, %convert_element_type3A_424, %cond3A_425 : i32
    scf.if %cond3A_426 {
      %get3A_432 = arith.constant 0 : index
      %get3A_433 = arith.constant 0 : index
      %get3A_434 = vector.load %arg10[%get3A_432, %get3A_433] : memref<1024x128xf32, #tpu.memory_space<vmem>>, vector<1024x128xf32>
      %add3A_435 = arith.addf %get3A_434, %add3A_420 : vector<1024x128xf32>
      %swap3A = arith.constant 0 : index
      %swap3A_436 = arith.constant 0 : index
      %swap3A_437 = vector.load %arg10[%swap3A, %swap3A_436] : memref<1024x128xf32, #tpu.memory_space<vmem>>, vector<1024x128xf32>
      tpu.vector_store %arg10[%swap3A, %swap3A_436], %add3A_435 {strides = array<i32>} : memref<1024x128xf32, #tpu.memory_space<vmem>>, vector<1024x128xf32>,
    } else {
    }
    %eq3A_427 = arith.constant 1 : i32
    %eq3A_428 = arith.cmpi eq, %arg1, %eq3A_427 : i32
    %convert_element_type3A_429 = arith.extui %eq3A_428 : i1 to i32
    %cond3A_430 = arith.constant 0 : i32
    %cond3A_431 = arith.cmpi ne, %convert_element_type3A_429, %cond3A_430 : i32
    scf.if %cond3A_431 {
      %get3A_432 = arith.constant 0 : index
      %get3A_433 = arith.constant 0 : index
      %get3A_434 = vector.load %arg10[%get3A_432, %get3A_433] : memref<1024x128xf32, #tpu.memory_space<vmem>>, vector<1024x128xf32>
      %swap3A = arith.constant 0 : index
      %swap3A_435 = arith.constant 0 : index
      %swap3A_436 = vector.load %arg9[%swap3A, %swap3A_435] : memref<1024x128xf32, #tpu.memory_space<vmem>>, vector<1024x128xf32>
      tpu.vector_store %arg9[%swap3A, %swap3A_435], %get3A_434 {strides = array<i32>} : memref<1024x128xf32, #tpu.memory_space<vmem>>, vector<1024x128xf32>,
    } else {
    }
    return
  }
  func.func @transform_0(%arg0: i32, %arg1: i32) -> (i32, i32, i32, i32) {
    %add3A = arith.constant 2 : i32
    %add3A_0 = arith.addi %add3A, %arg1 : i32
    %c0_i32 = arith.constant 0 : i32
    %c0_i32_1 = arith.constant 0 : i32
    %c0_i32_2 = arith.constant 0 : i32
    return %arg0, %c0_i32, %add3A_0, %c0_i32_1 : i32, i32, i32, i32
  }
  func.func @transform_1(%arg0: i32, %arg1: i32) -> (i32, i32) {
    %mul3A = arith.constant 2 : i32
    %mul3A_0 = arith.muli %arg0, %mul3A : i32
    %add3A = arith.addi %mul3A_0, %arg1 : i32
    %c0_i32 = arith.constant 0 : i32
    %c0_i32_1 = arith.constant 0 : i32
    return %add3A, %c0_i32 : i32, i32
  }
  func.func @transform_2(%arg0: i32, %arg1: i32) -> (i32, i32, i32) {
    %add3A = arith.constant 2 : i32
    %add3A_0 = arith.addi %add3A, %arg1 : i32
    %c0_i32 = arith.constant 0 : i32
    %c0_i32_1 = arith.constant 0 : i32
    return %arg0, %add3A_0, %c0_i32 : i32, i32, i32
  }
  func.func @transform_3(%arg0: i32, %arg1: i32) -> (i32, i32) {
    %c0_i32 = arith.constant 0 : i32
    %c0_i32_0 = arith.constant 0 : i32
    %c0_i32_1 = arith.constant 0 : i32
    return %c0_i32, %c0_i32_0 : i32, i32
  }
  func.func @transform_4(%arg0: i32, %arg1: i32) -> (i32, i32) {
    %c0_i32 = arith.constant 0 : i32
    %c0_i32_0 = arith.constant 0 : i32
    %c0_i32_1 = arith.constant 0 : i32
    return %c0_i32, %c0_i32_0 : i32, i32
  }
  func.func @transform_5(%arg0: i32, %arg1: i32) -> (i32, i32) {
    %c0_i32 = arith.constant 0 : i32
    %c0_i32_0 = arith.constant 0 : i32
    %c0_i32_1 = arith.constant 0 : i32
    return %c0_i32, %c0_i32_0 : i32, i32
  }
  func.func @transform_6(%arg0: i32, %arg1: i32) -> (i32, i32) {
    %c0_i32 = arith.constant 0 : i32
    %c0_i32_0 = arith.constant 0 : i32
    %c0_i32_1 = arith.constant 0 : i32
    return %c0_i32, %c0_i32_0 : i32, i32
  }
  func.func @transform_7(%arg0: i32, %arg1: i32) -> (i32, i32) {
    %c0_i32 = arith.constant 0 : i32
    %c0_i32_0 = arith.constant 0 : i32
    return %arg0, %c0_i32 : i32, i32
  }
}

module attributes {stable_mosaic.version = 14 : i64} {
  func.func @_fused_kernel(%arg0: i32, %arg1: i32, %arg2: memref<1x50x8x1024xf32, #tpu.memory_space<vmem>>, %arg3: memref<8192x128xf32, #tpu.memory_space<vmem>>, %arg4: memref<1x8x1024xf32, #tpu.memory_space<vmem>>, %arg5: memref<50x128xf32, #tpu.memory_space<vmem>>, %arg6: memref<1x128xf32, #tpu.memory_space<vmem>>, %arg7: memref<128x128xf32, #tpu.memory_space<vmem>>, %arg8: memref<1x128xf32, #tpu.memory_space<vmem>>, %arg9: memref<1024x128xf32, #tpu.memory_space<vmem>>, %arg10: memref<1024x128xf32, #tpu.memory_space<vmem>>) attributes {dimension_semantics = [#tpu.dimension_semantics<arbitrary>, #tpu.dimension_semantics<arbitrary>], iteration_bounds = array<i64: 8, 2>, scalar_prefetch = 0 : i64, scratch_operands = 1 : i64, tpu.core_type = #tpu.core_type<tc>, window_params = [{transform_indices = @transform_0, window_bounds = array<i64: 1, 50, 8, 1024>}, {transform_indices = @transform_1, window_bounds = array<i64: 8192, 128>}, {transform_indices = @transform_2, window_bounds = array<i64: 1, 8, 1024>}, {pipeline_mode = #tpu.pipeline_mode<synchronous>, transform_indices = @transform_3, window_bounds = array<i64: 50, 128>}, {pipeline_mode = #tpu.pipeline_mode<synchronous>, transform_indices = @transform_4, window_bounds = array<i64: 1, 128>}, {pipeline_mode = #tpu.pipeline_mode<synchronous>, transform_indices = @transform_5, window_bounds = array<i64: 128, 128>}, {pipeline_mode = #tpu.pipeline_mode<synchronous>, transform_indices = @transform_6, window_bounds = array<i64: 1, 128>}, {transform_indices = @transform_7, window_bounds = array<i64: 1024, 128>}]} {
    %get3A = arith.constant 0 : index
    %get3A_0 = arith.constant 0 : index
    %get3A_1 = arith.constant 0 : index
    %get3A_2 = vector.load %arg4[%get3A, %get3A_0, %get3A_1] : memref<1x8x1024xf32, #tpu.memory_space<vmem>>, vector<1x8x1024xf32>
    %get3A_3 = vector.shape_cast %get3A_2 : vector<1x8x1024xf32> to vector<8x1024xf32>
    %transpose3A = tpu.transpose %get3A_3, [1, 0] : vector<8x1024xf32> -> vector<1024x8xf32>
    %get3A_4 = arith.constant 0 : index
    %get3A_5 = arith.constant 0 : index
    %get3A_6 = arith.constant 0 : index
    %get3A_7 = arith.constant 0 : index
    %get3A_8 = vector.load %arg2[%get3A_4, %get3A_5, %get3A_6, %get3A_7] : memref<1x50x8x1024xf32, #tpu.memory_space<vmem>>, vector<1x50x1x1024xf32>
    %get3A_9 = vector.shape_cast %get3A_8 : vector<1x50x1x1024xf32> to vector<50x1024xf32>
    %get3A_10 = arith.constant 0 : index
    %get3A_11 = arith.constant 0 : index
    %get3A_12 = vector.load %arg5[%get3A_10, %get3A_11] : memref<50x128xf32, #tpu.memory_space<vmem>>, vector<50x128xf32>
    %dot_general3A = arith.constant dense<0.000000e+00> : vector<1024x128xf32>
    %dot_general3A_13 = tpu.matmul %get3A_9, %get3A_12, %dot_general3A {dimension_numbers = #tpu.dot_dimension_numbers<[0], [0], [1], [1], [0, 1, 1, 1], [], []>, transpose_lhs_hint = false} : vector<50x1024xf32>, vector<50x128xf32>, vector<1024x128xf32> -> vector<1024x128xf32>
    %get3A_14 = arith.constant 0 : index
    %get3A_15 = arith.constant 0 : index
    %get3A_16 = vector.load %arg6[%get3A_14, %get3A_15] : memref<1x128xf32, #tpu.memory_space<vmem>>, vector<1x128xf32>
    %add3A = vector.broadcast %get3A_16 : vector<1x128xf32> to vector<1024x128xf32>
    %add3A_17 = arith.addf %dot_general3A_13, %add3A : vector<1024x128xf32>
    %custom_jvp_call3A = arith.constant 0.000000e+00 : f32
    %max3A = vector.broadcast %custom_jvp_call3A : f32 to vector<1024x128xf32>
    %max3A_18 = arith.maximumf %add3A_17, %max3A : vector<1024x128xf32>
    %sub3A = vector.broadcast %custom_jvp_call3A : f32 to vector<1024x128xf32>
    %sub3A_19 = arith.subf %add3A_17, %sub3A : vector<1024x128xf32>
    %ne3A = arith.cmpf one, %sub3A_19, %sub3A_19 : vector<1024x128xf32>
    %add3A_20 = vector.broadcast %custom_jvp_call3A : f32 to vector<1024x128xf32>
    %add3A_21 = arith.addf %add3A_17, %add3A_20 : vector<1024x128xf32>
    %abs3A = math.absf %sub3A_19 : vector<1024x128xf32>
    %neg3A = arith.constant 0.000000e+00 : f32
    %neg3A_22 = vector.broadcast %neg3A : f32 to vector<1024x128xf32>
    %neg3A_23 = arith.subf %neg3A_22, %abs3A : vector<1024x128xf32>
    %exp3A = math.exp %neg3A_23 : vector<1024x128xf32>
    %log1p3A = math.log1p %exp3A : vector<1024x128xf32>
    %add3A_24 = arith.addf %max3A_18, %log1p3A : vector<1024x128xf32>
    %select_n3A = arith.select %ne3A, %add3A_21, %add3A_24 : vector<1024x128xi1>, vector<1024x128xf32>
    %log3A = arith.constant 2.000000e+00 : f32
    %log3A_25 = math.log %log3A : f32
    %sub3A_26 = vector.broadcast %log3A_25 : f32 to vector<1024x128xf32>
    %sub3A_27 = arith.subf %select_n3A, %sub3A_26 : vector<1024x128xf32>
    %get3A_28 = arith.constant 0 : index
    %get3A_29 = arith.constant 0 : index
    %get3A_30 = vector.load %arg7[%get3A_28, %get3A_29] : memref<128x128xf32, #tpu.memory_space<vmem>>, vector<128x128xf32>
    %dot_general3A_31 = arith.constant dense<0.000000e+00> : vector<1024x128xf32>
    %dot_general3A_32 = tpu.matmul %sub3A_27, %get3A_30, %dot_general3A_31 {dimension_numbers = #tpu.dot_dimension_numbers<[1], [0], [0], [1], [0, 0, 1, 1], [], []>, transpose_lhs_hint = false} : vector<1024x128xf32>, vector<128x128xf32>, vector<1024x128xf32> -> vector<1024x128xf32>
    %get3A_33 = arith.constant 0 : index
    %get3A_34 = arith.constant 0 : index
    %get3A_35 = vector.load %arg8[%get3A_33, %get3A_34] : memref<1x128xf32, #tpu.memory_space<vmem>>, vector<1x128xf32>
    %add3A_36 = vector.broadcast %get3A_35 : vector<1x128xf32> to vector<1024x128xf32>
    %add3A_37 = arith.addf %dot_general3A_32, %add3A_36 : vector<1024x128xf32>
    %slice3A = vector.extract_strided_slice %transpose3A {offsets = [0, 0], sizes = [1024, 1], strides = [1, 1]} : vector<1024x8xf32> to vector<1024x1xf32>
    %mul3A = vector.broadcast %slice3A : vector<1024x1xf32> to vector<1024x128xf32>
    %mul3A_38 = arith.mulf %add3A_37, %mul3A : vector<1024x128xf32>
    %get3A_39 = arith.constant 0 : index
    %get3A_40 = arith.constant 0 : index
    %get3A_41 = vector.load %arg3[%get3A_39, %get3A_40] : memref<8192x128xf32, #tpu.memory_space<vmem>>, vector<1024x128xf32>
    %mul3A_42 = arith.mulf %mul3A_38, %get3A_41 : vector<1024x128xf32>
    %get3A_43 = arith.constant 0 : index
    %get3A_44 = arith.constant 0 : index
    %get3A_45 = arith.constant 1 : index
    %get3A_46 = arith.constant 0 : index
    %get3A_47 = vector.load %arg2[%get3A_43, %get3A_44, %get3A_45, %get3A_46] : memref<1x50x8x1024xf32, #tpu.memory_space<vmem>>, vector<1x50x1x1024xf32>
    %get3A_48 = vector.shape_cast %get3A_47 : vector<1x50x1x1024xf32> to vector<50x1024xf32>
    %get3A_49 = arith.constant 0 : index
    %get3A_50 = arith.constant 0 : index
    %get3A_51 = vector.load %arg5[%get3A_49, %get3A_50] : memref<50x128xf32, #tpu.memory_space<vmem>>, vector<50x128xf32>
    %dot_general3A_52 = arith.constant dense<0.000000e+00> : vector<1024x128xf32>
    %dot_general3A_53 = tpu.matmul %get3A_48, %get3A_51, %dot_general3A_52 {dimension_numbers = #tpu.dot_dimension_numbers<[0], [0], [1], [1], [0, 1, 1, 1], [], []>, transpose_lhs_hint = false} : vector<50x1024xf32>, vector<50x128xf32>, vector<1024x128xf32> -> vector<1024x128xf32>
    %get3A_54 = arith.constant 0 : index
    %get3A_55 = arith.constant 0 : index
    %get3A_56 = vector.load %arg6[%get3A_54, %get3A_55] : memref<1x128xf32, #tpu.memory_space<vmem>>, vector<1x128xf32>
    %add3A_57 = vector.broadcast %get3A_56 : vector<1x128xf32> to vector<1024x128xf32>
    %add3A_58 = arith.addf %dot_general3A_53, %add3A_57 : vector<1024x128xf32>
    %custom_jvp_call3A_59 = arith.constant 0.000000e+00 : f32
    %max3A_60 = vector.broadcast %custom_jvp_call3A_59 : f32 to vector<1024x128xf32>
    %max3A_61 = arith.maximumf %add3A_58, %max3A_60 : vector<1024x128xf32>
    %sub3A_62 = vector.broadcast %custom_jvp_call3A_59 : f32 to vector<1024x128xf32>
    %sub3A_63 = arith.subf %add3A_58, %sub3A_62 : vector<1024x128xf32>
    %ne3A_64 = arith.cmpf one, %sub3A_63, %sub3A_63 : vector<1024x128xf32>
    %add3A_65 = vector.broadcast %custom_jvp_call3A_59 : f32 to vector<1024x128xf32>
    %add3A_66 = arith.addf %add3A_58, %add3A_65 : vector<1024x128xf32>
    %abs3A_67 = math.absf %sub3A_63 : vector<1024x128xf32>
    %neg3A_68 = arith.constant 0.000000e+00 : f32
    %neg3A_69 = vector.broadcast %neg3A_68 : f32 to vector<1024x128xf32>
    %neg3A_70 = arith.subf %neg3A_69, %abs3A_67 : vector<1024x128xf32>
    %exp3A_71 = math.exp %neg3A_70 : vector<1024x128xf32>
    %log1p3A_72 = math.log1p %exp3A_71 : vector<1024x128xf32>
    %add3A_73 = arith.addf %max3A_61, %log1p3A_72 : vector<1024x128xf32>
    %select_n3A_74 = arith.select %ne3A_64, %add3A_66, %add3A_73 : vector<1024x128xi1>, vector<1024x128xf32>
    %log3A_75 = arith.constant 2.000000e+00 : f32
    %log3A_76 = math.log %log3A_75 : f32
    %sub3A_77 = vector.broadcast %log3A_76 : f32 to vector<1024x128xf32>
    %sub3A_78 = arith.subf %select_n3A_74, %sub3A_77 : vector<1024x128xf32>
    %get3A_79 = arith.constant 0 : index
    %get3A_80 = arith.constant 0 : index
    %get3A_81 = vector.load %arg7[%get3A_79, %get3A_80] : memref<128x128xf32, #tpu.memory_space<vmem>>, vector<128x128xf32>
    %dot_general3A_82 = arith.constant dense<0.000000e+00> : vector<1024x128xf32>
    %dot_general3A_83 = tpu.matmul %sub3A_78, %get3A_81, %dot_general3A_82 {dimension_numbers = #tpu.dot_dimension_numbers<[1], [0], [0], [1], [0, 0, 1, 1], [], []>, transpose_lhs_hint = false} : vector<1024x128xf32>, vector<128x128xf32>, vector<1024x128xf32> -> vector<1024x128xf32>
    %get3A_84 = arith.constant 0 : index
    %get3A_85 = arith.constant 0 : index
    %get3A_86 = vector.load %arg8[%get3A_84, %get3A_85] : memref<1x128xf32, #tpu.memory_space<vmem>>, vector<1x128xf32>
    %add3A_87 = vector.broadcast %get3A_86 : vector<1x128xf32> to vector<1024x128xf32>
    %add3A_88 = arith.addf %dot_general3A_83, %add3A_87 : vector<1024x128xf32>
    %slice3A_89 = vector.extract_strided_slice %transpose3A {offsets = [0, 1], sizes = [1024, 1], strides = [1, 1]} : vector<1024x8xf32> to vector<1024x1xf32>
    %mul3A_90 = vector.broadcast %slice3A_89 : vector<1024x1xf32> to vector<1024x128xf32>
    %mul3A_91 = arith.mulf %add3A_88, %mul3A_90 : vector<1024x128xf32>
    %get3A_92 = arith.constant 1024 : index
    %get3A_93 = arith.constant 0 : index
    %get3A_94 = vector.load %arg3[%get3A_92, %get3A_93] : memref<8192x128xf32, #tpu.memory_space<vmem>>, vector<1024x128xf32>
    %mul3A_95 = arith.mulf %mul3A_91, %get3A_94 : vector<1024x128xf32>
    %add3A_96 = arith.addf %mul3A_42, %mul3A_95 : vector<1024x128xf32>
    %get3A_97 = arith.constant 0 : index
    %get3A_98 = arith.constant 0 : index
    %get3A_99 = arith.constant 2 : index
    %get3A_100 = arith.constant 0 : index
    %get3A_101 = vector.load %arg2[%get3A_97, %get3A_98, %get3A_99, %get3A_100] : memref<1x50x8x1024xf32, #tpu.memory_space<vmem>>, vector<1x50x1x1024xf32>
    %get3A_102 = vector.shape_cast %get3A_101 : vector<1x50x1x1024xf32> to vector<50x1024xf32>
    %get3A_103 = arith.constant 0 : index
    %get3A_104 = arith.constant 0 : index
    %get3A_105 = vector.load %arg5[%get3A_103, %get3A_104] : memref<50x128xf32, #tpu.memory_space<vmem>>, vector<50x128xf32>
    %dot_general3A_106 = arith.constant dense<0.000000e+00> : vector<1024x128xf32>
    %dot_general3A_107 = tpu.matmul %get3A_102, %get3A_105, %dot_general3A_106 {dimension_numbers = #tpu.dot_dimension_numbers<[0], [0], [1], [1], [0, 1, 1, 1], [], []>, transpose_lhs_hint = false} : vector<50x1024xf32>, vector<50x128xf32>, vector<1024x128xf32> -> vector<1024x128xf32>
    %get3A_108 = arith.constant 0 : index
    %get3A_109 = arith.constant 0 : index
    %get3A_110 = vector.load %arg6[%get3A_108, %get3A_109] : memref<1x128xf32, #tpu.memory_space<vmem>>, vector<1x128xf32>
    %add3A_111 = vector.broadcast %get3A_110 : vector<1x128xf32> to vector<1024x128xf32>
    %add3A_112 = arith.addf %dot_general3A_107, %add3A_111 : vector<1024x128xf32>
    %custom_jvp_call3A_113 = arith.constant 0.000000e+00 : f32
    %max3A_114 = vector.broadcast %custom_jvp_call3A_113 : f32 to vector<1024x128xf32>
    %max3A_115 = arith.maximumf %add3A_112, %max3A_114 : vector<1024x128xf32>
    %sub3A_116 = vector.broadcast %custom_jvp_call3A_113 : f32 to vector<1024x128xf32>
    %sub3A_117 = arith.subf %add3A_112, %sub3A_116 : vector<1024x128xf32>
    %ne3A_118 = arith.cmpf one, %sub3A_117, %sub3A_117 : vector<1024x128xf32>
    %add3A_119 = vector.broadcast %custom_jvp_call3A_113 : f32 to vector<1024x128xf32>
    %add3A_120 = arith.addf %add3A_112, %add3A_119 : vector<1024x128xf32>
    %abs3A_121 = math.absf %sub3A_117 : vector<1024x128xf32>
    %neg3A_122 = arith.constant 0.000000e+00 : f32
    %neg3A_123 = vector.broadcast %neg3A_122 : f32 to vector<1024x128xf32>
    %neg3A_124 = arith.subf %neg3A_123, %abs3A_121 : vector<1024x128xf32>
    %exp3A_125 = math.exp %neg3A_124 : vector<1024x128xf32>
    %log1p3A_126 = math.log1p %exp3A_125 : vector<1024x128xf32>
    %add3A_127 = arith.addf %max3A_115, %log1p3A_126 : vector<1024x128xf32>
    %select_n3A_128 = arith.select %ne3A_118, %add3A_120, %add3A_127 : vector<1024x128xi1>, vector<1024x128xf32>
    %log3A_129 = arith.constant 2.000000e+00 : f32
    %log3A_130 = math.log %log3A_129 : f32
    %sub3A_131 = vector.broadcast %log3A_130 : f32 to vector<1024x128xf32>
    %sub3A_132 = arith.subf %select_n3A_128, %sub3A_131 : vector<1024x128xf32>
    %get3A_133 = arith.constant 0 : index
    %get3A_134 = arith.constant 0 : index
    %get3A_135 = vector.load %arg7[%get3A_133, %get3A_134] : memref<128x128xf32, #tpu.memory_space<vmem>>, vector<128x128xf32>
    %dot_general3A_136 = arith.constant dense<0.000000e+00> : vector<1024x128xf32>
    %dot_general3A_137 = tpu.matmul %sub3A_132, %get3A_135, %dot_general3A_136 {dimension_numbers = #tpu.dot_dimension_numbers<[1], [0], [0], [1], [0, 0, 1, 1], [], []>, transpose_lhs_hint = false} : vector<1024x128xf32>, vector<128x128xf32>, vector<1024x128xf32> -> vector<1024x128xf32>
    %get3A_138 = arith.constant 0 : index
    %get3A_139 = arith.constant 0 : index
    %get3A_140 = vector.load %arg8[%get3A_138, %get3A_139] : memref<1x128xf32, #tpu.memory_space<vmem>>, vector<1x128xf32>
    %add3A_141 = vector.broadcast %get3A_140 : vector<1x128xf32> to vector<1024x128xf32>
    %add3A_142 = arith.addf %dot_general3A_137, %add3A_141 : vector<1024x128xf32>
    %slice3A_143 = vector.extract_strided_slice %transpose3A {offsets = [0, 2], sizes = [1024, 1], strides = [1, 1]} : vector<1024x8xf32> to vector<1024x1xf32>
    %mul3A_144 = vector.broadcast %slice3A_143 : vector<1024x1xf32> to vector<1024x128xf32>
    %mul3A_145 = arith.mulf %add3A_142, %mul3A_144 : vector<1024x128xf32>
    %get3A_146 = arith.constant 2048 : index
    %get3A_147 = arith.constant 0 : index
    %get3A_148 = vector.load %arg3[%get3A_146, %get3A_147] : memref<8192x128xf32, #tpu.memory_space<vmem>>, vector<1024x128xf32>
    %mul3A_149 = arith.mulf %mul3A_145, %get3A_148 : vector<1024x128xf32>
    %add3A_150 = arith.addf %add3A_96, %mul3A_149 : vector<1024x128xf32>
    %get3A_151 = arith.constant 0 : index
    %get3A_152 = arith.constant 0 : index
    %get3A_153 = arith.constant 3 : index
    %get3A_154 = arith.constant 0 : index
    %get3A_155 = vector.load %arg2[%get3A_151, %get3A_152, %get3A_153, %get3A_154] : memref<1x50x8x1024xf32, #tpu.memory_space<vmem>>, vector<1x50x1x1024xf32>
    %get3A_156 = vector.shape_cast %get3A_155 : vector<1x50x1x1024xf32> to vector<50x1024xf32>
    %get3A_157 = arith.constant 0 : index
    %get3A_158 = arith.constant 0 : index
    %get3A_159 = vector.load %arg5[%get3A_157, %get3A_158] : memref<50x128xf32, #tpu.memory_space<vmem>>, vector<50x128xf32>
    %dot_general3A_160 = arith.constant dense<0.000000e+00> : vector<1024x128xf32>
    %dot_general3A_161 = tpu.matmul %get3A_156, %get3A_159, %dot_general3A_160 {dimension_numbers = #tpu.dot_dimension_numbers<[0], [0], [1], [1], [0, 1, 1, 1], [], []>, transpose_lhs_hint = false} : vector<50x1024xf32>, vector<50x128xf32>, vector<1024x128xf32> -> vector<1024x128xf32>
    %get3A_162 = arith.constant 0 : index
    %get3A_163 = arith.constant 0 : index
    %get3A_164 = vector.load %arg6[%get3A_162, %get3A_163] : memref<1x128xf32, #tpu.memory_space<vmem>>, vector<1x128xf32>
    %add3A_165 = vector.broadcast %get3A_164 : vector<1x128xf32> to vector<1024x128xf32>
    %add3A_166 = arith.addf %dot_general3A_161, %add3A_165 : vector<1024x128xf32>
    %custom_jvp_call3A_167 = arith.constant 0.000000e+00 : f32
    %max3A_168 = vector.broadcast %custom_jvp_call3A_167 : f32 to vector<1024x128xf32>
    %max3A_169 = arith.maximumf %add3A_166, %max3A_168 : vector<1024x128xf32>
    %sub3A_170 = vector.broadcast %custom_jvp_call3A_167 : f32 to vector<1024x128xf32>
    %sub3A_171 = arith.subf %add3A_166, %sub3A_170 : vector<1024x128xf32>
    %ne3A_172 = arith.cmpf one, %sub3A_171, %sub3A_171 : vector<1024x128xf32>
    %add3A_173 = vector.broadcast %custom_jvp_call3A_167 : f32 to vector<1024x128xf32>
    %add3A_174 = arith.addf %add3A_166, %add3A_173 : vector<1024x128xf32>
    %abs3A_175 = math.absf %sub3A_171 : vector<1024x128xf32>
    %neg3A_176 = arith.constant 0.000000e+00 : f32
    %neg3A_177 = vector.broadcast %neg3A_176 : f32 to vector<1024x128xf32>
    %neg3A_178 = arith.subf %neg3A_177, %abs3A_175 : vector<1024x128xf32>
    %exp3A_179 = math.exp %neg3A_178 : vector<1024x128xf32>
    %log1p3A_180 = math.log1p %exp3A_179 : vector<1024x128xf32>
    %add3A_181 = arith.addf %max3A_169, %log1p3A_180 : vector<1024x128xf32>
    %select_n3A_182 = arith.select %ne3A_172, %add3A_174, %add3A_181 : vector<1024x128xi1>, vector<1024x128xf32>
    %log3A_183 = arith.constant 2.000000e+00 : f32
    %log3A_184 = math.log %log3A_183 : f32
    %sub3A_185 = vector.broadcast %log3A_184 : f32 to vector<1024x128xf32>
    %sub3A_186 = arith.subf %select_n3A_182, %sub3A_185 : vector<1024x128xf32>
    %get3A_187 = arith.constant 0 : index
    %get3A_188 = arith.constant 0 : index
    %get3A_189 = vector.load %arg7[%get3A_187, %get3A_188] : memref<128x128xf32, #tpu.memory_space<vmem>>, vector<128x128xf32>
    %dot_general3A_190 = arith.constant dense<0.000000e+00> : vector<1024x128xf32>
    %dot_general3A_191 = tpu.matmul %sub3A_186, %get3A_189, %dot_general3A_190 {dimension_numbers = #tpu.dot_dimension_numbers<[1], [0], [0], [1], [0, 0, 1, 1], [], []>, transpose_lhs_hint = false} : vector<1024x128xf32>, vector<128x128xf32>, vector<1024x128xf32> -> vector<1024x128xf32>
    %get3A_192 = arith.constant 0 : index
    %get3A_193 = arith.constant 0 : index
    %get3A_194 = vector.load %arg8[%get3A_192, %get3A_193] : memref<1x128xf32, #tpu.memory_space<vmem>>, vector<1x128xf32>
    %add3A_195 = vector.broadcast %get3A_194 : vector<1x128xf32> to vector<1024x128xf32>
    %add3A_196 = arith.addf %dot_general3A_191, %add3A_195 : vector<1024x128xf32>
    %slice3A_197 = vector.extract_strided_slice %transpose3A {offsets = [0, 3], sizes = [1024, 1], strides = [1, 1]} : vector<1024x8xf32> to vector<1024x1xf32>
    %mul3A_198 = vector.broadcast %slice3A_197 : vector<1024x1xf32> to vector<1024x128xf32>
    %mul3A_199 = arith.mulf %add3A_196, %mul3A_198 : vector<1024x128xf32>
    %get3A_200 = arith.constant 3072 : index
    %get3A_201 = arith.constant 0 : index
    %get3A_202 = vector.load %arg3[%get3A_200, %get3A_201] : memref<8192x128xf32, #tpu.memory_space<vmem>>, vector<1024x128xf32>
    %mul3A_203 = arith.mulf %mul3A_199, %get3A_202 : vector<1024x128xf32>
    %add3A_204 = arith.addf %add3A_150, %mul3A_203 : vector<1024x128xf32>
    %get3A_205 = arith.constant 0 : index
    %get3A_206 = arith.constant 0 : index
    %get3A_207 = arith.constant 4 : index
    %get3A_208 = arith.constant 0 : index
    %get3A_209 = vector.load %arg2[%get3A_205, %get3A_206, %get3A_207, %get3A_208] : memref<1x50x8x1024xf32, #tpu.memory_space<vmem>>, vector<1x50x1x1024xf32>
    %get3A_210 = vector.shape_cast %get3A_209 : vector<1x50x1x1024xf32> to vector<50x1024xf32>
    %get3A_211 = arith.constant 0 : index
    %get3A_212 = arith.constant 0 : index
    %get3A_213 = vector.load %arg5[%get3A_211, %get3A_212] : memref<50x128xf32, #tpu.memory_space<vmem>>, vector<50x128xf32>
    %dot_general3A_214 = arith.constant dense<0.000000e+00> : vector<1024x128xf32>
    %dot_general3A_215 = tpu.matmul %get3A_210, %get3A_213, %dot_general3A_214 {dimension_numbers = #tpu.dot_dimension_numbers<[0], [0], [1], [1], [0, 1, 1, 1], [], []>, transpose_lhs_hint = false} : vector<50x1024xf32>, vector<50x128xf32>, vector<1024x128xf32> -> vector<1024x128xf32>
    %get3A_216 = arith.constant 0 : index
    %get3A_217 = arith.constant 0 : index
    %get3A_218 = vector.load %arg6[%get3A_216, %get3A_217] : memref<1x128xf32, #tpu.memory_space<vmem>>, vector<1x128xf32>
    %add3A_219 = vector.broadcast %get3A_218 : vector<1x128xf32> to vector<1024x128xf32>
    %add3A_220 = arith.addf %dot_general3A_215, %add3A_219 : vector<1024x128xf32>
    %custom_jvp_call3A_221 = arith.constant 0.000000e+00 : f32
    %max3A_222 = vector.broadcast %custom_jvp_call3A_221 : f32 to vector<1024x128xf32>
    %max3A_223 = arith.maximumf %add3A_220, %max3A_222 : vector<1024x128xf32>
    %sub3A_224 = vector.broadcast %custom_jvp_call3A_221 : f32 to vector<1024x128xf32>
    %sub3A_225 = arith.subf %add3A_220, %sub3A_224 : vector<1024x128xf32>
    %ne3A_226 = arith.cmpf one, %sub3A_225, %sub3A_225 : vector<1024x128xf32>
    %add3A_227 = vector.broadcast %custom_jvp_call3A_221 : f32 to vector<1024x128xf32>
    %add3A_228 = arith.addf %add3A_220, %add3A_227 : vector<1024x128xf32>
    %abs3A_229 = math.absf %sub3A_225 : vector<1024x128xf32>
    %neg3A_230 = arith.constant 0.000000e+00 : f32
    %neg3A_231 = vector.broadcast %neg3A_230 : f32 to vector<1024x128xf32>
    %neg3A_232 = arith.subf %neg3A_231, %abs3A_229 : vector<1024x128xf32>
    %exp3A_233 = math.exp %neg3A_232 : vector<1024x128xf32>
    %log1p3A_234 = math.log1p %exp3A_233 : vector<1024x128xf32>
    %add3A_235 = arith.addf %max3A_223, %log1p3A_234 : vector<1024x128xf32>
    %select_n3A_236 = arith.select %ne3A_226, %add3A_228, %add3A_235 : vector<1024x128xi1>, vector<1024x128xf32>
    %log3A_237 = arith.constant 2.000000e+00 : f32
    %log3A_238 = math.log %log3A_237 : f32
    %sub3A_239 = vector.broadcast %log3A_238 : f32 to vector<1024x128xf32>
    %sub3A_240 = arith.subf %select_n3A_236, %sub3A_239 : vector<1024x128xf32>
    %get3A_241 = arith.constant 0 : index
    %get3A_242 = arith.constant 0 : index
    %get3A_243 = vector.load %arg7[%get3A_241, %get3A_242] : memref<128x128xf32, #tpu.memory_space<vmem>>, vector<128x128xf32>
    %dot_general3A_244 = arith.constant dense<0.000000e+00> : vector<1024x128xf32>
    %dot_general3A_245 = tpu.matmul %sub3A_240, %get3A_243, %dot_general3A_244 {dimension_numbers = #tpu.dot_dimension_numbers<[1], [0], [0], [1], [0, 0, 1, 1], [], []>, transpose_lhs_hint = false} : vector<1024x128xf32>, vector<128x128xf32>, vector<1024x128xf32> -> vector<1024x128xf32>
    %get3A_246 = arith.constant 0 : index
    %get3A_247 = arith.constant 0 : index
    %get3A_248 = vector.load %arg8[%get3A_246, %get3A_247] : memref<1x128xf32, #tpu.memory_space<vmem>>, vector<1x128xf32>
    %add3A_249 = vector.broadcast %get3A_248 : vector<1x128xf32> to vector<1024x128xf32>
    %add3A_250 = arith.addf %dot_general3A_245, %add3A_249 : vector<1024x128xf32>
    %slice3A_251 = vector.extract_strided_slice %transpose3A {offsets = [0, 4], sizes = [1024, 1], strides = [1, 1]} : vector<1024x8xf32> to vector<1024x1xf32>
    %mul3A_252 = vector.broadcast %slice3A_251 : vector<1024x1xf32> to vector<1024x128xf32>
    %mul3A_253 = arith.mulf %add3A_250, %mul3A_252 : vector<1024x128xf32>
    %get3A_254 = arith.constant 4096 : index
    %get3A_255 = arith.constant 0 : index
    %get3A_256 = vector.load %arg3[%get3A_254, %get3A_255] : memref<8192x128xf32, #tpu.memory_space<vmem>>, vector<1024x128xf32>
    %mul3A_257 = arith.mulf %mul3A_253, %get3A_256 : vector<1024x128xf32>
    %add3A_258 = arith.addf %add3A_204, %mul3A_257 : vector<1024x128xf32>
    %get3A_259 = arith.constant 0 : index
    %get3A_260 = arith.constant 0 : index
    %get3A_261 = arith.constant 5 : index
    %get3A_262 = arith.constant 0 : index
    %get3A_263 = vector.load %arg2[%get3A_259, %get3A_260, %get3A_261, %get3A_262] : memref<1x50x8x1024xf32, #tpu.memory_space<vmem>>, vector<1x50x1x1024xf32>
    %get3A_264 = vector.shape_cast %get3A_263 : vector<1x50x1x1024xf32> to vector<50x1024xf32>
    %get3A_265 = arith.constant 0 : index
    %get3A_266 = arith.constant 0 : index
    %get3A_267 = vector.load %arg5[%get3A_265, %get3A_266] : memref<50x128xf32, #tpu.memory_space<vmem>>, vector<50x128xf32>
    %dot_general3A_268 = arith.constant dense<0.000000e+00> : vector<1024x128xf32>
    %dot_general3A_269 = tpu.matmul %get3A_264, %get3A_267, %dot_general3A_268 {dimension_numbers = #tpu.dot_dimension_numbers<[0], [0], [1], [1], [0, 1, 1, 1], [], []>, transpose_lhs_hint = false} : vector<50x1024xf32>, vector<50x128xf32>, vector<1024x128xf32> -> vector<1024x128xf32>
    %get3A_270 = arith.constant 0 : index
    %get3A_271 = arith.constant 0 : index
    %get3A_272 = vector.load %arg6[%get3A_270, %get3A_271] : memref<1x128xf32, #tpu.memory_space<vmem>>, vector<1x128xf32>
    %add3A_273 = vector.broadcast %get3A_272 : vector<1x128xf32> to vector<1024x128xf32>
    %add3A_274 = arith.addf %dot_general3A_269, %add3A_273 : vector<1024x128xf32>
    %custom_jvp_call3A_275 = arith.constant 0.000000e+00 : f32
    %max3A_276 = vector.broadcast %custom_jvp_call3A_275 : f32 to vector<1024x128xf32>
    %max3A_277 = arith.maximumf %add3A_274, %max3A_276 : vector<1024x128xf32>
    %sub3A_278 = vector.broadcast %custom_jvp_call3A_275 : f32 to vector<1024x128xf32>
    %sub3A_279 = arith.subf %add3A_274, %sub3A_278 : vector<1024x128xf32>
    %ne3A_280 = arith.cmpf one, %sub3A_279, %sub3A_279 : vector<1024x128xf32>
    %add3A_281 = vector.broadcast %custom_jvp_call3A_275 : f32 to vector<1024x128xf32>
    %add3A_282 = arith.addf %add3A_274, %add3A_281 : vector<1024x128xf32>
    %abs3A_283 = math.absf %sub3A_279 : vector<1024x128xf32>
    %neg3A_284 = arith.constant 0.000000e+00 : f32
    %neg3A_285 = vector.broadcast %neg3A_284 : f32 to vector<1024x128xf32>
    %neg3A_286 = arith.subf %neg3A_285, %abs3A_283 : vector<1024x128xf32>
    %exp3A_287 = math.exp %neg3A_286 : vector<1024x128xf32>
    %log1p3A_288 = math.log1p %exp3A_287 : vector<1024x128xf32>
    %add3A_289 = arith.addf %max3A_277, %log1p3A_288 : vector<1024x128xf32>
    %select_n3A_290 = arith.select %ne3A_280, %add3A_282, %add3A_289 : vector<1024x128xi1>, vector<1024x128xf32>
    %log3A_291 = arith.constant 2.000000e+00 : f32
    %log3A_292 = math.log %log3A_291 : f32
    %sub3A_293 = vector.broadcast %log3A_292 : f32 to vector<1024x128xf32>
    %sub3A_294 = arith.subf %select_n3A_290, %sub3A_293 : vector<1024x128xf32>
    %get3A_295 = arith.constant 0 : index
    %get3A_296 = arith.constant 0 : index
    %get3A_297 = vector.load %arg7[%get3A_295, %get3A_296] : memref<128x128xf32, #tpu.memory_space<vmem>>, vector<128x128xf32>
    %dot_general3A_298 = arith.constant dense<0.000000e+00> : vector<1024x128xf32>
    %dot_general3A_299 = tpu.matmul %sub3A_294, %get3A_297, %dot_general3A_298 {dimension_numbers = #tpu.dot_dimension_numbers<[1], [0], [0], [1], [0, 0, 1, 1], [], []>, transpose_lhs_hint = false} : vector<1024x128xf32>, vector<128x128xf32>, vector<1024x128xf32> -> vector<1024x128xf32>
    %get3A_300 = arith.constant 0 : index
    %get3A_301 = arith.constant 0 : index
    %get3A_302 = vector.load %arg8[%get3A_300, %get3A_301] : memref<1x128xf32, #tpu.memory_space<vmem>>, vector<1x128xf32>
    %add3A_303 = vector.broadcast %get3A_302 : vector<1x128xf32> to vector<1024x128xf32>
    %add3A_304 = arith.addf %dot_general3A_299, %add3A_303 : vector<1024x128xf32>
    %slice3A_305 = vector.extract_strided_slice %transpose3A {offsets = [0, 5], sizes = [1024, 1], strides = [1, 1]} : vector<1024x8xf32> to vector<1024x1xf32>
    %mul3A_306 = vector.broadcast %slice3A_305 : vector<1024x1xf32> to vector<1024x128xf32>
    %mul3A_307 = arith.mulf %add3A_304, %mul3A_306 : vector<1024x128xf32>
    %get3A_308 = arith.constant 5120 : index
    %get3A_309 = arith.constant 0 : index
    %get3A_310 = vector.load %arg3[%get3A_308, %get3A_309] : memref<8192x128xf32, #tpu.memory_space<vmem>>, vector<1024x128xf32>
    %mul3A_311 = arith.mulf %mul3A_307, %get3A_310 : vector<1024x128xf32>
    %add3A_312 = arith.addf %add3A_258, %mul3A_311 : vector<1024x128xf32>
    %get3A_313 = arith.constant 0 : index
    %get3A_314 = arith.constant 0 : index
    %get3A_315 = arith.constant 6 : index
    %get3A_316 = arith.constant 0 : index
    %get3A_317 = vector.load %arg2[%get3A_313, %get3A_314, %get3A_315, %get3A_316] : memref<1x50x8x1024xf32, #tpu.memory_space<vmem>>, vector<1x50x1x1024xf32>
    %get3A_318 = vector.shape_cast %get3A_317 : vector<1x50x1x1024xf32> to vector<50x1024xf32>
    %get3A_319 = arith.constant 0 : index
    %get3A_320 = arith.constant 0 : index
    %get3A_321 = vector.load %arg5[%get3A_319, %get3A_320] : memref<50x128xf32, #tpu.memory_space<vmem>>, vector<50x128xf32>
    %dot_general3A_322 = arith.constant dense<0.000000e+00> : vector<1024x128xf32>
    %dot_general3A_323 = tpu.matmul %get3A_318, %get3A_321, %dot_general3A_322 {dimension_numbers = #tpu.dot_dimension_numbers<[0], [0], [1], [1], [0, 1, 1, 1], [], []>, transpose_lhs_hint = false} : vector<50x1024xf32>, vector<50x128xf32>, vector<1024x128xf32> -> vector<1024x128xf32>
    %get3A_324 = arith.constant 0 : index
    %get3A_325 = arith.constant 0 : index
    %get3A_326 = vector.load %arg6[%get3A_324, %get3A_325] : memref<1x128xf32, #tpu.memory_space<vmem>>, vector<1x128xf32>
    %add3A_327 = vector.broadcast %get3A_326 : vector<1x128xf32> to vector<1024x128xf32>
    %add3A_328 = arith.addf %dot_general3A_323, %add3A_327 : vector<1024x128xf32>
    %custom_jvp_call3A_329 = arith.constant 0.000000e+00 : f32
    %max3A_330 = vector.broadcast %custom_jvp_call3A_329 : f32 to vector<1024x128xf32>
    %max3A_331 = arith.maximumf %add3A_328, %max3A_330 : vector<1024x128xf32>
    %sub3A_332 = vector.broadcast %custom_jvp_call3A_329 : f32 to vector<1024x128xf32>
    %sub3A_333 = arith.subf %add3A_328, %sub3A_332 : vector<1024x128xf32>
    %ne3A_334 = arith.cmpf one, %sub3A_333, %sub3A_333 : vector<1024x128xf32>
    %add3A_335 = vector.broadcast %custom_jvp_call3A_329 : f32 to vector<1024x128xf32>
    %add3A_336 = arith.addf %add3A_328, %add3A_335 : vector<1024x128xf32>
    %abs3A_337 = math.absf %sub3A_333 : vector<1024x128xf32>
    %neg3A_338 = arith.constant 0.000000e+00 : f32
    %neg3A_339 = vector.broadcast %neg3A_338 : f32 to vector<1024x128xf32>
    %neg3A_340 = arith.subf %neg3A_339, %abs3A_337 : vector<1024x128xf32>
    %exp3A_341 = math.exp %neg3A_340 : vector<1024x128xf32>
    %log1p3A_342 = math.log1p %exp3A_341 : vector<1024x128xf32>
    %add3A_343 = arith.addf %max3A_331, %log1p3A_342 : vector<1024x128xf32>
    %select_n3A_344 = arith.select %ne3A_334, %add3A_336, %add3A_343 : vector<1024x128xi1>, vector<1024x128xf32>
    %log3A_345 = arith.constant 2.000000e+00 : f32
    %log3A_346 = math.log %log3A_345 : f32
    %sub3A_347 = vector.broadcast %log3A_346 : f32 to vector<1024x128xf32>
    %sub3A_348 = arith.subf %select_n3A_344, %sub3A_347 : vector<1024x128xf32>
    %get3A_349 = arith.constant 0 : index
    %get3A_350 = arith.constant 0 : index
    %get3A_351 = vector.load %arg7[%get3A_349, %get3A_350] : memref<128x128xf32, #tpu.memory_space<vmem>>, vector<128x128xf32>
    %dot_general3A_352 = arith.constant dense<0.000000e+00> : vector<1024x128xf32>
    %dot_general3A_353 = tpu.matmul %sub3A_348, %get3A_351, %dot_general3A_352 {dimension_numbers = #tpu.dot_dimension_numbers<[1], [0], [0], [1], [0, 0, 1, 1], [], []>, transpose_lhs_hint = false} : vector<1024x128xf32>, vector<128x128xf32>, vector<1024x128xf32> -> vector<1024x128xf32>
    %get3A_354 = arith.constant 0 : index
    %get3A_355 = arith.constant 0 : index
    %get3A_356 = vector.load %arg8[%get3A_354, %get3A_355] : memref<1x128xf32, #tpu.memory_space<vmem>>, vector<1x128xf32>
    %add3A_357 = vector.broadcast %get3A_356 : vector<1x128xf32> to vector<1024x128xf32>
    %add3A_358 = arith.addf %dot_general3A_353, %add3A_357 : vector<1024x128xf32>
    %slice3A_359 = vector.extract_strided_slice %transpose3A {offsets = [0, 6], sizes = [1024, 1], strides = [1, 1]} : vector<1024x8xf32> to vector<1024x1xf32>
    %mul3A_360 = vector.broadcast %slice3A_359 : vector<1024x1xf32> to vector<1024x128xf32>
    %mul3A_361 = arith.mulf %add3A_358, %mul3A_360 : vector<1024x128xf32>
    %get3A_362 = arith.constant 6144 : index
    %get3A_363 = arith.constant 0 : index
    %get3A_364 = vector.load %arg3[%get3A_362, %get3A_363] : memref<8192x128xf32, #tpu.memory_space<vmem>>, vector<1024x128xf32>
    %mul3A_365 = arith.mulf %mul3A_361, %get3A_364 : vector<1024x128xf32>
    %add3A_366 = arith.addf %add3A_312, %mul3A_365 : vector<1024x128xf32>
    %get3A_367 = arith.constant 0 : index
    %get3A_368 = arith.constant 0 : index
    %get3A_369 = arith.constant 7 : index
    %get3A_370 = arith.constant 0 : index
    %get3A_371 = vector.load %arg2[%get3A_367, %get3A_368, %get3A_369, %get3A_370] : memref<1x50x8x1024xf32, #tpu.memory_space<vmem>>, vector<1x50x1x1024xf32>
    %get3A_372 = vector.shape_cast %get3A_371 : vector<1x50x1x1024xf32> to vector<50x1024xf32>
    %get3A_373 = arith.constant 0 : index
    %get3A_374 = arith.constant 0 : index
    %get3A_375 = vector.load %arg5[%get3A_373, %get3A_374] : memref<50x128xf32, #tpu.memory_space<vmem>>, vector<50x128xf32>
    %dot_general3A_376 = arith.constant dense<0.000000e+00> : vector<1024x128xf32>
    %dot_general3A_377 = tpu.matmul %get3A_372, %get3A_375, %dot_general3A_376 {dimension_numbers = #tpu.dot_dimension_numbers<[0], [0], [1], [1], [0, 1, 1, 1], [], []>, transpose_lhs_hint = false} : vector<50x1024xf32>, vector<50x128xf32>, vector<1024x128xf32> -> vector<1024x128xf32>
    %get3A_378 = arith.constant 0 : index
    %get3A_379 = arith.constant 0 : index
    %get3A_380 = vector.load %arg6[%get3A_378, %get3A_379] : memref<1x128xf32, #tpu.memory_space<vmem>>, vector<1x128xf32>
    %add3A_381 = vector.broadcast %get3A_380 : vector<1x128xf32> to vector<1024x128xf32>
    %add3A_382 = arith.addf %dot_general3A_377, %add3A_381 : vector<1024x128xf32>
    %custom_jvp_call3A_383 = arith.constant 0.000000e+00 : f32
    %max3A_384 = vector.broadcast %custom_jvp_call3A_383 : f32 to vector<1024x128xf32>
    %max3A_385 = arith.maximumf %add3A_382, %max3A_384 : vector<1024x128xf32>
    %sub3A_386 = vector.broadcast %custom_jvp_call3A_383 : f32 to vector<1024x128xf32>
    %sub3A_387 = arith.subf %add3A_382, %sub3A_386 : vector<1024x128xf32>
    %ne3A_388 = arith.cmpf one, %sub3A_387, %sub3A_387 : vector<1024x128xf32>
    %add3A_389 = vector.broadcast %custom_jvp_call3A_383 : f32 to vector<1024x128xf32>
    %add3A_390 = arith.addf %add3A_382, %add3A_389 : vector<1024x128xf32>
    %abs3A_391 = math.absf %sub3A_387 : vector<1024x128xf32>
    %neg3A_392 = arith.constant 0.000000e+00 : f32
    %neg3A_393 = vector.broadcast %neg3A_392 : f32 to vector<1024x128xf32>
    %neg3A_394 = arith.subf %neg3A_393, %abs3A_391 : vector<1024x128xf32>
    %exp3A_395 = math.exp %neg3A_394 : vector<1024x128xf32>
    %log1p3A_396 = math.log1p %exp3A_395 : vector<1024x128xf32>
    %add3A_397 = arith.addf %max3A_385, %log1p3A_396 : vector<1024x128xf32>
    %select_n3A_398 = arith.select %ne3A_388, %add3A_390, %add3A_397 : vector<1024x128xi1>, vector<1024x128xf32>
    %log3A_399 = arith.constant 2.000000e+00 : f32
    %log3A_400 = math.log %log3A_399 : f32
    %sub3A_401 = vector.broadcast %log3A_400 : f32 to vector<1024x128xf32>
    %sub3A_402 = arith.subf %select_n3A_398, %sub3A_401 : vector<1024x128xf32>
    %get3A_403 = arith.constant 0 : index
    %get3A_404 = arith.constant 0 : index
    %get3A_405 = vector.load %arg7[%get3A_403, %get3A_404] : memref<128x128xf32, #tpu.memory_space<vmem>>, vector<128x128xf32>
    %dot_general3A_406 = arith.constant dense<0.000000e+00> : vector<1024x128xf32>
    %dot_general3A_407 = tpu.matmul %sub3A_402, %get3A_405, %dot_general3A_406 {dimension_numbers = #tpu.dot_dimension_numbers<[1], [0], [0], [1], [0, 0, 1, 1], [], []>, transpose_lhs_hint = false} : vector<1024x128xf32>, vector<128x128xf32>, vector<1024x128xf32> -> vector<1024x128xf32>
    %get3A_408 = arith.constant 0 : index
    %get3A_409 = arith.constant 0 : index
    %get3A_410 = vector.load %arg8[%get3A_408, %get3A_409] : memref<1x128xf32, #tpu.memory_space<vmem>>, vector<1x128xf32>
    %add3A_411 = vector.broadcast %get3A_410 : vector<1x128xf32> to vector<1024x128xf32>
    %add3A_412 = arith.addf %dot_general3A_407, %add3A_411 : vector<1024x128xf32>
    %slice3A_413 = vector.extract_strided_slice %transpose3A {offsets = [0, 7], sizes = [1024, 1], strides = [1, 1]} : vector<1024x8xf32> to vector<1024x1xf32>
    %mul3A_414 = vector.broadcast %slice3A_413 : vector<1024x1xf32> to vector<1024x128xf32>
    %mul3A_415 = arith.mulf %add3A_412, %mul3A_414 : vector<1024x128xf32>
    %get3A_416 = arith.constant 7168 : index
    %get3A_417 = arith.constant 0 : index
    %get3A_418 = vector.load %arg3[%get3A_416, %get3A_417] : memref<8192x128xf32, #tpu.memory_space<vmem>>, vector<1024x128xf32>
    %mul3A_419 = arith.mulf %mul3A_415, %get3A_418 : vector<1024x128xf32>
    %add3A_420 = arith.addf %add3A_366, %mul3A_419 : vector<1024x128xf32>
    %eq3A = arith.constant 0 : i32
    %eq3A_421 = arith.cmpi eq, %arg1, %eq3A : i32
    %convert_element_type3A = arith.extui %eq3A_421 : i1 to i32
    %cond3A = arith.constant 0 : i32
    %cond3A_422 = arith.cmpi ne, %convert_element_type3A, %cond3A : i32
    scf.if %cond3A_422 {
      %swap3A = arith.constant 0 : index
      %swap3A_432 = arith.constant 0 : index
      %swap3A_433 = vector.load %arg10[%swap3A, %swap3A_432] : memref<1024x128xf32, #tpu.memory_space<vmem>>, vector<1024x128xf32>
      tpu.vector_store %arg10[%swap3A, %swap3A_432], %add3A_420 {strides = array<i32>} : memref<1024x128xf32, #tpu.memory_space<vmem>>, vector<1024x128xf32>,
    } else {
    }
    %gt3A = arith.constant 0 : i32
    %gt3A_423 = arith.cmpi sgt, %arg1, %gt3A : i32
    %convert_element_type3A_424 = arith.extui %gt3A_423 : i1 to i32
    %cond3A_425 = arith.constant 0 : i32
    %cond3A_426 = arith.cmpi ne, %convert_element_type3A_424, %cond3A_425 : i32
    scf.if %cond3A_426 {
      %get3A_432 = arith.constant 0 : index
      %get3A_433 = arith.constant 0 : index
      %get3A_434 = vector.load %arg10[%get3A_432, %get3A_433] : memref<1024x128xf32, #tpu.memory_space<vmem>>, vector<1024x128xf32>
      %add3A_435 = arith.addf %get3A_434, %add3A_420 : vector<1024x128xf32>
      %swap3A = arith.constant 0 : index
      %swap3A_436 = arith.constant 0 : index
      %swap3A_437 = vector.load %arg10[%swap3A, %swap3A_436] : memref<1024x128xf32, #tpu.memory_space<vmem>>, vector<1024x128xf32>
      tpu.vector_store %arg10[%swap3A, %swap3A_436], %add3A_435 {strides = array<i32>} : memref<1024x128xf32, #tpu.memory_space<vmem>>, vector<1024x128xf32>,
    } else {
    }
    %eq3A_427 = arith.constant 1 : i32
    %eq3A_428 = arith.cmpi eq, %arg1, %eq3A_427 : i32
    %convert_element_type3A_429 = arith.extui %eq3A_428 : i1 to i32
    %cond3A_430 = arith.constant 0 : i32
    %cond3A_431 = arith.cmpi ne, %convert_element_type3A_429, %cond3A_430 : i32
    scf.if %cond3A_431 {
      %get3A_432 = arith.constant 0 : index
      %get3A_433 = arith.constant 0 : index
      %get3A_434 = vector.load %arg10[%get3A_432, %get3A_433] : memref<1024x128xf32, #tpu.memory_space<vmem>>, vector<1024x128xf32>
      %swap3A = arith.constant 0 : index
      %swap3A_435 = arith.constant 0 : index
      %swap3A_436 = vector.load %arg9[%swap3A, %swap3A_435] : memref<1024x128xf32, #tpu.memory_space<vmem>>, vector<1024x128xf32>
      tpu.vector_store %arg9[%swap3A, %swap3A_435], %get3A_434 {strides = array<i32>} : memref<1024x128xf32, #tpu.memory_space<vmem>>, vector<1024x128xf32>,
    } else {
    }
    return
  }
  func.func @transform_0(%arg0: i32, %arg1: i32) -> (i32, i32, i32, i32) {
    %add3A = arith.constant 0 : i32
    %add3A_0 = arith.addi %add3A, %arg1 : i32
    %c0_i32 = arith.constant 0 : i32
    %c0_i32_1 = arith.constant 0 : i32
    %c0_i32_2 = arith.constant 0 : i32
    return %arg0, %c0_i32, %add3A_0, %c0_i32_1 : i32, i32, i32, i32
  }
  func.func @transform_1(%arg0: i32, %arg1: i32) -> (i32, i32) {
    %mul3A = arith.constant 2 : i32
    %mul3A_0 = arith.muli %arg0, %mul3A : i32
    %add3A = arith.addi %mul3A_0, %arg1 : i32
    %c0_i32 = arith.constant 0 : i32
    %c0_i32_1 = arith.constant 0 : i32
    return %add3A, %c0_i32 : i32, i32
  }
  func.func @transform_2(%arg0: i32, %arg1: i32) -> (i32, i32, i32) {
    %add3A = arith.constant 0 : i32
    %add3A_0 = arith.addi %add3A, %arg1 : i32
    %c0_i32 = arith.constant 0 : i32
    %c0_i32_1 = arith.constant 0 : i32
    return %arg0, %add3A_0, %c0_i32 : i32, i32, i32
  }
  func.func @transform_3(%arg0: i32, %arg1: i32) -> (i32, i32) {
    %c0_i32 = arith.constant 0 : i32
    %c0_i32_0 = arith.constant 0 : i32
    %c0_i32_1 = arith.constant 0 : i32
    return %c0_i32, %c0_i32_0 : i32, i32
  }
  func.func @transform_4(%arg0: i32, %arg1: i32) -> (i32, i32) {
    %c0_i32 = arith.constant 0 : i32
    %c0_i32_0 = arith.constant 0 : i32
    %c0_i32_1 = arith.constant 0 : i32
    return %c0_i32, %c0_i32_0 : i32, i32
  }
  func.func @transform_5(%arg0: i32, %arg1: i32) -> (i32, i32) {
    %c0_i32 = arith.constant 0 : i32
    %c0_i32_0 = arith.constant 0 : i32
    %c0_i32_1 = arith.constant 0 : i32
    return %c0_i32, %c0_i32_0 : i32, i32
  }
  func.func @transform_6(%arg0: i32, %arg1: i32) -> (i32, i32) {
    %c0_i32 = arith.constant 0 : i32
    %c0_i32_0 = arith.constant 0 : i32
    %c0_i32_1 = arith.constant 0 : i32
    return %c0_i32, %c0_i32_0 : i32, i32
  }
  func.func @transform_7(%arg0: i32, %arg1: i32) -> (i32, i32) {
    %c0_i32 = arith.constant 0 : i32
    %c0_i32_0 = arith.constant 0 : i32
    return %arg0, %c0_i32 : i32, i32
  }
}

module attributes {stable_mosaic.version = 14 : i64} {
  func.func @_tail_kernel(%arg0: i32, %arg1: memref<128x128xf32, #tpu.memory_space<vmem>>, %arg2: memref<1x128xf32, #tpu.memory_space<vmem>>, %arg3: memref<128x128xf32, #tpu.memory_space<vmem>>, %arg4: memref<1x128xf32, #tpu.memory_space<vmem>>, %arg5: memref<1024x128xf32, #tpu.memory_space<vmem>>, %arg6: memref<1024x128xf32, #tpu.memory_space<vmem>>, %arg7: memref<1024x128xf32, #tpu.memory_space<vmem>>, %arg8: memref<1024x128xf32, #tpu.memory_space<vmem>>, %arg9: memref<1024x128xf32, #tpu.memory_space<vmem>>) attributes {dimension_semantics = [#tpu.dimension_semantics<arbitrary>], iteration_bounds = array<i64: 8>, scalar_prefetch = 0 : i64, scratch_operands = 0 : i64, tpu.core_type = #tpu.core_type<tc>, window_params = [{pipeline_mode = #tpu.pipeline_mode<synchronous>, transform_indices = @transform_0, window_bounds = array<i64: 128, 128>}, {pipeline_mode = #tpu.pipeline_mode<synchronous>, transform_indices = @transform_1, window_bounds = array<i64: 1, 128>}, {pipeline_mode = #tpu.pipeline_mode<synchronous>, transform_indices = @transform_2, window_bounds = array<i64: 128, 128>}, {pipeline_mode = #tpu.pipeline_mode<synchronous>, transform_indices = @transform_3, window_bounds = array<i64: 1, 128>}, {transform_indices = @transform_4, window_bounds = array<i64: 1024, 128>}, {transform_indices = @transform_5, window_bounds = array<i64: 1024, 128>}, {transform_indices = @transform_6, window_bounds = array<i64: 1024, 128>}, {transform_indices = @transform_7, window_bounds = array<i64: 1024, 128>}, {transform_indices = @transform_8, window_bounds = array<i64: 1024, 128>}]} {
    %get3A = arith.constant 0 : index
    %get3A_0 = arith.constant 0 : index
    %get3A_1 = vector.load %arg5[%get3A, %get3A_0] : memref<1024x128xf32, #tpu.memory_space<vmem>>, vector<1024x128xf32>
    %get3A_2 = arith.constant 0 : index
    %get3A_3 = arith.constant 0 : index
    %get3A_4 = vector.load %arg6[%get3A_2, %get3A_3] : memref<1024x128xf32, #tpu.memory_space<vmem>>, vector<1024x128xf32>
    %add3A = arith.addf %get3A_1, %get3A_4 : vector<1024x128xf32>
    %get3A_5 = arith.constant 0 : index
    %get3A_6 = arith.constant 0 : index
    %get3A_7 = vector.load %arg7[%get3A_5, %get3A_6] : memref<1024x128xf32, #tpu.memory_space<vmem>>, vector<1024x128xf32>
    %add3A_8 = arith.addf %add3A, %get3A_7 : vector<1024x128xf32>
    %get3A_9 = arith.constant 0 : index
    %get3A_10 = arith.constant 0 : index
    %get3A_11 = vector.load %arg8[%get3A_9, %get3A_10] : memref<1024x128xf32, #tpu.memory_space<vmem>>, vector<1024x128xf32>
    %add3A_12 = arith.addf %add3A_8, %get3A_11 : vector<1024x128xf32>
    %get3A_13 = arith.constant 0 : index
    %get3A_14 = arith.constant 0 : index
    %get3A_15 = vector.load %arg1[%get3A_13, %get3A_14] : memref<128x128xf32, #tpu.memory_space<vmem>>, vector<128x128xf32>
    %dot_general3A = arith.constant dense<0.000000e+00> : vector<1024x128xf32>
    %dot_general3A_16 = tpu.matmul %add3A_12, %get3A_15, %dot_general3A {dimension_numbers = #tpu.dot_dimension_numbers<[1], [0], [0], [1], [0, 0, 1, 1], [], []>, transpose_lhs_hint = false} : vector<1024x128xf32>, vector<128x128xf32>, vector<1024x128xf32> -> vector<1024x128xf32>
    %get3A_17 = arith.constant 0 : index
    %get3A_18 = arith.constant 0 : index
    %get3A_19 = vector.load %arg2[%get3A_17, %get3A_18] : memref<1x128xf32, #tpu.memory_space<vmem>>, vector<1x128xf32>
    %add3A_20 = vector.broadcast %get3A_19 : vector<1x128xf32> to vector<1024x128xf32>
    %add3A_21 = arith.addf %dot_general3A_16, %add3A_20 : vector<1024x128xf32>
    %custom_jvp_call3A = arith.constant 0.000000e+00 : f32
    %max3A = vector.broadcast %custom_jvp_call3A : f32 to vector<1024x128xf32>
    %max3A_22 = arith.maximumf %add3A_21, %max3A : vector<1024x128xf32>
    %sub3A = vector.broadcast %custom_jvp_call3A : f32 to vector<1024x128xf32>
    %sub3A_23 = arith.subf %add3A_21, %sub3A : vector<1024x128xf32>
    %ne3A = arith.cmpf one, %sub3A_23, %sub3A_23 : vector<1024x128xf32>
    %add3A_24 = vector.broadcast %custom_jvp_call3A : f32 to vector<1024x128xf32>
    %add3A_25 = arith.addf %add3A_21, %add3A_24 : vector<1024x128xf32>
    %abs3A = math.absf %sub3A_23 : vector<1024x128xf32>
    %neg3A = arith.constant 0.000000e+00 : f32
    %neg3A_26 = vector.broadcast %neg3A : f32 to vector<1024x128xf32>
    %neg3A_27 = arith.subf %neg3A_26, %abs3A : vector<1024x128xf32>
    %exp3A = math.exp %neg3A_27 : vector<1024x128xf32>
    %log1p3A = math.log1p %exp3A : vector<1024x128xf32>
    %add3A_28 = arith.addf %max3A_22, %log1p3A : vector<1024x128xf32>
    %select_n3A = arith.select %ne3A, %add3A_25, %add3A_28 : vector<1024x128xi1>, vector<1024x128xf32>
    %log3A = arith.constant 2.000000e+00 : f32
    %log3A_29 = math.log %log3A : f32
    %sub3A_30 = vector.broadcast %log3A_29 : f32 to vector<1024x128xf32>
    %sub3A_31 = arith.subf %select_n3A, %sub3A_30 : vector<1024x128xf32>
    %get3A_32 = arith.constant 0 : index
    %get3A_33 = arith.constant 0 : index
    %get3A_34 = vector.load %arg3[%get3A_32, %get3A_33] : memref<128x128xf32, #tpu.memory_space<vmem>>, vector<128x128xf32>
    %dot_general3A_35 = arith.constant dense<0.000000e+00> : vector<1024x128xf32>
    %dot_general3A_36 = tpu.matmul %sub3A_31, %get3A_34, %dot_general3A_35 {dimension_numbers = #tpu.dot_dimension_numbers<[1], [0], [0], [1], [0, 0, 1, 1], [], []>, transpose_lhs_hint = false} : vector<1024x128xf32>, vector<128x128xf32>, vector<1024x128xf32> -> vector<1024x128xf32>
    %get3A_37 = arith.constant 0 : index
    %get3A_38 = arith.constant 0 : index
    %get3A_39 = vector.load %arg4[%get3A_37, %get3A_38] : memref<1x128xf32, #tpu.memory_space<vmem>>, vector<1x128xf32>
    %add3A_40 = vector.broadcast %get3A_39 : vector<1x128xf32> to vector<1024x128xf32>
    %add3A_41 = arith.addf %dot_general3A_36, %add3A_40 : vector<1024x128xf32>
    %swap3A = arith.constant 0 : index
    %swap3A_42 = arith.constant 0 : index
    %swap3A_43 = vector.load %arg9[%swap3A, %swap3A_42] : memref<1024x128xf32, #tpu.memory_space<vmem>>, vector<1024x128xf32>
    tpu.vector_store %arg9[%swap3A, %swap3A_42], %add3A_41 {strides = array<i32>} : memref<1024x128xf32, #tpu.memory_space<vmem>>, vector<1024x128xf32>,
    return
  }
  func.func @transform_0(%arg0: i32) -> (i32, i32) {
    %c0_i32 = arith.constant 0 : i32
    %c0_i32_0 = arith.constant 0 : i32
    %c0_i32_1 = arith.constant 0 : i32
    return %c0_i32, %c0_i32_0 : i32, i32
  }
  func.func @transform_1(%arg0: i32) -> (i32, i32) {
    %c0_i32 = arith.constant 0 : i32
    %c0_i32_0 = arith.constant 0 : i32
    %c0_i32_1 = arith.constant 0 : i32
    return %c0_i32, %c0_i32_0 : i32, i32
  }
  func.func @transform_2(%arg0: i32) -> (i32, i32) {
    %c0_i32 = arith.constant 0 : i32
    %c0_i32_0 = arith.constant 0 : i32
    %c0_i32_1 = arith.constant 0 : i32
    return %c0_i32, %c0_i32_0 : i32, i32
  }
  func.func @transform_3(%arg0: i32) -> (i32, i32) {
    %c0_i32 = arith.constant 0 : i32
    %c0_i32_0 = arith.constant 0 : i32
    %c0_i32_1 = arith.constant 0 : i32
    return %c0_i32, %c0_i32_0 : i32, i32
  }
  func.func @transform_4(%arg0: i32) -> (i32, i32) {
    %c0_i32 = arith.constant 0 : i32
    %c0_i32_0 = arith.constant 0 : i32
    return %arg0, %c0_i32 : i32, i32
  }
  func.func @transform_5(%arg0: i32) -> (i32, i32) {
    %c0_i32 = arith.constant 0 : i32
    %c0_i32_0 = arith.constant 0 : i32
    return %arg0, %c0_i32 : i32, i32
  }
  func.func @transform_6(%arg0: i32) -> (i32, i32) {
    %c0_i32 = arith.constant 0 : i32
    %c0_i32_0 = arith.constant 0 : i32
    return %arg0, %c0_i32 : i32, i32
  }
  func.func @transform_7(%arg0: i32) -> (i32, i32) {
    %c0_i32 = arith.constant 0 : i32
    %c0_i32_0 = arith.constant 0 : i32
    return %arg0, %c0_i32 : i32, i32
  }
  func.func @transform_8(%arg0: i32) -> (i32, i32) {
    %c0_i32 = arith.constant 0 : i32
    %c0_i32_0 = arith.constant 0 : i32
    return %arg0, %c0_i32 : i32, i32
  }
}

</mosaic_0001>

<sc_bundles>
// kernel: kernel.12.cloned.1.call-start
scs
__scs_entry_jumppad:
0x0: {  	(pc) =	sbr.rel $0x88, $3  }
0x1: {  	(tag) =	ssettag $0x0;
	lr =	simm.s32 $0x1  }
0x2: {  	[smem:$0x3F93] =	sst lr;
	_ =	strace $0xD0000000  }
0x3: {  	_ = 	snop  }
0x4: {  	_ = 	snop  }
0x5: {  	_ = 	snop  }
0x6: {  	_ = 	snop  }
0x7: {  	_ = 	snop  }
__scs_overlays_trampoline_lowered:
0x8: {  	[smem:$0x3FA2] =	sst s0  }
0x9: {  	[smem:$0x3FA3] =	sst s1  }
0xa: {  	[smem:$0x3FA4] =	sst s2  }
0xb: {  	[smem:$0x3FA5] =	sst s3  }
0xc: {  	[smem:$0x3FA6] =	sst s4  }
0xd: {  	[smem:$0x3FA7] =	sst s5  }
0xe: {  	[smem:$0x3FA8] =	sst s6  }
0xf: {  	[smem:$0x3FA9] =	sst s7  }
0x10: {  	[smem:$0x3FAA] =	sst s8  }
0x11: {  	[smem:$0x3FAB] =	sst s9;
	s0 =	simm.s32 @!p0 $0x0  }
0x12: {  	s1 =	sld [smem:$0x3F91];
	s0 =	simm.s32 @p0 $0x1  }
0x13: {  	[smem:$0x3FAC] =	sst s0;
	s0 =	simm.s32 @!p1 $0x0  }
0x14: {  	s2 =	sld [smem:$0x3F90];
	s0 =	simm.s32 @p1 $0x1  }
0x15: {  	[smem:$0x3FAD] =	sst s0;
	s0 =	simm.s32 @!p2 $0x0  }
0x16: {  	s3 =	sld [smem:$0x3FDB];
	s0 =	simm.s32 @p2 $0x1  }
0x17: {  	s4 =	simm.s32 $0x1BF5;
	[smem:$0x3FAF] =	sst s0  }
0x18: {  	s0 =	sld [smem:$0x3F92];
	_ =	swait.ge [sflag:s4], $0x0  }
0x19: {  	s7 =	sld [smem:$0x3F93]  }
0x1a: {  	s8 =	sadd.s32 $0xFFFFE003, lr  }
0x1b: {  	s9 =	sadd.s32 $0xFFFFFEF7, lr;
	s5 =	simm.s32 $0xFFFFFFFF;
	p2 =	slt.u32 s8, $0xFFFFF086  }
0x1c: {  	p1 =	slt.u32 s9, $0xF7A;
	s5 =	simm.s32 @!p2 $0x0  }
0x1d: {  	s5 =	simm.s32 @p1 $0x1;
	p0 =	seq.s32 s7, s2  }
0x1e: {  	s7 =	smul.u32 @!p0 $0xF7A, s2;
	p2 =	seq.s32 @!p0 s5, $0x0  }
0x1f: {  	s9 =	smul.u32 $0xF7A, s1;
	s8 =	simm.s32 @!p0 $0x1BF5;
	p2 =	por !p2, p0  }
0x20: {  	[sflag:s8] =	ssyncset.s32 @!p0 $0xFFFFF086;
	s6 =	sadd.s32 @!p0 s3, s7;
	s7 =	simm.s32 @!p0 $0x108  }
0x21: {  	s3 =	sadd.s32 s3, s9;
	s6 =	sadd.s32 @!p0 $0x88, s6;
	s7 =	simm.s32 @p2 $0x1082  }
0x22: {  	[simem:s7], [sflag:s8] =	dma.local @!p0 [hbm:s6], $0xF7A  }
0x23: {  	s9 =	sor.u32 $0xD0000000, s2;
	s6 =	simm.s32 $0x108;
	_ =	swait.ge @!p0 [sflag:s8], $0x0  }
0x24: {  	s3 =	sadd.s32 $0x88, s3;
	s6 =	simm.s32 @!p1 $0x1082;
	[sflag:s4] =	ssyncset.s32 $0xFFFFF086  }
0x25: {  	[simem:s6], [sflag:s4] =	dma.local [hbm:s3], $0xF7A  }
0x26: {  	[smem:$0x3F93] =	sst s1;
	(tag) =	ssettag s2;
	_ =	strace s9  }
0x27: {  	s1 =	sld [smem:$0x3FA3]  }
0x28: {  	s2 =	sld [smem:$0x3FA4]  }
0x29: {  	s4 =	sld [smem:$0x3FA6]  }
0x2a: {  	p0 =	seq.s32 s5, $0x0;
	s5 =	sld [smem:$0x3FA7]  }
0x2b: {  	s6 =	sld [smem:$0x3FA8]  }
0x2c: {  	s7 =	sld [smem:$0x3FA9]  }
0x2d: {  	s3 =	simm.s32 $0x108;
	s8 =	sld [smem:$0x3FAA]  }
0x2e: {  	s3 =	simm.s32 @!p0 $0x1082;
	s9 =	sld [smem:$0x3FAB]  }
0x2f: {  	lr =	sadd.s32 s0, s3;
	s0 =	sld [smem:$0x3FA2]  }
0x30: {  	s3 =	sld [smem:$0x3FA5]  }
0x31: {  	[smem:$0x3FAE] =	sst s10  }
0x32: {  	s10 =	sld [smem:$0x3FAC];
	_ =	sdelay $0x3  }
0x33: {  	p0 =	seq.s32 s10, $0x1;
	s10 =	sld [smem:$0x3FAE];
	_ =	sdelay $0x3  }
0x34: {  	[smem:$0x3FAE] =	sst s10  }
0x35: {  	s10 =	sld [smem:$0x3FAD];
	_ =	sdelay $0x3  }
0x36: {  	p1 =	seq.s32 s10, $0x1;
	s10 =	sld [smem:$0x3FAE];
	_ =	sdelay $0x3  }
0x37: {  	[smem:$0x3FAE] =	sst s10  }
0x38: {  	s10 =	sld [smem:$0x3FAF]  }
0x39: {  	_ = 	snop;
	(pc) =	sbr.ind lr, $3  }
0x3a: {  	_ = 	snop  }
0x3b: {  	_ = 	snop  }
0x3c: {  	p2 =	seq.s32 s10, $0x1;
	s10 =	sld [smem:$0x3FAE]  }
0x3d: {  	_ =	shalt  }
0x3e: {  	_ =	shalt  }
0x3f: {  	_ =	shalt  }
0x40: {  	_ =	shalt  }
0x41: {  	_ =	shalt  }
0x42: {  	_ =	shalt  }
0x43: {  	_ =	shalt  }
0x44: {  	_ =	shalt  }
0x45: {  	_ =	shalt  }
0x46: {  	_ =	shalt  }
0x47: {  	_ =	shalt  }
0x48: {  	_ =	shalt  }
0x49: {  	_ =	shalt  }
0x4a: {  	_ =	shalt  }
0x4b: {  	_ =	shalt  }
0x4c: {  	_ =	shalt  }
0x4d: {  	_ =	shalt  }
0x4e: {  	_ =	shalt  }
0x4f: {  	_ =	shalt  }
0x50: {  	_ =	shalt  }
0x51: {  	_ =	shalt  }
0x52: {  	_ =	shalt  }
0x53: {  	_ =	shalt  }
0x54: {  	_ =	shalt  }
0x55: {  	_ =	shalt  }
0x56: {  	_ =	shalt  }
0x57: {  	_ =	shalt  }
0x58: {  	_ =	shalt  }
0x59: {  	_ =	shalt  }
0x5a: {  	_ =	shalt  }
0x5b: {  	_ =	shalt  }
0x5c: {  	_ =	shalt  }
0x5d: {  	_ =	shalt  }
0x5e: {  	_ =	shalt  }
0x5f: {  	_ =	shalt  }
0x60: {  	_ =	shalt  }
0x61: {  	_ =	shalt  }
0x62: {  	_ =	shalt  }
0x63: {  	_ =	shalt  }
0x64: {  	_ =	shalt  }
0x65: {  	_ =	shalt  }
0x66: {  	_ =	shalt  }
0x67: {  	_ =	shalt  }
0x68: {  	_ =	shalt  }
0x69: {  	_ =	shalt  }
0x6a: {  	_ =	shalt  }
0x6b: {  	_ =	shalt  }
0x6c: {  	_ =	shalt  }
0x6d: {  	_ =	shalt  }
0x6e: {  	_ =	shalt  }
0x6f: {  	_ =	shalt  }
0x70: {  	_ =	shalt  }
0x71: {  	_ =	shalt  }
0x72: {  	_ =	shalt  }
0x73: {  	_ =	shalt  }
0x74: {  	_ =	shalt  }
0x75: {  	_ =	shalt  }
0x76: {  	_ =	shalt  }
0x77: {  	_ =	shalt  }
0x78: {  	_ =	shalt  }
0x79: {  	_ =	shalt  }
0x7a: {  	_ =	shalt  }
0x7b: {  	_ =	shalt  }
0x7c: {  	_ =	shalt  }
0x7d: {  	_ =	shalt  }
0x7e: {  	_ =	shalt  }
0x7f: {  	_ =	shalt  }
0x80: {  	_ =	shalt  }
0x81: {  	_ =	shalt  }
0x82: {  	_ =	shalt  }
0x83: {  	_ =	shalt  }
0x84: {  	_ =	shalt  }
0x85: {  	_ =	shalt  }
0x86: {  	_ =	shalt  }
0x87: {  	_ =	shalt  }
.Lfunc_end0:
.L_simem_size_0:
called_computation_lowered:
.L_overlay_start_0:
0x88: {  	s2 =	sld [smem:$0x3FD9]  }
0x89: {  	s3 =	sld [smem:$0x3FFE];
	_ =	sdelay $0x1  }
0x8a: {  	s1 =	srdreg.scid  }
0x8b: {  	s0 =	sand.u32 $0x1, s1  }
0x8c: {  	s17 =	sshll.u32 s0, $0xA;
	s2 =	sadd.s32 s3, s2  }
0x8d: {  	s2 =	sadd.s32 s2, s17  }
0x8e: {  	[smem:$0x3FBA] =	sst s2  }
0x8f: {  	_ = 	snop  }
0x90: {  	s18 =	sld [smem:$0x3FD0];
	(tm) =	ssettm $0x1  }
0x91: {  	s19 =	sld [smem:$0x3FFB];
	_ =	sdelay $0x3  }
0x92: {  	_ =	strace s19  }
0x93: {  	s2 =	sld [smem:$0x3FFC];
	_ =	sdelay $0x3  }
0x94: {  	_ =	strace s2  }
0x95: {  	s2 =	sld [smem:$0x3FFD];
	_ =	sdelay $0x3  }
0x96: {  	_ =	strace s2  }
0x97: {  	_ =	strace $0x8FFFFFFF  }
0x98: {  	s20 =	sld [smem:$0x3FDB];
	_ =	sdelay $0x1  }
0x99: {  	s4 =	simm.s32 $_scs_section_size  }
0x9a: {  	s5 =	simm.s32 $_size__tile_overlayer_lowered;
	s6 =	simm.s32 $_tile_overlayer_lowered  }
0x9b: {  	s7 =	simm.s32 $0x1BFF;
	s21 =	sshll.u32 s6, $0x1;
	s4 =	sadd.s32 s4, s20  }
0x9c: {  	s22 =	simm.s32 $0x0;
	s5 =	sshll.u32 s5, $0x1;
	s6 =	sadd.s32 s21, s4  }
0x9d: {  	[timem:s22], [sflag:s7] =	dma.local [hbm:s6], s5  }
0x9e: {  	_ =	swait.ge [sflag:s7], s5  }
0x9f: {  	s5 =	ssub.s32 $0x0, s5;
	[sflag:s7] =	ssyncset.done $0x0  }
0xa0: {  	[sflag:s7] =	ssyncadd.s32 s5;
	_ =	sdelay $0x1  }
0xa1: {  	s23 =	simm.s32 $0x1B8B  }
0xa2: {  	_ =	swait.ge [sflag:s23], $0x1  }
0xa3: {  	[sflag:s23] =	ssyncset.done $0x0  }
0xa4: {  	[sflag:s23] =	ssyncadd.s32 $0xFFFFFFFF  }
0xa5: {  	s5 =	sld [smem:$0x0]  }
0xa6: {  	s6 =	sand.u32 $0xFFFFFFFE, s1  }
0xa7: {  	p0 =	sne.s32 s1, s6  }
0xa8: {  	s6 =	sshll.u32 @p0 s6, $0xE  }
0xa9: {  	s6 =	sadd.s32 @p0 $0x11B8D, s6;
	s7 =	sshll.u32 @p0 s5, $0x11  }
0xaa: {  	s6 =	sor.u32 @p0 s7, s6  }
0xab: {  	[sflag:s6] =	ssyncadd.remote.s32 @p0 $0x1;
	_ =	sdelay $0x1  }
0xac: {  	s6 =	simm.s32 @p0 $0x1B8D  }
0xad: {  	_ =	swait.eq @p0 [sflag:s6], $0x1  }
0xae: {  	[sflag:s6] =	ssyncadd.s32 @p0 $0xFFFFFFFF  }
0xaf: {  	s7 =	sshll.u32 @!p0 s1, $0xE  }
0xb0: {  	s7 =	sor.u32 @!p0 $0x4000, s7;
	s6 =	simm.s32 @!p0 $0x1B8D  }
0xb1: {  	s5 =	sshll.u32 @!p0 s5, $0x11;
	s7 =	sadd.s32 @!p0 $0x11B8D, s7;
	_ =	swait.eq @!p0 [sflag:s6], $0x1  }
0xb2: {  	s5 =	sor.u32 @!p0 s5, s7;
	[sflag:s6] =	ssyncadd.s32 @!p0 $0xFFFFFFFF  }
0xb3: {  	s25 =	simm.s32 $0x1B8E;
	s24 =	sld [smem:$0x3FFE];
	[sflag:s5] =	ssyncadd.remote.s32 @!p0 $0x1  }
0xb4: {  	s26 =	simm.s32 $execute0_lowered;
	[smem:$0x3FD2] =	sst s25  }
0xb5: {  	s6 =	sshll.u32 s26, $0x1;
	_ =	strace $0x8000004F;
	[dreg:$0x1] =	wrdreg $0xFFFFFFFF  }
0xb6: {  	s28 =	simm.s32 $_size_execute0_lowered;
	s4 =	sadd.s32 s4, s6;
	[dreg:$0x0] =	wrdreg $0x0  }
0xb7: {  	s6 =	sshll.u32 s28, $0x1;
	[dreg:$0x2] =	wrdreg s4  }
0xb8: {  	[dreg:$0x3] =	wrdreg s6  }
0xb9: {  	[dreg:$0x4] =	wrdreg $0xC0  }
0xba: {  	_ =	task [dreg:s22], $0x5FFFF  }
0xbb: {  	[dreg:$0x1] =	wrdreg $0xFFFFFFFF  }
0xbc: {  	[dreg:$0x0] =	wrdreg $0x60  }
0xbd: {  	[dreg:$0x2] =	wrdreg s18  }
0xbe: {  	[dreg:$0x3] =	wrdreg s24  }
0xbf: {  	[dreg:$0x4] =	wrdreg $0x9  }
0xc0: {  	_ =	task.clear_ibuf [dreg:s22], $0x5FFFF;
	_ =	strace $0x9000004F  }
0xc1: {  	s29 =	simm.s32 $0x9;
	_ =	strace $0x80000051  }
0xc2: {  	_ =	swait.ge [sflag:s29], $0x1  }
0xc3: {  	[sflag:s29] =	ssyncadd.s32 $0xFFFFFFFF  }
0xc4: {  	_ =	strace $0x90000051  }
0xc5: {  	_ =	sfence  }
0xc6: {  	s30 =	sld [smem:$0x0];
	_ =	sdelay $0x2  }
0xc7: {  	s31 =	sshll.u32 s1, $0xD;
	s1 =	sshrl.u32 s1, $0x2  }
0xc8: {  	s4 =	sand.u32 $0x4000, s31;
	s1 =	sadd.s32 s1, s30  }
0xc9: {  	s0 =	sor.u32 s4, s0;
	s1 =	sshll.u32 s1, $0x11  }
0xca: {  	s0 =	sor.u32 s1, s0  }
0xcb: {  	s0 =	sadd.s32 $0x8F2B, s0  }
0xcc: {  	[sflag:s0] =	ssyncadd.remote.s32 $0x1  }
0xcd: {  	_ =	sfence.sel $0xFFFF  }
0xce: {  	[dreg:$0x0] =	wrdreg $0xFFFFFFFF;
	(pc) =	sbr.abs _section_cstart, $3  }
0xcf: {  	[dreg:$0x1] =	wrdreg $0xFFFFFFFF  }
0xd0: {  	_ =	task.clear_ibuf [dreg:s22], $0x2FFFF;
	_ =	strace $0x9FFFFFFF  }
0xd1: {  	(tm) =	ssettm $0x7FFFFFFF  }
tec
execute0_lowered:
.L_overlay_start_1:
0x0: {  	(tag) =	ssettag $0x1  }
0x1: {  	s2 =	rddreg [dreg:$0x0]  }
0x2: {  	s4 =	rddreg [dreg:$0x1]  }
0x3: {  	s3 =	srdreg.scid;
	s0 =	stileid.u32  }
0x4: {  	s11 =	simm.s32 $0x1000;
	s12 =	simm.s32 $0x5000;
	s14 =	simm.s32 $0x9000  }
0x5: {  	s15 =	simm.s32 $0x180;
	s16 =	simm.s32 $0xD000;
	s17 =	simm.s32 $0x1  }
0x6: {  	s18 =	simm.s32 $0x5;
	s19 =	simm.s32 $0x2;
	s20 =	simm.s32 $0x6  }
0x7: {  	s21 =	simm.s32 $0x3;
	s22 =	simm.s32 $0x7;
	s23 =	simm.s32 $0x4  }
0x8: {  	s24 =	simm.s32 $0x8;
	s25 =	simm.s32 $0x0;
	s5 =	sand.u32 $0x1, s3  }
0x9: {  	s3 =	simm.s32 $0x0;
	s6 =	sshll.u32 s0, $0xA;
	s9 =	sshll.u32 s0, $0x11  }
0xa: {  	s29 =	sadd.s32 $0x613000, s4;
	s7 =	sshll.u32 s5, $0x9;
	[smem:$0x7FF] =	sst s3  }
0xb: {  	s28 =	ssub.s32 $0x2, s5;
	s10 =	sshll.u32 s5, $0x10;
	s31 =	sadd.s32 s9, s29  }
.Ltmp0:
0xc: {  	s6 =	sor.u32 s7, s6;
	_ =	strace $0x80000050;
	(pc) =	sbr.rel .LBB2_1-.Ltmp0, $4  }
0xd: {  	s8 =	sshrl.u32 s28, $0x1;
	s30 =	sor.u32 s10, s9;
	s9 =	simm.s32 $0x9  }
0xe: {  	s6 =	sadd.s32 s6, s4;
	s7 =	ssub.s32 s28, s8;
	s8 =	sadd.s32 s30, s29  }
0xf: {  	s4 =	sadd.s32 $0x7000, s6;
	s5 =	smax.u32 s7, $0x1;
	s6 =	sadd.s32 s10, s31  }
0x10: {  	s7 =	sadd.s32 $0x1800, s8;
	s8 =	sadd.s32 $0x1000, s8;
	s10 =	simm.s32 $0x80  }
.LBB2_4:
0x11: {  	s25 =	sadd.s32 $0x1, s25  }
0x12: {  	p0 =	sne.s32 s25, s5  }
.Ltmp1:
0x13: {  	_ = 	snop;
	(pc) =	sbr.rel @!p0 .LBB2_5-.Ltmp1, $1  }
0x14: {  	_ =	sdelay $0x3  }
.LBB2_1:
0x15: {  	[tilespmem:s3], [sflag:$0x9] =	stream.linear.gather [hbm4b:s4+s3], $0x1000, $0x38;
	[tilespmem:$0x11000] =	vst v63  }
0x16: {  	_ =	swait.ge [sflag:s9], $0x1000  }
0x17: {  	[sflag:s9] =	ssyncset.done $0x0  }
0x18: {  	[sflag:s9] =	ssyncadd.s32 $0xFFFFF000  }
0x19: {  	[tilespmem:s11], [sflag:$0x1] =	stream.indirect.gather [hbm4b:s2+s10], $0x80, s3, s10, $0xb8;
	[tilespmem:$0x11000] =	vst v63  }
0x1a: {  	_ = 	snop  }
0x1b: {  	[tilespmem:s12], [sflag:$0x2] =	stream.indirect.gather [hbm4b:s2+s10], $0x80, s10, s10, $0xb8;
	[tilespmem:$0x11000] =	vst v63  }
0x1c: {  	s0 =	simm.s32 $0x100;
	s26 =	smov.u32 s8  }
0x1d: {  	[tilespmem:s14], [sflag:$0x3] =	stream.indirect.gather [hbm4b:s2+s10], $0x80, s0, s10, $0xb8;
	[tilespmem:$0x11000] =	vst v63  }
0x1e: {  	s28 =	smov.u32 s7;
	s29 =	smov.u32 s6;
	s30 =	simm.s32 $0x0  }
0x1f: {  	[tilespmem:s16], [sflag:$0x4] =	stream.indirect.gather [hbm4b:s2+s10], $0x80, s15, s10, $0xb8;
	[tilespmem:$0x11000] =	vst v63  }
.LBB2_2:
0x20: {  	_ =	swait.ge [sflag:s17], $0x4000  }
0x21: {  	[sflag:s17] =	ssyncset.done $0x0  }
0x22: {  	[sflag:s17] =	ssyncadd.s32 $0xFFFFC000  }
0x23: {  	[hbm4b:s29+s3] =	stream.linear.scatter [tilespmem:s11], [sflag:$0x5], $0x4000, $0x38;
	[tilespmem:$0x11000] =	vst v63  }
0x24: {  	p0 =	seq.s32 s30, $0x3800;
	_ =	swait.ge [sflag:s18], $0x4000  }
0x25: {  	s31 =	sshra.s32 @!p0 s30, $0x2;
	s1 =	simm.s32 @!p0 $0x80;
	[sflag:s18] =	ssyncset.done $0x0  }
0x26: {  	s13 =	simm.s32 @!p0 $0x1000;
	s0 =	sadd.s32 @!p0 $0x200, s31;
	[sflag:s18] =	ssyncadd.s32 $0xFFFFC000  }
0x27: {  	[tilespmem:s13], [sflag:$0x1] =	stream.indirect.gather @!p0 [hbm4b:s2+s1], $0x80, s0, s1, $0xb8;
	[tilespmem:$0x11000] =	vst v63  }
0x28: {  	_ =	swait.ge [sflag:s19], $0x4000  }
0x29: {  	[sflag:s19] =	ssyncset.done $0x0  }
0x2a: {  	s13 =	sadd.s32 $0xFFFFF000, s28;
	[sflag:s19] =	ssyncadd.s32 $0xFFFFC000  }
0x2b: {  	[hbm4b:s13+s3] =	stream.linear.scatter [tilespmem:s12], [sflag:$0x6], $0x4000, $0x38;
	[tilespmem:$0x11000] =	vst v63  }
0x2c: {  	_ =	swait.ge [sflag:s20], $0x4000  }
0x2d: {  	[sflag:s20] =	ssyncset.done $0x0  }
0x2e: {  	s0 =	sadd.s32 @!p0 $0x280, s31;
	s13 =	simm.s32 @!p0 $0x5000;
	[sflag:s20] =	ssyncadd.s32 $0xFFFFC000  }
0x2f: {  	[tilespmem:s13], [sflag:$0x2] =	stream.indirect.gather @!p0 [hbm4b:s2+s1], $0x80, s0, s1, $0xb8;
	[tilespmem:$0x11000] =	vst v63  }
0x30: {  	_ =	swait.ge [sflag:s21], $0x4000  }
0x31: {  	[sflag:s21] =	ssyncset.done $0x0  }
0x32: {  	[sflag:s21] =	ssyncadd.s32 $0xFFFFC000  }
0x33: {  	[hbm4b:s26+s3] =	stream.linear.scatter [tilespmem:s14], [sflag:$0x7], $0x4000, $0x38;
	[tilespmem:$0x11000] =	vst v63  }
0x34: {  	_ =	swait.ge [sflag:s22], $0x4000  }
0x35: {  	[sflag:s22] =	ssyncset.done $0x0  }
0x36: {  	s0 =	sadd.s32 @!p0 $0x300, s31;
	s13 =	simm.s32 @!p0 $0x9000;
	[sflag:s22] =	ssyncadd.s32 $0xFFFFC000  }
0x37: {  	[tilespmem:s13], [sflag:$0x3] =	stream.indirect.gather @!p0 [hbm4b:s2+s1], $0x80, s0, s1, $0xb8;
	[tilespmem:$0x11000] =	vst v63  }
0x38: {  	_ =	swait.ge [sflag:s23], $0x4000  }
0x39: {  	[sflag:s23] =	ssyncset.done $0x0  }
.Ltmp2:
0x3a: {  	[sflag:s23] =	ssyncadd.s32 $0xFFFFC000;
	(pc) =	sbr.rel @p0 .LBB2_4-.Ltmp2, $4  }
0x3b: {  	[hbm4b:s28+s3] =	stream.linear.scatter [tilespmem:s16], [sflag:$0x8], $0x4000, $0x38;
	[tilespmem:$0x11000] =	vst v63  }
0x3c: {  	_ =	swait.ge [sflag:s24], $0x4000  }
0x3d: {  	[sflag:s24] =	ssyncset.done $0x0  }
0x3e: {  	[sflag:s24] =	ssyncadd.s32 $0xFFFFC000  }
.Ltmp3:
0x3f: {  	(pc) =	sbr.rel .LBB2_2-.Ltmp3, $4  }
0x40: {  	_ = 	snop  }
0x41: {  	s0 =	sshra.s32 s30, $0x2;
	s30 =	sadd.s32 $0x800, s30;
	s29 =	sadd.s32 $0x2000, s29  }
0x42: {  	s28 =	sadd.s32 $0x2000, s28;
	s26 =	sadd.s32 $0x2000, s26;
	s0 =	sadd.s32 $0x380, s0  }
0x43: {  	[tilespmem:s16], [sflag:$0x4] =	stream.indirect.gather [hbm4b:s2+s10], $0x80, s0, s10, $0xb8;
	[tilespmem:$0x11000] =	vst v63  }
.LBB2_5:
0x44: {  	_ =	sfence.sel $0x180000  }
0x45: {  	[bflag:$0x0] =	sbarrier.arrive $0xFFFF  }
0x46: {  	_ =	strace $0x90000050  }
0x47: {  	s0 =	stileid.u32;
	[bflag:$0x2] =	sbarrier.arrive $0xFFFF  }
0x48: {  	p0 =	sne.s32 s0, $0x0;
	s0 =	rddreg [dreg:$0x2]  }
0x49: {  	s0 =	sadd.s32 @!p0 $0x100000, s0  }
0x4a: {  	[sflag:s0] =	ssyncadd.tile.s32 @!p0 $0x1;
	_ =	shalt  }
.Lfunc_end2:
_tile_overlayer_lowered:
.L_overlay_start_2:
0x4b: {  	(tag) =	ssettag $0x2  }
0x4c: {  	s0 =	rddreg [dreg:$0x0];
	s2 =	stileid.u32  }
0x4d: {  	s1 =	rddreg [dreg:$0x1];
	p0 =	sne.s32 s2, $0x0  }
0x4e: {  	s3 =	rddreg [dreg:$0x2];
	[bflag:$0x3] =	sbarrier.arrive $0xFFFF;
	s2 =	simm.s32 @!p0 $0x1C09  }
0x4f: {  	[timem:s3], [sflag:s2] =	dma.local @!p0 [hbm:s0], s1  }
0x50: {  	s0 =	simm.s32 @!p0 $0x9  }
0x51: {  	_ =	swait.ge @!p0 [sflag:s0], s1  }
0x52: {  	s1 =	ssub.s32 @!p0 $0x0, s1;
	[sflag:s0] =	ssyncset.done @!p0 $0x0  }
0x53: {  	[sflag:s0] =	ssyncadd.s32 @!p0 s1  }
0x54: {  	[bflag:$0x3] =	sbarrier.arrive $0xFFFF  }
0x55: {  	_ =	shalt  }

// kernel: kernel.15.cloned.1.call-start
scs
__scs_entry_jumppad:
0x0: {  	(pc) =	sbr.rel $0x88, $3  }
0x1: {  	(tag) =	ssettag $0x0;
	lr =	simm.s32 $0x1  }
0x2: {  	[smem:$0x3F93] =	sst lr;
	_ =	strace $0xD0000000  }
0x3: {  	_ = 	snop  }
0x4: {  	_ = 	snop  }
0x5: {  	_ = 	snop  }
0x6: {  	_ = 	snop  }
0x7: {  	_ = 	snop  }
__scs_overlays_trampoline_lowered:
0x8: {  	[smem:$0x3FA2] =	sst s0  }
0x9: {  	[smem:$0x3FA3] =	sst s1  }
0xa: {  	[smem:$0x3FA4] =	sst s2  }
0xb: {  	[smem:$0x3FA5] =	sst s3  }
0xc: {  	[smem:$0x3FA6] =	sst s4  }
0xd: {  	[smem:$0x3FA7] =	sst s5  }
0xe: {  	[smem:$0x3FA8] =	sst s6  }
0xf: {  	[smem:$0x3FA9] =	sst s7  }
0x10: {  	[smem:$0x3FAA] =	sst s8  }
0x11: {  	[smem:$0x3FAB] =	sst s9;
	s0 =	simm.s32 @!p0 $0x0  }
0x12: {  	s1 =	sld [smem:$0x3F91];
	s0 =	simm.s32 @p0 $0x1  }
0x13: {  	[smem:$0x3FAC] =	sst s0;
	s0 =	simm.s32 @!p1 $0x0  }
0x14: {  	s2 =	sld [smem:$0x3F90];
	s0 =	simm.s32 @p1 $0x1  }
0x15: {  	[smem:$0x3FAD] =	sst s0;
	s0 =	simm.s32 @!p2 $0x0  }
0x16: {  	s3 =	sld [smem:$0x3FDB];
	s0 =	simm.s32 @p2 $0x1  }
0x17: {  	s4 =	simm.s32 $0x1BF5;
	[smem:$0x3FAF] =	sst s0  }
0x18: {  	s0 =	sld [smem:$0x3F92];
	_ =	swait.ge [sflag:s4], $0x0  }
0x19: {  	s7 =	sld [smem:$0x3F93]  }
0x1a: {  	s8 =	sadd.s32 $0xFFFFE003, lr  }
0x1b: {  	s9 =	sadd.s32 $0xFFFFFEF7, lr;
	s5 =	simm.s32 $0xFFFFFFFF;
	p2 =	slt.u32 s8, $0xFFFFF086  }
0x1c: {  	p1 =	slt.u32 s9, $0xF7A;
	s5 =	simm.s32 @!p2 $0x0  }
0x1d: {  	s5 =	simm.s32 @p1 $0x1;
	p0 =	seq.s32 s7, s2  }
0x1e: {  	s7 =	smul.u32 @!p0 $0xF7A, s2;
	p2 =	seq.s32 @!p0 s5, $0x0  }
0x1f: {  	s9 =	smul.u32 $0xF7A, s1;
	s8 =	simm.s32 @!p0 $0x1BF5;
	p2 =	por !p2, p0  }
0x20: {  	[sflag:s8] =	ssyncset.s32 @!p0 $0xFFFFF086;
	s6 =	sadd.s32 @!p0 s3, s7;
	s7 =	simm.s32 @!p0 $0x108  }
0x21: {  	s3 =	sadd.s32 s3, s9;
	s6 =	sadd.s32 @!p0 $0x88, s6;
	s7 =	simm.s32 @p2 $0x1082  }
0x22: {  	[simem:s7], [sflag:s8] =	dma.local @!p0 [hbm:s6], $0xF7A  }
0x23: {  	s9 =	sor.u32 $0xD0000000, s2;
	s6 =	simm.s32 $0x108;
	_ =	swait.ge @!p0 [sflag:s8], $0x0  }
0x24: {  	s3 =	sadd.s32 $0x88, s3;
	s6 =	simm.s32 @!p1 $0x1082;
	[sflag:s4] =	ssyncset.s32 $0xFFFFF086  }
0x25: {  	[simem:s6], [sflag:s4] =	dma.local [hbm:s3], $0xF7A  }
0x26: {  	[smem:$0x3F93] =	sst s1;
	(tag) =	ssettag s2;
	_ =	strace s9  }
0x27: {  	s1 =	sld [smem:$0x3FA3]  }
0x28: {  	s2 =	sld [smem:$0x3FA4]  }
0x29: {  	s4 =	sld [smem:$0x3FA6]  }
0x2a: {  	p0 =	seq.s32 s5, $0x0;
	s5 =	sld [smem:$0x3FA7]  }
0x2b: {  	s6 =	sld [smem:$0x3FA8]  }
0x2c: {  	s7 =	sld [smem:$0x3FA9]  }
0x2d: {  	s3 =	simm.s32 $0x108;
	s8 =	sld [smem:$0x3FAA]  }
0x2e: {  	s3 =	simm.s32 @!p0 $0x1082;
	s9 =	sld [smem:$0x3FAB]  }
0x2f: {  	lr =	sadd.s32 s0, s3;
	s0 =	sld [smem:$0x3FA2]  }
0x30: {  	s3 =	sld [smem:$0x3FA5]  }
0x31: {  	[smem:$0x3FAE] =	sst s10  }
0x32: {  	s10 =	sld [smem:$0x3FAC];
	_ =	sdelay $0x3  }
0x33: {  	p0 =	seq.s32 s10, $0x1;
	s10 =	sld [smem:$0x3FAE];
	_ =	sdelay $0x3  }
0x34: {  	[smem:$0x3FAE] =	sst s10  }
0x35: {  	s10 =	sld [smem:$0x3FAD];
	_ =	sdelay $0x3  }
0x36: {  	p1 =	seq.s32 s10, $0x1;
	s10 =	sld [smem:$0x3FAE];
	_ =	sdelay $0x3  }
0x37: {  	[smem:$0x3FAE] =	sst s10  }
0x38: {  	s10 =	sld [smem:$0x3FAF]  }
0x39: {  	_ = 	snop;
	(pc) =	sbr.ind lr, $3  }
0x3a: {  	_ = 	snop  }
0x3b: {  	_ = 	snop  }
0x3c: {  	p2 =	seq.s32 s10, $0x1;
	s10 =	sld [smem:$0x3FAE]  }
0x3d: {  	_ =	shalt  }
0x3e: {  	_ =	shalt  }
0x3f: {  	_ =	shalt  }
0x40: {  	_ =	shalt  }
0x41: {  	_ =	shalt  }
0x42: {  	_ =	shalt  }
0x43: {  	_ =	shalt  }
0x44: {  	_ =	shalt  }
0x45: {  	_ =	shalt  }
0x46: {  	_ =	shalt  }
0x47: {  	_ =	shalt  }
0x48: {  	_ =	shalt  }
0x49: {  	_ =	shalt  }
0x4a: {  	_ =	shalt  }
0x4b: {  	_ =	shalt  }
0x4c: {  	_ =	shalt  }
0x4d: {  	_ =	shalt  }
0x4e: {  	_ =	shalt  }
0x4f: {  	_ =	shalt  }
0x50: {  	_ =	shalt  }
0x51: {  	_ =	shalt  }
0x52: {  	_ =	shalt  }
0x53: {  	_ =	shalt  }
0x54: {  	_ =	shalt  }
0x55: {  	_ =	shalt  }
0x56: {  	_ =	shalt  }
0x57: {  	_ =	shalt  }
0x58: {  	_ =	shalt  }
0x59: {  	_ =	shalt  }
0x5a: {  	_ =	shalt  }
0x5b: {  	_ =	shalt  }
0x5c: {  	_ =	shalt  }
0x5d: {  	_ =	shalt  }
0x5e: {  	_ =	shalt  }
0x5f: {  	_ =	shalt  }
0x60: {  	_ =	shalt  }
0x61: {  	_ =	shalt  }
0x62: {  	_ =	shalt  }
0x63: {  	_ =	shalt  }
0x64: {  	_ =	shalt  }
0x65: {  	_ =	shalt  }
0x66: {  	_ =	shalt  }
0x67: {  	_ =	shalt  }
0x68: {  	_ =	shalt  }
0x69: {  	_ =	shalt  }
0x6a: {  	_ =	shalt  }
0x6b: {  	_ =	shalt  }
0x6c: {  	_ =	shalt  }
0x6d: {  	_ =	shalt  }
0x6e: {  	_ =	shalt  }
0x6f: {  	_ =	shalt  }
0x70: {  	_ =	shalt  }
0x71: {  	_ =	shalt  }
0x72: {  	_ =	shalt  }
0x73: {  	_ =	shalt  }
0x74: {  	_ =	shalt  }
0x75: {  	_ =	shalt  }
0x76: {  	_ =	shalt  }
0x77: {  	_ =	shalt  }
0x78: {  	_ =	shalt  }
0x79: {  	_ =	shalt  }
0x7a: {  	_ =	shalt  }
0x7b: {  	_ =	shalt  }
0x7c: {  	_ =	shalt  }
0x7d: {  	_ =	shalt  }
0x7e: {  	_ =	shalt  }
0x7f: {  	_ =	shalt  }
0x80: {  	_ =	shalt  }
0x81: {  	_ =	shalt  }
0x82: {  	_ =	shalt  }
0x83: {  	_ =	shalt  }
0x84: {  	_ =	shalt  }
0x85: {  	_ =	shalt  }
0x86: {  	_ =	shalt  }
0x87: {  	_ =	shalt  }
.Lfunc_end0:
.L_simem_size_0:
called_computation.1_lowered:
.L_overlay_start_0:
0x88: {  	s2 =	sld [smem:$0x3FD9]  }
0x89: {  	s3 =	sld [smem:$0x3FFE];
	_ =	sdelay $0x1  }
0x8a: {  	s1 =	srdreg.scid  }
0x8b: {  	s0 =	sand.u32 $0x1, s1  }
0x8c: {  	s17 =	sshll.u32 s0, $0xA;
	s2 =	sadd.s32 s3, s2  }
0x8d: {  	s2 =	sadd.s32 s2, s17  }
0x8e: {  	[smem:$0x3FBA] =	sst s2  }
0x8f: {  	_ = 	snop  }
0x90: {  	s18 =	sld [smem:$0x3FD0];
	(tm) =	ssettm $0x1  }
0x91: {  	s19 =	sld [smem:$0x3FFB];
	_ =	sdelay $0x3  }
0x92: {  	_ =	strace s19  }
0x93: {  	s2 =	sld [smem:$0x3FFC];
	_ =	sdelay $0x3  }
0x94: {  	_ =	strace s2  }
0x95: {  	s2 =	sld [smem:$0x3FFD];
	_ =	sdelay $0x3  }
0x96: {  	_ =	strace s2  }
0x97: {  	_ =	strace $0x8FFFFFFF  }
0x98: {  	s20 =	sld [smem:$0x3FDB];
	_ =	sdelay $0x1  }
0x99: {  	s4 =	simm.s32 $_scs_section_size  }
0x9a: {  	s5 =	simm.s32 $_size__tile_overlayer_lowered;
	s6 =	simm.s32 $_tile_overlayer_lowered  }
0x9b: {  	s7 =	simm.s32 $0x1BFF;
	s21 =	sshll.u32 s6, $0x1;
	s4 =	sadd.s32 s4, s20  }
0x9c: {  	s22 =	simm.s32 $0x0;
	s5 =	sshll.u32 s5, $0x1;
	s6 =	sadd.s32 s21, s4  }
0x9d: {  	[timem:s22], [sflag:s7] =	dma.local [hbm:s6], s5  }
0x9e: {  	_ =	swait.ge [sflag:s7], s5  }
0x9f: {  	s5 =	ssub.s32 $0x0, s5;
	[sflag:s7] =	ssyncset.done $0x0  }
0xa0: {  	[sflag:s7] =	ssyncadd.s32 s5;
	_ =	sdelay $0x1  }
0xa1: {  	s23 =	simm.s32 $0x1B8B  }
0xa2: {  	_ =	swait.ge [sflag:s23], $0x1  }
0xa3: {  	[sflag:s23] =	ssyncset.done $0x0  }
0xa4: {  	[sflag:s23] =	ssyncadd.s32 $0xFFFFFFFF  }
0xa5: {  	s5 =	sld [smem:$0x0]  }
0xa6: {  	s6 =	sand.u32 $0xFFFFFFFE, s1  }
0xa7: {  	p0 =	sne.s32 s1, s6  }
0xa8: {  	s6 =	sshll.u32 @p0 s6, $0xE  }
0xa9: {  	s6 =	sadd.s32 @p0 $0x11B8D, s6;
	s7 =	sshll.u32 @p0 s5, $0x11  }
0xaa: {  	s6 =	sor.u32 @p0 s7, s6  }
0xab: {  	[sflag:s6] =	ssyncadd.remote.s32 @p0 $0x1;
	_ =	sdelay $0x1  }
0xac: {  	s6 =	simm.s32 @p0 $0x1B8D  }
0xad: {  	_ =	swait.eq @p0 [sflag:s6], $0x1  }
0xae: {  	[sflag:s6] =	ssyncadd.s32 @p0 $0xFFFFFFFF  }
0xaf: {  	s7 =	sshll.u32 @!p0 s1, $0xE  }
0xb0: {  	s7 =	sor.u32 @!p0 $0x4000, s7;
	s6 =	simm.s32 @!p0 $0x1B8D  }
0xb1: {  	s5 =	sshll.u32 @!p0 s5, $0x11;
	s7 =	sadd.s32 @!p0 $0x11B8D, s7;
	_ =	swait.eq @!p0 [sflag:s6], $0x1  }
0xb2: {  	s5 =	sor.u32 @!p0 s5, s7;
	[sflag:s6] =	ssyncadd.s32 @!p0 $0xFFFFFFFF  }
0xb3: {  	s25 =	simm.s32 $0x1B8E;
	s24 =	sld [smem:$0x3FFE];
	[sflag:s5] =	ssyncadd.remote.s32 @!p0 $0x1  }
0xb4: {  	s26 =	simm.s32 $execute0_lowered;
	[smem:$0x3FD2] =	sst s25  }
0xb5: {  	s6 =	sshll.u32 s26, $0x1;
	_ =	strace $0x8000004C;
	[dreg:$0x1] =	wrdreg $0xFFFFFFFF  }
0xb6: {  	s28 =	simm.s32 $_size_execute0_lowered;
	s4 =	sadd.s32 s4, s6;
	[dreg:$0x0] =	wrdreg $0x0  }
0xb7: {  	s6 =	sshll.u32 s28, $0x1;
	[dreg:$0x2] =	wrdreg s4  }
0xb8: {  	[dreg:$0x3] =	wrdreg s6  }
0xb9: {  	[dreg:$0x4] =	wrdreg $0xC0  }
0xba: {  	_ =	task [dreg:s22], $0x5FFFF  }
0xbb: {  	[dreg:$0x1] =	wrdreg $0xFFFFFFFF  }
0xbc: {  	[dreg:$0x0] =	wrdreg $0x60  }
0xbd: {  	[dreg:$0x2] =	wrdreg s18  }
0xbe: {  	[dreg:$0x3] =	wrdreg s24  }
0xbf: {  	[dreg:$0x4] =	wrdreg $0xA  }
0xc0: {  	_ =	task.clear_ibuf [dreg:s22], $0x5FFFF;
	_ =	strace $0x9000004C  }
0xc1: {  	s29 =	simm.s32 $0xA;
	_ =	strace $0x8000004E  }
0xc2: {  	_ =	swait.ge [sflag:s29], $0x1  }
0xc3: {  	[sflag:s29] =	ssyncadd.s32 $0xFFFFFFFF  }
0xc4: {  	_ =	strace $0x9000004E  }
0xc5: {  	_ =	sfence  }
0xc6: {  	s30 =	sld [smem:$0x0];
	_ =	sdelay $0x2  }
0xc7: {  	s31 =	sshll.u32 s1, $0xD;
	s1 =	sshrl.u32 s1, $0x2  }
0xc8: {  	s4 =	sand.u32 $0x4000, s31;
	s1 =	sadd.s32 s1, s30  }
0xc9: {  	s0 =	sor.u32 s4, s0;
	s1 =	sshll.u32 s1, $0x11  }
0xca: {  	s0 =	sor.u32 s1, s0  }
0xcb: {  	s0 =	sadd.s32 $0x8F2B, s0  }
0xcc: {  	[sflag:s0] =	ssyncadd.remote.s32 $0x1  }
0xcd: {  	_ =	sfence.sel $0xFFFF  }
0xce: {  	[dreg:$0x0] =	wrdreg $0xFFFFFFFF;
	(pc) =	sbr.abs _section_cstart, $3  }
0xcf: {  	[dreg:$0x1] =	wrdreg $0xFFFFFFFF  }
0xd0: {  	_ =	task.clear_ibuf [dreg:s22], $0x2FFFF;
	_ =	strace $0x9FFFFFFF  }
0xd1: {  	(tm) =	ssettm $0x7FFFFFFF  }
tec
execute0_lowered:
.L_overlay_start_1:
0x0: {  	(tag) =	ssettag $0x1  }
0x1: {  	s2 =	rddreg [dreg:$0x0]  }
0x2: {  	s4 =	rddreg [dreg:$0x1]  }
0x3: {  	s3 =	srdreg.scid;
	s0 =	stileid.u32  }
0x4: {  	s11 =	simm.s32 $0x1000;
	s12 =	simm.s32 $0x5000;
	s14 =	simm.s32 $0x9000  }
0x5: {  	s15 =	simm.s32 $0x180;
	s16 =	simm.s32 $0xD000;
	s17 =	simm.s32 $0x1  }
0x6: {  	s18 =	simm.s32 $0x5;
	s19 =	simm.s32 $0x2;
	s20 =	simm.s32 $0x6  }
0x7: {  	s21 =	simm.s32 $0x3;
	s22 =	simm.s32 $0x7;
	s23 =	simm.s32 $0x4  }
0x8: {  	s24 =	simm.s32 $0x8;
	s25 =	simm.s32 $0x0;
	s5 =	sand.u32 $0x1, s3  }
0x9: {  	s3 =	simm.s32 $0x0;
	s6 =	sshll.u32 s0, $0xA;
	s9 =	sshll.u32 s0, $0x11  }
0xa: {  	s29 =	sadd.s32 $0x413000, s4;
	s7 =	sshll.u32 s5, $0x9;
	[smem:$0x7FF] =	sst s3  }
0xb: {  	s28 =	ssub.s32 $0x2, s5;
	s10 =	sshll.u32 s5, $0x10;
	s31 =	sadd.s32 s9, s29  }
.Ltmp0:
0xc: {  	s6 =	sor.u32 s7, s6;
	_ =	strace $0x8000004D;
	(pc) =	sbr.rel .LBB2_1-.Ltmp0, $4  }
0xd: {  	s8 =	sshrl.u32 s28, $0x1;
	s30 =	sor.u32 s10, s9;
	s9 =	simm.s32 $0x9  }
0xe: {  	s6 =	sadd.s32 s6, s4;
	s7 =	ssub.s32 s28, s8;
	s8 =	sadd.s32 s30, s29  }
0xf: {  	s4 =	sadd.s32 $0x3000, s6;
	s5 =	smax.u32 s7, $0x1;
	s6 =	sadd.s32 s10, s31  }
0x10: {  	s7 =	sadd.s32 $0x1800, s8;
	s8 =	sadd.s32 $0x1000, s8;
	s10 =	simm.s32 $0x80  }
.LBB2_4:
0x11: {  	s25 =	sadd.s32 $0x1, s25  }
0x12: {  	p0 =	sne.s32 s25, s5  }
.Ltmp1:
0x13: {  	_ = 	snop;
	(pc) =	sbr.rel @!p0 .LBB2_5-.Ltmp1, $1  }
0x14: {  	_ =	sdelay $0x3  }
.LBB2_1:
0x15: {  	[tilespmem:s3], [sflag:$0x9] =	stream.linear.gather [hbm4b:s4+s3], $0x1000, $0x38;
	[tilespmem:$0x11000] =	vst v63  }
0x16: {  	_ =	swait.ge [sflag:s9], $0x1000  }
0x17: {  	[sflag:s9] =	ssyncset.done $0x0  }
0x18: {  	[sflag:s9] =	ssyncadd.s32 $0xFFFFF000  }
0x19: {  	[tilespmem:s11], [sflag:$0x1] =	stream.indirect.gather [hbm4b:s2+s10], $0x80, s3, s10, $0xb8;
	[tilespmem:$0x11000] =	vst v63  }
0x1a: {  	_ = 	snop  }
0x1b: {  	[tilespmem:s12], [sflag:$0x2] =	stream.indirect.gather [hbm4b:s2+s10], $0x80, s10, s10, $0xb8;
	[tilespmem:$0x11000] =	vst v63  }
0x1c: {  	s0 =	simm.s32 $0x100;
	s26 =	smov.u32 s8  }
0x1d: {  	[tilespmem:s14], [sflag:$0x3] =	stream.indirect.gather [hbm4b:s2+s10], $0x80, s0, s10, $0xb8;
	[tilespmem:$0x11000] =	vst v63  }
0x1e: {  	s28 =	smov.u32 s7;
	s29 =	smov.u32 s6;
	s30 =	simm.s32 $0x0  }
0x1f: {  	[tilespmem:s16], [sflag:$0x4] =	stream.indirect.gather [hbm4b:s2+s10], $0x80, s15, s10, $0xb8;
	[tilespmem:$0x11000] =	vst v63  }
.LBB2_2:
0x20: {  	_ =	swait.ge [sflag:s17], $0x4000  }
0x21: {  	[sflag:s17] =	ssyncset.done $0x0  }
0x22: {  	[sflag:s17] =	ssyncadd.s32 $0xFFFFC000  }
0x23: {  	[hbm4b:s29+s3] =	stream.linear.scatter [tilespmem:s11], [sflag:$0x5], $0x4000, $0x38;
	[tilespmem:$0x11000] =	vst v63  }
0x24: {  	p0 =	seq.s32 s30, $0x3800;
	_ =	swait.ge [sflag:s18], $0x4000  }
0x25: {  	s31 =	sshra.s32 @!p0 s30, $0x2;
	s1 =	simm.s32 @!p0 $0x80;
	[sflag:s18] =	ssyncset.done $0x0  }
0x26: {  	s13 =	simm.s32 @!p0 $0x1000;
	s0 =	sadd.s32 @!p0 $0x200, s31;
	[sflag:s18] =	ssyncadd.s32 $0xFFFFC000  }
0x27: {  	[tilespmem:s13], [sflag:$0x1] =	stream.indirect.gather @!p0 [hbm4b:s2+s1], $0x80, s0, s1, $0xb8;
	[tilespmem:$0x11000] =	vst v63  }
0x28: {  	_ =	swait.ge [sflag:s19], $0x4000  }
0x29: {  	[sflag:s19] =	ssyncset.done $0x0  }
0x2a: {  	s13 =	sadd.s32 $0xFFFFF000, s28;
	[sflag:s19] =	ssyncadd.s32 $0xFFFFC000  }
0x2b: {  	[hbm4b:s13+s3] =	stream.linear.scatter [tilespmem:s12], [sflag:$0x6], $0x4000, $0x38;
	[tilespmem:$0x11000] =	vst v63  }
0x2c: {  	_ =	swait.ge [sflag:s20], $0x4000  }
0x2d: {  	[sflag:s20] =	ssyncset.done $0x0  }
0x2e: {  	s0 =	sadd.s32 @!p0 $0x280, s31;
	s13 =	simm.s32 @!p0 $0x5000;
	[sflag:s20] =	ssyncadd.s32 $0xFFFFC000  }
0x2f: {  	[tilespmem:s13], [sflag:$0x2] =	stream.indirect.gather @!p0 [hbm4b:s2+s1], $0x80, s0, s1, $0xb8;
	[tilespmem:$0x11000] =	vst v63  }
0x30: {  	_ =	swait.ge [sflag:s21], $0x4000  }
0x31: {  	[sflag:s21] =	ssyncset.done $0x0  }
0x32: {  	[sflag:s21] =	ssyncadd.s32 $0xFFFFC000  }
0x33: {  	[hbm4b:s26+s3] =	stream.linear.scatter [tilespmem:s14], [sflag:$0x7], $0x4000, $0x38;
	[tilespmem:$0x11000] =	vst v63  }
0x34: {  	_ =	swait.ge [sflag:s22], $0x4000  }
0x35: {  	[sflag:s22] =	ssyncset.done $0x0  }
0x36: {  	s0 =	sadd.s32 @!p0 $0x300, s31;
	s13 =	simm.s32 @!p0 $0x9000;
	[sflag:s22] =	ssyncadd.s32 $0xFFFFC000  }
0x37: {  	[tilespmem:s13], [sflag:$0x3] =	stream.indirect.gather @!p0 [hbm4b:s2+s1], $0x80, s0, s1, $0xb8;
	[tilespmem:$0x11000] =	vst v63  }
0x38: {  	_ =	swait.ge [sflag:s23], $0x4000  }
0x39: {  	[sflag:s23] =	ssyncset.done $0x0  }
.Ltmp2:
0x3a: {  	[sflag:s23] =	ssyncadd.s32 $0xFFFFC000;
	(pc) =	sbr.rel @p0 .LBB2_4-.Ltmp2, $4  }
0x3b: {  	[hbm4b:s28+s3] =	stream.linear.scatter [tilespmem:s16], [sflag:$0x8], $0x4000, $0x38;
	[tilespmem:$0x11000] =	vst v63  }
0x3c: {  	_ =	swait.ge [sflag:s24], $0x4000  }
0x3d: {  	[sflag:s24] =	ssyncset.done $0x0  }
0x3e: {  	[sflag:s24] =	ssyncadd.s32 $0xFFFFC000  }
.Ltmp3:
0x3f: {  	(pc) =	sbr.rel .LBB2_2-.Ltmp3, $4  }
0x40: {  	_ = 	snop  }
0x41: {  	s0 =	sshra.s32 s30, $0x2;
	s30 =	sadd.s32 $0x800, s30;
	s29 =	sadd.s32 $0x2000, s29  }
0x42: {  	s28 =	sadd.s32 $0x2000, s28;
	s26 =	sadd.s32 $0x2000, s26;
	s0 =	sadd.s32 $0x380, s0  }
0x43: {  	[tilespmem:s16], [sflag:$0x4] =	stream.indirect.gather [hbm4b:s2+s10], $0x80, s0, s10, $0xb8;
	[tilespmem:$0x11000] =	vst v63  }
.LBB2_5:
0x44: {  	_ =	sfence.sel $0x180000  }
0x45: {  	[bflag:$0x0] =	sbarrier.arrive $0xFFFF  }
0x46: {  	_ =	strace $0x9000004D  }
0x47: {  	s0 =	stileid.u32;
	[bflag:$0x2] =	sbarrier.arrive $0xFFFF  }
0x48: {  	p0 =	sne.s32 s0, $0x0;
	s0 =	rddreg [dreg:$0x2]  }
0x49: {  	s0 =	sadd.s32 @!p0 $0x100000, s0  }
0x4a: {  	[sflag:s0] =	ssyncadd.tile.s32 @!p0 $0x1;
	_ =	shalt  }
.Lfunc_end2:
_tile_overlayer_lowered:
.L_overlay_start_2:
0x4b: {  	(tag) =	ssettag $0x2  }
0x4c: {  	s0 =	rddreg [dreg:$0x0];
	s2 =	stileid.u32  }
0x4d: {  	s1 =	rddreg [dreg:$0x1];
	p0 =	sne.s32 s2, $0x0  }
0x4e: {  	s3 =	rddreg [dreg:$0x2];
	[bflag:$0x3] =	sbarrier.arrive $0xFFFF;
	s2 =	simm.s32 @!p0 $0x1C09  }
0x4f: {  	[timem:s3], [sflag:s2] =	dma.local @!p0 [hbm:s0], s1  }
0x50: {  	s0 =	simm.s32 @!p0 $0x9  }
0x51: {  	_ =	swait.ge @!p0 [sflag:s0], s1  }
0x52: {  	s1 =	ssub.s32 @!p0 $0x0, s1;
	[sflag:s0] =	ssyncset.done @!p0 $0x0  }
0x53: {  	[sflag:s0] =	ssyncadd.s32 @!p0 s1  }
0x54: {  	[bflag:$0x3] =	sbarrier.arrive $0xFFFF  }
0x55: {  	_ =	shalt  }

// kernel: kernel.18.cloned.1.call-start
scs
__scs_entry_jumppad:
0x0: {  	(pc) =	sbr.rel $0x88, $3  }
0x1: {  	(tag) =	ssettag $0x0;
	lr =	simm.s32 $0x1  }
0x2: {  	[smem:$0x3F93] =	sst lr;
	_ =	strace $0xD0000000  }
0x3: {  	_ = 	snop  }
0x4: {  	_ = 	snop  }
0x5: {  	_ = 	snop  }
0x6: {  	_ = 	snop  }
0x7: {  	_ = 	snop  }
__scs_overlays_trampoline_lowered:
0x8: {  	[smem:$0x3FA2] =	sst s0  }
0x9: {  	[smem:$0x3FA3] =	sst s1  }
0xa: {  	[smem:$0x3FA4] =	sst s2  }
0xb: {  	[smem:$0x3FA5] =	sst s3  }
0xc: {  	[smem:$0x3FA6] =	sst s4  }
0xd: {  	[smem:$0x3FA7] =	sst s5  }
0xe: {  	[smem:$0x3FA8] =	sst s6  }
0xf: {  	[smem:$0x3FA9] =	sst s7  }
0x10: {  	[smem:$0x3FAA] =	sst s8  }
0x11: {  	[smem:$0x3FAB] =	sst s9;
	s0 =	simm.s32 @!p0 $0x0  }
0x12: {  	s1 =	sld [smem:$0x3F91];
	s0 =	simm.s32 @p0 $0x1  }
0x13: {  	[smem:$0x3FAC] =	sst s0;
	s0 =	simm.s32 @!p1 $0x0  }
0x14: {  	s2 =	sld [smem:$0x3F90];
	s0 =	simm.s32 @p1 $0x1  }
0x15: {  	[smem:$0x3FAD] =	sst s0;
	s0 =	simm.s32 @!p2 $0x0  }
0x16: {  	s3 =	sld [smem:$0x3FDB];
	s0 =	simm.s32 @p2 $0x1  }
0x17: {  	s4 =	simm.s32 $0x1BF5;
	[smem:$0x3FAF] =	sst s0  }
0x18: {  	s0 =	sld [smem:$0x3F92];
	_ =	swait.ge [sflag:s4], $0x0  }
0x19: {  	s7 =	sld [smem:$0x3F93]  }
0x1a: {  	s8 =	sadd.s32 $0xFFFFE003, lr  }
0x1b: {  	s9 =	sadd.s32 $0xFFFFFEF7, lr;
	s5 =	simm.s32 $0xFFFFFFFF;
	p2 =	slt.u32 s8, $0xFFFFF086  }
0x1c: {  	p1 =	slt.u32 s9, $0xF7A;
	s5 =	simm.s32 @!p2 $0x0  }
0x1d: {  	s5 =	simm.s32 @p1 $0x1;
	p0 =	seq.s32 s7, s2  }
0x1e: {  	s7 =	smul.u32 @!p0 $0xF7A, s2;
	p2 =	seq.s32 @!p0 s5, $0x0  }
0x1f: {  	s9 =	smul.u32 $0xF7A, s1;
	s8 =	simm.s32 @!p0 $0x1BF5;
	p2 =	por !p2, p0  }
0x20: {  	[sflag:s8] =	ssyncset.s32 @!p0 $0xFFFFF086;
	s6 =	sadd.s32 @!p0 s3, s7;
	s7 =	simm.s32 @!p0 $0x108  }
0x21: {  	s3 =	sadd.s32 s3, s9;
	s6 =	sadd.s32 @!p0 $0x88, s6;
	s7 =	simm.s32 @p2 $0x1082  }
0x22: {  	[simem:s7], [sflag:s8] =	dma.local @!p0 [hbm:s6], $0xF7A  }
0x23: {  	s9 =	sor.u32 $0xD0000000, s2;
	s6 =	simm.s32 $0x108;
	_ =	swait.ge @!p0 [sflag:s8], $0x0  }
0x24: {  	s3 =	sadd.s32 $0x88, s3;
	s6 =	simm.s32 @!p1 $0x1082;
	[sflag:s4] =	ssyncset.s32 $0xFFFFF086  }
0x25: {  	[simem:s6], [sflag:s4] =	dma.local [hbm:s3], $0xF7A  }
0x26: {  	[smem:$0x3F93] =	sst s1;
	(tag) =	ssettag s2;
	_ =	strace s9  }
0x27: {  	s1 =	sld [smem:$0x3FA3]  }
0x28: {  	s2 =	sld [smem:$0x3FA4]  }
0x29: {  	s4 =	sld [smem:$0x3FA6]  }
0x2a: {  	p0 =	seq.s32 s5, $0x0;
	s5 =	sld [smem:$0x3FA7]  }
0x2b: {  	s6 =	sld [smem:$0x3FA8]  }
0x2c: {  	s7 =	sld [smem:$0x3FA9]  }
0x2d: {  	s3 =	simm.s32 $0x108;
	s8 =	sld [smem:$0x3FAA]  }
0x2e: {  	s3 =	simm.s32 @!p0 $0x1082;
	s9 =	sld [smem:$0x3FAB]  }
0x2f: {  	lr =	sadd.s32 s0, s3;
	s0 =	sld [smem:$0x3FA2]  }
0x30: {  	s3 =	sld [smem:$0x3FA5]  }
0x31: {  	[smem:$0x3FAE] =	sst s10  }
0x32: {  	s10 =	sld [smem:$0x3FAC];
	_ =	sdelay $0x3  }
0x33: {  	p0 =	seq.s32 s10, $0x1;
	s10 =	sld [smem:$0x3FAE];
	_ =	sdelay $0x3  }
0x34: {  	[smem:$0x3FAE] =	sst s10  }
0x35: {  	s10 =	sld [smem:$0x3FAD];
	_ =	sdelay $0x3  }
0x36: {  	p1 =	seq.s32 s10, $0x1;
	s10 =	sld [smem:$0x3FAE];
	_ =	sdelay $0x3  }
0x37: {  	[smem:$0x3FAE] =	sst s10  }
0x38: {  	s10 =	sld [smem:$0x3FAF]  }
0x39: {  	_ = 	snop;
	(pc) =	sbr.ind lr, $3  }
0x3a: {  	_ = 	snop  }
0x3b: {  	_ = 	snop  }
0x3c: {  	p2 =	seq.s32 s10, $0x1;
	s10 =	sld [smem:$0x3FAE]  }
0x3d: {  	_ =	shalt  }
0x3e: {  	_ =	shalt  }
0x3f: {  	_ =	shalt  }
0x40: {  	_ =	shalt  }
0x41: {  	_ =	shalt  }
0x42: {  	_ =	shalt  }
0x43: {  	_ =	shalt  }
0x44: {  	_ =	shalt  }
0x45: {  	_ =	shalt  }
0x46: {  	_ =	shalt  }
0x47: {  	_ =	shalt  }
0x48: {  	_ =	shalt  }
0x49: {  	_ =	shalt  }
0x4a: {  	_ =	shalt  }
0x4b: {  	_ =	shalt  }
0x4c: {  	_ =	shalt  }
0x4d: {  	_ =	shalt  }
0x4e: {  	_ =	shalt  }
0x4f: {  	_ =	shalt  }
0x50: {  	_ =	shalt  }
0x51: {  	_ =	shalt  }
0x52: {  	_ =	shalt  }
0x53: {  	_ =	shalt  }
0x54: {  	_ =	shalt  }
0x55: {  	_ =	shalt  }
0x56: {  	_ =	shalt  }
0x57: {  	_ =	shalt  }
0x58: {  	_ =	shalt  }
0x59: {  	_ =	shalt  }
0x5a: {  	_ =	shalt  }
0x5b: {  	_ =	shalt  }
0x5c: {  	_ =	shalt  }
0x5d: {  	_ =	shalt  }
0x5e: {  	_ =	shalt  }
0x5f: {  	_ =	shalt  }
0x60: {  	_ =	shalt  }
0x61: {  	_ =	shalt  }
0x62: {  	_ =	shalt  }
0x63: {  	_ =	shalt  }
0x64: {  	_ =	shalt  }
0x65: {  	_ =	shalt  }
0x66: {  	_ =	shalt  }
0x67: {  	_ =	shalt  }
0x68: {  	_ =	shalt  }
0x69: {  	_ =	shalt  }
0x6a: {  	_ =	shalt  }
0x6b: {  	_ =	shalt  }
0x6c: {  	_ =	shalt  }
0x6d: {  	_ =	shalt  }
0x6e: {  	_ =	shalt  }
0x6f: {  	_ =	shalt  }
0x70: {  	_ =	shalt  }
0x71: {  	_ =	shalt  }
0x72: {  	_ =	shalt  }
0x73: {  	_ =	shalt  }
0x74: {  	_ =	shalt  }
0x75: {  	_ =	shalt  }
0x76: {  	_ =	shalt  }
0x77: {  	_ =	shalt  }
0x78: {  	_ =	shalt  }
0x79: {  	_ =	shalt  }
0x7a: {  	_ =	shalt  }
0x7b: {  	_ =	shalt  }
0x7c: {  	_ =	shalt  }
0x7d: {  	_ =	shalt  }
0x7e: {  	_ =	shalt  }
0x7f: {  	_ =	shalt  }
0x80: {  	_ =	shalt  }
0x81: {  	_ =	shalt  }
0x82: {  	_ =	shalt  }
0x83: {  	_ =	shalt  }
0x84: {  	_ =	shalt  }
0x85: {  	_ =	shalt  }
0x86: {  	_ =	shalt  }
0x87: {  	_ =	shalt  }
.Lfunc_end0:
.L_simem_size_0:
called_computation.2_lowered:
.L_overlay_start_0:
0x88: {  	s2 =	sld [smem:$0x3FD9]  }
0x89: {  	s3 =	sld [smem:$0x3FFE];
	_ =	sdelay $0x1  }
0x8a: {  	s1 =	srdreg.scid  }
0x8b: {  	s0 =	sand.u32 $0x1, s1  }
0x8c: {  	s17 =	sshll.u32 s0, $0xA;
	s2 =	sadd.s32 s3, s2  }
0x8d: {  	s2 =	sadd.s32 s2, s17  }
0x8e: {  	[smem:$0x3FBA] =	sst s2  }
0x8f: {  	_ = 	snop  }
0x90: {  	s18 =	sld [smem:$0x3FD0];
	(tm) =	ssettm $0x1  }
0x91: {  	s19 =	sld [smem:$0x3FFB];
	_ =	sdelay $0x3  }
0x92: {  	_ =	strace s19  }
0x93: {  	s2 =	sld [smem:$0x3FFC];
	_ =	sdelay $0x3  }
0x94: {  	_ =	strace s2  }
0x95: {  	s2 =	sld [smem:$0x3FFD];
	_ =	sdelay $0x3  }
0x96: {  	_ =	strace s2  }
0x97: {  	_ =	strace $0x8FFFFFFF  }
0x98: {  	s20 =	sld [smem:$0x3FDB];
	_ =	sdelay $0x1  }
0x99: {  	s4 =	simm.s32 $_scs_section_size  }
0x9a: {  	s5 =	simm.s32 $_size__tile_overlayer_lowered;
	s6 =	simm.s32 $_tile_overlayer_lowered  }
0x9b: {  	s7 =	simm.s32 $0x1BFF;
	s21 =	sshll.u32 s6, $0x1;
	s4 =	sadd.s32 s4, s20  }
0x9c: {  	s22 =	simm.s32 $0x0;
	s5 =	sshll.u32 s5, $0x1;
	s6 =	sadd.s32 s21, s4  }
0x9d: {  	[timem:s22], [sflag:s7] =	dma.local [hbm:s6], s5  }
0x9e: {  	_ =	swait.ge [sflag:s7], s5  }
0x9f: {  	s5 =	ssub.s32 $0x0, s5;
	[sflag:s7] =	ssyncset.done $0x0  }
0xa0: {  	[sflag:s7] =	ssyncadd.s32 s5;
	_ =	sdelay $0x1  }
0xa1: {  	s23 =	simm.s32 $0x1B8B  }
0xa2: {  	_ =	swait.ge [sflag:s23], $0x1  }
0xa3: {  	[sflag:s23] =	ssyncset.done $0x0  }
0xa4: {  	[sflag:s23] =	ssyncadd.s32 $0xFFFFFFFF  }
0xa5: {  	s5 =	sld [smem:$0x0]  }
0xa6: {  	s6 =	sand.u32 $0xFFFFFFFE, s1  }
0xa7: {  	p0 =	sne.s32 s1, s6  }
0xa8: {  	s6 =	sshll.u32 @p0 s6, $0xE  }
0xa9: {  	s6 =	sadd.s32 @p0 $0x11B8D, s6;
	s7 =	sshll.u32 @p0 s5, $0x11  }
0xaa: {  	s6 =	sor.u32 @p0 s7, s6  }
0xab: {  	[sflag:s6] =	ssyncadd.remote.s32 @p0 $0x1;
	_ =	sdelay $0x1  }
0xac: {  	s6 =	simm.s32 @p0 $0x1B8D  }
0xad: {  	_ =	swait.eq @p0 [sflag:s6], $0x1  }
0xae: {  	[sflag:s6] =	ssyncadd.s32 @p0 $0xFFFFFFFF  }
0xaf: {  	s7 =	sshll.u32 @!p0 s1, $0xE  }
0xb0: {  	s7 =	sor.u32 @!p0 $0x4000, s7;
	s6 =	simm.s32 @!p0 $0x1B8D  }
0xb1: {  	s5 =	sshll.u32 @!p0 s5, $0x11;
	s7 =	sadd.s32 @!p0 $0x11B8D, s7;
	_ =	swait.eq @!p0 [sflag:s6], $0x1  }
0xb2: {  	s5 =	sor.u32 @!p0 s5, s7;
	[sflag:s6] =	ssyncadd.s32 @!p0 $0xFFFFFFFF  }
0xb3: {  	s25 =	simm.s32 $0x1B8E;
	s24 =	sld [smem:$0x3FFE];
	[sflag:s5] =	ssyncadd.remote.s32 @!p0 $0x1  }
0xb4: {  	s26 =	simm.s32 $execute0_lowered;
	[smem:$0x3FD2] =	sst s25  }
0xb5: {  	s6 =	sshll.u32 s26, $0x1;
	_ =	strace $0x80000049;
	[dreg:$0x1] =	wrdreg $0xFFFFFFFF  }
0xb6: {  	s28 =	simm.s32 $_size_execute0_lowered;
	s4 =	sadd.s32 s4, s6;
	[dreg:$0x0] =	wrdreg $0x0  }
0xb7: {  	s6 =	sshll.u32 s28, $0x1;
	[dreg:$0x2] =	wrdreg s4  }
0xb8: {  	[dreg:$0x3] =	wrdreg s6  }
0xb9: {  	[dreg:$0x4] =	wrdreg $0xC0  }
0xba: {  	_ =	task [dreg:s22], $0x5FFFF  }
0xbb: {  	[dreg:$0x1] =	wrdreg $0xFFFFFFFF  }
0xbc: {  	[dreg:$0x0] =	wrdreg $0x60  }
0xbd: {  	[dreg:$0x2] =	wrdreg s18  }
0xbe: {  	[dreg:$0x3] =	wrdreg s24  }
0xbf: {  	[dreg:$0x4] =	wrdreg $0xB  }
0xc0: {  	_ =	task.clear_ibuf [dreg:s22], $0x5FFFF;
	_ =	strace $0x90000049  }
0xc1: {  	s29 =	simm.s32 $0xB;
	_ =	strace $0x8000004B  }
0xc2: {  	_ =	swait.ge [sflag:s29], $0x1  }
0xc3: {  	[sflag:s29] =	ssyncadd.s32 $0xFFFFFFFF  }
0xc4: {  	_ =	strace $0x9000004B  }
0xc5: {  	_ =	sfence  }
0xc6: {  	s30 =	sld [smem:$0x0];
	_ =	sdelay $0x2  }
0xc7: {  	s31 =	sshll.u32 s1, $0xD;
	s1 =	sshrl.u32 s1, $0x2  }
0xc8: {  	s4 =	sand.u32 $0x4000, s31;
	s1 =	sadd.s32 s1, s30  }
0xc9: {  	s0 =	sor.u32 s4, s0;
	s1 =	sshll.u32 s1, $0x11  }
0xca: {  	s0 =	sor.u32 s1, s0  }
0xcb: {  	s0 =	sadd.s32 $0x8F2B, s0  }
0xcc: {  	[sflag:s0] =	ssyncadd.remote.s32 $0x1  }
0xcd: {  	_ =	sfence.sel $0xFFFF  }
0xce: {  	[dreg:$0x0] =	wrdreg $0xFFFFFFFF;
	(pc) =	sbr.abs _section_cstart, $3  }
0xcf: {  	[dreg:$0x1] =	wrdreg $0xFFFFFFFF  }
0xd0: {  	_ =	task.clear_ibuf [dreg:s22], $0x2FFFF;
	_ =	strace $0x9FFFFFFF  }
0xd1: {  	(tm) =	ssettm $0x7FFFFFFF  }
tec
execute0_lowered:
.L_overlay_start_1:
0x0: {  	(tag) =	ssettag $0x1  }
0x1: {  	s2 =	rddreg [dreg:$0x0]  }
0x2: {  	s4 =	rddreg [dreg:$0x1]  }
0x3: {  	s3 =	srdreg.scid;
	s0 =	stileid.u32  }
0x4: {  	s11 =	simm.s32 $0x1000;
	s12 =	simm.s32 $0x5000;
	s14 =	simm.s32 $0x9000  }
0x5: {  	s15 =	simm.s32 $0x180;
	s16 =	simm.s32 $0xD000;
	s17 =	simm.s32 $0x1  }
0x6: {  	s18 =	simm.s32 $0x5;
	s19 =	simm.s32 $0x2;
	s20 =	simm.s32 $0x6  }
0x7: {  	s21 =	simm.s32 $0x3;
	s22 =	simm.s32 $0x7;
	s23 =	simm.s32 $0x4  }
0x8: {  	s24 =	simm.s32 $0x8;
	s25 =	simm.s32 $0x0;
	s5 =	sand.u32 $0x1, s3  }
0x9: {  	s3 =	simm.s32 $0x0;
	s6 =	sshll.u32 s0, $0xA;
	s9 =	sshll.u32 s0, $0x11  }
0xa: {  	s29 =	sadd.s32 $0x213000, s4;
	s7 =	sshll.u32 s5, $0x9;
	[smem:$0x7FF] =	sst s3  }
0xb: {  	s28 =	ssub.s32 $0x2, s5;
	s10 =	sshll.u32 s5, $0x10;
	s31 =	sadd.s32 s9, s29  }
.Ltmp0:
0xc: {  	s6 =	sor.u32 s7, s6;
	_ =	strace $0x8000004A;
	(pc) =	sbr.rel .LBB2_1-.Ltmp0, $4  }
0xd: {  	s8 =	sshrl.u32 s28, $0x1;
	s30 =	sor.u32 s10, s9;
	s9 =	simm.s32 $0x9  }
0xe: {  	s6 =	sadd.s32 s6, s4;
	s7 =	ssub.s32 s28, s8;
	s8 =	sadd.s32 s30, s29  }
0xf: {  	s4 =	sadd.s32 $0x20F000, s6;
	s5 =	smax.u32 s7, $0x1;
	s6 =	sadd.s32 s10, s31  }
0x10: {  	s7 =	sadd.s32 $0x1800, s8;
	s8 =	sadd.s32 $0x1000, s8;
	s10 =	simm.s32 $0x80  }
.LBB2_4:
0x11: {  	s25 =	sadd.s32 $0x1, s25  }
0x12: {  	p0 =	sne.s32 s25, s5  }
.Ltmp1:
0x13: {  	_ = 	snop;
	(pc) =	sbr.rel @!p0 .LBB2_5-.Ltmp1, $1  }
0x14: {  	_ =	sdelay $0x3  }
.LBB2_1:
0x15: {  	[tilespmem:s3], [sflag:$0x9] =	stream.linear.gather [hbm4b:s4+s3], $0x1000, $0x38;
	[tilespmem:$0x11000] =	vst v63  }
0x16: {  	_ =	swait.ge [sflag:s9], $0x1000  }
0x17: {  	[sflag:s9] =	ssyncset.done $0x0  }
0x18: {  	[sflag:s9] =	ssyncadd.s32 $0xFFFFF000  }
0x19: {  	[tilespmem:s11], [sflag:$0x1] =	stream.indirect.gather [hbm4b:s2+s10], $0x80, s3, s10, $0xb8;
	[tilespmem:$0x11000] =	vst v63  }
0x1a: {  	_ = 	snop  }
0x1b: {  	[tilespmem:s12], [sflag:$0x2] =	stream.indirect.gather [hbm4b:s2+s10], $0x80, s10, s10, $0xb8;
	[tilespmem:$0x11000] =	vst v63  }
0x1c: {  	s0 =	simm.s32 $0x100;
	s26 =	smov.u32 s8  }
0x1d: {  	[tilespmem:s14], [sflag:$0x3] =	stream.indirect.gather [hbm4b:s2+s10], $0x80, s0, s10, $0xb8;
	[tilespmem:$0x11000] =	vst v63  }
0x1e: {  	s28 =	smov.u32 s7;
	s29 =	smov.u32 s6;
	s30 =	simm.s32 $0x0  }
0x1f: {  	[tilespmem:s16], [sflag:$0x4] =	stream.indirect.gather [hbm4b:s2+s10], $0x80, s15, s10, $0xb8;
	[tilespmem:$0x11000] =	vst v63  }
.LBB2_2:
0x20: {  	_ =	swait.ge [sflag:s17], $0x4000  }
0x21: {  	[sflag:s17] =	ssyncset.done $0x0  }
0x22: {  	[sflag:s17] =	ssyncadd.s32 $0xFFFFC000  }
0x23: {  	[hbm4b:s29+s3] =	stream.linear.scatter [tilespmem:s11], [sflag:$0x5], $0x4000, $0x38;
	[tilespmem:$0x11000] =	vst v63  }
0x24: {  	p0 =	seq.s32 s30, $0x3800;
	_ =	swait.ge [sflag:s18], $0x4000  }
0x25: {  	s31 =	sshra.s32 @!p0 s30, $0x2;
	s1 =	simm.s32 @!p0 $0x80;
	[sflag:s18] =	ssyncset.done $0x0  }
0x26: {  	s13 =	simm.s32 @!p0 $0x1000;
	s0 =	sadd.s32 @!p0 $0x200, s31;
	[sflag:s18] =	ssyncadd.s32 $0xFFFFC000  }
0x27: {  	[tilespmem:s13], [sflag:$0x1] =	stream.indirect.gather @!p0 [hbm4b:s2+s1], $0x80, s0, s1, $0xb8;
	[tilespmem:$0x11000] =	vst v63  }
0x28: {  	_ =	swait.ge [sflag:s19], $0x4000  }
0x29: {  	[sflag:s19] =	ssyncset.done $0x0  }
0x2a: {  	s13 =	sadd.s32 $0xFFFFF000, s28;
	[sflag:s19] =	ssyncadd.s32 $0xFFFFC000  }
0x2b: {  	[hbm4b:s13+s3] =	stream.linear.scatter [tilespmem:s12], [sflag:$0x6], $0x4000, $0x38;
	[tilespmem:$0x11000] =	vst v63  }
0x2c: {  	_ =	swait.ge [sflag:s20], $0x4000  }
0x2d: {  	[sflag:s20] =	ssyncset.done $0x0  }
0x2e: {  	s0 =	sadd.s32 @!p0 $0x280, s31;
	s13 =	simm.s32 @!p0 $0x5000;
	[sflag:s20] =	ssyncadd.s32 $0xFFFFC000  }
0x2f: {  	[tilespmem:s13], [sflag:$0x2] =	stream.indirect.gather @!p0 [hbm4b:s2+s1], $0x80, s0, s1, $0xb8;
	[tilespmem:$0x11000] =	vst v63  }
0x30: {  	_ =	swait.ge [sflag:s21], $0x4000  }
0x31: {  	[sflag:s21] =	ssyncset.done $0x0  }
0x32: {  	[sflag:s21] =	ssyncadd.s32 $0xFFFFC000  }
0x33: {  	[hbm4b:s26+s3] =	stream.linear.scatter [tilespmem:s14], [sflag:$0x7], $0x4000, $0x38;
	[tilespmem:$0x11000] =	vst v63  }
0x34: {  	_ =	swait.ge [sflag:s22], $0x4000  }
0x35: {  	[sflag:s22] =	ssyncset.done $0x0  }
0x36: {  	s0 =	sadd.s32 @!p0 $0x300, s31;
	s13 =	simm.s32 @!p0 $0x9000;
	[sflag:s22] =	ssyncadd.s32 $0xFFFFC000  }
0x37: {  	[tilespmem:s13], [sflag:$0x3] =	stream.indirect.gather @!p0 [hbm4b:s2+s1], $0x80, s0, s1, $0xb8;
	[tilespmem:$0x11000] =	vst v63  }
0x38: {  	_ =	swait.ge [sflag:s23], $0x4000  }
0x39: {  	[sflag:s23] =	ssyncset.done $0x0  }
.Ltmp2:
0x3a: {  	[sflag:s23] =	ssyncadd.s32 $0xFFFFC000;
	(pc) =	sbr.rel @p0 .LBB2_4-.Ltmp2, $4  }
0x3b: {  	[hbm4b:s28+s3] =	stream.linear.scatter [tilespmem:s16], [sflag:$0x8], $0x4000, $0x38;
	[tilespmem:$0x11000] =	vst v63  }
0x3c: {  	_ =	swait.ge [sflag:s24], $0x4000  }
0x3d: {  	[sflag:s24] =	ssyncset.done $0x0  }
0x3e: {  	[sflag:s24] =	ssyncadd.s32 $0xFFFFC000  }
.Ltmp3:
0x3f: {  	(pc) =	sbr.rel .LBB2_2-.Ltmp3, $4  }
0x40: {  	_ = 	snop  }
0x41: {  	s0 =	sshra.s32 s30, $0x2;
	s30 =	sadd.s32 $0x800, s30;
	s29 =	sadd.s32 $0x2000, s29  }
0x42: {  	s28 =	sadd.s32 $0x2000, s28;
	s26 =	sadd.s32 $0x2000, s26;
	s0 =	sadd.s32 $0x380, s0  }
0x43: {  	[tilespmem:s16], [sflag:$0x4] =	stream.indirect.gather [hbm4b:s2+s10], $0x80, s0, s10, $0xb8;
	[tilespmem:$0x11000] =	vst v63  }
.LBB2_5:
0x44: {  	_ =	sfence.sel $0x180000  }
0x45: {  	[bflag:$0x0] =	sbarrier.arrive $0xFFFF  }
0x46: {  	_ =	strace $0x9000004A  }
0x47: {  	s0 =	stileid.u32;
	[bflag:$0x2] =	sbarrier.arrive $0xFFFF  }
0x48: {  	p0 =	sne.s32 s0, $0x0;
	s0 =	rddreg [dreg:$0x2]  }
0x49: {  	s0 =	sadd.s32 @!p0 $0x100000, s0  }
0x4a: {  	[sflag:s0] =	ssyncadd.tile.s32 @!p0 $0x1;
	_ =	shalt  }
.Lfunc_end2:
_tile_overlayer_lowered:
.L_overlay_start_2:
0x4b: {  	(tag) =	ssettag $0x2  }
0x4c: {  	s0 =	rddreg [dreg:$0x0];
	s2 =	stileid.u32  }
0x4d: {  	s1 =	rddreg [dreg:$0x1];
	p0 =	sne.s32 s2, $0x0  }
0x4e: {  	s3 =	rddreg [dreg:$0x2];
	[bflag:$0x3] =	sbarrier.arrive $0xFFFF;
	s2 =	simm.s32 @!p0 $0x1C09  }
0x4f: {  	[timem:s3], [sflag:s2] =	dma.local @!p0 [hbm:s0], s1  }
0x50: {  	s0 =	simm.s32 @!p0 $0x9  }
0x51: {  	_ =	swait.ge @!p0 [sflag:s0], s1  }
0x52: {  	s1 =	ssub.s32 @!p0 $0x0, s1;
	[sflag:s0] =	ssyncset.done @!p0 $0x0  }
0x53: {  	[sflag:s0] =	ssyncadd.s32 @!p0 s1  }
0x54: {  	[bflag:$0x3] =	sbarrier.arrive $0xFFFF  }
0x55: {  	_ =	shalt  }

// kernel: kernel.21.cloned.1.call-start
scs
__scs_entry_jumppad:
0x0: {  	(pc) =	sbr.rel $0x88, $3  }
0x1: {  	(tag) =	ssettag $0x0;
	lr =	simm.s32 $0x1  }
0x2: {  	[smem:$0x3F93] =	sst lr;
	_ =	strace $0xD0000000  }
0x3: {  	_ = 	snop  }
0x4: {  	_ = 	snop  }
0x5: {  	_ = 	snop  }
0x6: {  	_ = 	snop  }
0x7: {  	_ = 	snop  }
__scs_overlays_trampoline_lowered:
0x8: {  	[smem:$0x3FA2] =	sst s0  }
0x9: {  	[smem:$0x3FA3] =	sst s1  }
0xa: {  	[smem:$0x3FA4] =	sst s2  }
0xb: {  	[smem:$0x3FA5] =	sst s3  }
0xc: {  	[smem:$0x3FA6] =	sst s4  }
0xd: {  	[smem:$0x3FA7] =	sst s5  }
0xe: {  	[smem:$0x3FA8] =	sst s6  }
0xf: {  	[smem:$0x3FA9] =	sst s7  }
0x10: {  	[smem:$0x3FAA] =	sst s8  }
0x11: {  	[smem:$0x3FAB] =	sst s9;
	s0 =	simm.s32 @!p0 $0x0  }
0x12: {  	s1 =	sld [smem:$0x3F91];
	s0 =	simm.s32 @p0 $0x1  }
0x13: {  	[smem:$0x3FAC] =	sst s0;
	s0 =	simm.s32 @!p1 $0x0  }
0x14: {  	s2 =	sld [smem:$0x3F90];
	s0 =	simm.s32 @p1 $0x1  }
0x15: {  	[smem:$0x3FAD] =	sst s0;
	s0 =	simm.s32 @!p2 $0x0  }
0x16: {  	s3 =	sld [smem:$0x3FDB];
	s0 =	simm.s32 @p2 $0x1  }
0x17: {  	s4 =	simm.s32 $0x1BF5;
	[smem:$0x3FAF] =	sst s0  }
0x18: {  	s0 =	sld [smem:$0x3F92];
	_ =	swait.ge [sflag:s4], $0x0  }
0x19: {  	s7 =	sld [smem:$0x3F93]  }
0x1a: {  	s8 =	sadd.s32 $0xFFFFE003, lr  }
0x1b: {  	s9 =	sadd.s32 $0xFFFFFEF7, lr;
	s5 =	simm.s32 $0xFFFFFFFF;
	p2 =	slt.u32 s8, $0xFFFFF086  }
0x1c: {  	p1 =	slt.u32 s9, $0xF7A;
	s5 =	simm.s32 @!p2 $0x0  }
0x1d: {  	s5 =	simm.s32 @p1 $0x1;
	p0 =	seq.s32 s7, s2  }
0x1e: {  	s7 =	smul.u32 @!p0 $0xF7A, s2;
	p2 =	seq.s32 @!p0 s5, $0x0  }
0x1f: {  	s9 =	smul.u32 $0xF7A, s1;
	s8 =	simm.s32 @!p0 $0x1BF5;
	p2 =	por !p2, p0  }
0x20: {  	[sflag:s8] =	ssyncset.s32 @!p0 $0xFFFFF086;
	s6 =	sadd.s32 @!p0 s3, s7;
	s7 =	simm.s32 @!p0 $0x108  }
0x21: {  	s3 =	sadd.s32 s3, s9;
	s6 =	sadd.s32 @!p0 $0x88, s6;
	s7 =	simm.s32 @p2 $0x1082  }
0x22: {  	[simem:s7], [sflag:s8] =	dma.local @!p0 [hbm:s6], $0xF7A  }
0x23: {  	s9 =	sor.u32 $0xD0000000, s2;
	s6 =	simm.s32 $0x108;
	_ =	swait.ge @!p0 [sflag:s8], $0x0  }
0x24: {  	s3 =	sadd.s32 $0x88, s3;
	s6 =	simm.s32 @!p1 $0x1082;
	[sflag:s4] =	ssyncset.s32 $0xFFFFF086  }
0x25: {  	[simem:s6], [sflag:s4] =	dma.local [hbm:s3], $0xF7A  }
0x26: {  	[smem:$0x3F93] =	sst s1;
	(tag) =	ssettag s2;
	_ =	strace s9  }
0x27: {  	s1 =	sld [smem:$0x3FA3]  }
0x28: {  	s2 =	sld [smem:$0x3FA4]  }
0x29: {  	s4 =	sld [smem:$0x3FA6]  }
0x2a: {  	p0 =	seq.s32 s5, $0x0;
	s5 =	sld [smem:$0x3FA7]  }
0x2b: {  	s6 =	sld [smem:$0x3FA8]  }
0x2c: {  	s7 =	sld [smem:$0x3FA9]  }
0x2d: {  	s3 =	simm.s32 $0x108;
	s8 =	sld [smem:$0x3FAA]  }
0x2e: {  	s3 =	simm.s32 @!p0 $0x1082;
	s9 =	sld [smem:$0x3FAB]  }
0x2f: {  	lr =	sadd.s32 s0, s3;
	s0 =	sld [smem:$0x3FA2]  }
0x30: {  	s3 =	sld [smem:$0x3FA5]  }
0x31: {  	[smem:$0x3FAE] =	sst s10  }
0x32: {  	s10 =	sld [smem:$0x3FAC];
	_ =	sdelay $0x3  }
0x33: {  	p0 =	seq.s32 s10, $0x1;
	s10 =	sld [smem:$0x3FAE];
	_ =	sdelay $0x3  }
0x34: {  	[smem:$0x3FAE] =	sst s10  }
0x35: {  	s10 =	sld [smem:$0x3FAD];
	_ =	sdelay $0x3  }
0x36: {  	p1 =	seq.s32 s10, $0x1;
	s10 =	sld [smem:$0x3FAE];
	_ =	sdelay $0x3  }
0x37: {  	[smem:$0x3FAE] =	sst s10  }
0x38: {  	s10 =	sld [smem:$0x3FAF]  }
0x39: {  	_ = 	snop;
	(pc) =	sbr.ind lr, $3  }
0x3a: {  	_ = 	snop  }
0x3b: {  	_ = 	snop  }
0x3c: {  	p2 =	seq.s32 s10, $0x1;
	s10 =	sld [smem:$0x3FAE]  }
0x3d: {  	_ =	shalt  }
0x3e: {  	_ =	shalt  }
0x3f: {  	_ =	shalt  }
0x40: {  	_ =	shalt  }
0x41: {  	_ =	shalt  }
0x42: {  	_ =	shalt  }
0x43: {  	_ =	shalt  }
0x44: {  	_ =	shalt  }
0x45: {  	_ =	shalt  }
0x46: {  	_ =	shalt  }
0x47: {  	_ =	shalt  }
0x48: {  	_ =	shalt  }
0x49: {  	_ =	shalt  }
0x4a: {  	_ =	shalt  }
0x4b: {  	_ =	shalt  }
0x4c: {  	_ =	shalt  }
0x4d: {  	_ =	shalt  }
0x4e: {  	_ =	shalt  }
0x4f: {  	_ =	shalt  }
0x50: {  	_ =	shalt  }
0x51: {  	_ =	shalt  }
0x52: {  	_ =	shalt  }
0x53: {  	_ =	shalt  }
0x54: {  	_ =	shalt  }
0x55: {  	_ =	shalt  }
0x56: {  	_ =	shalt  }
0x57: {  	_ =	shalt  }
0x58: {  	_ =	shalt  }
0x59: {  	_ =	shalt  }
0x5a: {  	_ =	shalt  }
0x5b: {  	_ =	shalt  }
0x5c: {  	_ =	shalt  }
0x5d: {  	_ =	shalt  }
0x5e: {  	_ =	shalt  }
0x5f: {  	_ =	shalt  }
0x60: {  	_ =	shalt  }
0x61: {  	_ =	shalt  }
0x62: {  	_ =	shalt  }
0x63: {  	_ =	shalt  }
0x64: {  	_ =	shalt  }
0x65: {  	_ =	shalt  }
0x66: {  	_ =	shalt  }
0x67: {  	_ =	shalt  }
0x68: {  	_ =	shalt  }
0x69: {  	_ =	shalt  }
0x6a: {  	_ =	shalt  }
0x6b: {  	_ =	shalt  }
0x6c: {  	_ =	shalt  }
0x6d: {  	_ =	shalt  }
0x6e: {  	_ =	shalt  }
0x6f: {  	_ =	shalt  }
0x70: {  	_ =	shalt  }
0x71: {  	_ =	shalt  }
0x72: {  	_ =	shalt  }
0x73: {  	_ =	shalt  }
0x74: {  	_ =	shalt  }
0x75: {  	_ =	shalt  }
0x76: {  	_ =	shalt  }
0x77: {  	_ =	shalt  }
0x78: {  	_ =	shalt  }
0x79: {  	_ =	shalt  }
0x7a: {  	_ =	shalt  }
0x7b: {  	_ =	shalt  }
0x7c: {  	_ =	shalt  }
0x7d: {  	_ =	shalt  }
0x7e: {  	_ =	shalt  }
0x7f: {  	_ =	shalt  }
0x80: {  	_ =	shalt  }
0x81: {  	_ =	shalt  }
0x82: {  	_ =	shalt  }
0x83: {  	_ =	shalt  }
0x84: {  	_ =	shalt  }
0x85: {  	_ =	shalt  }
0x86: {  	_ =	shalt  }
0x87: {  	_ =	shalt  }
.Lfunc_end0:
.L_simem_size_0:
called_computation.3_lowered:
.L_overlay_start_0:
0x88: {  	s2 =	sld [smem:$0x3FD9]  }
0x89: {  	s3 =	sld [smem:$0x3FFE];
	_ =	sdelay $0x1  }
0x8a: {  	s1 =	srdreg.scid  }
0x8b: {  	s0 =	sand.u32 $0x1, s1  }
0x8c: {  	s17 =	sshll.u32 s0, $0xA;
	s2 =	sadd.s32 s3, s2  }
0x8d: {  	s2 =	sadd.s32 s2, s17  }
0x8e: {  	[smem:$0x3FBA] =	sst s2  }
0x8f: {  	_ = 	snop  }
0x90: {  	s2 =	sld [smem:$0x3FD0];
	(tm) =	ssettm $0x1  }
0x91: {  	s18 =	sld [smem:$0x3FFB];
	_ =	sdelay $0x3  }
0x92: {  	_ =	strace s18  }
0x93: {  	s3 =	sld [smem:$0x3FFC];
	_ =	sdelay $0x3  }
0x94: {  	_ =	strace s3  }
0x95: {  	s3 =	sld [smem:$0x3FFD];
	_ =	sdelay $0x3  }
0x96: {  	_ =	strace s3  }
0x97: {  	_ =	strace $0x8FFFFFFF  }
0x98: {  	s19 =	sld [smem:$0x3FDB];
	_ =	sdelay $0x1  }
0x99: {  	s4 =	simm.s32 $_scs_section_size  }
0x9a: {  	s5 =	simm.s32 $_size__tile_overlayer_lowered;
	s6 =	simm.s32 $_tile_overlayer_lowered  }
0x9b: {  	s22 =	simm.s32 $0x1BFF;
	s21 =	sshll.u32 s6, $0x1;
	s3 =	sadd.s32 s4, s19  }
0x9c: {  	s7 =	simm.s32 $0x0;
	s20 =	sshll.u32 s5, $0x1;
	s5 =	sadd.s32 s21, s3  }
0x9d: {  	[timem:s7], [sflag:s22] =	dma.local [hbm:s5], s20  }
0x9e: {  	_ =	swait.ge [sflag:s22], s20  }
0x9f: {  	s4 =	ssub.s32 $0x0, s20;
	[sflag:s22] =	ssyncset.done $0x0  }
0xa0: {  	[sflag:s22] =	ssyncadd.s32 s4;
	_ =	sdelay $0x1  }
0xa1: {  	s23 =	simm.s32 $0x1B8B  }
0xa2: {  	_ =	swait.ge [sflag:s23], $0x1  }
0xa3: {  	[sflag:s23] =	ssyncset.done $0x0  }
0xa4: {  	s25 =	simm.s32 $0x1B8E;
	s24 =	sld [smem:$0x3FFE];
	[sflag:s23] =	ssyncadd.s32 $0xFFFFFFFF  }
0xa5: {  	s26 =	simm.s32 $execute0_lowered;
	[smem:$0x3FD2] =	sst s25  }
0xa6: {  	s5 =	sshll.u32 s26, $0x1;
	_ =	strace $0x80000046;
	[dreg:$0x1] =	wrdreg $0xFFFFFFFF  }
0xa7: {  	s28 =	simm.s32 $_size_execute0_lowered;
	s3 =	sadd.s32 s3, s5;
	[dreg:$0x0] =	wrdreg $0x0  }
0xa8: {  	s5 =	sshll.u32 s28, $0x1;
	[dreg:$0x2] =	wrdreg s3  }
0xa9: {  	[dreg:$0x3] =	wrdreg s5  }
0xaa: {  	[dreg:$0x4] =	wrdreg $0xC0  }
0xab: {  	_ =	task [dreg:s7], $0x5FFFF  }
0xac: {  	[dreg:$0x1] =	wrdreg $0xFFFFFFFF  }
0xad: {  	[dreg:$0x0] =	wrdreg $0x60  }
0xae: {  	[dreg:$0x2] =	wrdreg s2  }
0xaf: {  	[dreg:$0x3] =	wrdreg s24  }
0xb0: {  	[dreg:$0x4] =	wrdreg $0xC  }
0xb1: {  	_ =	task.clear_ibuf [dreg:s7], $0x5FFFF;
	_ =	strace $0x90000046  }
0xb2: {  	s29 =	simm.s32 $0xC;
	_ =	strace $0x80000048  }
0xb3: {  	_ =	swait.ge [sflag:s29], $0x1  }
0xb4: {  	[sflag:s29] =	ssyncadd.s32 $0xFFFFFFFF  }
0xb5: {  	_ =	strace $0x90000048  }
0xb6: {  	_ =	sfence  }
0xb7: {  	s30 =	sld [smem:$0x0];
	_ =	sdelay $0x2  }
0xb8: {  	s31 =	sshll.u32 s1, $0xD;
	s1 =	sshrl.u32 s1, $0x2  }
0xb9: {  	s3 =	sand.u32 $0x4000, s31;
	s1 =	sadd.s32 s1, s30  }
0xba: {  	s0 =	sor.u32 s3, s0;
	s1 =	sshll.u32 s1, $0x11  }
0xbb: {  	s0 =	sor.u32 s1, s0  }
0xbc: {  	s0 =	sadd.s32 $0x8F2B, s0  }
0xbd: {  	[sflag:s0] =	ssyncadd.remote.s32 $0x1  }
0xbe: {  	_ =	sfence.sel $0xFFFF  }
0xbf: {  	[dreg:$0x0] =	wrdreg $0xFFFFFFFF;
	(pc) =	sbr.abs _section_cstart, $3  }
0xc0: {  	[dreg:$0x1] =	wrdreg $0xFFFFFFFF  }
0xc1: {  	_ =	task.clear_ibuf [dreg:s7], $0x2FFFF;
	_ =	strace $0x9FFFFFFF  }
0xc2: {  	(tm) =	ssettm $0x7FFFFFFF  }
0xc3: {  	_ =	shalt  }
tec
execute0_lowered:
.L_overlay_start_1:
0x0: {  	(tag) =	ssettag $0x1  }
0x1: {  	s2 =	rddreg [dreg:$0x0]  }
0x2: {  	s4 =	rddreg [dreg:$0x1]  }
0x3: {  	s3 =	srdreg.scid;
	s0 =	stileid.u32  }
0x4: {  	s11 =	simm.s32 $0x1000;
	s12 =	simm.s32 $0x5000;
	s14 =	simm.s32 $0x9000  }
0x5: {  	s15 =	simm.s32 $0x180;
	s16 =	simm.s32 $0xD000;
	s17 =	simm.s32 $0x1  }
0x6: {  	s18 =	simm.s32 $0x5;
	s19 =	simm.s32 $0x2;
	s20 =	simm.s32 $0x6  }
0x7: {  	s21 =	simm.s32 $0x3;
	s22 =	simm.s32 $0x7;
	s23 =	simm.s32 $0x4  }
0x8: {  	s24 =	simm.s32 $0x8;
	s25 =	simm.s32 $0x0;
	s5 =	sand.u32 $0x1, s3  }
0x9: {  	s3 =	simm.s32 $0x0;
	s6 =	sshll.u32 s0, $0xA;
	s9 =	sshll.u32 s0, $0x11  }
0xa: {  	s29 =	sadd.s32 $0xF000, s4;
	s7 =	sshll.u32 s5, $0x9;
	[smem:$0x7FF] =	sst s3  }
0xb: {  	s28 =	ssub.s32 $0x2, s5;
	s10 =	sshll.u32 s5, $0x10;
	s31 =	sadd.s32 s9, s29  }
.Ltmp0:
0xc: {  	s6 =	sor.u32 s7, s6;
	_ =	strace $0x80000047;
	(pc) =	sbr.rel .LBB2_1-.Ltmp0, $4  }
0xd: {  	s8 =	sshrl.u32 s28, $0x1;
	s30 =	sor.u32 s10, s9;
	s9 =	simm.s32 $0x9  }
0xe: {  	s6 =	sadd.s32 s6, s4;
	s7 =	ssub.s32 s28, s8;
	s8 =	sadd.s32 s30, s29  }
0xf: {  	s4 =	sadd.s32 $0xB000, s6;
	s5 =	smax.u32 s7, $0x1;
	s6 =	sadd.s32 s10, s31  }
0x10: {  	s7 =	sadd.s32 $0x1800, s8;
	s8 =	sadd.s32 $0x1000, s8;
	s10 =	simm.s32 $0x80  }
.LBB2_4:
0x11: {  	s25 =	sadd.s32 $0x1, s25  }
0x12: {  	p0 =	sne.s32 s25, s5  }
.Ltmp1:
0x13: {  	_ = 	snop;
	(pc) =	sbr.rel @!p0 .LBB2_5-.Ltmp1, $1  }
0x14: {  	_ =	sdelay $0x3  }
.LBB2_1:
0x15: {  	[tilespmem:s3], [sflag:$0x9] =	stream.linear.gather [hbm4b:s4+s3], $0x1000, $0x38;
	[tilespmem:$0x11000] =	vst v63  }
0x16: {  	_ =	swait.ge [sflag:s9], $0x1000  }
0x17: {  	[sflag:s9] =	ssyncset.done $0x0  }
0x18: {  	[sflag:s9] =	ssyncadd.s32 $0xFFFFF000  }
0x19: {  	[tilespmem:s11], [sflag:$0x1] =	stream.indirect.gather [hbm4b:s2+s10], $0x80, s3, s10, $0xb8;
	[tilespmem:$0x11000] =	vst v63  }
0x1a: {  	_ = 	snop  }
0x1b: {  	[tilespmem:s12], [sflag:$0x2] =	stream.indirect.gather [hbm4b:s2+s10], $0x80, s10, s10, $0xb8;
	[tilespmem:$0x11000] =	vst v63  }
0x1c: {  	s0 =	simm.s32 $0x100;
	s26 =	smov.u32 s8  }
0x1d: {  	[tilespmem:s14], [sflag:$0x3] =	stream.indirect.gather [hbm4b:s2+s10], $0x80, s0, s10, $0xb8;
	[tilespmem:$0x11000] =	vst v63  }
0x1e: {  	s28 =	smov.u32 s7;
	s29 =	smov.u32 s6;
	s30 =	simm.s32 $0x0  }
0x1f: {  	[tilespmem:s16], [sflag:$0x4] =	stream.indirect.gather [hbm4b:s2+s10], $0x80, s15, s10, $0xb8;
	[tilespmem:$0x11000] =	vst v63  }
.LBB2_2:
0x20: {  	_ =	swait.ge [sflag:s17], $0x4000  }
0x21: {  	[sflag:s17] =	ssyncset.done $0x0  }
0x22: {  	[sflag:s17] =	ssyncadd.s32 $0xFFFFC000  }
0x23: {  	[hbm4b:s29+s3] =	stream.linear.scatter [tilespmem:s11], [sflag:$0x5], $0x4000, $0x38;
	[tilespmem:$0x11000] =	vst v63  }
0x24: {  	p0 =	seq.s32 s30, $0x3800;
	_ =	swait.ge [sflag:s18], $0x4000  }
0x25: {  	s31 =	sshra.s32 @!p0 s30, $0x2;
	s1 =	simm.s32 @!p0 $0x80;
	[sflag:s18] =	ssyncset.done $0x0  }
0x26: {  	s13 =	simm.s32 @!p0 $0x1000;
	s0 =	sadd.s32 @!p0 $0x200, s31;
	[sflag:s18] =	ssyncadd.s32 $0xFFFFC000  }
0x27: {  	[tilespmem:s13], [sflag:$0x1] =	stream.indirect.gather @!p0 [hbm4b:s2+s1], $0x80, s0, s1, $0xb8;
	[tilespmem:$0x11000] =	vst v63  }
0x28: {  	_ =	swait.ge [sflag:s19], $0x4000  }
0x29: {  	[sflag:s19] =	ssyncset.done $0x0  }
0x2a: {  	s13 =	sadd.s32 $0xFFFFF000, s28;
	[sflag:s19] =	ssyncadd.s32 $0xFFFFC000  }
0x2b: {  	[hbm4b:s13+s3] =	stream.linear.scatter [tilespmem:s12], [sflag:$0x6], $0x4000, $0x38;
	[tilespmem:$0x11000] =	vst v63  }
0x2c: {  	_ =	swait.ge [sflag:s20], $0x4000  }
0x2d: {  	[sflag:s20] =	ssyncset.done $0x0  }
0x2e: {  	s0 =	sadd.s32 @!p0 $0x280, s31;
	s13 =	simm.s32 @!p0 $0x5000;
	[sflag:s20] =	ssyncadd.s32 $0xFFFFC000  }
0x2f: {  	[tilespmem:s13], [sflag:$0x2] =	stream.indirect.gather @!p0 [hbm4b:s2+s1], $0x80, s0, s1, $0xb8;
	[tilespmem:$0x11000] =	vst v63  }
0x30: {  	_ =	swait.ge [sflag:s21], $0x4000  }
0x31: {  	[sflag:s21] =	ssyncset.done $0x0  }
0x32: {  	[sflag:s21] =	ssyncadd.s32 $0xFFFFC000  }
0x33: {  	[hbm4b:s26+s3] =	stream.linear.scatter [tilespmem:s14], [sflag:$0x7], $0x4000, $0x38;
	[tilespmem:$0x11000] =	vst v63  }
0x34: {  	_ =	swait.ge [sflag:s22], $0x4000  }
0x35: {  	[sflag:s22] =	ssyncset.done $0x0  }
0x36: {  	s0 =	sadd.s32 @!p0 $0x300, s31;
	s13 =	simm.s32 @!p0 $0x9000;
	[sflag:s22] =	ssyncadd.s32 $0xFFFFC000  }
0x37: {  	[tilespmem:s13], [sflag:$0x3] =	stream.indirect.gather @!p0 [hbm4b:s2+s1], $0x80, s0, s1, $0xb8;
	[tilespmem:$0x11000] =	vst v63  }
0x38: {  	_ =	swait.ge [sflag:s23], $0x4000  }
0x39: {  	[sflag:s23] =	ssyncset.done $0x0  }
.Ltmp2:
0x3a: {  	[sflag:s23] =	ssyncadd.s32 $0xFFFFC000;
	(pc) =	sbr.rel @p0 .LBB2_4-.Ltmp2, $4  }
0x3b: {  	[hbm4b:s28+s3] =	stream.linear.scatter [tilespmem:s16], [sflag:$0x8], $0x4000, $0x38;
	[tilespmem:$0x11000] =	vst v63  }
0x3c: {  	_ =	swait.ge [sflag:s24], $0x4000  }
0x3d: {  	[sflag:s24] =	ssyncset.done $0x0  }
0x3e: {  	[sflag:s24] =	ssyncadd.s32 $0xFFFFC000  }
.Ltmp3:
0x3f: {  	(pc) =	sbr.rel .LBB2_2-.Ltmp3, $4  }
0x40: {  	_ = 	snop  }
0x41: {  	s0 =	sshra.s32 s30, $0x2;
	s30 =	sadd.s32 $0x800, s30;
	s29 =	sadd.s32 $0x2000, s29  }
0x42: {  	s28 =	sadd.s32 $0x2000, s28;
	s26 =	sadd.s32 $0x2000, s26;
	s0 =	sadd.s32 $0x380, s0  }
0x43: {  	[tilespmem:s16], [sflag:$0x4] =	stream.indirect.gather [hbm4b:s2+s10], $0x80, s0, s10, $0xb8;
	[tilespmem:$0x11000] =	vst v63  }
.LBB2_5:
0x44: {  	_ =	sfence.sel $0x180000  }
0x45: {  	[bflag:$0x0] =	sbarrier.arrive $0xFFFF  }
0x46: {  	_ =	strace $0x90000047  }
0x47: {  	s0 =	stileid.u32;
	[bflag:$0x2] =	sbarrier.arrive $0xFFFF  }
0x48: {  	p0 =	sne.s32 s0, $0x0;
	s0 =	rddreg [dreg:$0x2]  }
0x49: {  	s0 =	sadd.s32 @!p0 $0x100000, s0  }
0x4a: {  	[sflag:s0] =	ssyncadd.tile.s32 @!p0 $0x1;
	_ =	shalt  }
.Lfunc_end2:
_tile_overlayer_lowered:
.L_overlay_start_2:
0x4b: {  	(tag) =	ssettag $0x2  }
0x4c: {  	s0 =	rddreg [dreg:$0x0];
	s2 =	stileid.u32  }
0x4d: {  	s1 =	rddreg [dreg:$0x1];
	p0 =	sne.s32 s2, $0x0  }
0x4e: {  	s3 =	rddreg [dreg:$0x2];
	[bflag:$0x3] =	sbarrier.arrive $0xFFFF;
	s2 =	simm.s32 @!p0 $0x1C09  }
0x4f: {  	[timem:s3], [sflag:s2] =	dma.local @!p0 [hbm:s0], s1  }
0x50: {  	s0 =	simm.s32 @!p0 $0x9  }
0x51: {  	_ =	swait.ge @!p0 [sflag:s0], s1  }
0x52: {  	s1 =	ssub.s32 @!p0 $0x0, s1;
	[sflag:s0] =	ssyncset.done @!p0 $0x0  }
0x53: {  	[sflag:s0] =	ssyncadd.s32 @!p0 s1  }
0x54: {  	[bflag:$0x3] =	sbarrier.arrive $0xFFFF  }
0x55: {  	_ =	shalt  }

</sc_bundles>
